<compile_context>
chip_gen: v7x
topology: tpu7x:2x2x1
jax: 0.10.2.dev20260603
libtpu: 0.0.44.dev20260713+nightly
codegen_flags: <defaults>
</compile_context>

<pallas_src>
import jax
import jax.numpy as jnp
from jax import lax
from jax.experimental import pallas as pl
from jax.experimental.pallas import tpu as pltpu
from jax.experimental.pallas import tpu_sc as plsc

N = 10000
E = 160000
D = 256
R = 8
NB = 4
L = 4
OUT = 128
RN = R * N

NSC = 2
NTILE = 16
LANE = 16
HALF = D // NSC
EPT = E // NTILE
CH = 128
NCHUNK = 80
NPAIR = NCHUNK // 2
EPT_PAD = NCHUNK * CH
NACC = N + LANE
ROWS_T = 624
ROWS_LAST = N - (NTILE - 1) * ROWS_T
BN_ROWS = 1000
NI = N // BN_ROWS



def _sc_body(hw0_hbm, hw1_hbm, zrows_hbm, ed_hbm, out_hbm,
             eb0, eb1, gbuf0, gbuf1, acc, gsem0, gsem1):
    sc = lax.axis_index("c")
    t = lax.axis_index("s")
    base = t * ROWS_T

    @pl.when(t < NTILE - 1)
    def _():
        pltpu.sync_copy(zrows_hbm.at[pl.ds(0, ROWS_T)],
                        acc.at[pl.ds(base, ROWS_T)])

    @pl.when(t == NTILE - 1)
    def _():
        pltpu.sync_copy(zrows_hbm, acc.at[pl.ds(base, ROWS_LAST)])

    plsc.subcore_barrier()

    def _run(tab):
        pltpu.sync_copy(ed_hbm.at[t, 0], eb0)
        pltpu.async_copy(tab.at[eb0.at[0]], gbuf0, gsem0)

        def _pair(j2, carry):
            j = 2 * j2
            pltpu.sync_copy(ed_hbm.at[t, j + 1], eb1)
            pltpu.async_copy(tab.at[eb1.at[0]], gbuf1, gsem1)
            pltpu.make_async_copy(tab.at[eb0.at[0]], gbuf0, gsem0).wait()
            pltpu.sync_copy(gbuf0, acc.at[eb0.at[1]], add=True)

            @pl.when(j2 < NPAIR - 1)
            def _():
                pltpu.sync_copy(ed_hbm.at[t, j + 2], eb0)
                pltpu.async_copy(tab.at[eb0.at[0]], gbuf0, gsem0)

            pltpu.make_async_copy(tab.at[eb1.at[0]], gbuf1, gsem1).wait()
            pltpu.sync_copy(gbuf1, acc.at[eb1.at[1]], add=True)
            return carry

        lax.fori_loop(0, NPAIR, _pair, 0)

    @pl.when(sc == 0)
    def _():
        _run(hw0_hbm)

    @pl.when(sc == 1)
    def _():
        _run(hw1_hbm)

    plsc.subcore_barrier()

    csl = pl.ds(sc * HALF, HALF)

    @pl.when(t < NTILE - 1)
    def _():
        pltpu.sync_copy(acc.at[pl.ds(base, ROWS_T)],
                        out_hbm.at[pl.ds(base, ROWS_T), csl])

    @pl.when(t == NTILE - 1)
    def _():
        pltpu.sync_copy(acc.at[pl.ds(base, ROWS_LAST)],
                        out_hbm.at[pl.ds(base, ROWS_LAST), csl])


def _sc_aggregate(hw0, hw1, zrows, edata):
    mesh = plsc.VectorSubcoreMesh(core_axis_name="c", subcore_axis_name="s")
    f = pl.kernel(
        _sc_body,
        out_type=jax.ShapeDtypeStruct((N, D), jnp.float32),
        mesh=mesh,
        scratch_types=[
            pltpu.VMEM((2, CH), jnp.int32),
            pltpu.VMEM((2, CH), jnp.int32),
            pltpu.VMEM((CH, HALF), jnp.float32),
            pltpu.VMEM((CH, HALF), jnp.float32),
            pltpu.VMEM_SHARED((NACC, HALF), jnp.float32),
            pltpu.SemaphoreType.DMA,
            pltpu.SemaphoreType.DMA,
        ],
    )
    return f(hw0, hw1, zrows, edata)



def _wfull_body(coef_ref, basis_ref, out_ref):
    acc = jnp.zeros((D, D), jnp.float32)
    for b in range(NB):
        acc = acc + coef_ref[0, 0, b] * basis_ref[b]
    out_ref[0] = acc


def _wfull(coef_l3, basis_l):
    return pl.pallas_call(
        _wfull_body,
        grid=(R,),
        in_specs=[
            pl.BlockSpec((1, 1, NB), lambda r: (r, 0, 0)),
            pl.BlockSpec((NB, D, D), lambda r: (0, 0, 0)),
        ],
        out_specs=pl.BlockSpec((1, D, D), lambda r: (r, 0, 0)),
        out_shape=jax.ShapeDtypeStruct((R, D, D), jnp.float32),
    )(coef_l3, basis_l)


def _hw_body(h_ref, w_ref, out0_ref, out1_ref):
    y = jnp.dot(h_ref[...], w_ref[0], preferred_element_type=jnp.float32)
    out0_ref[0] = y[:, :HALF]
    out1_ref[0] = y[:, HALF:]


def _hw(h, wfull):
    return pl.pallas_call(
        _hw_body,
        grid=(NI, R),
        in_specs=[
            pl.BlockSpec((BN_ROWS, D), lambda ii, r: (ii, 0)),
            pl.BlockSpec((1, D, D), lambda ii, r: (r, 0, 0)),
        ],
        out_specs=[
            pl.BlockSpec((1, BN_ROWS, HALF), lambda ii, r: (r, ii, 0)),
            pl.BlockSpec((1, BN_ROWS, HALF), lambda ii, r: (r, ii, 0)),
        ],
        out_shape=[
            jax.ShapeDtypeStruct((R, N, HALF), jnp.float32),
            jax.ShapeDtypeStruct((R, N, HALF), jnp.float32),
        ],
    )(h, wfull)


def _mlp1_body(h_ref, agg_ref, w_ref, y_ref, st_ref):
    i = pl.program_id(0)
    z = h_ref[...] + agg_ref[...]
    y = jnp.dot(z, w_ref[...], preferred_element_type=jnp.float32)
    y_ref[...] = y
    s1 = jnp.sum(y, axis=0, keepdims=True)
    s2 = jnp.sum(y * y, axis=0, keepdims=True)
    st = jnp.concatenate([s1, s2, jnp.zeros((6, D), jnp.float32)], axis=0)

    @pl.when(i == 0)
    def _():
        st_ref[...] = jnp.zeros_like(st_ref)

    st_ref[...] = st_ref[...] + st


def _mlp1(h, agg, w):
    return pl.pallas_call(
        _mlp1_body,
        grid=(NI,),
        in_specs=[
            pl.BlockSpec((BN_ROWS, D), lambda i: (i, 0)),
            pl.BlockSpec((BN_ROWS, D), lambda i: (i, 0)),
            pl.BlockSpec((D, D), lambda i: (0, 0)),
        ],
        out_specs=[
            pl.BlockSpec((BN_ROWS, D), lambda i: (i, 0)),
            pl.BlockSpec((8, D), lambda i: (0, 0)),
        ],
        out_shape=[
            jax.ShapeDtypeStruct((N, D), jnp.float32),
            jax.ShapeDtypeStruct((8, D), jnp.float32),
        ],
    )(h, agg, w)


def _bn_mm_stats_body(t_ref, st_in_ref, g_ref, b_ref, w_ref, y_ref, st_ref):
    i = pl.program_id(0)
    mean = st_in_ref[0:1, :] * (1.0 / N)
    ex2 = st_in_ref[1:2, :] * (1.0 / N)
    var = ex2 - mean * mean
    inv = g_ref[...] * lax.rsqrt(var + 1e-5)
    a = jnp.maximum((t_ref[...] - mean) * inv + b_ref[...], 0.0)
    y = jnp.dot(a, w_ref[...], preferred_element_type=jnp.float32)
    y_ref[...] = y
    s1 = jnp.sum(y, axis=0, keepdims=True)
    s2 = jnp.sum(y * y, axis=0, keepdims=True)
    st = jnp.concatenate([s1, s2, jnp.zeros((6, D), jnp.float32)], axis=0)

    @pl.when(i == 0)
    def _():
        st_ref[...] = jnp.zeros_like(st_ref)

    st_ref[...] = st_ref[...] + st


def _bn_mm_stats(t, st1, g, b, w):
    return pl.pallas_call(
        _bn_mm_stats_body,
        grid=(NI,),
        in_specs=[
            pl.BlockSpec((BN_ROWS, D), lambda i: (i, 0)),
            pl.BlockSpec((8, D), lambda i: (0, 0)),
            pl.BlockSpec((1, D), lambda i: (0, 0)),
            pl.BlockSpec((1, D), lambda i: (0, 0)),
            pl.BlockSpec((D, D), lambda i: (0, 0)),
        ],
        out_specs=[
            pl.BlockSpec((BN_ROWS, D), lambda i: (i, 0)),
            pl.BlockSpec((8, D), lambda i: (0, 0)),
        ],
        out_shape=[
            jax.ShapeDtypeStruct((N, D), jnp.float32),
            jax.ShapeDtypeStruct((8, D), jnp.float32),
        ],
    )(t, st1, g, b, w)


def _bn_final_body(u_ref, st_ref, g_ref, b_ref, h_ref, p_ref):
    ii = pl.program_id(0)
    mean = st_ref[0:1, :] * (1.0 / N)
    ex2 = st_ref[1:2, :] * (1.0 / N)
    var = ex2 - mean * mean
    inv = g_ref[...] * lax.rsqrt(var + 1e-5)
    h = jnp.maximum((u_ref[...] - mean) * inv + b_ref[...], 0.0)
    h_ref[...] = h
    ps = jnp.concatenate(
        [jnp.sum(h, axis=0, keepdims=True), jnp.zeros((7, D), jnp.float32)],
        axis=0)

    @pl.when(ii == 0)
    def _():
        p_ref[...] = jnp.zeros_like(p_ref)

    p_ref[...] = p_ref[...] + ps


def _bn_final(u, st2, g, b):
    return pl.pallas_call(
        _bn_final_body,
        grid=(NI,),
        in_specs=[
            pl.BlockSpec((BN_ROWS, D), lambda ii: (ii, 0)),
            pl.BlockSpec((8, D), lambda ii: (0, 0)),
            pl.BlockSpec((1, D), lambda ii: (0, 0)),
            pl.BlockSpec((1, D), lambda ii: (0, 0)),
        ],
        out_specs=[
            pl.BlockSpec((BN_ROWS, D), lambda ii: (ii, 0)),
            pl.BlockSpec((8, D), lambda ii: (0, 0)),
        ],
        out_shape=[
            jax.ShapeDtypeStruct((N, D), jnp.float32),
            jax.ShapeDtypeStruct((8, D), jnp.float32),
        ],
    )(u, st2, g, b)


def _pool_body(x_ref, p_ref):
    ii = pl.program_id(0)
    ps = jnp.concatenate(
        [jnp.sum(x_ref[...], axis=0, keepdims=True),
         jnp.zeros((7, D), jnp.float32)], axis=0)

    @pl.when(ii == 0)
    def _():
        p_ref[...] = jnp.zeros_like(p_ref)

    p_ref[...] = p_ref[...] + ps


def _pool(x):
    return pl.pallas_call(
        _pool_body,
        grid=(NI,),
        in_specs=[pl.BlockSpec((BN_ROWS, D), lambda ii: (ii, 0))],
        out_specs=pl.BlockSpec((8, D), lambda ii: (0, 0)),
        out_shape=jax.ShapeDtypeStruct((8, D), jnp.float32),
    )(x)


def _final_body(p_ref, wp_ref, bp_ref, out_ref):
    acc = jnp.zeros((1, OUT), jnp.float32)
    for i in range(L + 1):
        acc = acc + jnp.dot(p_ref[i:i + 1, :], wp_ref[i],
                            preferred_element_type=jnp.float32)
    acc = acc + jnp.sum(bp_ref[:, 0, :], axis=0, keepdims=True)
    out_ref[...] = acc


def _final(pall, wp, bp3):
    return pl.pallas_call(
        _final_body,
        grid=(1,),
        in_specs=[
            pl.BlockSpec((8, D), lambda i: (0, 0)),
            pl.BlockSpec((L + 1, D, OUT), lambda i: (0, 0, 0)),
            pl.BlockSpec((L + 1, 1, OUT), lambda i: (0, 0, 0)),
        ],
        out_specs=pl.BlockSpec((1, OUT), lambda i: (0, 0)),
        out_shape=jax.ShapeDtypeStruct((1, OUT), jnp.float32),
    )(pall, wp, bp3)



def kernel(x, edge_index, rel_type, basis, coef, W1, bn1_g, bn1_b,
           W2, bn2_g, bn2_b, Wp, bp):
    src = edge_index[0].astype(jnp.int32)
    dst = edge_index[1].astype(jnp.int32)
    rel = rel_type.astype(jnp.int32)

    pad = EPT_PAD - EPT
    gidx = rel * N + src
    gidx_t = jnp.pad(gidx.reshape(NTILE, EPT), ((0, 0), (0, pad)),
                     constant_values=0).reshape(NTILE, NCHUNK, CH)
    dst_t = jnp.pad(dst.reshape(NTILE, EPT), ((0, 0), (0, pad)),
                    constant_values=N).reshape(NTILE, NCHUNK, CH)
    edata = jnp.stack([gidx_t, dst_t], axis=2)
    zrows = jnp.zeros((ROWS_LAST, HALF), jnp.float32)

    pools = [_pool(x)]
    h = x
    for l in range(L):
        wfull = _wfull(coef[l].reshape(R, 1, NB), basis[l])
        hw0, hw1 = _hw(h, wfull)
        agg = _sc_aggregate(hw0.reshape(RN, HALF), hw1.reshape(RN, HALF),
                            zrows, edata)
        t, st1 = _mlp1(h, agg, W1[l])
        u, st2 = _bn_mm_stats(t, st1, bn1_g[l].reshape(1, D),
                              bn1_b[l].reshape(1, D), W2[l])
        h, ph = _bn_final(u, st2, bn2_g[l].reshape(1, D),
                          bn2_b[l].reshape(1, D))
        pools.append(ph)

    pall = jnp.concatenate([p[0:1] for p in pools]
                           + [jnp.zeros((8 - (L + 1), D), jnp.float32)],
                           axis=0)
    return _final(pall, Wp, bp.reshape(L + 1, 1, OUT))

# --- scband reference (transcript-rebuilt; emitter-appended) ---
"""Pipeline reference for scband-rginmodel-30073361007324 (READ-ONLY COPY).

The authoritative reference and input builder live on the scoring server;
editing this copy changes nothing except your own understanding.
"""

import jax, jax.numpy as jnp
import numpy as np

N = 10000
E = 160000
D = 256
R = 8
NB = 4
L = 4  # num_layers - 1 RGIN conv layers
OUT = 128


def _batchnorm(h, gamma, beta):
    mean = jnp.mean(h, axis=0)
    var = jnp.var(h, axis=0)
    return gamma * (h - mean) / jnp.sqrt(var + 1e-5) + beta


def setup_inputs(seed: int = 0) -> dict:
    key = jax.random.key(seed)
    ks = jax.random.split(key, 12)
    x = jax.random.normal(ks[0], (N, D), dtype=jnp.float32)
    edge_index = jax.random.randint(ks[1], (2, E), 0, N, dtype=jnp.int32)
    rel_type = jax.random.randint(ks[2], (E,), 0, R, dtype=jnp.int32)
    s = 1.0 / np.sqrt(D)
    basis = jax.random.normal(ks[3], (L, NB, D, D), dtype=jnp.float32) * s
    coef = jax.random.normal(ks[4], (L, R, NB), dtype=jnp.float32) * 0.5
    W1 = jax.random.normal(ks[5], (L, D, D), dtype=jnp.float32) * s
    bn1_g = jnp.ones((L, D), dtype=jnp.float32)
    bn1_b = jnp.zeros((L, D), dtype=jnp.float32)
    W2 = jax.random.normal(ks[6], (L, D, D), dtype=jnp.float32) * s
    bn2_g = jnp.ones((L, D), dtype=jnp.float32)
    bn2_b = jnp.zeros((L, D), dtype=jnp.float32)
    Wp = jax.random.normal(ks[7], (L + 1, D, OUT), dtype=jnp.float32) * s
    bp = jnp.zeros((L + 1, OUT), dtype=jnp.float32)
    return {"x": x, "edge_index": edge_index, "rel_type": rel_type,
            "basis": basis, "coef": coef, "W1": W1, "bn1_g": bn1_g, "bn1_b": bn1_b,
            "W2": W2, "bn2_g": bn2_g, "bn2_b": bn2_b, "Wp": Wp, "bp": bp}


def reference(x, edge_index, rel_type, basis, coef, W1, bn1_g, bn1_b, W2, bn2_g, bn2_b, Wp, bp):
    src = edge_index[0]
    dst = edge_index[1]
    h = x
    hidden_rep = [h]
    for l in range(L):
        # basis-decomposed relation weights: W_r = sum_b coef[r,b] * V_b
        W = jnp.einsum('rb,bio->rio', coef[l], basis[l])          # [R, D, D]
        hw = jnp.einsum('nd,rde->rne', h, W)                       # [R, N, D]
        m = hw[rel_type, src]                                      # [E, D] gather per-edge message
        agg = jnp.zeros((N, D), dtype=h.dtype).at[dst].add(m)      # scatter-add aggregation
        z = h + agg                                                # (1 + eps) * h + agg, eps = 0
        # apply_func: two-layer MLP with BatchNorm
        t = z @ W1[l]
        t = jax.nn.relu(_batchnorm(t, bn1_g[l], bn1_b[l]))
        t = t @ W2[l]
        # outer batch_norm + relu
        h = jax.nn.relu(_batchnorm(t, bn2_g[l], bn2_b[l]))
        hidden_rep.append(h)
    score = jnp.zeros((1, OUT), dtype=x.dtype)
    for i, hh in enumerate(hidden_rep):
        pooled = jnp.sum(hh, axis=0, keepdims=True)                # SumPooling over single graph
        score = score + (pooled @ Wp[i] + bp[i])                   # dropout = identity (eval)
    return score

if __name__ == "__main__":
    import jax
    _d = setup_inputs()
    print(jax.jit(kernel)(*tuple(_d.values())))

</pallas_src>

<mosaic_0001>
#map = affine_map<(d0, d1) -> (0, 0)>
#map1 = affine_map<(d0, d1) -> (0, 0, 0, 0)>
module attributes {stable_mosaic.version = 14 : i64} {
  func.func @_sc_body(%arg0: i32, %arg1: i32, %arg2: memref<80000x128xf32, #tpu.memory_space<hbm>>, %arg3: memref<80000x128xf32, #tpu.memory_space<hbm>>, %arg4: memref<640x128xf32, #tpu.memory_space<hbm>>, %arg5: memref<16x80x2x128xi32, #tpu.memory_space<hbm>>, %arg6: memref<10000x256xf32, #tpu.memory_space<hbm>>, %arg7: memref<2x128xi32, #tpu.memory_space<vmem>>, %arg8: memref<2x128xi32, #tpu.memory_space<vmem>>, %arg9: memref<128x128xf32, #tpu.memory_space<vmem>>, %arg10: memref<128x128xf32, #tpu.memory_space<vmem>>, %arg11: memref<10016x128xf32, #tpu.memory_space<vmem_shared>>, %arg12: memref<!tpu.dma_semaphore, #tpu.memory_space<semaphore_mem>>, %arg13: memref<!tpu.dma_semaphore, #tpu.memory_space<semaphore_mem>>) attributes {dimension_semantics = [#tpu.dimension_semantics<core_parallel>, #tpu.dimension_semantics<subcore_parallel>], iteration_bounds = array<i64: 2, 16>, scalar_prefetch = 0 : i64, scratch_operands = 7 : i64, tpu.core_type = #tpu.core_type<sc_vector_subcore>, window_params = [{transform_indices = #map}, {transform_indices = #map}, {transform_indices = #map}, {transform_indices = #map1}, {transform_indices = #map}]} {
    %mul3A = arith.constant 624 : i32
    %mul3A_0 = arith.muli %arg1, %mul3A : i32
    %lt3A = arith.constant 15 : i32
    %lt3A_1 = arith.cmpi slt, %arg1, %lt3A : i32
    %convert_element_type3A = arith.extui %lt3A_1 : i1 to i32
    %cond3A = arith.constant 0 : i32
    %cond3A_2 = arith.cmpi ne, %convert_element_type3A, %cond3A : i32
    scf.if %cond3A_2 {
      "tpu.region"() ({
        %run_scoped3A = tpu.sem_alloc : memref<!tpu.dma_semaphore, #tpu.memory_space<semaphore_mem>>
        %dma_start3A = arith.constant 0 : i32
        %dma_start3A_30 = tpu.memref_slice %arg11[%mul3A_0, %dma_start3A] : memref<10016x128xf32, #tpu.memory_space<vmem_shared>> -> memref<624x128xf32, #tpu.memory_space<vmem_shared>>
        %dma_start3A_31 = arith.constant 0 : i32
        %dma_start3A_32 = arith.constant 0 : i32
        %dma_start3A_33 = tpu.memref_slice %arg4[%dma_start3A_31, %dma_start3A_32] : memref<640x128xf32, #tpu.memory_space<hbm>> -> memref<624x128xf32, #tpu.memory_space<hbm>>
        tpu.enqueue_dma source(%dma_start3A_33 : memref<624x128xf32, #tpu.memory_space<hbm>>) target(%dma_start3A_30 : memref<624x128xf32, #tpu.memory_space<vmem_shared>>) target_semaphore(%run_scoped3A : memref<!tpu.dma_semaphore, #tpu.memory_space<semaphore_mem>>)
        %dma_wait3A = arith.constant 0 : i32
        %dma_wait3A_34 = tpu.memref_slice %arg11[%mul3A_0, %dma_wait3A] : memref<10016x128xf32, #tpu.memory_space<vmem_shared>> -> memref<624x128xf32, #tpu.memory_space<vmem_shared>>
        %dma_wait3A_35 = arith.constant 0 : i32
        %dma_wait3A_36 = arith.constant 0 : i32
        %dma_wait3A_37 = tpu.memref_slice %arg4[%dma_wait3A_35, %dma_wait3A_36] : memref<640x128xf32, #tpu.memory_space<hbm>> -> memref<624x128xf32, #tpu.memory_space<hbm>>
        tpu.wait_dma2 semaphore(%run_scoped3A : memref<!tpu.dma_semaphore, #tpu.memory_space<semaphore_mem>>) src(%dma_wait3A_37 : memref<624x128xf32, #tpu.memory_space<hbm>>) dst(%dma_wait3A_34 : memref<624x128xf32, #tpu.memory_space<vmem_shared>>)
        tpu.yield
      }) : () -> ()
    } else {
    }
    %eq3A = arith.constant 15 : i32
    %eq3A_3 = arith.cmpi eq, %arg1, %eq3A : i32
    %convert_element_type3A_4 = arith.extui %eq3A_3 : i1 to i32
    %cond3A_5 = arith.constant 0 : i32
    %cond3A_6 = arith.cmpi ne, %convert_element_type3A_4, %cond3A_5 : i32
    scf.if %cond3A_6 {
      "tpu.region"() ({
        %run_scoped3A = tpu.sem_alloc : memref<!tpu.dma_semaphore, #tpu.memory_space<semaphore_mem>>
        %dma_start3A = arith.constant 0 : i32
        %dma_start3A_30 = tpu.memref_slice %arg11[%mul3A_0, %dma_start3A] : memref<10016x128xf32, #tpu.memory_space<vmem_shared>> -> memref<640x128xf32, #tpu.memory_space<vmem_shared>>
        tpu.enqueue_dma source(%arg4 : memref<640x128xf32, #tpu.memory_space<hbm>>) target(%dma_start3A_30 : memref<640x128xf32, #tpu.memory_space<vmem_shared>>) target_semaphore(%run_scoped3A : memref<!tpu.dma_semaphore, #tpu.memory_space<semaphore_mem>>)
        %dma_wait3A = arith.constant 0 : i32
        %dma_wait3A_31 = tpu.memref_slice %arg11[%mul3A_0, %dma_wait3A] : memref<10016x128xf32, #tpu.memory_space<vmem_shared>> -> memref<640x128xf32, #tpu.memory_space<vmem_shared>>
        tpu.wait_dma2 semaphore(%run_scoped3A : memref<!tpu.dma_semaphore, #tpu.memory_space<semaphore_mem>>) src(%arg4 : memref<640x128xf32, #tpu.memory_space<hbm>>) dst(%dma_wait3A_31 : memref<640x128xf32, #tpu.memory_space<vmem_shared>>)
        tpu.yield
      }) : () -> ()
    } else {
    }
    %barrier3A = arith.constant 0 : index
    tpu.barrier barrier_id(%barrier3A)
    %eq3A_7 = arith.constant 0 : i32
    %eq3A_8 = arith.cmpi eq, %arg0, %eq3A_7 : i32
    %convert_element_type3A_9 = arith.extui %eq3A_8 : i1 to i32
    %cond3A_10 = arith.constant 0 : i32
    %cond3A_11 = arith.cmpi ne, %convert_element_type3A_9, %cond3A_10 : i32
    scf.if %cond3A_11 {
      %run_scoped3A = arith.constant 0 : i32
      "tpu.region"() ({
        %run_scoped3A_41 = tpu.sem_alloc : memref<!tpu.dma_semaphore, #tpu.memory_space<semaphore_mem>>
        %dma_start3A_42 = arith.constant 0 : i32
        %dma_start3A_43 = arith.constant 0 : i32
        %dma_start3A_44 = tpu.memref_slice %arg5[%arg1, %run_scoped3A, %dma_start3A_42, %dma_start3A_43] : memref<16x80x2x128xi32, #tpu.memory_space<hbm>> -> memref<1x1x2x128xi32, #tpu.memory_space<hbm>>
        %dma_start3A_45 = tpu.memref_squeeze %dma_start3A_44 : memref<1x1x2x128xi32, #tpu.memory_space<hbm>> -> memref<2x128xi32, #tpu.memory_space<hbm>>
        %dma_start3A_46 = arith.constant 0 : i32
        %dma_start3A_47 = arith.constant 0 : i32
        %dma_start3A_48 = tpu.memref_slice %arg5[%arg1, %run_scoped3A, %dma_start3A_46, %dma_start3A_47] : memref<16x80x2x128xi32, #tpu.memory_space<hbm>> -> memref<1x1x2x128xi32, #tpu.memory_space<hbm>>
        %dma_start3A_49 = tpu.memref_squeeze %dma_start3A_48 : memref<1x1x2x128xi32, #tpu.memory_space<hbm>> -> memref<2x128xi32, #tpu.memory_space<hbm>>
        tpu.enqueue_dma source(%dma_start3A_49 : memref<2x128xi32, #tpu.memory_space<hbm>>) target(%arg7 : memref<2x128xi32, #tpu.memory_space<vmem>>) target_semaphore(%run_scoped3A_41 : memref<!tpu.dma_semaphore, #tpu.memory_space<semaphore_mem>>)
        %dma_wait3A = arith.constant 0 : i32
        %dma_wait3A_50 = arith.constant 0 : i32
        %dma_wait3A_51 = tpu.memref_slice %arg5[%arg1, %run_scoped3A, %dma_wait3A, %dma_wait3A_50] : memref<16x80x2x128xi32, #tpu.memory_space<hbm>> -> memref<1x1x2x128xi32, #tpu.memory_space<hbm>>
        %dma_wait3A_52 = tpu.memref_squeeze %dma_wait3A_51 : memref<1x1x2x128xi32, #tpu.memory_space<hbm>> -> memref<2x128xi32, #tpu.memory_space<hbm>>
        %dma_wait3A_53 = arith.constant 0 : i32
        %dma_wait3A_54 = arith.constant 0 : i32
        %dma_wait3A_55 = tpu.memref_slice %arg5[%arg1, %run_scoped3A, %dma_wait3A_53, %dma_wait3A_54] : memref<16x80x2x128xi32, #tpu.memory_space<hbm>> -> memref<1x1x2x128xi32, #tpu.memory_space<hbm>>
        %dma_wait3A_56 = tpu.memref_squeeze %dma_wait3A_55 : memref<1x1x2x128xi32, #tpu.memory_space<hbm>> -> memref<2x128xi32, #tpu.memory_space<hbm>>
        tpu.wait_dma2 semaphore(%run_scoped3A_41 : memref<!tpu.dma_semaphore, #tpu.memory_space<semaphore_mem>>) src(%dma_wait3A_56 : memref<2x128xi32, #tpu.memory_space<hbm>>) dst(%arg7 : memref<2x128xi32, #tpu.memory_space<vmem>>)
        tpu.yield
      }) : () -> ()
      %dma_start3A = arith.constant 0 : i32
      %dma_start3A_30 = arith.constant 0 : i32
      %dma_start3A_31 = tpu.memref_slice %arg7[%dma_start3A, %dma_start3A_30] : memref<2x128xi32, #tpu.memory_space<vmem>> -> memref<1x128xi32, #tpu.memory_space<vmem>>
      %dma_start3A_32 = tpu.memref_squeeze %dma_start3A_31 : memref<1x128xi32, #tpu.memory_space<vmem>> -> memref<128xi32, #tpu.memory_space<vmem>>
      %dma_start3A_33 = arith.constant 0 : i32
      %dma_start3A_34 = arith.constant 0 : i32
      %dma_start3A_35 = tpu.memref_slice %arg2[%dma_start3A_33, %dma_start3A_34] : memref<80000x128xf32, #tpu.memory_space<hbm>> -> memref<80000x128xf32, #tpu.memory_space<hbm>>
      tpu.enqueue_indirect_dma source(%dma_start3A_35 : memref<80000x128xf32, #tpu.memory_space<hbm>>) target(%arg9 : memref<128x128xf32, #tpu.memory_space<vmem>>) offsets(%dma_start3A_32 : memref<128xi32, #tpu.memory_space<vmem>>) semaphore(%arg12 : memref<!tpu.dma_semaphore, #tpu.memory_space<semaphore_mem>>)
      %scan3A = arith.constant 0 : i32
      %scan3A_36 = arith.constant 0 : i32
      %scan3A_37 = arith.constant 40 : i32
      %scan3A_38 = arith.addi %scan3A_36, %scan3A_37 : i32
      %scan3A_39 = arith.constant 1 : i32
      scf.for %scan3A_41 = %scan3A_36 to %scan3A_38 step %scan3A_39  : i32 {
        %mul3A_42 = arith.constant 2 : i32
        %mul3A_43 = arith.muli %mul3A_42, %scan3A_41 : i32
        %add3A = arith.constant 1 : i32
        %add3A_44 = arith.addi %mul3A_43, %add3A : i32
        "tpu.region"() ({
          %run_scoped3A_72 = tpu.sem_alloc : memref<!tpu.dma_semaphore, #tpu.memory_space<semaphore_mem>>
          %dma_start3A_73 = arith.constant 0 : i32
          %dma_start3A_74 = arith.constant 0 : i32
          %dma_start3A_75 = tpu.memref_slice %arg5[%arg1, %add3A_44, %dma_start3A_73, %dma_start3A_74] : memref<16x80x2x128xi32, #tpu.memory_space<hbm>> -> memref<1x1x2x128xi32, #tpu.memory_space<hbm>>
          %dma_start3A_76 = tpu.memref_squeeze %dma_start3A_75 : memref<1x1x2x128xi32, #tpu.memory_space<hbm>> -> memref<2x128xi32, #tpu.memory_space<hbm>>
          %dma_start3A_77 = arith.constant 0 : i32
          %dma_start3A_78 = arith.constant 0 : i32
          %dma_start3A_79 = tpu.memref_slice %arg5[%arg1, %add3A_44, %dma_start3A_77, %dma_start3A_78] : memref<16x80x2x128xi32, #tpu.memory_space<hbm>> -> memref<1x1x2x128xi32, #tpu.memory_space<hbm>>
          %dma_start3A_80 = tpu.memref_squeeze %dma_start3A_79 : memref<1x1x2x128xi32, #tpu.memory_space<hbm>> -> memref<2x128xi32, #tpu.memory_space<hbm>>
          tpu.enqueue_dma source(%dma_start3A_80 : memref<2x128xi32, #tpu.memory_space<hbm>>) target(%arg8 : memref<2x128xi32, #tpu.memory_space<vmem>>) target_semaphore(%run_scoped3A_72 : memref<!tpu.dma_semaphore, #tpu.memory_space<semaphore_mem>>)
          %dma_wait3A_81 = arith.constant 0 : i32
          %dma_wait3A_82 = arith.constant 0 : i32
          %dma_wait3A_83 = tpu.memref_slice %arg5[%arg1, %add3A_44, %dma_wait3A_81, %dma_wait3A_82] : memref<16x80x2x128xi32, #tpu.memory_space<hbm>> -> memref<1x1x2x128xi32, #tpu.memory_space<hbm>>
          %dma_wait3A_84 = tpu.memref_squeeze %dma_wait3A_83 : memref<1x1x2x128xi32, #tpu.memory_space<hbm>> -> memref<2x128xi32, #tpu.memory_space<hbm>>
          %dma_wait3A_85 = arith.constant 0 : i32
          %dma_wait3A_86 = arith.constant 0 : i32
          %dma_wait3A_87 = tpu.memref_slice %arg5[%arg1, %add3A_44, %dma_wait3A_85, %dma_wait3A_86] : memref<16x80x2x128xi32, #tpu.memory_space<hbm>> -> memref<1x1x2x128xi32, #tpu.memory_space<hbm>>
          %dma_wait3A_88 = tpu.memref_squeeze %dma_wait3A_87 : memref<1x1x2x128xi32, #tpu.memory_space<hbm>> -> memref<2x128xi32, #tpu.memory_space<hbm>>
          tpu.wait_dma2 semaphore(%run_scoped3A_72 : memref<!tpu.dma_semaphore, #tpu.memory_space<semaphore_mem>>) src(%dma_wait3A_88 : memref<2x128xi32, #tpu.memory_space<hbm>>) dst(%arg8 : memref<2x128xi32, #tpu.memory_space<vmem>>)
          tpu.yield
        }) : () -> ()
        %dma_start3A_45 = arith.constant 0 : i32
        %dma_start3A_46 = arith.constant 0 : i32
        %dma_start3A_47 = tpu.memref_slice %arg8[%dma_start3A_45, %dma_start3A_46] : memref<2x128xi32, #tpu.memory_space<vmem>> -> memref<1x128xi32, #tpu.memory_space<vmem>>
        %dma_start3A_48 = tpu.memref_squeeze %dma_start3A_47 : memref<1x128xi32, #tpu.memory_space<vmem>> -> memref<128xi32, #tpu.memory_space<vmem>>
        %dma_start3A_49 = arith.constant 0 : i32
        %dma_start3A_50 = arith.constant 0 : i32
        %dma_start3A_51 = tpu.memref_slice %arg2[%dma_start3A_49, %dma_start3A_50] : memref<80000x128xf32, #tpu.memory_space<hbm>> -> memref<80000x128xf32, #tpu.memory_space<hbm>>
        tpu.enqueue_indirect_dma source(%dma_start3A_51 : memref<80000x128xf32, #tpu.memory_space<hbm>>) target(%arg10 : memref<128x128xf32, #tpu.memory_space<vmem>>) offsets(%dma_start3A_48 : memref<128xi32, #tpu.memory_space<vmem>>) semaphore(%arg13 : memref<!tpu.dma_semaphore, #tpu.memory_space<semaphore_mem>>)
        %dma_wait3A = arith.constant 0 : i32
        %dma_wait3A_52 = arith.constant 0 : i32
        %dma_wait3A_53 = tpu.memref_slice %arg7[%dma_wait3A, %dma_wait3A_52] : memref<2x128xi32, #tpu.memory_space<vmem>> -> memref<1x128xi32, #tpu.memory_space<vmem>>
        %dma_wait3A_54 = tpu.memref_squeeze %dma_wait3A_53 : memref<1x128xi32, #tpu.memory_space<vmem>> -> memref<128xi32, #tpu.memory_space<vmem>>
        %dma_wait3A_55 = arith.constant 0 : i32
        %dma_wait3A_56 = arith.constant 0 : i32
        %dma_wait3A_57 = tpu.memref_slice %arg2[%dma_wait3A_55, %dma_wait3A_56] : memref<80000x128xf32, #tpu.memory_space<hbm>> -> memref<80000x128xf32, #tpu.memory_space<hbm>>
        tpu.wait_indirect_dma semaphore(%arg12 : memref<!tpu.dma_semaphore, #tpu.memory_space<semaphore_mem>>) src(%dma_wait3A_57 : memref<80000x128xf32, #tpu.memory_space<hbm>>) dst(%arg9 : memref<128x128xf32, #tpu.memory_space<vmem>>)
        %run_scoped3A_58 = arith.constant 1 : i32
        "tpu.region"() ({
          %run_scoped3A_72 = tpu.sem_alloc : memref<!tpu.dma_semaphore, #tpu.memory_space<semaphore_mem>>
          %dma_start3A_73 = arith.constant 0 : i32
          %dma_start3A_74 = tpu.memref_slice %arg7[%run_scoped3A_58, %dma_start3A_73] : memref<2x128xi32, #tpu.memory_space<vmem>> -> memref<1x128xi32, #tpu.memory_space<vmem>>
          %dma_start3A_75 = tpu.memref_squeeze %dma_start3A_74 : memref<1x128xi32, #tpu.memory_space<vmem>> -> memref<128xi32, #tpu.memory_space<vmem>>
          %dma_start3A_76 = arith.constant 0 : i32
          %dma_start3A_77 = arith.constant 0 : i32
          %dma_start3A_78 = tpu.memref_slice %arg11[%dma_start3A_76, %dma_start3A_77] : memref<10016x128xf32, #tpu.memory_space<vmem_shared>> -> memref<10016x128xf32, #tpu.memory_space<vmem_shared>>
          tpu.enqueue_indirect_dma source(%arg9 : memref<128x128xf32, #tpu.memory_space<vmem>>) target(%dma_start3A_78 : memref<10016x128xf32, #tpu.memory_space<vmem_shared>>) offsets(%dma_start3A_75 : memref<128xi32, #tpu.memory_space<vmem>>) semaphore(%run_scoped3A_72 : memref<!tpu.dma_semaphore, #tpu.memory_space<semaphore_mem>>) {add = true}
          %dma_wait3A_79 = arith.constant 0 : i32
          %dma_wait3A_80 = tpu.memref_slice %arg7[%run_scoped3A_58, %dma_wait3A_79] : memref<2x128xi32, #tpu.memory_space<vmem>> -> memref<1x128xi32, #tpu.memory_space<vmem>>
          %dma_wait3A_81 = tpu.memref_squeeze %dma_wait3A_80 : memref<1x128xi32, #tpu.memory_space<vmem>> -> memref<128xi32, #tpu.memory_space<vmem>>
          %dma_wait3A_82 = arith.constant 0 : i32
          %dma_wait3A_83 = arith.constant 0 : i32
          %dma_wait3A_84 = tpu.memref_slice %arg11[%dma_wait3A_82, %dma_wait3A_83] : memref<10016x128xf32, #tpu.memory_space<vmem_shared>> -> memref<10016x128xf32, #tpu.memory_space<vmem_shared>>
          tpu.wait_indirect_dma semaphore(%run_scoped3A_72 : memref<!tpu.dma_semaphore, #tpu.memory_space<semaphore_mem>>) src(%arg9 : memref<128x128xf32, #tpu.memory_space<vmem>>) dst(%dma_wait3A_84 : memref<10016x128xf32, #tpu.memory_space<vmem_shared>>)
          tpu.yield
        }) : () -> ()
        %lt3A_59 = arith.constant 39 : i32
        %lt3A_60 = arith.cmpi slt, %scan3A_41, %lt3A_59 : i32
        %convert_element_type3A_61 = arith.extui %lt3A_60 : i1 to i32
        %cond3A_62 = arith.constant 0 : i32
        %cond3A_63 = arith.cmpi ne, %convert_element_type3A_61, %cond3A_62 : i32
        scf.if %cond3A_63 {
          %add3A_72 = arith.constant 2 : i32
          %add3A_73 = arith.addi %mul3A_43, %add3A_72 : i32
          "tpu.region"() ({
            %run_scoped3A_81 = tpu.sem_alloc : memref<!tpu.dma_semaphore, #tpu.memory_space<semaphore_mem>>
            %dma_start3A_82 = arith.constant 0 : i32
            %dma_start3A_83 = arith.constant 0 : i32
            %dma_start3A_84 = tpu.memref_slice %arg5[%arg1, %add3A_73, %dma_start3A_82, %dma_start3A_83] : memref<16x80x2x128xi32, #tpu.memory_space<hbm>> -> memref<1x1x2x128xi32, #tpu.memory_space<hbm>>
            %dma_start3A_85 = tpu.memref_squeeze %dma_start3A_84 : memref<1x1x2x128xi32, #tpu.memory_space<hbm>> -> memref<2x128xi32, #tpu.memory_space<hbm>>
            %dma_start3A_86 = arith.constant 0 : i32
            %dma_start3A_87 = arith.constant 0 : i32
            %dma_start3A_88 = tpu.memref_slice %arg5[%arg1, %add3A_73, %dma_start3A_86, %dma_start3A_87] : memref<16x80x2x128xi32, #tpu.memory_space<hbm>> -> memref<1x1x2x128xi32, #tpu.memory_space<hbm>>
            %dma_start3A_89 = tpu.memref_squeeze %dma_start3A_88 : memref<1x1x2x128xi32, #tpu.memory_space<hbm>> -> memref<2x128xi32, #tpu.memory_space<hbm>>
            tpu.enqueue_dma source(%dma_start3A_89 : memref<2x128xi32, #tpu.memory_space<hbm>>) target(%arg7 : memref<2x128xi32, #tpu.memory_space<vmem>>) target_semaphore(%run_scoped3A_81 : memref<!tpu.dma_semaphore, #tpu.memory_space<semaphore_mem>>)
            %dma_wait3A_90 = arith.constant 0 : i32
            %dma_wait3A_91 = arith.constant 0 : i32
            %dma_wait3A_92 = tpu.memref_slice %arg5[%arg1, %add3A_73, %dma_wait3A_90, %dma_wait3A_91] : memref<16x80x2x128xi32, #tpu.memory_space<hbm>> -> memref<1x1x2x128xi32, #tpu.memory_space<hbm>>
            %dma_wait3A_93 = tpu.memref_squeeze %dma_wait3A_92 : memref<1x1x2x128xi32, #tpu.memory_space<hbm>> -> memref<2x128xi32, #tpu.memory_space<hbm>>
            %dma_wait3A_94 = arith.constant 0 : i32
            %dma_wait3A_95 = arith.constant 0 : i32
            %dma_wait3A_96 = tpu.memref_slice %arg5[%arg1, %add3A_73, %dma_wait3A_94, %dma_wait3A_95] : memref<16x80x2x128xi32, #tpu.memory_space<hbm>> -> memref<1x1x2x128xi32, #tpu.memory_space<hbm>>
            %dma_wait3A_97 = tpu.memref_squeeze %dma_wait3A_96 : memref<1x1x2x128xi32, #tpu.memory_space<hbm>> -> memref<2x128xi32, #tpu.memory_space<hbm>>
            tpu.wait_dma2 semaphore(%run_scoped3A_81 : memref<!tpu.dma_semaphore, #tpu.memory_space<semaphore_mem>>) src(%dma_wait3A_97 : memref<2x128xi32, #tpu.memory_space<hbm>>) dst(%arg7 : memref<2x128xi32, #tpu.memory_space<vmem>>)
            tpu.yield
          }) : () -> ()
          %dma_start3A_74 = arith.constant 0 : i32
          %dma_start3A_75 = arith.constant 0 : i32
          %dma_start3A_76 = tpu.memref_slice %arg7[%dma_start3A_74, %dma_start3A_75] : memref<2x128xi32, #tpu.memory_space<vmem>> -> memref<1x128xi32, #tpu.memory_space<vmem>>
          %dma_start3A_77 = tpu.memref_squeeze %dma_start3A_76 : memref<1x128xi32, #tpu.memory_space<vmem>> -> memref<128xi32, #tpu.memory_space<vmem>>
          %dma_start3A_78 = arith.constant 0 : i32
          %dma_start3A_79 = arith.constant 0 : i32
          %dma_start3A_80 = tpu.memref_slice %arg2[%dma_start3A_78, %dma_start3A_79] : memref<80000x128xf32, #tpu.memory_space<hbm>> -> memref<80000x128xf32, #tpu.memory_space<hbm>>
          tpu.enqueue_indirect_dma source(%dma_start3A_80 : memref<80000x128xf32, #tpu.memory_space<hbm>>) target(%arg9 : memref<128x128xf32, #tpu.memory_space<vmem>>) offsets(%dma_start3A_77 : memref<128xi32, #tpu.memory_space<vmem>>) semaphore(%arg12 : memref<!tpu.dma_semaphore, #tpu.memory_space<semaphore_mem>>)
        } else {
        }
        %dma_wait3A_64 = arith.constant 0 : i32
        %dma_wait3A_65 = arith.constant 0 : i32
        %dma_wait3A_66 = tpu.memref_slice %arg8[%dma_wait3A_64, %dma_wait3A_65] : memref<2x128xi32, #tpu.memory_space<vmem>> -> memref<1x128xi32, #tpu.memory_space<vmem>>
        %dma_wait3A_67 = tpu.memref_squeeze %dma_wait3A_66 : memref<1x128xi32, #tpu.memory_space<vmem>> -> memref<128xi32, #tpu.memory_space<vmem>>
        %dma_wait3A_68 = arith.constant 0 : i32
        %dma_wait3A_69 = arith.constant 0 : i32
        %dma_wait3A_70 = tpu.memref_slice %arg2[%dma_wait3A_68, %dma_wait3A_69] : memref<80000x128xf32, #tpu.memory_space<hbm>> -> memref<80000x128xf32, #tpu.memory_space<hbm>>
        tpu.wait_indirect_dma semaphore(%arg13 : memref<!tpu.dma_semaphore, #tpu.memory_space<semaphore_mem>>) src(%dma_wait3A_70 : memref<80000x128xf32, #tpu.memory_space<hbm>>) dst(%arg10 : memref<128x128xf32, #tpu.memory_space<vmem>>)
        %run_scoped3A_71 = arith.constant 1 : i32
        "tpu.region"() ({
          %run_scoped3A_72 = tpu.sem_alloc : memref<!tpu.dma_semaphore, #tpu.memory_space<semaphore_mem>>
          %dma_start3A_73 = arith.constant 0 : i32
          %dma_start3A_74 = tpu.memref_slice %arg8[%run_scoped3A_71, %dma_start3A_73] : memref<2x128xi32, #tpu.memory_space<vmem>> -> memref<1x128xi32, #tpu.memory_space<vmem>>
          %dma_start3A_75 = tpu.memref_squeeze %dma_start3A_74 : memref<1x128xi32, #tpu.memory_space<vmem>> -> memref<128xi32, #tpu.memory_space<vmem>>
          %dma_start3A_76 = arith.constant 0 : i32
          %dma_start3A_77 = arith.constant 0 : i32
          %dma_start3A_78 = tpu.memref_slice %arg11[%dma_start3A_76, %dma_start3A_77] : memref<10016x128xf32, #tpu.memory_space<vmem_shared>> -> memref<10016x128xf32, #tpu.memory_space<vmem_shared>>
          tpu.enqueue_indirect_dma source(%arg10 : memref<128x128xf32, #tpu.memory_space<vmem>>) target(%dma_start3A_78 : memref<10016x128xf32, #tpu.memory_space<vmem_shared>>) offsets(%dma_start3A_75 : memref<128xi32, #tpu.memory_space<vmem>>) semaphore(%run_scoped3A_72 : memref<!tpu.dma_semaphore, #tpu.memory_space<semaphore_mem>>) {add = true}
          %dma_wait3A_79 = arith.constant 0 : i32
          %dma_wait3A_80 = tpu.memref_slice %arg8[%run_scoped3A_71, %dma_wait3A_79] : memref<2x128xi32, #tpu.memory_space<vmem>> -> memref<1x128xi32, #tpu.memory_space<vmem>>
          %dma_wait3A_81 = tpu.memref_squeeze %dma_wait3A_80 : memref<1x128xi32, #tpu.memory_space<vmem>> -> memref<128xi32, #tpu.memory_space<vmem>>
          %dma_wait3A_82 = arith.constant 0 : i32
          %dma_wait3A_83 = arith.constant 0 : i32
          %dma_wait3A_84 = tpu.memref_slice %arg11[%dma_wait3A_82, %dma_wait3A_83] : memref<10016x128xf32, #tpu.memory_space<vmem_shared>> -> memref<10016x128xf32, #tpu.memory_space<vmem_shared>>
          tpu.wait_indirect_dma semaphore(%run_scoped3A_72 : memref<!tpu.dma_semaphore, #tpu.memory_space<semaphore_mem>>) src(%arg10 : memref<128x128xf32, #tpu.memory_space<vmem>>) dst(%dma_wait3A_84 : memref<10016x128xf32, #tpu.memory_space<vmem_shared>>)
          tpu.yield
        }) : () -> ()
      }
      %scan3A_40 = arith.constant 40 : i32
    } else {
    }
    %eq3A_12 = arith.constant 1 : i32
    %eq3A_13 = arith.cmpi eq, %arg0, %eq3A_12 : i32
    %convert_element_type3A_14 = arith.extui %eq3A_13 : i1 to i32
    %cond3A_15 = arith.constant 0 : i32
    %cond3A_16 = arith.cmpi ne, %convert_element_type3A_14, %cond3A_15 : i32
    scf.if %cond3A_16 {
      %run_scoped3A = arith.constant 0 : i32
      "tpu.region"() ({
        %run_scoped3A_41 = tpu.sem_alloc : memref<!tpu.dma_semaphore, #tpu.memory_space<semaphore_mem>>
        %dma_start3A_42 = arith.constant 0 : i32
        %dma_start3A_43 = arith.constant 0 : i32
        %dma_start3A_44 = tpu.memref_slice %arg5[%arg1, %run_scoped3A, %dma_start3A_42, %dma_start3A_43] : memref<16x80x2x128xi32, #tpu.memory_space<hbm>> -> memref<1x1x2x128xi32, #tpu.memory_space<hbm>>
        %dma_start3A_45 = tpu.memref_squeeze %dma_start3A_44 : memref<1x1x2x128xi32, #tpu.memory_space<hbm>> -> memref<2x128xi32, #tpu.memory_space<hbm>>
        %dma_start3A_46 = arith.constant 0 : i32
        %dma_start3A_47 = arith.constant 0 : i32
        %dma_start3A_48 = tpu.memref_slice %arg5[%arg1, %run_scoped3A, %dma_start3A_46, %dma_start3A_47] : memref<16x80x2x128xi32, #tpu.memory_space<hbm>> -> memref<1x1x2x128xi32, #tpu.memory_space<hbm>>
        %dma_start3A_49 = tpu.memref_squeeze %dma_start3A_48 : memref<1x1x2x128xi32, #tpu.memory_space<hbm>> -> memref<2x128xi32, #tpu.memory_space<hbm>>
        tpu.enqueue_dma source(%dma_start3A_49 : memref<2x128xi32, #tpu.memory_space<hbm>>) target(%arg7 : memref<2x128xi32, #tpu.memory_space<vmem>>) target_semaphore(%run_scoped3A_41 : memref<!tpu.dma_semaphore, #tpu.memory_space<semaphore_mem>>)
        %dma_wait3A = arith.constant 0 : i32
        %dma_wait3A_50 = arith.constant 0 : i32
        %dma_wait3A_51 = tpu.memref_slice %arg5[%arg1, %run_scoped3A, %dma_wait3A, %dma_wait3A_50] : memref<16x80x2x128xi32, #tpu.memory_space<hbm>> -> memref<1x1x2x128xi32, #tpu.memory_space<hbm>>
        %dma_wait3A_52 = tpu.memref_squeeze %dma_wait3A_51 : memref<1x1x2x128xi32, #tpu.memory_space<hbm>> -> memref<2x128xi32, #tpu.memory_space<hbm>>
        %dma_wait3A_53 = arith.constant 0 : i32
        %dma_wait3A_54 = arith.constant 0 : i32
        %dma_wait3A_55 = tpu.memref_slice %arg5[%arg1, %run_scoped3A, %dma_wait3A_53, %dma_wait3A_54] : memref<16x80x2x128xi32, #tpu.memory_space<hbm>> -> memref<1x1x2x128xi32, #tpu.memory_space<hbm>>
        %dma_wait3A_56 = tpu.memref_squeeze %dma_wait3A_55 : memref<1x1x2x128xi32, #tpu.memory_space<hbm>> -> memref<2x128xi32, #tpu.memory_space<hbm>>
        tpu.wait_dma2 semaphore(%run_scoped3A_41 : memref<!tpu.dma_semaphore, #tpu.memory_space<semaphore_mem>>) src(%dma_wait3A_56 : memref<2x128xi32, #tpu.memory_space<hbm>>) dst(%arg7 : memref<2x128xi32, #tpu.memory_space<vmem>>)
        tpu.yield
      }) : () -> ()
      %dma_start3A = arith.constant 0 : i32
      %dma_start3A_30 = arith.constant 0 : i32
      %dma_start3A_31 = tpu.memref_slice %arg7[%dma_start3A, %dma_start3A_30] : memref<2x128xi32, #tpu.memory_space<vmem>> -> memref<1x128xi32, #tpu.memory_space<vmem>>
      %dma_start3A_32 = tpu.memref_squeeze %dma_start3A_31 : memref<1x128xi32, #tpu.memory_space<vmem>> -> memref<128xi32, #tpu.memory_space<vmem>>
      %dma_start3A_33 = arith.constant 0 : i32
      %dma_start3A_34 = arith.constant 0 : i32
      %dma_start3A_35 = tpu.memref_slice %arg3[%dma_start3A_33, %dma_start3A_34] : memref<80000x128xf32, #tpu.memory_space<hbm>> -> memref<80000x128xf32, #tpu.memory_space<hbm>>
      tpu.enqueue_indirect_dma source(%dma_start3A_35 : memref<80000x128xf32, #tpu.memory_space<hbm>>) target(%arg9 : memref<128x128xf32, #tpu.memory_space<vmem>>) offsets(%dma_start3A_32 : memref<128xi32, #tpu.memory_space<vmem>>) semaphore(%arg12 : memref<!tpu.dma_semaphore, #tpu.memory_space<semaphore_mem>>)
      %scan3A = arith.constant 0 : i32
      %scan3A_36 = arith.constant 0 : i32
      %scan3A_37 = arith.constant 40 : i32
      %scan3A_38 = arith.addi %scan3A_36, %scan3A_37 : i32
      %scan3A_39 = arith.constant 1 : i32
      scf.for %scan3A_41 = %scan3A_36 to %scan3A_38 step %scan3A_39  : i32 {
        %mul3A_42 = arith.constant 2 : i32
        %mul3A_43 = arith.muli %mul3A_42, %scan3A_41 : i32
        %add3A = arith.constant 1 : i32
        %add3A_44 = arith.addi %mul3A_43, %add3A : i32
        "tpu.region"() ({
          %run_scoped3A_72 = tpu.sem_alloc : memref<!tpu.dma_semaphore, #tpu.memory_space<semaphore_mem>>
          %dma_start3A_73 = arith.constant 0 : i32
          %dma_start3A_74 = arith.constant 0 : i32
          %dma_start3A_75 = tpu.memref_slice %arg5[%arg1, %add3A_44, %dma_start3A_73, %dma_start3A_74] : memref<16x80x2x128xi32, #tpu.memory_space<hbm>> -> memref<1x1x2x128xi32, #tpu.memory_space<hbm>>
          %dma_start3A_76 = tpu.memref_squeeze %dma_start3A_75 : memref<1x1x2x128xi32, #tpu.memory_space<hbm>> -> memref<2x128xi32, #tpu.memory_space<hbm>>
          %dma_start3A_77 = arith.constant 0 : i32
          %dma_start3A_78 = arith.constant 0 : i32
          %dma_start3A_79 = tpu.memref_slice %arg5[%arg1, %add3A_44, %dma_start3A_77, %dma_start3A_78] : memref<16x80x2x128xi32, #tpu.memory_space<hbm>> -> memref<1x1x2x128xi32, #tpu.memory_space<hbm>>
          %dma_start3A_80 = tpu.memref_squeeze %dma_start3A_79 : memref<1x1x2x128xi32, #tpu.memory_space<hbm>> -> memref<2x128xi32, #tpu.memory_space<hbm>>
          tpu.enqueue_dma source(%dma_start3A_80 : memref<2x128xi32, #tpu.memory_space<hbm>>) target(%arg8 : memref<2x128xi32, #tpu.memory_space<vmem>>) target_semaphore(%run_scoped3A_72 : memref<!tpu.dma_semaphore, #tpu.memory_space<semaphore_mem>>)
          %dma_wait3A_81 = arith.constant 0 : i32
          %dma_wait3A_82 = arith.constant 0 : i32
          %dma_wait3A_83 = tpu.memref_slice %arg5[%arg1, %add3A_44, %dma_wait3A_81, %dma_wait3A_82] : memref<16x80x2x128xi32, #tpu.memory_space<hbm>> -> memref<1x1x2x128xi32, #tpu.memory_space<hbm>>
          %dma_wait3A_84 = tpu.memref_squeeze %dma_wait3A_83 : memref<1x1x2x128xi32, #tpu.memory_space<hbm>> -> memref<2x128xi32, #tpu.memory_space<hbm>>
          %dma_wait3A_85 = arith.constant 0 : i32
          %dma_wait3A_86 = arith.constant 0 : i32
          %dma_wait3A_87 = tpu.memref_slice %arg5[%arg1, %add3A_44, %dma_wait3A_85, %dma_wait3A_86] : memref<16x80x2x128xi32, #tpu.memory_space<hbm>> -> memref<1x1x2x128xi32, #tpu.memory_space<hbm>>
          %dma_wait3A_88 = tpu.memref_squeeze %dma_wait3A_87 : memref<1x1x2x128xi32, #tpu.memory_space<hbm>> -> memref<2x128xi32, #tpu.memory_space<hbm>>
          tpu.wait_dma2 semaphore(%run_scoped3A_72 : memref<!tpu.dma_semaphore, #tpu.memory_space<semaphore_mem>>) src(%dma_wait3A_88 : memref<2x128xi32, #tpu.memory_space<hbm>>) dst(%arg8 : memref<2x128xi32, #tpu.memory_space<vmem>>)
          tpu.yield
        }) : () -> ()
        %dma_start3A_45 = arith.constant 0 : i32
        %dma_start3A_46 = arith.constant 0 : i32
        %dma_start3A_47 = tpu.memref_slice %arg8[%dma_start3A_45, %dma_start3A_46] : memref<2x128xi32, #tpu.memory_space<vmem>> -> memref<1x128xi32, #tpu.memory_space<vmem>>
        %dma_start3A_48 = tpu.memref_squeeze %dma_start3A_47 : memref<1x128xi32, #tpu.memory_space<vmem>> -> memref<128xi32, #tpu.memory_space<vmem>>
        %dma_start3A_49 = arith.constant 0 : i32
        %dma_start3A_50 = arith.constant 0 : i32
        %dma_start3A_51 = tpu.memref_slice %arg3[%dma_start3A_49, %dma_start3A_50] : memref<80000x128xf32, #tpu.memory_space<hbm>> -> memref<80000x128xf32, #tpu.memory_space<hbm>>
        tpu.enqueue_indirect_dma source(%dma_start3A_51 : memref<80000x128xf32, #tpu.memory_space<hbm>>) target(%arg10 : memref<128x128xf32, #tpu.memory_space<vmem>>) offsets(%dma_start3A_48 : memref<128xi32, #tpu.memory_space<vmem>>) semaphore(%arg13 : memref<!tpu.dma_semaphore, #tpu.memory_space<semaphore_mem>>)
        %dma_wait3A = arith.constant 0 : i32
        %dma_wait3A_52 = arith.constant 0 : i32
        %dma_wait3A_53 = tpu.memref_slice %arg7[%dma_wait3A, %dma_wait3A_52] : memref<2x128xi32, #tpu.memory_space<vmem>> -> memref<1x128xi32, #tpu.memory_space<vmem>>
        %dma_wait3A_54 = tpu.memref_squeeze %dma_wait3A_53 : memref<1x128xi32, #tpu.memory_space<vmem>> -> memref<128xi32, #tpu.memory_space<vmem>>
        %dma_wait3A_55 = arith.constant 0 : i32
        %dma_wait3A_56 = arith.constant 0 : i32
        %dma_wait3A_57 = tpu.memref_slice %arg3[%dma_wait3A_55, %dma_wait3A_56] : memref<80000x128xf32, #tpu.memory_space<hbm>> -> memref<80000x128xf32, #tpu.memory_space<hbm>>
        tpu.wait_indirect_dma semaphore(%arg12 : memref<!tpu.dma_semaphore, #tpu.memory_space<semaphore_mem>>) src(%dma_wait3A_57 : memref<80000x128xf32, #tpu.memory_space<hbm>>) dst(%arg9 : memref<128x128xf32, #tpu.memory_space<vmem>>)
        %run_scoped3A_58 = arith.constant 1 : i32
        "tpu.region"() ({
          %run_scoped3A_72 = tpu.sem_alloc : memref<!tpu.dma_semaphore, #tpu.memory_space<semaphore_mem>>
          %dma_start3A_73 = arith.constant 0 : i32
          %dma_start3A_74 = tpu.memref_slice %arg7[%run_scoped3A_58, %dma_start3A_73] : memref<2x128xi32, #tpu.memory_space<vmem>> -> memref<1x128xi32, #tpu.memory_space<vmem>>
          %dma_start3A_75 = tpu.memref_squeeze %dma_start3A_74 : memref<1x128xi32, #tpu.memory_space<vmem>> -> memref<128xi32, #tpu.memory_space<vmem>>
          %dma_start3A_76 = arith.constant 0 : i32
          %dma_start3A_77 = arith.constant 0 : i32
          %dma_start3A_78 = tpu.memref_slice %arg11[%dma_start3A_76, %dma_start3A_77] : memref<10016x128xf32, #tpu.memory_space<vmem_shared>> -> memref<10016x128xf32, #tpu.memory_space<vmem_shared>>
          tpu.enqueue_indirect_dma source(%arg9 : memref<128x128xf32, #tpu.memory_space<vmem>>) target(%dma_start3A_78 : memref<10016x128xf32, #tpu.memory_space<vmem_shared>>) offsets(%dma_start3A_75 : memref<128xi32, #tpu.memory_space<vmem>>) semaphore(%run_scoped3A_72 : memref<!tpu.dma_semaphore, #tpu.memory_space<semaphore_mem>>) {add = true}
          %dma_wait3A_79 = arith.constant 0 : i32
          %dma_wait3A_80 = tpu.memref_slice %arg7[%run_scoped3A_58, %dma_wait3A_79] : memref<2x128xi32, #tpu.memory_space<vmem>> -> memref<1x128xi32, #tpu.memory_space<vmem>>
          %dma_wait3A_81 = tpu.memref_squeeze %dma_wait3A_80 : memref<1x128xi32, #tpu.memory_space<vmem>> -> memref<128xi32, #tpu.memory_space<vmem>>
          %dma_wait3A_82 = arith.constant 0 : i32
          %dma_wait3A_83 = arith.constant 0 : i32
          %dma_wait3A_84 = tpu.memref_slice %arg11[%dma_wait3A_82, %dma_wait3A_83] : memref<10016x128xf32, #tpu.memory_space<vmem_shared>> -> memref<10016x128xf32, #tpu.memory_space<vmem_shared>>
          tpu.wait_indirect_dma semaphore(%run_scoped3A_72 : memref<!tpu.dma_semaphore, #tpu.memory_space<semaphore_mem>>) src(%arg9 : memref<128x128xf32, #tpu.memory_space<vmem>>) dst(%dma_wait3A_84 : memref<10016x128xf32, #tpu.memory_space<vmem_shared>>)
          tpu.yield
        }) : () -> ()
        %lt3A_59 = arith.constant 39 : i32
        %lt3A_60 = arith.cmpi slt, %scan3A_41, %lt3A_59 : i32
        %convert_element_type3A_61 = arith.extui %lt3A_60 : i1 to i32
        %cond3A_62 = arith.constant 0 : i32
        %cond3A_63 = arith.cmpi ne, %convert_element_type3A_61, %cond3A_62 : i32
        scf.if %cond3A_63 {
          %add3A_72 = arith.constant 2 : i32
          %add3A_73 = arith.addi %mul3A_43, %add3A_72 : i32
          "tpu.region"() ({
            %run_scoped3A_81 = tpu.sem_alloc : memref<!tpu.dma_semaphore, #tpu.memory_space<semaphore_mem>>
            %dma_start3A_82 = arith.constant 0 : i32
            %dma_start3A_83 = arith.constant 0 : i32
            %dma_start3A_84 = tpu.memref_slice %arg5[%arg1, %add3A_73, %dma_start3A_82, %dma_start3A_83] : memref<16x80x2x128xi32, #tpu.memory_space<hbm>> -> memref<1x1x2x128xi32, #tpu.memory_space<hbm>>
            %dma_start3A_85 = tpu.memref_squeeze %dma_start3A_84 : memref<1x1x2x128xi32, #tpu.memory_space<hbm>> -> memref<2x128xi32, #tpu.memory_space<hbm>>
            %dma_start3A_86 = arith.constant 0 : i32
            %dma_start3A_87 = arith.constant 0 : i32
            %dma_start3A_88 = tpu.memref_slice %arg5[%arg1, %add3A_73, %dma_start3A_86, %dma_start3A_87] : memref<16x80x2x128xi32, #tpu.memory_space<hbm>> -> memref<1x1x2x128xi32, #tpu.memory_space<hbm>>
            %dma_start3A_89 = tpu.memref_squeeze %dma_start3A_88 : memref<1x1x2x128xi32, #tpu.memory_space<hbm>> -> memref<2x128xi32, #tpu.memory_space<hbm>>
            tpu.enqueue_dma source(%dma_start3A_89 : memref<2x128xi32, #tpu.memory_space<hbm>>) target(%arg7 : memref<2x128xi32, #tpu.memory_space<vmem>>) target_semaphore(%run_scoped3A_81 : memref<!tpu.dma_semaphore, #tpu.memory_space<semaphore_mem>>)
            %dma_wait3A_90 = arith.constant 0 : i32
            %dma_wait3A_91 = arith.constant 0 : i32
            %dma_wait3A_92 = tpu.memref_slice %arg5[%arg1, %add3A_73, %dma_wait3A_90, %dma_wait3A_91] : memref<16x80x2x128xi32, #tpu.memory_space<hbm>> -> memref<1x1x2x128xi32, #tpu.memory_space<hbm>>
            %dma_wait3A_93 = tpu.memref_squeeze %dma_wait3A_92 : memref<1x1x2x128xi32, #tpu.memory_space<hbm>> -> memref<2x128xi32, #tpu.memory_space<hbm>>
            %dma_wait3A_94 = arith.constant 0 : i32
            %dma_wait3A_95 = arith.constant 0 : i32
            %dma_wait3A_96 = tpu.memref_slice %arg5[%arg1, %add3A_73, %dma_wait3A_94, %dma_wait3A_95] : memref<16x80x2x128xi32, #tpu.memory_space<hbm>> -> memref<1x1x2x128xi32, #tpu.memory_space<hbm>>
            %dma_wait3A_97 = tpu.memref_squeeze %dma_wait3A_96 : memref<1x1x2x128xi32, #tpu.memory_space<hbm>> -> memref<2x128xi32, #tpu.memory_space<hbm>>
            tpu.wait_dma2 semaphore(%run_scoped3A_81 : memref<!tpu.dma_semaphore, #tpu.memory_space<semaphore_mem>>) src(%dma_wait3A_97 : memref<2x128xi32, #tpu.memory_space<hbm>>) dst(%arg7 : memref<2x128xi32, #tpu.memory_space<vmem>>)
            tpu.yield
          }) : () -> ()
          %dma_start3A_74 = arith.constant 0 : i32
          %dma_start3A_75 = arith.constant 0 : i32
          %dma_start3A_76 = tpu.memref_slice %arg7[%dma_start3A_74, %dma_start3A_75] : memref<2x128xi32, #tpu.memory_space<vmem>> -> memref<1x128xi32, #tpu.memory_space<vmem>>
          %dma_start3A_77 = tpu.memref_squeeze %dma_start3A_76 : memref<1x128xi32, #tpu.memory_space<vmem>> -> memref<128xi32, #tpu.memory_space<vmem>>
          %dma_start3A_78 = arith.constant 0 : i32
          %dma_start3A_79 = arith.constant 0 : i32
          %dma_start3A_80 = tpu.memref_slice %arg3[%dma_start3A_78, %dma_start3A_79] : memref<80000x128xf32, #tpu.memory_space<hbm>> -> memref<80000x128xf32, #tpu.memory_space<hbm>>
          tpu.enqueue_indirect_dma source(%dma_start3A_80 : memref<80000x128xf32, #tpu.memory_space<hbm>>) target(%arg9 : memref<128x128xf32, #tpu.memory_space<vmem>>) offsets(%dma_start3A_77 : memref<128xi32, #tpu.memory_space<vmem>>) semaphore(%arg12 : memref<!tpu.dma_semaphore, #tpu.memory_space<semaphore_mem>>)
        } else {
        }
        %dma_wait3A_64 = arith.constant 0 : i32
        %dma_wait3A_65 = arith.constant 0 : i32
        %dma_wait3A_66 = tpu.memref_slice %arg8[%dma_wait3A_64, %dma_wait3A_65] : memref<2x128xi32, #tpu.memory_space<vmem>> -> memref<1x128xi32, #tpu.memory_space<vmem>>
        %dma_wait3A_67 = tpu.memref_squeeze %dma_wait3A_66 : memref<1x128xi32, #tpu.memory_space<vmem>> -> memref<128xi32, #tpu.memory_space<vmem>>
        %dma_wait3A_68 = arith.constant 0 : i32
        %dma_wait3A_69 = arith.constant 0 : i32
        %dma_wait3A_70 = tpu.memref_slice %arg3[%dma_wait3A_68, %dma_wait3A_69] : memref<80000x128xf32, #tpu.memory_space<hbm>> -> memref<80000x128xf32, #tpu.memory_space<hbm>>
        tpu.wait_indirect_dma semaphore(%arg13 : memref<!tpu.dma_semaphore, #tpu.memory_space<semaphore_mem>>) src(%dma_wait3A_70 : memref<80000x128xf32, #tpu.memory_space<hbm>>) dst(%arg10 : memref<128x128xf32, #tpu.memory_space<vmem>>)
        %run_scoped3A_71 = arith.constant 1 : i32
        "tpu.region"() ({
          %run_scoped3A_72 = tpu.sem_alloc : memref<!tpu.dma_semaphore, #tpu.memory_space<semaphore_mem>>
          %dma_start3A_73 = arith.constant 0 : i32
          %dma_start3A_74 = tpu.memref_slice %arg8[%run_scoped3A_71, %dma_start3A_73] : memref<2x128xi32, #tpu.memory_space<vmem>> -> memref<1x128xi32, #tpu.memory_space<vmem>>
          %dma_start3A_75 = tpu.memref_squeeze %dma_start3A_74 : memref<1x128xi32, #tpu.memory_space<vmem>> -> memref<128xi32, #tpu.memory_space<vmem>>
          %dma_start3A_76 = arith.constant 0 : i32
          %dma_start3A_77 = arith.constant 0 : i32
          %dma_start3A_78 = tpu.memref_slice %arg11[%dma_start3A_76, %dma_start3A_77] : memref<10016x128xf32, #tpu.memory_space<vmem_shared>> -> memref<10016x128xf32, #tpu.memory_space<vmem_shared>>
          tpu.enqueue_indirect_dma source(%arg10 : memref<128x128xf32, #tpu.memory_space<vmem>>) target(%dma_start3A_78 : memref<10016x128xf32, #tpu.memory_space<vmem_shared>>) offsets(%dma_start3A_75 : memref<128xi32, #tpu.memory_space<vmem>>) semaphore(%run_scoped3A_72 : memref<!tpu.dma_semaphore, #tpu.memory_space<semaphore_mem>>) {add = true}
          %dma_wait3A_79 = arith.constant 0 : i32
          %dma_wait3A_80 = tpu.memref_slice %arg8[%run_scoped3A_71, %dma_wait3A_79] : memref<2x128xi32, #tpu.memory_space<vmem>> -> memref<1x128xi32, #tpu.memory_space<vmem>>
          %dma_wait3A_81 = tpu.memref_squeeze %dma_wait3A_80 : memref<1x128xi32, #tpu.memory_space<vmem>> -> memref<128xi32, #tpu.memory_space<vmem>>
          %dma_wait3A_82 = arith.constant 0 : i32
          %dma_wait3A_83 = arith.constant 0 : i32
          %dma_wait3A_84 = tpu.memref_slice %arg11[%dma_wait3A_82, %dma_wait3A_83] : memref<10016x128xf32, #tpu.memory_space<vmem_shared>> -> memref<10016x128xf32, #tpu.memory_space<vmem_shared>>
          tpu.wait_indirect_dma semaphore(%run_scoped3A_72 : memref<!tpu.dma_semaphore, #tpu.memory_space<semaphore_mem>>) src(%arg10 : memref<128x128xf32, #tpu.memory_space<vmem>>) dst(%dma_wait3A_84 : memref<10016x128xf32, #tpu.memory_space<vmem_shared>>)
          tpu.yield
        }) : () -> ()
      }
      %scan3A_40 = arith.constant 40 : i32
    } else {
    }
    %barrier3A_17 = arith.constant 0 : index
    tpu.barrier barrier_id(%barrier3A_17)
    %mul3A_18 = arith.constant 128 : i32
    %mul3A_19 = arith.muli %arg0, %mul3A_18 : i32
    %lt3A_20 = arith.constant 15 : i32
    %lt3A_21 = arith.cmpi slt, %arg1, %lt3A_20 : i32
    %convert_element_type3A_22 = arith.extui %lt3A_21 : i1 to i32
    %cond3A_23 = arith.constant 0 : i32
    %cond3A_24 = arith.cmpi ne, %convert_element_type3A_22, %cond3A_23 : i32
    scf.if %cond3A_24 {
      "tpu.region"() ({
        %run_scoped3A = tpu.sem_alloc : memref<!tpu.dma_semaphore, #tpu.memory_space<semaphore_mem>>
        %dma_start3A = tpu.memref_slice %arg6[%mul3A_0, %mul3A_19] : memref<10000x256xf32, #tpu.memory_space<hbm>> -> memref<624x128xf32, #tpu.memory_space<hbm>>
        %dma_start3A_30 = arith.constant 0 : i32
        %dma_start3A_31 = tpu.memref_slice %arg11[%mul3A_0, %dma_start3A_30] : memref<10016x128xf32, #tpu.memory_space<vmem_shared>> -> memref<624x128xf32, #tpu.memory_space<vmem_shared>>
        tpu.enqueue_dma source(%dma_start3A_31 : memref<624x128xf32, #tpu.memory_space<vmem_shared>>) target(%dma_start3A : memref<624x128xf32, #tpu.memory_space<hbm>>) target_semaphore(%run_scoped3A : memref<!tpu.dma_semaphore, #tpu.memory_space<semaphore_mem>>)
        %dma_wait3A = tpu.memref_slice %arg6[%mul3A_0, %mul3A_19] : memref<10000x256xf32, #tpu.memory_space<hbm>> -> memref<624x128xf32, #tpu.memory_space<hbm>>
        %dma_wait3A_32 = arith.constant 0 : i32
        %dma_wait3A_33 = tpu.memref_slice %arg11[%mul3A_0, %dma_wait3A_32] : memref<10016x128xf32, #tpu.memory_space<vmem_shared>> -> memref<624x128xf32, #tpu.memory_space<vmem_shared>>
        tpu.wait_dma2 semaphore(%run_scoped3A : memref<!tpu.dma_semaphore, #tpu.memory_space<semaphore_mem>>) src(%dma_wait3A_33 : memref<624x128xf32, #tpu.memory_space<vmem_shared>>) dst(%dma_wait3A : memref<624x128xf32, #tpu.memory_space<hbm>>)
        tpu.yield
      }) : () -> ()
    } else {
    }
    %eq3A_25 = arith.constant 15 : i32
    %eq3A_26 = arith.cmpi eq, %arg1, %eq3A_25 : i32
    %convert_element_type3A_27 = arith.extui %eq3A_26 : i1 to i32
    %cond3A_28 = arith.constant 0 : i32
    %cond3A_29 = arith.cmpi ne, %convert_element_type3A_27, %cond3A_28 : i32
    scf.if %cond3A_29 {
      "tpu.region"() ({
        %run_scoped3A = tpu.sem_alloc : memref<!tpu.dma_semaphore, #tpu.memory_space<semaphore_mem>>
        %dma_start3A = tpu.memref_slice %arg6[%mul3A_0, %mul3A_19] : memref<10000x256xf32, #tpu.memory_space<hbm>> -> memref<640x128xf32, #tpu.memory_space<hbm>>
        %dma_start3A_30 = arith.constant 0 : i32
        %dma_start3A_31 = tpu.memref_slice %arg11[%mul3A_0, %dma_start3A_30] : memref<10016x128xf32, #tpu.memory_space<vmem_shared>> -> memref<640x128xf32, #tpu.memory_space<vmem_shared>>
        tpu.enqueue_dma source(%dma_start3A_31 : memref<640x128xf32, #tpu.memory_space<vmem_shared>>) target(%dma_start3A : memref<640x128xf32, #tpu.memory_space<hbm>>) target_semaphore(%run_scoped3A : memref<!tpu.dma_semaphore, #tpu.memory_space<semaphore_mem>>)
        %dma_wait3A = tpu.memref_slice %arg6[%mul3A_0, %mul3A_19] : memref<10000x256xf32, #tpu.memory_space<hbm>> -> memref<640x128xf32, #tpu.memory_space<hbm>>
        %dma_wait3A_32 = arith.constant 0 : i32
        %dma_wait3A_33 = tpu.memref_slice %arg11[%mul3A_0, %dma_wait3A_32] : memref<10016x128xf32, #tpu.memory_space<vmem_shared>> -> memref<640x128xf32, #tpu.memory_space<vmem_shared>>
        tpu.wait_dma2 semaphore(%run_scoped3A : memref<!tpu.dma_semaphore, #tpu.memory_space<semaphore_mem>>) src(%dma_wait3A_33 : memref<640x128xf32, #tpu.memory_space<vmem_shared>>) dst(%dma_wait3A : memref<640x128xf32, #tpu.memory_space<hbm>>)
        tpu.yield
      }) : () -> ()
    } else {
    }
    return
  }
}

#map = affine_map<(d0, d1) -> (0, 0)>
#map1 = affine_map<(d0, d1) -> (0, 0, 0, 0)>
module attributes {stable_mosaic.version = 14 : i64} {
  func.func @_sc_body(%arg0: i32, %arg1: i32, %arg2: memref<80000x128xf32, #tpu.memory_space<hbm>>, %arg3: memref<80000x128xf32, #tpu.memory_space<hbm>>, %arg4: memref<640x128xf32, #tpu.memory_space<hbm>>, %arg5: memref<16x80x2x128xi32, #tpu.memory_space<hbm>>, %arg6: memref<10000x256xf32, #tpu.memory_space<hbm>>, %arg7: memref<2x128xi32, #tpu.memory_space<vmem>>, %arg8: memref<2x128xi32, #tpu.memory_space<vmem>>, %arg9: memref<128x128xf32, #tpu.memory_space<vmem>>, %arg10: memref<128x128xf32, #tpu.memory_space<vmem>>, %arg11: memref<10016x128xf32, #tpu.memory_space<vmem_shared>>, %arg12: memref<!tpu.dma_semaphore, #tpu.memory_space<semaphore_mem>>, %arg13: memref<!tpu.dma_semaphore, #tpu.memory_space<semaphore_mem>>) attributes {dimension_semantics = [#tpu.dimension_semantics<core_parallel>, #tpu.dimension_semantics<subcore_parallel>], iteration_bounds = array<i64: 2, 16>, scalar_prefetch = 0 : i64, scratch_operands = 7 : i64, tpu.core_type = #tpu.core_type<sc_vector_subcore>, window_params = [{transform_indices = #map}, {transform_indices = #map}, {transform_indices = #map}, {transform_indices = #map1}, {transform_indices = #map}]} {
    %mul3A = arith.constant 624 : i32
    %mul3A_0 = arith.muli %arg1, %mul3A : i32
    %lt3A = arith.constant 15 : i32
    %lt3A_1 = arith.cmpi slt, %arg1, %lt3A : i32
    %convert_element_type3A = arith.extui %lt3A_1 : i1 to i32
    %cond3A = arith.constant 0 : i32
    %cond3A_2 = arith.cmpi ne, %convert_element_type3A, %cond3A : i32
    scf.if %cond3A_2 {
      "tpu.region"() ({
        %run_scoped3A = tpu.sem_alloc : memref<!tpu.dma_semaphore, #tpu.memory_space<semaphore_mem>>
        %dma_start3A = arith.constant 0 : i32
        %dma_start3A_30 = tpu.memref_slice %arg11[%mul3A_0, %dma_start3A] : memref<10016x128xf32, #tpu.memory_space<vmem_shared>> -> memref<624x128xf32, #tpu.memory_space<vmem_shared>>
        %dma_start3A_31 = arith.constant 0 : i32
        %dma_start3A_32 = arith.constant 0 : i32
        %dma_start3A_33 = tpu.memref_slice %arg4[%dma_start3A_31, %dma_start3A_32] : memref<640x128xf32, #tpu.memory_space<hbm>> -> memref<624x128xf32, #tpu.memory_space<hbm>>
        tpu.enqueue_dma source(%dma_start3A_33 : memref<624x128xf32, #tpu.memory_space<hbm>>) target(%dma_start3A_30 : memref<624x128xf32, #tpu.memory_space<vmem_shared>>) target_semaphore(%run_scoped3A : memref<!tpu.dma_semaphore, #tpu.memory_space<semaphore_mem>>)
        %dma_wait3A = arith.constant 0 : i32
        %dma_wait3A_34 = tpu.memref_slice %arg11[%mul3A_0, %dma_wait3A] : memref<10016x128xf32, #tpu.memory_space<vmem_shared>> -> memref<624x128xf32, #tpu.memory_space<vmem_shared>>
        %dma_wait3A_35 = arith.constant 0 : i32
        %dma_wait3A_36 = arith.constant 0 : i32
        %dma_wait3A_37 = tpu.memref_slice %arg4[%dma_wait3A_35, %dma_wait3A_36] : memref<640x128xf32, #tpu.memory_space<hbm>> -> memref<624x128xf32, #tpu.memory_space<hbm>>
        tpu.wait_dma2 semaphore(%run_scoped3A : memref<!tpu.dma_semaphore, #tpu.memory_space<semaphore_mem>>) src(%dma_wait3A_37 : memref<624x128xf32, #tpu.memory_space<hbm>>) dst(%dma_wait3A_34 : memref<624x128xf32, #tpu.memory_space<vmem_shared>>)
        tpu.yield
      }) : () -> ()
    } else {
    }
    %eq3A = arith.constant 15 : i32
    %eq3A_3 = arith.cmpi eq, %arg1, %eq3A : i32
    %convert_element_type3A_4 = arith.extui %eq3A_3 : i1 to i32
    %cond3A_5 = arith.constant 0 : i32
    %cond3A_6 = arith.cmpi ne, %convert_element_type3A_4, %cond3A_5 : i32
    scf.if %cond3A_6 {
      "tpu.region"() ({
        %run_scoped3A = tpu.sem_alloc : memref<!tpu.dma_semaphore, #tpu.memory_space<semaphore_mem>>
        %dma_start3A = arith.constant 0 : i32
        %dma_start3A_30 = tpu.memref_slice %arg11[%mul3A_0, %dma_start3A] : memref<10016x128xf32, #tpu.memory_space<vmem_shared>> -> memref<640x128xf32, #tpu.memory_space<vmem_shared>>
        tpu.enqueue_dma source(%arg4 : memref<640x128xf32, #tpu.memory_space<hbm>>) target(%dma_start3A_30 : memref<640x128xf32, #tpu.memory_space<vmem_shared>>) target_semaphore(%run_scoped3A : memref<!tpu.dma_semaphore, #tpu.memory_space<semaphore_mem>>)
        %dma_wait3A = arith.constant 0 : i32
        %dma_wait3A_31 = tpu.memref_slice %arg11[%mul3A_0, %dma_wait3A] : memref<10016x128xf32, #tpu.memory_space<vmem_shared>> -> memref<640x128xf32, #tpu.memory_space<vmem_shared>>
        tpu.wait_dma2 semaphore(%run_scoped3A : memref<!tpu.dma_semaphore, #tpu.memory_space<semaphore_mem>>) src(%arg4 : memref<640x128xf32, #tpu.memory_space<hbm>>) dst(%dma_wait3A_31 : memref<640x128xf32, #tpu.memory_space<vmem_shared>>)
        tpu.yield
      }) : () -> ()
    } else {
    }
    %barrier3A = arith.constant 0 : index
    tpu.barrier barrier_id(%barrier3A)
    %eq3A_7 = arith.constant 0 : i32
    %eq3A_8 = arith.cmpi eq, %arg0, %eq3A_7 : i32
    %convert_element_type3A_9 = arith.extui %eq3A_8 : i1 to i32
    %cond3A_10 = arith.constant 0 : i32
    %cond3A_11 = arith.cmpi ne, %convert_element_type3A_9, %cond3A_10 : i32
    scf.if %cond3A_11 {
      %run_scoped3A = arith.constant 0 : i32
      "tpu.region"() ({
        %run_scoped3A_41 = tpu.sem_alloc : memref<!tpu.dma_semaphore, #tpu.memory_space<semaphore_mem>>
        %dma_start3A_42 = arith.constant 0 : i32
        %dma_start3A_43 = arith.constant 0 : i32
        %dma_start3A_44 = tpu.memref_slice %arg5[%arg1, %run_scoped3A, %dma_start3A_42, %dma_start3A_43] : memref<16x80x2x128xi32, #tpu.memory_space<hbm>> -> memref<1x1x2x128xi32, #tpu.memory_space<hbm>>
        %dma_start3A_45 = tpu.memref_squeeze %dma_start3A_44 : memref<1x1x2x128xi32, #tpu.memory_space<hbm>> -> memref<2x128xi32, #tpu.memory_space<hbm>>
        %dma_start3A_46 = arith.constant 0 : i32
        %dma_start3A_47 = arith.constant 0 : i32
        %dma_start3A_48 = tpu.memref_slice %arg5[%arg1, %run_scoped3A, %dma_start3A_46, %dma_start3A_47] : memref<16x80x2x128xi32, #tpu.memory_space<hbm>> -> memref<1x1x2x128xi32, #tpu.memory_space<hbm>>
        %dma_start3A_49 = tpu.memref_squeeze %dma_start3A_48 : memref<1x1x2x128xi32, #tpu.memory_space<hbm>> -> memref<2x128xi32, #tpu.memory_space<hbm>>
        tpu.enqueue_dma source(%dma_start3A_49 : memref<2x128xi32, #tpu.memory_space<hbm>>) target(%arg7 : memref<2x128xi32, #tpu.memory_space<vmem>>) target_semaphore(%run_scoped3A_41 : memref<!tpu.dma_semaphore, #tpu.memory_space<semaphore_mem>>)
        %dma_wait3A = arith.constant 0 : i32
        %dma_wait3A_50 = arith.constant 0 : i32
        %dma_wait3A_51 = tpu.memref_slice %arg5[%arg1, %run_scoped3A, %dma_wait3A, %dma_wait3A_50] : memref<16x80x2x128xi32, #tpu.memory_space<hbm>> -> memref<1x1x2x128xi32, #tpu.memory_space<hbm>>
        %dma_wait3A_52 = tpu.memref_squeeze %dma_wait3A_51 : memref<1x1x2x128xi32, #tpu.memory_space<hbm>> -> memref<2x128xi32, #tpu.memory_space<hbm>>
        %dma_wait3A_53 = arith.constant 0 : i32
        %dma_wait3A_54 = arith.constant 0 : i32
        %dma_wait3A_55 = tpu.memref_slice %arg5[%arg1, %run_scoped3A, %dma_wait3A_53, %dma_wait3A_54] : memref<16x80x2x128xi32, #tpu.memory_space<hbm>> -> memref<1x1x2x128xi32, #tpu.memory_space<hbm>>
        %dma_wait3A_56 = tpu.memref_squeeze %dma_wait3A_55 : memref<1x1x2x128xi32, #tpu.memory_space<hbm>> -> memref<2x128xi32, #tpu.memory_space<hbm>>
        tpu.wait_dma2 semaphore(%run_scoped3A_41 : memref<!tpu.dma_semaphore, #tpu.memory_space<semaphore_mem>>) src(%dma_wait3A_56 : memref<2x128xi32, #tpu.memory_space<hbm>>) dst(%arg7 : memref<2x128xi32, #tpu.memory_space<vmem>>)
        tpu.yield
      }) : () -> ()
      %dma_start3A = arith.constant 0 : i32
      %dma_start3A_30 = arith.constant 0 : i32
      %dma_start3A_31 = tpu.memref_slice %arg7[%dma_start3A, %dma_start3A_30] : memref<2x128xi32, #tpu.memory_space<vmem>> -> memref<1x128xi32, #tpu.memory_space<vmem>>
      %dma_start3A_32 = tpu.memref_squeeze %dma_start3A_31 : memref<1x128xi32, #tpu.memory_space<vmem>> -> memref<128xi32, #tpu.memory_space<vmem>>
      %dma_start3A_33 = arith.constant 0 : i32
      %dma_start3A_34 = arith.constant 0 : i32
      %dma_start3A_35 = tpu.memref_slice %arg2[%dma_start3A_33, %dma_start3A_34] : memref<80000x128xf32, #tpu.memory_space<hbm>> -> memref<80000x128xf32, #tpu.memory_space<hbm>>
      tpu.enqueue_indirect_dma source(%dma_start3A_35 : memref<80000x128xf32, #tpu.memory_space<hbm>>) target(%arg9 : memref<128x128xf32, #tpu.memory_space<vmem>>) offsets(%dma_start3A_32 : memref<128xi32, #tpu.memory_space<vmem>>) semaphore(%arg12 : memref<!tpu.dma_semaphore, #tpu.memory_space<semaphore_mem>>)
      %scan3A = arith.constant 0 : i32
      %scan3A_36 = arith.constant 0 : i32
      %scan3A_37 = arith.constant 40 : i32
      %scan3A_38 = arith.addi %scan3A_36, %scan3A_37 : i32
      %scan3A_39 = arith.constant 1 : i32
      scf.for %scan3A_41 = %scan3A_36 to %scan3A_38 step %scan3A_39  : i32 {
        %mul3A_42 = arith.constant 2 : i32
        %mul3A_43 = arith.muli %mul3A_42, %scan3A_41 : i32
        %add3A = arith.constant 1 : i32
        %add3A_44 = arith.addi %mul3A_43, %add3A : i32
        "tpu.region"() ({
          %run_scoped3A_72 = tpu.sem_alloc : memref<!tpu.dma_semaphore, #tpu.memory_space<semaphore_mem>>
          %dma_start3A_73 = arith.constant 0 : i32
          %dma_start3A_74 = arith.constant 0 : i32
          %dma_start3A_75 = tpu.memref_slice %arg5[%arg1, %add3A_44, %dma_start3A_73, %dma_start3A_74] : memref<16x80x2x128xi32, #tpu.memory_space<hbm>> -> memref<1x1x2x128xi32, #tpu.memory_space<hbm>>
          %dma_start3A_76 = tpu.memref_squeeze %dma_start3A_75 : memref<1x1x2x128xi32, #tpu.memory_space<hbm>> -> memref<2x128xi32, #tpu.memory_space<hbm>>
          %dma_start3A_77 = arith.constant 0 : i32
          %dma_start3A_78 = arith.constant 0 : i32
          %dma_start3A_79 = tpu.memref_slice %arg5[%arg1, %add3A_44, %dma_start3A_77, %dma_start3A_78] : memref<16x80x2x128xi32, #tpu.memory_space<hbm>> -> memref<1x1x2x128xi32, #tpu.memory_space<hbm>>
          %dma_start3A_80 = tpu.memref_squeeze %dma_start3A_79 : memref<1x1x2x128xi32, #tpu.memory_space<hbm>> -> memref<2x128xi32, #tpu.memory_space<hbm>>
          tpu.enqueue_dma source(%dma_start3A_80 : memref<2x128xi32, #tpu.memory_space<hbm>>) target(%arg8 : memref<2x128xi32, #tpu.memory_space<vmem>>) target_semaphore(%run_scoped3A_72 : memref<!tpu.dma_semaphore, #tpu.memory_space<semaphore_mem>>)
          %dma_wait3A_81 = arith.constant 0 : i32
          %dma_wait3A_82 = arith.constant 0 : i32
          %dma_wait3A_83 = tpu.memref_slice %arg5[%arg1, %add3A_44, %dma_wait3A_81, %dma_wait3A_82] : memref<16x80x2x128xi32, #tpu.memory_space<hbm>> -> memref<1x1x2x128xi32, #tpu.memory_space<hbm>>
          %dma_wait3A_84 = tpu.memref_squeeze %dma_wait3A_83 : memref<1x1x2x128xi32, #tpu.memory_space<hbm>> -> memref<2x128xi32, #tpu.memory_space<hbm>>
          %dma_wait3A_85 = arith.constant 0 : i32
          %dma_wait3A_86 = arith.constant 0 : i32
          %dma_wait3A_87 = tpu.memref_slice %arg5[%arg1, %add3A_44, %dma_wait3A_85, %dma_wait3A_86] : memref<16x80x2x128xi32, #tpu.memory_space<hbm>> -> memref<1x1x2x128xi32, #tpu.memory_space<hbm>>
          %dma_wait3A_88 = tpu.memref_squeeze %dma_wait3A_87 : memref<1x1x2x128xi32, #tpu.memory_space<hbm>> -> memref<2x128xi32, #tpu.memory_space<hbm>>
          tpu.wait_dma2 semaphore(%run_scoped3A_72 : memref<!tpu.dma_semaphore, #tpu.memory_space<semaphore_mem>>) src(%dma_wait3A_88 : memref<2x128xi32, #tpu.memory_space<hbm>>) dst(%arg8 : memref<2x128xi32, #tpu.memory_space<vmem>>)
          tpu.yield
        }) : () -> ()
        %dma_start3A_45 = arith.constant 0 : i32
        %dma_start3A_46 = arith.constant 0 : i32
        %dma_start3A_47 = tpu.memref_slice %arg8[%dma_start3A_45, %dma_start3A_46] : memref<2x128xi32, #tpu.memory_space<vmem>> -> memref<1x128xi32, #tpu.memory_space<vmem>>
        %dma_start3A_48 = tpu.memref_squeeze %dma_start3A_47 : memref<1x128xi32, #tpu.memory_space<vmem>> -> memref<128xi32, #tpu.memory_space<vmem>>
        %dma_start3A_49 = arith.constant 0 : i32
        %dma_start3A_50 = arith.constant 0 : i32
        %dma_start3A_51 = tpu.memref_slice %arg2[%dma_start3A_49, %dma_start3A_50] : memref<80000x128xf32, #tpu.memory_space<hbm>> -> memref<80000x128xf32, #tpu.memory_space<hbm>>
        tpu.enqueue_indirect_dma source(%dma_start3A_51 : memref<80000x128xf32, #tpu.memory_space<hbm>>) target(%arg10 : memref<128x128xf32, #tpu.memory_space<vmem>>) offsets(%dma_start3A_48 : memref<128xi32, #tpu.memory_space<vmem>>) semaphore(%arg13 : memref<!tpu.dma_semaphore, #tpu.memory_space<semaphore_mem>>)
        %dma_wait3A = arith.constant 0 : i32
        %dma_wait3A_52 = arith.constant 0 : i32
        %dma_wait3A_53 = tpu.memref_slice %arg7[%dma_wait3A, %dma_wait3A_52] : memref<2x128xi32, #tpu.memory_space<vmem>> -> memref<1x128xi32, #tpu.memory_space<vmem>>
        %dma_wait3A_54 = tpu.memref_squeeze %dma_wait3A_53 : memref<1x128xi32, #tpu.memory_space<vmem>> -> memref<128xi32, #tpu.memory_space<vmem>>
        %dma_wait3A_55 = arith.constant 0 : i32
        %dma_wait3A_56 = arith.constant 0 : i32
        %dma_wait3A_57 = tpu.memref_slice %arg2[%dma_wait3A_55, %dma_wait3A_56] : memref<80000x128xf32, #tpu.memory_space<hbm>> -> memref<80000x128xf32, #tpu.memory_space<hbm>>
        tpu.wait_indirect_dma semaphore(%arg12 : memref<!tpu.dma_semaphore, #tpu.memory_space<semaphore_mem>>) src(%dma_wait3A_57 : memref<80000x128xf32, #tpu.memory_space<hbm>>) dst(%arg9 : memref<128x128xf32, #tpu.memory_space<vmem>>)
        %run_scoped3A_58 = arith.constant 1 : i32
        "tpu.region"() ({
          %run_scoped3A_72 = tpu.sem_alloc : memref<!tpu.dma_semaphore, #tpu.memory_space<semaphore_mem>>
          %dma_start3A_73 = arith.constant 0 : i32
          %dma_start3A_74 = tpu.memref_slice %arg7[%run_scoped3A_58, %dma_start3A_73] : memref<2x128xi32, #tpu.memory_space<vmem>> -> memref<1x128xi32, #tpu.memory_space<vmem>>
          %dma_start3A_75 = tpu.memref_squeeze %dma_start3A_74 : memref<1x128xi32, #tpu.memory_space<vmem>> -> memref<128xi32, #tpu.memory_space<vmem>>
          %dma_start3A_76 = arith.constant 0 : i32
          %dma_start3A_77 = arith.constant 0 : i32
          %dma_start3A_78 = tpu.memref_slice %arg11[%dma_start3A_76, %dma_start3A_77] : memref<10016x128xf32, #tpu.memory_space<vmem_shared>> -> memref<10016x128xf32, #tpu.memory_space<vmem_shared>>
          tpu.enqueue_indirect_dma source(%arg9 : memref<128x128xf32, #tpu.memory_space<vmem>>) target(%dma_start3A_78 : memref<10016x128xf32, #tpu.memory_space<vmem_shared>>) offsets(%dma_start3A_75 : memref<128xi32, #tpu.memory_space<vmem>>) semaphore(%run_scoped3A_72 : memref<!tpu.dma_semaphore, #tpu.memory_space<semaphore_mem>>) {add = true}
          %dma_wait3A_79 = arith.constant 0 : i32
          %dma_wait3A_80 = tpu.memref_slice %arg7[%run_scoped3A_58, %dma_wait3A_79] : memref<2x128xi32, #tpu.memory_space<vmem>> -> memref<1x128xi32, #tpu.memory_space<vmem>>
          %dma_wait3A_81 = tpu.memref_squeeze %dma_wait3A_80 : memref<1x128xi32, #tpu.memory_space<vmem>> -> memref<128xi32, #tpu.memory_space<vmem>>
          %dma_wait3A_82 = arith.constant 0 : i32
          %dma_wait3A_83 = arith.constant 0 : i32
          %dma_wait3A_84 = tpu.memref_slice %arg11[%dma_wait3A_82, %dma_wait3A_83] : memref<10016x128xf32, #tpu.memory_space<vmem_shared>> -> memref<10016x128xf32, #tpu.memory_space<vmem_shared>>
          tpu.wait_indirect_dma semaphore(%run_scoped3A_72 : memref<!tpu.dma_semaphore, #tpu.memory_space<semaphore_mem>>) src(%arg9 : memref<128x128xf32, #tpu.memory_space<vmem>>) dst(%dma_wait3A_84 : memref<10016x128xf32, #tpu.memory_space<vmem_shared>>)
          tpu.yield
        }) : () -> ()
        %lt3A_59 = arith.constant 39 : i32
        %lt3A_60 = arith.cmpi slt, %scan3A_41, %lt3A_59 : i32
        %convert_element_type3A_61 = arith.extui %lt3A_60 : i1 to i32
        %cond3A_62 = arith.constant 0 : i32
        %cond3A_63 = arith.cmpi ne, %convert_element_type3A_61, %cond3A_62 : i32
        scf.if %cond3A_63 {
          %add3A_72 = arith.constant 2 : i32
          %add3A_73 = arith.addi %mul3A_43, %add3A_72 : i32
          "tpu.region"() ({
            %run_scoped3A_81 = tpu.sem_alloc : memref<!tpu.dma_semaphore, #tpu.memory_space<semaphore_mem>>
            %dma_start3A_82 = arith.constant 0 : i32
            %dma_start3A_83 = arith.constant 0 : i32
            %dma_start3A_84 = tpu.memref_slice %arg5[%arg1, %add3A_73, %dma_start3A_82, %dma_start3A_83] : memref<16x80x2x128xi32, #tpu.memory_space<hbm>> -> memref<1x1x2x128xi32, #tpu.memory_space<hbm>>
            %dma_start3A_85 = tpu.memref_squeeze %dma_start3A_84 : memref<1x1x2x128xi32, #tpu.memory_space<hbm>> -> memref<2x128xi32, #tpu.memory_space<hbm>>
            %dma_start3A_86 = arith.constant 0 : i32
            %dma_start3A_87 = arith.constant 0 : i32
            %dma_start3A_88 = tpu.memref_slice %arg5[%arg1, %add3A_73, %dma_start3A_86, %dma_start3A_87] : memref<16x80x2x128xi32, #tpu.memory_space<hbm>> -> memref<1x1x2x128xi32, #tpu.memory_space<hbm>>
            %dma_start3A_89 = tpu.memref_squeeze %dma_start3A_88 : memref<1x1x2x128xi32, #tpu.memory_space<hbm>> -> memref<2x128xi32, #tpu.memory_space<hbm>>
            tpu.enqueue_dma source(%dma_start3A_89 : memref<2x128xi32, #tpu.memory_space<hbm>>) target(%arg7 : memref<2x128xi32, #tpu.memory_space<vmem>>) target_semaphore(%run_scoped3A_81 : memref<!tpu.dma_semaphore, #tpu.memory_space<semaphore_mem>>)
            %dma_wait3A_90 = arith.constant 0 : i32
            %dma_wait3A_91 = arith.constant 0 : i32
            %dma_wait3A_92 = tpu.memref_slice %arg5[%arg1, %add3A_73, %dma_wait3A_90, %dma_wait3A_91] : memref<16x80x2x128xi32, #tpu.memory_space<hbm>> -> memref<1x1x2x128xi32, #tpu.memory_space<hbm>>
            %dma_wait3A_93 = tpu.memref_squeeze %dma_wait3A_92 : memref<1x1x2x128xi32, #tpu.memory_space<hbm>> -> memref<2x128xi32, #tpu.memory_space<hbm>>
            %dma_wait3A_94 = arith.constant 0 : i32
            %dma_wait3A_95 = arith.constant 0 : i32
            %dma_wait3A_96 = tpu.memref_slice %arg5[%arg1, %add3A_73, %dma_wait3A_94, %dma_wait3A_95] : memref<16x80x2x128xi32, #tpu.memory_space<hbm>> -> memref<1x1x2x128xi32, #tpu.memory_space<hbm>>
            %dma_wait3A_97 = tpu.memref_squeeze %dma_wait3A_96 : memref<1x1x2x128xi32, #tpu.memory_space<hbm>> -> memref<2x128xi32, #tpu.memory_space<hbm>>
            tpu.wait_dma2 semaphore(%run_scoped3A_81 : memref<!tpu.dma_semaphore, #tpu.memory_space<semaphore_mem>>) src(%dma_wait3A_97 : memref<2x128xi32, #tpu.memory_space<hbm>>) dst(%arg7 : memref<2x128xi32, #tpu.memory_space<vmem>>)
            tpu.yield
          }) : () -> ()
          %dma_start3A_74 = arith.constant 0 : i32
          %dma_start3A_75 = arith.constant 0 : i32
          %dma_start3A_76 = tpu.memref_slice %arg7[%dma_start3A_74, %dma_start3A_75] : memref<2x128xi32, #tpu.memory_space<vmem>> -> memref<1x128xi32, #tpu.memory_space<vmem>>
          %dma_start3A_77 = tpu.memref_squeeze %dma_start3A_76 : memref<1x128xi32, #tpu.memory_space<vmem>> -> memref<128xi32, #tpu.memory_space<vmem>>
          %dma_start3A_78 = arith.constant 0 : i32
          %dma_start3A_79 = arith.constant 0 : i32
          %dma_start3A_80 = tpu.memref_slice %arg2[%dma_start3A_78, %dma_start3A_79] : memref<80000x128xf32, #tpu.memory_space<hbm>> -> memref<80000x128xf32, #tpu.memory_space<hbm>>
          tpu.enqueue_indirect_dma source(%dma_start3A_80 : memref<80000x128xf32, #tpu.memory_space<hbm>>) target(%arg9 : memref<128x128xf32, #tpu.memory_space<vmem>>) offsets(%dma_start3A_77 : memref<128xi32, #tpu.memory_space<vmem>>) semaphore(%arg12 : memref<!tpu.dma_semaphore, #tpu.memory_space<semaphore_mem>>)
        } else {
        }
        %dma_wait3A_64 = arith.constant 0 : i32
        %dma_wait3A_65 = arith.constant 0 : i32
        %dma_wait3A_66 = tpu.memref_slice %arg8[%dma_wait3A_64, %dma_wait3A_65] : memref<2x128xi32, #tpu.memory_space<vmem>> -> memref<1x128xi32, #tpu.memory_space<vmem>>
        %dma_wait3A_67 = tpu.memref_squeeze %dma_wait3A_66 : memref<1x128xi32, #tpu.memory_space<vmem>> -> memref<128xi32, #tpu.memory_space<vmem>>
        %dma_wait3A_68 = arith.constant 0 : i32
        %dma_wait3A_69 = arith.constant 0 : i32
        %dma_wait3A_70 = tpu.memref_slice %arg2[%dma_wait3A_68, %dma_wait3A_69] : memref<80000x128xf32, #tpu.memory_space<hbm>> -> memref<80000x128xf32, #tpu.memory_space<hbm>>
        tpu.wait_indirect_dma semaphore(%arg13 : memref<!tpu.dma_semaphore, #tpu.memory_space<semaphore_mem>>) src(%dma_wait3A_70 : memref<80000x128xf32, #tpu.memory_space<hbm>>) dst(%arg10 : memref<128x128xf32, #tpu.memory_space<vmem>>)
        %run_scoped3A_71 = arith.constant 1 : i32
        "tpu.region"() ({
          %run_scoped3A_72 = tpu.sem_alloc : memref<!tpu.dma_semaphore, #tpu.memory_space<semaphore_mem>>
          %dma_start3A_73 = arith.constant 0 : i32
          %dma_start3A_74 = tpu.memref_slice %arg8[%run_scoped3A_71, %dma_start3A_73] : memref<2x128xi32, #tpu.memory_space<vmem>> -> memref<1x128xi32, #tpu.memory_space<vmem>>
          %dma_start3A_75 = tpu.memref_squeeze %dma_start3A_74 : memref<1x128xi32, #tpu.memory_space<vmem>> -> memref<128xi32, #tpu.memory_space<vmem>>
          %dma_start3A_76 = arith.constant 0 : i32
          %dma_start3A_77 = arith.constant 0 : i32
          %dma_start3A_78 = tpu.memref_slice %arg11[%dma_start3A_76, %dma_start3A_77] : memref<10016x128xf32, #tpu.memory_space<vmem_shared>> -> memref<10016x128xf32, #tpu.memory_space<vmem_shared>>
          tpu.enqueue_indirect_dma source(%arg10 : memref<128x128xf32, #tpu.memory_space<vmem>>) target(%dma_start3A_78 : memref<10016x128xf32, #tpu.memory_space<vmem_shared>>) offsets(%dma_start3A_75 : memref<128xi32, #tpu.memory_space<vmem>>) semaphore(%run_scoped3A_72 : memref<!tpu.dma_semaphore, #tpu.memory_space<semaphore_mem>>) {add = true}
          %dma_wait3A_79 = arith.constant 0 : i32
          %dma_wait3A_80 = tpu.memref_slice %arg8[%run_scoped3A_71, %dma_wait3A_79] : memref<2x128xi32, #tpu.memory_space<vmem>> -> memref<1x128xi32, #tpu.memory_space<vmem>>
          %dma_wait3A_81 = tpu.memref_squeeze %dma_wait3A_80 : memref<1x128xi32, #tpu.memory_space<vmem>> -> memref<128xi32, #tpu.memory_space<vmem>>
          %dma_wait3A_82 = arith.constant 0 : i32
          %dma_wait3A_83 = arith.constant 0 : i32
          %dma_wait3A_84 = tpu.memref_slice %arg11[%dma_wait3A_82, %dma_wait3A_83] : memref<10016x128xf32, #tpu.memory_space<vmem_shared>> -> memref<10016x128xf32, #tpu.memory_space<vmem_shared>>
          tpu.wait_indirect_dma semaphore(%run_scoped3A_72 : memref<!tpu.dma_semaphore, #tpu.memory_space<semaphore_mem>>) src(%arg10 : memref<128x128xf32, #tpu.memory_space<vmem>>) dst(%dma_wait3A_84 : memref<10016x128xf32, #tpu.memory_space<vmem_shared>>)
          tpu.yield
        }) : () -> ()
      }
      %scan3A_40 = arith.constant 40 : i32
    } else {
    }
    %eq3A_12 = arith.constant 1 : i32
    %eq3A_13 = arith.cmpi eq, %arg0, %eq3A_12 : i32
    %convert_element_type3A_14 = arith.extui %eq3A_13 : i1 to i32
    %cond3A_15 = arith.constant 0 : i32
    %cond3A_16 = arith.cmpi ne, %convert_element_type3A_14, %cond3A_15 : i32
    scf.if %cond3A_16 {
      %run_scoped3A = arith.constant 0 : i32
      "tpu.region"() ({
        %run_scoped3A_41 = tpu.sem_alloc : memref<!tpu.dma_semaphore, #tpu.memory_space<semaphore_mem>>
        %dma_start3A_42 = arith.constant 0 : i32
        %dma_start3A_43 = arith.constant 0 : i32
        %dma_start3A_44 = tpu.memref_slice %arg5[%arg1, %run_scoped3A, %dma_start3A_42, %dma_start3A_43] : memref<16x80x2x128xi32, #tpu.memory_space<hbm>> -> memref<1x1x2x128xi32, #tpu.memory_space<hbm>>
        %dma_start3A_45 = tpu.memref_squeeze %dma_start3A_44 : memref<1x1x2x128xi32, #tpu.memory_space<hbm>> -> memref<2x128xi32, #tpu.memory_space<hbm>>
        %dma_start3A_46 = arith.constant 0 : i32
        %dma_start3A_47 = arith.constant 0 : i32
        %dma_start3A_48 = tpu.memref_slice %arg5[%arg1, %run_scoped3A, %dma_start3A_46, %dma_start3A_47] : memref<16x80x2x128xi32, #tpu.memory_space<hbm>> -> memref<1x1x2x128xi32, #tpu.memory_space<hbm>>
        %dma_start3A_49 = tpu.memref_squeeze %dma_start3A_48 : memref<1x1x2x128xi32, #tpu.memory_space<hbm>> -> memref<2x128xi32, #tpu.memory_space<hbm>>
        tpu.enqueue_dma source(%dma_start3A_49 : memref<2x128xi32, #tpu.memory_space<hbm>>) target(%arg7 : memref<2x128xi32, #tpu.memory_space<vmem>>) target_semaphore(%run_scoped3A_41 : memref<!tpu.dma_semaphore, #tpu.memory_space<semaphore_mem>>)
        %dma_wait3A = arith.constant 0 : i32
        %dma_wait3A_50 = arith.constant 0 : i32
        %dma_wait3A_51 = tpu.memref_slice %arg5[%arg1, %run_scoped3A, %dma_wait3A, %dma_wait3A_50] : memref<16x80x2x128xi32, #tpu.memory_space<hbm>> -> memref<1x1x2x128xi32, #tpu.memory_space<hbm>>
        %dma_wait3A_52 = tpu.memref_squeeze %dma_wait3A_51 : memref<1x1x2x128xi32, #tpu.memory_space<hbm>> -> memref<2x128xi32, #tpu.memory_space<hbm>>
        %dma_wait3A_53 = arith.constant 0 : i32
        %dma_wait3A_54 = arith.constant 0 : i32
        %dma_wait3A_55 = tpu.memref_slice %arg5[%arg1, %run_scoped3A, %dma_wait3A_53, %dma_wait3A_54] : memref<16x80x2x128xi32, #tpu.memory_space<hbm>> -> memref<1x1x2x128xi32, #tpu.memory_space<hbm>>
        %dma_wait3A_56 = tpu.memref_squeeze %dma_wait3A_55 : memref<1x1x2x128xi32, #tpu.memory_space<hbm>> -> memref<2x128xi32, #tpu.memory_space<hbm>>
        tpu.wait_dma2 semaphore(%run_scoped3A_41 : memref<!tpu.dma_semaphore, #tpu.memory_space<semaphore_mem>>) src(%dma_wait3A_56 : memref<2x128xi32, #tpu.memory_space<hbm>>) dst(%arg7 : memref<2x128xi32, #tpu.memory_space<vmem>>)
        tpu.yield
      }) : () -> ()
      %dma_start3A = arith.constant 0 : i32
      %dma_start3A_30 = arith.constant 0 : i32
      %dma_start3A_31 = tpu.memref_slice %arg7[%dma_start3A, %dma_start3A_30] : memref<2x128xi32, #tpu.memory_space<vmem>> -> memref<1x128xi32, #tpu.memory_space<vmem>>
      %dma_start3A_32 = tpu.memref_squeeze %dma_start3A_31 : memref<1x128xi32, #tpu.memory_space<vmem>> -> memref<128xi32, #tpu.memory_space<vmem>>
      %dma_start3A_33 = arith.constant 0 : i32
      %dma_start3A_34 = arith.constant 0 : i32
      %dma_start3A_35 = tpu.memref_slice %arg3[%dma_start3A_33, %dma_start3A_34] : memref<80000x128xf32, #tpu.memory_space<hbm>> -> memref<80000x128xf32, #tpu.memory_space<hbm>>
      tpu.enqueue_indirect_dma source(%dma_start3A_35 : memref<80000x128xf32, #tpu.memory_space<hbm>>) target(%arg9 : memref<128x128xf32, #tpu.memory_space<vmem>>) offsets(%dma_start3A_32 : memref<128xi32, #tpu.memory_space<vmem>>) semaphore(%arg12 : memref<!tpu.dma_semaphore, #tpu.memory_space<semaphore_mem>>)
      %scan3A = arith.constant 0 : i32
      %scan3A_36 = arith.constant 0 : i32
      %scan3A_37 = arith.constant 40 : i32
      %scan3A_38 = arith.addi %scan3A_36, %scan3A_37 : i32
      %scan3A_39 = arith.constant 1 : i32
      scf.for %scan3A_41 = %scan3A_36 to %scan3A_38 step %scan3A_39  : i32 {
        %mul3A_42 = arith.constant 2 : i32
        %mul3A_43 = arith.muli %mul3A_42, %scan3A_41 : i32
        %add3A = arith.constant 1 : i32
        %add3A_44 = arith.addi %mul3A_43, %add3A : i32
        "tpu.region"() ({
          %run_scoped3A_72 = tpu.sem_alloc : memref<!tpu.dma_semaphore, #tpu.memory_space<semaphore_mem>>
          %dma_start3A_73 = arith.constant 0 : i32
          %dma_start3A_74 = arith.constant 0 : i32
          %dma_start3A_75 = tpu.memref_slice %arg5[%arg1, %add3A_44, %dma_start3A_73, %dma_start3A_74] : memref<16x80x2x128xi32, #tpu.memory_space<hbm>> -> memref<1x1x2x128xi32, #tpu.memory_space<hbm>>
          %dma_start3A_76 = tpu.memref_squeeze %dma_start3A_75 : memref<1x1x2x128xi32, #tpu.memory_space<hbm>> -> memref<2x128xi32, #tpu.memory_space<hbm>>
          %dma_start3A_77 = arith.constant 0 : i32
          %dma_start3A_78 = arith.constant 0 : i32
          %dma_start3A_79 = tpu.memref_slice %arg5[%arg1, %add3A_44, %dma_start3A_77, %dma_start3A_78] : memref<16x80x2x128xi32, #tpu.memory_space<hbm>> -> memref<1x1x2x128xi32, #tpu.memory_space<hbm>>
          %dma_start3A_80 = tpu.memref_squeeze %dma_start3A_79 : memref<1x1x2x128xi32, #tpu.memory_space<hbm>> -> memref<2x128xi32, #tpu.memory_space<hbm>>
          tpu.enqueue_dma source(%dma_start3A_80 : memref<2x128xi32, #tpu.memory_space<hbm>>) target(%arg8 : memref<2x128xi32, #tpu.memory_space<vmem>>) target_semaphore(%run_scoped3A_72 : memref<!tpu.dma_semaphore, #tpu.memory_space<semaphore_mem>>)
          %dma_wait3A_81 = arith.constant 0 : i32
          %dma_wait3A_82 = arith.constant 0 : i32
          %dma_wait3A_83 = tpu.memref_slice %arg5[%arg1, %add3A_44, %dma_wait3A_81, %dma_wait3A_82] : memref<16x80x2x128xi32, #tpu.memory_space<hbm>> -> memref<1x1x2x128xi32, #tpu.memory_space<hbm>>
          %dma_wait3A_84 = tpu.memref_squeeze %dma_wait3A_83 : memref<1x1x2x128xi32, #tpu.memory_space<hbm>> -> memref<2x128xi32, #tpu.memory_space<hbm>>
          %dma_wait3A_85 = arith.constant 0 : i32
          %dma_wait3A_86 = arith.constant 0 : i32
          %dma_wait3A_87 = tpu.memref_slice %arg5[%arg1, %add3A_44, %dma_wait3A_85, %dma_wait3A_86] : memref<16x80x2x128xi32, #tpu.memory_space<hbm>> -> memref<1x1x2x128xi32, #tpu.memory_space<hbm>>
          %dma_wait3A_88 = tpu.memref_squeeze %dma_wait3A_87 : memref<1x1x2x128xi32, #tpu.memory_space<hbm>> -> memref<2x128xi32, #tpu.memory_space<hbm>>
          tpu.wait_dma2 semaphore(%run_scoped3A_72 : memref<!tpu.dma_semaphore, #tpu.memory_space<semaphore_mem>>) src(%dma_wait3A_88 : memref<2x128xi32, #tpu.memory_space<hbm>>) dst(%arg8 : memref<2x128xi32, #tpu.memory_space<vmem>>)
          tpu.yield
        }) : () -> ()
        %dma_start3A_45 = arith.constant 0 : i32
        %dma_start3A_46 = arith.constant 0 : i32
        %dma_start3A_47 = tpu.memref_slice %arg8[%dma_start3A_45, %dma_start3A_46] : memref<2x128xi32, #tpu.memory_space<vmem>> -> memref<1x128xi32, #tpu.memory_space<vmem>>
        %dma_start3A_48 = tpu.memref_squeeze %dma_start3A_47 : memref<1x128xi32, #tpu.memory_space<vmem>> -> memref<128xi32, #tpu.memory_space<vmem>>
        %dma_start3A_49 = arith.constant 0 : i32
        %dma_start3A_50 = arith.constant 0 : i32
        %dma_start3A_51 = tpu.memref_slice %arg3[%dma_start3A_49, %dma_start3A_50] : memref<80000x128xf32, #tpu.memory_space<hbm>> -> memref<80000x128xf32, #tpu.memory_space<hbm>>
        tpu.enqueue_indirect_dma source(%dma_start3A_51 : memref<80000x128xf32, #tpu.memory_space<hbm>>) target(%arg10 : memref<128x128xf32, #tpu.memory_space<vmem>>) offsets(%dma_start3A_48 : memref<128xi32, #tpu.memory_space<vmem>>) semaphore(%arg13 : memref<!tpu.dma_semaphore, #tpu.memory_space<semaphore_mem>>)
        %dma_wait3A = arith.constant 0 : i32
        %dma_wait3A_52 = arith.constant 0 : i32
        %dma_wait3A_53 = tpu.memref_slice %arg7[%dma_wait3A, %dma_wait3A_52] : memref<2x128xi32, #tpu.memory_space<vmem>> -> memref<1x128xi32, #tpu.memory_space<vmem>>
        %dma_wait3A_54 = tpu.memref_squeeze %dma_wait3A_53 : memref<1x128xi32, #tpu.memory_space<vmem>> -> memref<128xi32, #tpu.memory_space<vmem>>
        %dma_wait3A_55 = arith.constant 0 : i32
        %dma_wait3A_56 = arith.constant 0 : i32
        %dma_wait3A_57 = tpu.memref_slice %arg3[%dma_wait3A_55, %dma_wait3A_56] : memref<80000x128xf32, #tpu.memory_space<hbm>> -> memref<80000x128xf32, #tpu.memory_space<hbm>>
        tpu.wait_indirect_dma semaphore(%arg12 : memref<!tpu.dma_semaphore, #tpu.memory_space<semaphore_mem>>) src(%dma_wait3A_57 : memref<80000x128xf32, #tpu.memory_space<hbm>>) dst(%arg9 : memref<128x128xf32, #tpu.memory_space<vmem>>)
        %run_scoped3A_58 = arith.constant 1 : i32
        "tpu.region"() ({
          %run_scoped3A_72 = tpu.sem_alloc : memref<!tpu.dma_semaphore, #tpu.memory_space<semaphore_mem>>
          %dma_start3A_73 = arith.constant 0 : i32
          %dma_start3A_74 = tpu.memref_slice %arg7[%run_scoped3A_58, %dma_start3A_73] : memref<2x128xi32, #tpu.memory_space<vmem>> -> memref<1x128xi32, #tpu.memory_space<vmem>>
          %dma_start3A_75 = tpu.memref_squeeze %dma_start3A_74 : memref<1x128xi32, #tpu.memory_space<vmem>> -> memref<128xi32, #tpu.memory_space<vmem>>
          %dma_start3A_76 = arith.constant 0 : i32
          %dma_start3A_77 = arith.constant 0 : i32
          %dma_start3A_78 = tpu.memref_slice %arg11[%dma_start3A_76, %dma_start3A_77] : memref<10016x128xf32, #tpu.memory_space<vmem_shared>> -> memref<10016x128xf32, #tpu.memory_space<vmem_shared>>
          tpu.enqueue_indirect_dma source(%arg9 : memref<128x128xf32, #tpu.memory_space<vmem>>) target(%dma_start3A_78 : memref<10016x128xf32, #tpu.memory_space<vmem_shared>>) offsets(%dma_start3A_75 : memref<128xi32, #tpu.memory_space<vmem>>) semaphore(%run_scoped3A_72 : memref<!tpu.dma_semaphore, #tpu.memory_space<semaphore_mem>>) {add = true}
          %dma_wait3A_79 = arith.constant 0 : i32
          %dma_wait3A_80 = tpu.memref_slice %arg7[%run_scoped3A_58, %dma_wait3A_79] : memref<2x128xi32, #tpu.memory_space<vmem>> -> memref<1x128xi32, #tpu.memory_space<vmem>>
          %dma_wait3A_81 = tpu.memref_squeeze %dma_wait3A_80 : memref<1x128xi32, #tpu.memory_space<vmem>> -> memref<128xi32, #tpu.memory_space<vmem>>
          %dma_wait3A_82 = arith.constant 0 : i32
          %dma_wait3A_83 = arith.constant 0 : i32
          %dma_wait3A_84 = tpu.memref_slice %arg11[%dma_wait3A_82, %dma_wait3A_83] : memref<10016x128xf32, #tpu.memory_space<vmem_shared>> -> memref<10016x128xf32, #tpu.memory_space<vmem_shared>>
          tpu.wait_indirect_dma semaphore(%run_scoped3A_72 : memref<!tpu.dma_semaphore, #tpu.memory_space<semaphore_mem>>) src(%arg9 : memref<128x128xf32, #tpu.memory_space<vmem>>) dst(%dma_wait3A_84 : memref<10016x128xf32, #tpu.memory_space<vmem_shared>>)
          tpu.yield
        }) : () -> ()
        %lt3A_59 = arith.constant 39 : i32
        %lt3A_60 = arith.cmpi slt, %scan3A_41, %lt3A_59 : i32
        %convert_element_type3A_61 = arith.extui %lt3A_60 : i1 to i32
        %cond3A_62 = arith.constant 0 : i32
        %cond3A_63 = arith.cmpi ne, %convert_element_type3A_61, %cond3A_62 : i32
        scf.if %cond3A_63 {
          %add3A_72 = arith.constant 2 : i32
          %add3A_73 = arith.addi %mul3A_43, %add3A_72 : i32
          "tpu.region"() ({
            %run_scoped3A_81 = tpu.sem_alloc : memref<!tpu.dma_semaphore, #tpu.memory_space<semaphore_mem>>
            %dma_start3A_82 = arith.constant 0 : i32
            %dma_start3A_83 = arith.constant 0 : i32
            %dma_start3A_84 = tpu.memref_slice %arg5[%arg1, %add3A_73, %dma_start3A_82, %dma_start3A_83] : memref<16x80x2x128xi32, #tpu.memory_space<hbm>> -> memref<1x1x2x128xi32, #tpu.memory_space<hbm>>
            %dma_start3A_85 = tpu.memref_squeeze %dma_start3A_84 : memref<1x1x2x128xi32, #tpu.memory_space<hbm>> -> memref<2x128xi32, #tpu.memory_space<hbm>>
            %dma_start3A_86 = arith.constant 0 : i32
            %dma_start3A_87 = arith.constant 0 : i32
            %dma_start3A_88 = tpu.memref_slice %arg5[%arg1, %add3A_73, %dma_start3A_86, %dma_start3A_87] : memref<16x80x2x128xi32, #tpu.memory_space<hbm>> -> memref<1x1x2x128xi32, #tpu.memory_space<hbm>>
            %dma_start3A_89 = tpu.memref_squeeze %dma_start3A_88 : memref<1x1x2x128xi32, #tpu.memory_space<hbm>> -> memref<2x128xi32, #tpu.memory_space<hbm>>
            tpu.enqueue_dma source(%dma_start3A_89 : memref<2x128xi32, #tpu.memory_space<hbm>>) target(%arg7 : memref<2x128xi32, #tpu.memory_space<vmem>>) target_semaphore(%run_scoped3A_81 : memref<!tpu.dma_semaphore, #tpu.memory_space<semaphore_mem>>)
            %dma_wait3A_90 = arith.constant 0 : i32
            %dma_wait3A_91 = arith.constant 0 : i32
            %dma_wait3A_92 = tpu.memref_slice %arg5[%arg1, %add3A_73, %dma_wait3A_90, %dma_wait3A_91] : memref<16x80x2x128xi32, #tpu.memory_space<hbm>> -> memref<1x1x2x128xi32, #tpu.memory_space<hbm>>
            %dma_wait3A_93 = tpu.memref_squeeze %dma_wait3A_92 : memref<1x1x2x128xi32, #tpu.memory_space<hbm>> -> memref<2x128xi32, #tpu.memory_space<hbm>>
            %dma_wait3A_94 = arith.constant 0 : i32
            %dma_wait3A_95 = arith.constant 0 : i32
            %dma_wait3A_96 = tpu.memref_slice %arg5[%arg1, %add3A_73, %dma_wait3A_94, %dma_wait3A_95] : memref<16x80x2x128xi32, #tpu.memory_space<hbm>> -> memref<1x1x2x128xi32, #tpu.memory_space<hbm>>
            %dma_wait3A_97 = tpu.memref_squeeze %dma_wait3A_96 : memref<1x1x2x128xi32, #tpu.memory_space<hbm>> -> memref<2x128xi32, #tpu.memory_space<hbm>>
            tpu.wait_dma2 semaphore(%run_scoped3A_81 : memref<!tpu.dma_semaphore, #tpu.memory_space<semaphore_mem>>) src(%dma_wait3A_97 : memref<2x128xi32, #tpu.memory_space<hbm>>) dst(%arg7 : memref<2x128xi32, #tpu.memory_space<vmem>>)
            tpu.yield
          }) : () -> ()
          %dma_start3A_74 = arith.constant 0 : i32
          %dma_start3A_75 = arith.constant 0 : i32
          %dma_start3A_76 = tpu.memref_slice %arg7[%dma_start3A_74, %dma_start3A_75] : memref<2x128xi32, #tpu.memory_space<vmem>> -> memref<1x128xi32, #tpu.memory_space<vmem>>
          %dma_start3A_77 = tpu.memref_squeeze %dma_start3A_76 : memref<1x128xi32, #tpu.memory_space<vmem>> -> memref<128xi32, #tpu.memory_space<vmem>>
          %dma_start3A_78 = arith.constant 0 : i32
          %dma_start3A_79 = arith.constant 0 : i32
          %dma_start3A_80 = tpu.memref_slice %arg3[%dma_start3A_78, %dma_start3A_79] : memref<80000x128xf32, #tpu.memory_space<hbm>> -> memref<80000x128xf32, #tpu.memory_space<hbm>>
          tpu.enqueue_indirect_dma source(%dma_start3A_80 : memref<80000x128xf32, #tpu.memory_space<hbm>>) target(%arg9 : memref<128x128xf32, #tpu.memory_space<vmem>>) offsets(%dma_start3A_77 : memref<128xi32, #tpu.memory_space<vmem>>) semaphore(%arg12 : memref<!tpu.dma_semaphore, #tpu.memory_space<semaphore_mem>>)
        } else {
        }
        %dma_wait3A_64 = arith.constant 0 : i32
        %dma_wait3A_65 = arith.constant 0 : i32
        %dma_wait3A_66 = tpu.memref_slice %arg8[%dma_wait3A_64, %dma_wait3A_65] : memref<2x128xi32, #tpu.memory_space<vmem>> -> memref<1x128xi32, #tpu.memory_space<vmem>>
        %dma_wait3A_67 = tpu.memref_squeeze %dma_wait3A_66 : memref<1x128xi32, #tpu.memory_space<vmem>> -> memref<128xi32, #tpu.memory_space<vmem>>
        %dma_wait3A_68 = arith.constant 0 : i32
        %dma_wait3A_69 = arith.constant 0 : i32
        %dma_wait3A_70 = tpu.memref_slice %arg3[%dma_wait3A_68, %dma_wait3A_69] : memref<80000x128xf32, #tpu.memory_space<hbm>> -> memref<80000x128xf32, #tpu.memory_space<hbm>>
        tpu.wait_indirect_dma semaphore(%arg13 : memref<!tpu.dma_semaphore, #tpu.memory_space<semaphore_mem>>) src(%dma_wait3A_70 : memref<80000x128xf32, #tpu.memory_space<hbm>>) dst(%arg10 : memref<128x128xf32, #tpu.memory_space<vmem>>)
        %run_scoped3A_71 = arith.constant 1 : i32
        "tpu.region"() ({
          %run_scoped3A_72 = tpu.sem_alloc : memref<!tpu.dma_semaphore, #tpu.memory_space<semaphore_mem>>
          %dma_start3A_73 = arith.constant 0 : i32
          %dma_start3A_74 = tpu.memref_slice %arg8[%run_scoped3A_71, %dma_start3A_73] : memref<2x128xi32, #tpu.memory_space<vmem>> -> memref<1x128xi32, #tpu.memory_space<vmem>>
          %dma_start3A_75 = tpu.memref_squeeze %dma_start3A_74 : memref<1x128xi32, #tpu.memory_space<vmem>> -> memref<128xi32, #tpu.memory_space<vmem>>
          %dma_start3A_76 = arith.constant 0 : i32
          %dma_start3A_77 = arith.constant 0 : i32
          %dma_start3A_78 = tpu.memref_slice %arg11[%dma_start3A_76, %dma_start3A_77] : memref<10016x128xf32, #tpu.memory_space<vmem_shared>> -> memref<10016x128xf32, #tpu.memory_space<vmem_shared>>
          tpu.enqueue_indirect_dma source(%arg10 : memref<128x128xf32, #tpu.memory_space<vmem>>) target(%dma_start3A_78 : memref<10016x128xf32, #tpu.memory_space<vmem_shared>>) offsets(%dma_start3A_75 : memref<128xi32, #tpu.memory_space<vmem>>) semaphore(%run_scoped3A_72 : memref<!tpu.dma_semaphore, #tpu.memory_space<semaphore_mem>>) {add = true}
          %dma_wait3A_79 = arith.constant 0 : i32
          %dma_wait3A_80 = tpu.memref_slice %arg8[%run_scoped3A_71, %dma_wait3A_79] : memref<2x128xi32, #tpu.memory_space<vmem>> -> memref<1x128xi32, #tpu.memory_space<vmem>>
          %dma_wait3A_81 = tpu.memref_squeeze %dma_wait3A_80 : memref<1x128xi32, #tpu.memory_space<vmem>> -> memref<128xi32, #tpu.memory_space<vmem>>
          %dma_wait3A_82 = arith.constant 0 : i32
          %dma_wait3A_83 = arith.constant 0 : i32
          %dma_wait3A_84 = tpu.memref_slice %arg11[%dma_wait3A_82, %dma_wait3A_83] : memref<10016x128xf32, #tpu.memory_space<vmem_shared>> -> memref<10016x128xf32, #tpu.memory_space<vmem_shared>>
          tpu.wait_indirect_dma semaphore(%run_scoped3A_72 : memref<!tpu.dma_semaphore, #tpu.memory_space<semaphore_mem>>) src(%arg10 : memref<128x128xf32, #tpu.memory_space<vmem>>) dst(%dma_wait3A_84 : memref<10016x128xf32, #tpu.memory_space<vmem_shared>>)
          tpu.yield
        }) : () -> ()
      }
      %scan3A_40 = arith.constant 40 : i32
    } else {
    }
    %barrier3A_17 = arith.constant 0 : index
    tpu.barrier barrier_id(%barrier3A_17)
    %mul3A_18 = arith.constant 128 : i32
    %mul3A_19 = arith.muli %arg0, %mul3A_18 : i32
    %lt3A_20 = arith.constant 15 : i32
    %lt3A_21 = arith.cmpi slt, %arg1, %lt3A_20 : i32
    %convert_element_type3A_22 = arith.extui %lt3A_21 : i1 to i32
    %cond3A_23 = arith.constant 0 : i32
    %cond3A_24 = arith.cmpi ne, %convert_element_type3A_22, %cond3A_23 : i32
    scf.if %cond3A_24 {
      "tpu.region"() ({
        %run_scoped3A = tpu.sem_alloc : memref<!tpu.dma_semaphore, #tpu.memory_space<semaphore_mem>>
        %dma_start3A = tpu.memref_slice %arg6[%mul3A_0, %mul3A_19] : memref<10000x256xf32, #tpu.memory_space<hbm>> -> memref<624x128xf32, #tpu.memory_space<hbm>>
        %dma_start3A_30 = arith.constant 0 : i32
        %dma_start3A_31 = tpu.memref_slice %arg11[%mul3A_0, %dma_start3A_30] : memref<10016x128xf32, #tpu.memory_space<vmem_shared>> -> memref<624x128xf32, #tpu.memory_space<vmem_shared>>
        tpu.enqueue_dma source(%dma_start3A_31 : memref<624x128xf32, #tpu.memory_space<vmem_shared>>) target(%dma_start3A : memref<624x128xf32, #tpu.memory_space<hbm>>) target_semaphore(%run_scoped3A : memref<!tpu.dma_semaphore, #tpu.memory_space<semaphore_mem>>)
        %dma_wait3A = tpu.memref_slice %arg6[%mul3A_0, %mul3A_19] : memref<10000x256xf32, #tpu.memory_space<hbm>> -> memref<624x128xf32, #tpu.memory_space<hbm>>
        %dma_wait3A_32 = arith.constant 0 : i32
        %dma_wait3A_33 = tpu.memref_slice %arg11[%mul3A_0, %dma_wait3A_32] : memref<10016x128xf32, #tpu.memory_space<vmem_shared>> -> memref<624x128xf32, #tpu.memory_space<vmem_shared>>
        tpu.wait_dma2 semaphore(%run_scoped3A : memref<!tpu.dma_semaphore, #tpu.memory_space<semaphore_mem>>) src(%dma_wait3A_33 : memref<624x128xf32, #tpu.memory_space<vmem_shared>>) dst(%dma_wait3A : memref<624x128xf32, #tpu.memory_space<hbm>>)
        tpu.yield
      }) : () -> ()
    } else {
    }
    %eq3A_25 = arith.constant 15 : i32
    %eq3A_26 = arith.cmpi eq, %arg1, %eq3A_25 : i32
    %convert_element_type3A_27 = arith.extui %eq3A_26 : i1 to i32
    %cond3A_28 = arith.constant 0 : i32
    %cond3A_29 = arith.cmpi ne, %convert_element_type3A_27, %cond3A_28 : i32
    scf.if %cond3A_29 {
      "tpu.region"() ({
        %run_scoped3A = tpu.sem_alloc : memref<!tpu.dma_semaphore, #tpu.memory_space<semaphore_mem>>
        %dma_start3A = tpu.memref_slice %arg6[%mul3A_0, %mul3A_19] : memref<10000x256xf32, #tpu.memory_space<hbm>> -> memref<640x128xf32, #tpu.memory_space<hbm>>
        %dma_start3A_30 = arith.constant 0 : i32
        %dma_start3A_31 = tpu.memref_slice %arg11[%mul3A_0, %dma_start3A_30] : memref<10016x128xf32, #tpu.memory_space<vmem_shared>> -> memref<640x128xf32, #tpu.memory_space<vmem_shared>>
        tpu.enqueue_dma source(%dma_start3A_31 : memref<640x128xf32, #tpu.memory_space<vmem_shared>>) target(%dma_start3A : memref<640x128xf32, #tpu.memory_space<hbm>>) target_semaphore(%run_scoped3A : memref<!tpu.dma_semaphore, #tpu.memory_space<semaphore_mem>>)
        %dma_wait3A = tpu.memref_slice %arg6[%mul3A_0, %mul3A_19] : memref<10000x256xf32, #tpu.memory_space<hbm>> -> memref<640x128xf32, #tpu.memory_space<hbm>>
        %dma_wait3A_32 = arith.constant 0 : i32
        %dma_wait3A_33 = tpu.memref_slice %arg11[%mul3A_0, %dma_wait3A_32] : memref<10016x128xf32, #tpu.memory_space<vmem_shared>> -> memref<640x128xf32, #tpu.memory_space<vmem_shared>>
        tpu.wait_dma2 semaphore(%run_scoped3A : memref<!tpu.dma_semaphore, #tpu.memory_space<semaphore_mem>>) src(%dma_wait3A_33 : memref<640x128xf32, #tpu.memory_space<vmem_shared>>) dst(%dma_wait3A : memref<640x128xf32, #tpu.memory_space<hbm>>)
        tpu.yield
      }) : () -> ()
    } else {
    }
    return
  }
}

#map = affine_map<(d0, d1) -> (0, 0)>
#map1 = affine_map<(d0, d1) -> (0, 0, 0, 0)>
module attributes {stable_mosaic.version = 14 : i64} {
  func.func @_sc_body(%arg0: i32, %arg1: i32, %arg2: memref<80000x128xf32, #tpu.memory_space<hbm>>, %arg3: memref<80000x128xf32, #tpu.memory_space<hbm>>, %arg4: memref<640x128xf32, #tpu.memory_space<hbm>>, %arg5: memref<16x80x2x128xi32, #tpu.memory_space<hbm>>, %arg6: memref<10000x256xf32, #tpu.memory_space<hbm>>, %arg7: memref<2x128xi32, #tpu.memory_space<vmem>>, %arg8: memref<2x128xi32, #tpu.memory_space<vmem>>, %arg9: memref<128x128xf32, #tpu.memory_space<vmem>>, %arg10: memref<128x128xf32, #tpu.memory_space<vmem>>, %arg11: memref<10016x128xf32, #tpu.memory_space<vmem_shared>>, %arg12: memref<!tpu.dma_semaphore, #tpu.memory_space<semaphore_mem>>, %arg13: memref<!tpu.dma_semaphore, #tpu.memory_space<semaphore_mem>>) attributes {dimension_semantics = [#tpu.dimension_semantics<core_parallel>, #tpu.dimension_semantics<subcore_parallel>], iteration_bounds = array<i64: 2, 16>, scalar_prefetch = 0 : i64, scratch_operands = 7 : i64, tpu.core_type = #tpu.core_type<sc_vector_subcore>, window_params = [{transform_indices = #map}, {transform_indices = #map}, {transform_indices = #map}, {transform_indices = #map1}, {transform_indices = #map}]} {
    %mul3A = arith.constant 624 : i32
    %mul3A_0 = arith.muli %arg1, %mul3A : i32
    %lt3A = arith.constant 15 : i32
    %lt3A_1 = arith.cmpi slt, %arg1, %lt3A : i32
    %convert_element_type3A = arith.extui %lt3A_1 : i1 to i32
    %cond3A = arith.constant 0 : i32
    %cond3A_2 = arith.cmpi ne, %convert_element_type3A, %cond3A : i32
    scf.if %cond3A_2 {
      "tpu.region"() ({
        %run_scoped3A = tpu.sem_alloc : memref<!tpu.dma_semaphore, #tpu.memory_space<semaphore_mem>>
        %dma_start3A = arith.constant 0 : i32
        %dma_start3A_30 = tpu.memref_slice %arg11[%mul3A_0, %dma_start3A] : memref<10016x128xf32, #tpu.memory_space<vmem_shared>> -> memref<624x128xf32, #tpu.memory_space<vmem_shared>>
        %dma_start3A_31 = arith.constant 0 : i32
        %dma_start3A_32 = arith.constant 0 : i32
        %dma_start3A_33 = tpu.memref_slice %arg4[%dma_start3A_31, %dma_start3A_32] : memref<640x128xf32, #tpu.memory_space<hbm>> -> memref<624x128xf32, #tpu.memory_space<hbm>>
        tpu.enqueue_dma source(%dma_start3A_33 : memref<624x128xf32, #tpu.memory_space<hbm>>) target(%dma_start3A_30 : memref<624x128xf32, #tpu.memory_space<vmem_shared>>) target_semaphore(%run_scoped3A : memref<!tpu.dma_semaphore, #tpu.memory_space<semaphore_mem>>)
        %dma_wait3A = arith.constant 0 : i32
        %dma_wait3A_34 = tpu.memref_slice %arg11[%mul3A_0, %dma_wait3A] : memref<10016x128xf32, #tpu.memory_space<vmem_shared>> -> memref<624x128xf32, #tpu.memory_space<vmem_shared>>
        %dma_wait3A_35 = arith.constant 0 : i32
        %dma_wait3A_36 = arith.constant 0 : i32
        %dma_wait3A_37 = tpu.memref_slice %arg4[%dma_wait3A_35, %dma_wait3A_36] : memref<640x128xf32, #tpu.memory_space<hbm>> -> memref<624x128xf32, #tpu.memory_space<hbm>>
        tpu.wait_dma2 semaphore(%run_scoped3A : memref<!tpu.dma_semaphore, #tpu.memory_space<semaphore_mem>>) src(%dma_wait3A_37 : memref<624x128xf32, #tpu.memory_space<hbm>>) dst(%dma_wait3A_34 : memref<624x128xf32, #tpu.memory_space<vmem_shared>>)
        tpu.yield
      }) : () -> ()
    } else {
    }
    %eq3A = arith.constant 15 : i32
    %eq3A_3 = arith.cmpi eq, %arg1, %eq3A : i32
    %convert_element_type3A_4 = arith.extui %eq3A_3 : i1 to i32
    %cond3A_5 = arith.constant 0 : i32
    %cond3A_6 = arith.cmpi ne, %convert_element_type3A_4, %cond3A_5 : i32
    scf.if %cond3A_6 {
      "tpu.region"() ({
        %run_scoped3A = tpu.sem_alloc : memref<!tpu.dma_semaphore, #tpu.memory_space<semaphore_mem>>
        %dma_start3A = arith.constant 0 : i32
        %dma_start3A_30 = tpu.memref_slice %arg11[%mul3A_0, %dma_start3A] : memref<10016x128xf32, #tpu.memory_space<vmem_shared>> -> memref<640x128xf32, #tpu.memory_space<vmem_shared>>
        tpu.enqueue_dma source(%arg4 : memref<640x128xf32, #tpu.memory_space<hbm>>) target(%dma_start3A_30 : memref<640x128xf32, #tpu.memory_space<vmem_shared>>) target_semaphore(%run_scoped3A : memref<!tpu.dma_semaphore, #tpu.memory_space<semaphore_mem>>)
        %dma_wait3A = arith.constant 0 : i32
        %dma_wait3A_31 = tpu.memref_slice %arg11[%mul3A_0, %dma_wait3A] : memref<10016x128xf32, #tpu.memory_space<vmem_shared>> -> memref<640x128xf32, #tpu.memory_space<vmem_shared>>
        tpu.wait_dma2 semaphore(%run_scoped3A : memref<!tpu.dma_semaphore, #tpu.memory_space<semaphore_mem>>) src(%arg4 : memref<640x128xf32, #tpu.memory_space<hbm>>) dst(%dma_wait3A_31 : memref<640x128xf32, #tpu.memory_space<vmem_shared>>)
        tpu.yield
      }) : () -> ()
    } else {
    }
    %barrier3A = arith.constant 0 : index
    tpu.barrier barrier_id(%barrier3A)
    %eq3A_7 = arith.constant 0 : i32
    %eq3A_8 = arith.cmpi eq, %arg0, %eq3A_7 : i32
    %convert_element_type3A_9 = arith.extui %eq3A_8 : i1 to i32
    %cond3A_10 = arith.constant 0 : i32
    %cond3A_11 = arith.cmpi ne, %convert_element_type3A_9, %cond3A_10 : i32
    scf.if %cond3A_11 {
      %run_scoped3A = arith.constant 0 : i32
      "tpu.region"() ({
        %run_scoped3A_41 = tpu.sem_alloc : memref<!tpu.dma_semaphore, #tpu.memory_space<semaphore_mem>>
        %dma_start3A_42 = arith.constant 0 : i32
        %dma_start3A_43 = arith.constant 0 : i32
        %dma_start3A_44 = tpu.memref_slice %arg5[%arg1, %run_scoped3A, %dma_start3A_42, %dma_start3A_43] : memref<16x80x2x128xi32, #tpu.memory_space<hbm>> -> memref<1x1x2x128xi32, #tpu.memory_space<hbm>>
        %dma_start3A_45 = tpu.memref_squeeze %dma_start3A_44 : memref<1x1x2x128xi32, #tpu.memory_space<hbm>> -> memref<2x128xi32, #tpu.memory_space<hbm>>
        %dma_start3A_46 = arith.constant 0 : i32
        %dma_start3A_47 = arith.constant 0 : i32
        %dma_start3A_48 = tpu.memref_slice %arg5[%arg1, %run_scoped3A, %dma_start3A_46, %dma_start3A_47] : memref<16x80x2x128xi32, #tpu.memory_space<hbm>> -> memref<1x1x2x128xi32, #tpu.memory_space<hbm>>
        %dma_start3A_49 = tpu.memref_squeeze %dma_start3A_48 : memref<1x1x2x128xi32, #tpu.memory_space<hbm>> -> memref<2x128xi32, #tpu.memory_space<hbm>>
        tpu.enqueue_dma source(%dma_start3A_49 : memref<2x128xi32, #tpu.memory_space<hbm>>) target(%arg7 : memref<2x128xi32, #tpu.memory_space<vmem>>) target_semaphore(%run_scoped3A_41 : memref<!tpu.dma_semaphore, #tpu.memory_space<semaphore_mem>>)
        %dma_wait3A = arith.constant 0 : i32
        %dma_wait3A_50 = arith.constant 0 : i32
        %dma_wait3A_51 = tpu.memref_slice %arg5[%arg1, %run_scoped3A, %dma_wait3A, %dma_wait3A_50] : memref<16x80x2x128xi32, #tpu.memory_space<hbm>> -> memref<1x1x2x128xi32, #tpu.memory_space<hbm>>
        %dma_wait3A_52 = tpu.memref_squeeze %dma_wait3A_51 : memref<1x1x2x128xi32, #tpu.memory_space<hbm>> -> memref<2x128xi32, #tpu.memory_space<hbm>>
        %dma_wait3A_53 = arith.constant 0 : i32
        %dma_wait3A_54 = arith.constant 0 : i32
        %dma_wait3A_55 = tpu.memref_slice %arg5[%arg1, %run_scoped3A, %dma_wait3A_53, %dma_wait3A_54] : memref<16x80x2x128xi32, #tpu.memory_space<hbm>> -> memref<1x1x2x128xi32, #tpu.memory_space<hbm>>
        %dma_wait3A_56 = tpu.memref_squeeze %dma_wait3A_55 : memref<1x1x2x128xi32, #tpu.memory_space<hbm>> -> memref<2x128xi32, #tpu.memory_space<hbm>>
        tpu.wait_dma2 semaphore(%run_scoped3A_41 : memref<!tpu.dma_semaphore, #tpu.memory_space<semaphore_mem>>) src(%dma_wait3A_56 : memref<2x128xi32, #tpu.memory_space<hbm>>) dst(%arg7 : memref<2x128xi32, #tpu.memory_space<vmem>>)
        tpu.yield
      }) : () -> ()
      %dma_start3A = arith.constant 0 : i32
      %dma_start3A_30 = arith.constant 0 : i32
      %dma_start3A_31 = tpu.memref_slice %arg7[%dma_start3A, %dma_start3A_30] : memref<2x128xi32, #tpu.memory_space<vmem>> -> memref<1x128xi32, #tpu.memory_space<vmem>>
      %dma_start3A_32 = tpu.memref_squeeze %dma_start3A_31 : memref<1x128xi32, #tpu.memory_space<vmem>> -> memref<128xi32, #tpu.memory_space<vmem>>
      %dma_start3A_33 = arith.constant 0 : i32
      %dma_start3A_34 = arith.constant 0 : i32
      %dma_start3A_35 = tpu.memref_slice %arg2[%dma_start3A_33, %dma_start3A_34] : memref<80000x128xf32, #tpu.memory_space<hbm>> -> memref<80000x128xf32, #tpu.memory_space<hbm>>
      tpu.enqueue_indirect_dma source(%dma_start3A_35 : memref<80000x128xf32, #tpu.memory_space<hbm>>) target(%arg9 : memref<128x128xf32, #tpu.memory_space<vmem>>) offsets(%dma_start3A_32 : memref<128xi32, #tpu.memory_space<vmem>>) semaphore(%arg12 : memref<!tpu.dma_semaphore, #tpu.memory_space<semaphore_mem>>)
      %scan3A = arith.constant 0 : i32
      %scan3A_36 = arith.constant 0 : i32
      %scan3A_37 = arith.constant 40 : i32
      %scan3A_38 = arith.addi %scan3A_36, %scan3A_37 : i32
      %scan3A_39 = arith.constant 1 : i32
      scf.for %scan3A_41 = %scan3A_36 to %scan3A_38 step %scan3A_39  : i32 {
        %mul3A_42 = arith.constant 2 : i32
        %mul3A_43 = arith.muli %mul3A_42, %scan3A_41 : i32
        %add3A = arith.constant 1 : i32
        %add3A_44 = arith.addi %mul3A_43, %add3A : i32
        "tpu.region"() ({
          %run_scoped3A_72 = tpu.sem_alloc : memref<!tpu.dma_semaphore, #tpu.memory_space<semaphore_mem>>
          %dma_start3A_73 = arith.constant 0 : i32
          %dma_start3A_74 = arith.constant 0 : i32
          %dma_start3A_75 = tpu.memref_slice %arg5[%arg1, %add3A_44, %dma_start3A_73, %dma_start3A_74] : memref<16x80x2x128xi32, #tpu.memory_space<hbm>> -> memref<1x1x2x128xi32, #tpu.memory_space<hbm>>
          %dma_start3A_76 = tpu.memref_squeeze %dma_start3A_75 : memref<1x1x2x128xi32, #tpu.memory_space<hbm>> -> memref<2x128xi32, #tpu.memory_space<hbm>>
          %dma_start3A_77 = arith.constant 0 : i32
          %dma_start3A_78 = arith.constant 0 : i32
          %dma_start3A_79 = tpu.memref_slice %arg5[%arg1, %add3A_44, %dma_start3A_77, %dma_start3A_78] : memref<16x80x2x128xi32, #tpu.memory_space<hbm>> -> memref<1x1x2x128xi32, #tpu.memory_space<hbm>>
          %dma_start3A_80 = tpu.memref_squeeze %dma_start3A_79 : memref<1x1x2x128xi32, #tpu.memory_space<hbm>> -> memref<2x128xi32, #tpu.memory_space<hbm>>
          tpu.enqueue_dma source(%dma_start3A_80 : memref<2x128xi32, #tpu.memory_space<hbm>>) target(%arg8 : memref<2x128xi32, #tpu.memory_space<vmem>>) target_semaphore(%run_scoped3A_72 : memref<!tpu.dma_semaphore, #tpu.memory_space<semaphore_mem>>)
          %dma_wait3A_81 = arith.constant 0 : i32
          %dma_wait3A_82 = arith.constant 0 : i32
          %dma_wait3A_83 = tpu.memref_slice %arg5[%arg1, %add3A_44, %dma_wait3A_81, %dma_wait3A_82] : memref<16x80x2x128xi32, #tpu.memory_space<hbm>> -> memref<1x1x2x128xi32, #tpu.memory_space<hbm>>
          %dma_wait3A_84 = tpu.memref_squeeze %dma_wait3A_83 : memref<1x1x2x128xi32, #tpu.memory_space<hbm>> -> memref<2x128xi32, #tpu.memory_space<hbm>>
          %dma_wait3A_85 = arith.constant 0 : i32
          %dma_wait3A_86 = arith.constant 0 : i32
          %dma_wait3A_87 = tpu.memref_slice %arg5[%arg1, %add3A_44, %dma_wait3A_85, %dma_wait3A_86] : memref<16x80x2x128xi32, #tpu.memory_space<hbm>> -> memref<1x1x2x128xi32, #tpu.memory_space<hbm>>
          %dma_wait3A_88 = tpu.memref_squeeze %dma_wait3A_87 : memref<1x1x2x128xi32, #tpu.memory_space<hbm>> -> memref<2x128xi32, #tpu.memory_space<hbm>>
          tpu.wait_dma2 semaphore(%run_scoped3A_72 : memref<!tpu.dma_semaphore, #tpu.memory_space<semaphore_mem>>) src(%dma_wait3A_88 : memref<2x128xi32, #tpu.memory_space<hbm>>) dst(%arg8 : memref<2x128xi32, #tpu.memory_space<vmem>>)
          tpu.yield
        }) : () -> ()
        %dma_start3A_45 = arith.constant 0 : i32
        %dma_start3A_46 = arith.constant 0 : i32
        %dma_start3A_47 = tpu.memref_slice %arg8[%dma_start3A_45, %dma_start3A_46] : memref<2x128xi32, #tpu.memory_space<vmem>> -> memref<1x128xi32, #tpu.memory_space<vmem>>
        %dma_start3A_48 = tpu.memref_squeeze %dma_start3A_47 : memref<1x128xi32, #tpu.memory_space<vmem>> -> memref<128xi32, #tpu.memory_space<vmem>>
        %dma_start3A_49 = arith.constant 0 : i32
        %dma_start3A_50 = arith.constant 0 : i32
        %dma_start3A_51 = tpu.memref_slice %arg2[%dma_start3A_49, %dma_start3A_50] : memref<80000x128xf32, #tpu.memory_space<hbm>> -> memref<80000x128xf32, #tpu.memory_space<hbm>>
        tpu.enqueue_indirect_dma source(%dma_start3A_51 : memref<80000x128xf32, #tpu.memory_space<hbm>>) target(%arg10 : memref<128x128xf32, #tpu.memory_space<vmem>>) offsets(%dma_start3A_48 : memref<128xi32, #tpu.memory_space<vmem>>) semaphore(%arg13 : memref<!tpu.dma_semaphore, #tpu.memory_space<semaphore_mem>>)
        %dma_wait3A = arith.constant 0 : i32
        %dma_wait3A_52 = arith.constant 0 : i32
        %dma_wait3A_53 = tpu.memref_slice %arg7[%dma_wait3A, %dma_wait3A_52] : memref<2x128xi32, #tpu.memory_space<vmem>> -> memref<1x128xi32, #tpu.memory_space<vmem>>
        %dma_wait3A_54 = tpu.memref_squeeze %dma_wait3A_53 : memref<1x128xi32, #tpu.memory_space<vmem>> -> memref<128xi32, #tpu.memory_space<vmem>>
        %dma_wait3A_55 = arith.constant 0 : i32
        %dma_wait3A_56 = arith.constant 0 : i32
        %dma_wait3A_57 = tpu.memref_slice %arg2[%dma_wait3A_55, %dma_wait3A_56] : memref<80000x128xf32, #tpu.memory_space<hbm>> -> memref<80000x128xf32, #tpu.memory_space<hbm>>
        tpu.wait_indirect_dma semaphore(%arg12 : memref<!tpu.dma_semaphore, #tpu.memory_space<semaphore_mem>>) src(%dma_wait3A_57 : memref<80000x128xf32, #tpu.memory_space<hbm>>) dst(%arg9 : memref<128x128xf32, #tpu.memory_space<vmem>>)
        %run_scoped3A_58 = arith.constant 1 : i32
        "tpu.region"() ({
          %run_scoped3A_72 = tpu.sem_alloc : memref<!tpu.dma_semaphore, #tpu.memory_space<semaphore_mem>>
          %dma_start3A_73 = arith.constant 0 : i32
          %dma_start3A_74 = tpu.memref_slice %arg7[%run_scoped3A_58, %dma_start3A_73] : memref<2x128xi32, #tpu.memory_space<vmem>> -> memref<1x128xi32, #tpu.memory_space<vmem>>
          %dma_start3A_75 = tpu.memref_squeeze %dma_start3A_74 : memref<1x128xi32, #tpu.memory_space<vmem>> -> memref<128xi32, #tpu.memory_space<vmem>>
          %dma_start3A_76 = arith.constant 0 : i32
          %dma_start3A_77 = arith.constant 0 : i32
          %dma_start3A_78 = tpu.memref_slice %arg11[%dma_start3A_76, %dma_start3A_77] : memref<10016x128xf32, #tpu.memory_space<vmem_shared>> -> memref<10016x128xf32, #tpu.memory_space<vmem_shared>>
          tpu.enqueue_indirect_dma source(%arg9 : memref<128x128xf32, #tpu.memory_space<vmem>>) target(%dma_start3A_78 : memref<10016x128xf32, #tpu.memory_space<vmem_shared>>) offsets(%dma_start3A_75 : memref<128xi32, #tpu.memory_space<vmem>>) semaphore(%run_scoped3A_72 : memref<!tpu.dma_semaphore, #tpu.memory_space<semaphore_mem>>) {add = true}
          %dma_wait3A_79 = arith.constant 0 : i32
          %dma_wait3A_80 = tpu.memref_slice %arg7[%run_scoped3A_58, %dma_wait3A_79] : memref<2x128xi32, #tpu.memory_space<vmem>> -> memref<1x128xi32, #tpu.memory_space<vmem>>
          %dma_wait3A_81 = tpu.memref_squeeze %dma_wait3A_80 : memref<1x128xi32, #tpu.memory_space<vmem>> -> memref<128xi32, #tpu.memory_space<vmem>>
          %dma_wait3A_82 = arith.constant 0 : i32
          %dma_wait3A_83 = arith.constant 0 : i32
          %dma_wait3A_84 = tpu.memref_slice %arg11[%dma_wait3A_82, %dma_wait3A_83] : memref<10016x128xf32, #tpu.memory_space<vmem_shared>> -> memref<10016x128xf32, #tpu.memory_space<vmem_shared>>
          tpu.wait_indirect_dma semaphore(%run_scoped3A_72 : memref<!tpu.dma_semaphore, #tpu.memory_space<semaphore_mem>>) src(%arg9 : memref<128x128xf32, #tpu.memory_space<vmem>>) dst(%dma_wait3A_84 : memref<10016x128xf32, #tpu.memory_space<vmem_shared>>)
          tpu.yield
        }) : () -> ()
        %lt3A_59 = arith.constant 39 : i32
        %lt3A_60 = arith.cmpi slt, %scan3A_41, %lt3A_59 : i32
        %convert_element_type3A_61 = arith.extui %lt3A_60 : i1 to i32
        %cond3A_62 = arith.constant 0 : i32
        %cond3A_63 = arith.cmpi ne, %convert_element_type3A_61, %cond3A_62 : i32
        scf.if %cond3A_63 {
          %add3A_72 = arith.constant 2 : i32
          %add3A_73 = arith.addi %mul3A_43, %add3A_72 : i32
          "tpu.region"() ({
            %run_scoped3A_81 = tpu.sem_alloc : memref<!tpu.dma_semaphore, #tpu.memory_space<semaphore_mem>>
            %dma_start3A_82 = arith.constant 0 : i32
            %dma_start3A_83 = arith.constant 0 : i32
            %dma_start3A_84 = tpu.memref_slice %arg5[%arg1, %add3A_73, %dma_start3A_82, %dma_start3A_83] : memref<16x80x2x128xi32, #tpu.memory_space<hbm>> -> memref<1x1x2x128xi32, #tpu.memory_space<hbm>>
            %dma_start3A_85 = tpu.memref_squeeze %dma_start3A_84 : memref<1x1x2x128xi32, #tpu.memory_space<hbm>> -> memref<2x128xi32, #tpu.memory_space<hbm>>
            %dma_start3A_86 = arith.constant 0 : i32
            %dma_start3A_87 = arith.constant 0 : i32
            %dma_start3A_88 = tpu.memref_slice %arg5[%arg1, %add3A_73, %dma_start3A_86, %dma_start3A_87] : memref<16x80x2x128xi32, #tpu.memory_space<hbm>> -> memref<1x1x2x128xi32, #tpu.memory_space<hbm>>
            %dma_start3A_89 = tpu.memref_squeeze %dma_start3A_88 : memref<1x1x2x128xi32, #tpu.memory_space<hbm>> -> memref<2x128xi32, #tpu.memory_space<hbm>>
            tpu.enqueue_dma source(%dma_start3A_89 : memref<2x128xi32, #tpu.memory_space<hbm>>) target(%arg7 : memref<2x128xi32, #tpu.memory_space<vmem>>) target_semaphore(%run_scoped3A_81 : memref<!tpu.dma_semaphore, #tpu.memory_space<semaphore_mem>>)
            %dma_wait3A_90 = arith.constant 0 : i32
            %dma_wait3A_91 = arith.constant 0 : i32
            %dma_wait3A_92 = tpu.memref_slice %arg5[%arg1, %add3A_73, %dma_wait3A_90, %dma_wait3A_91] : memref<16x80x2x128xi32, #tpu.memory_space<hbm>> -> memref<1x1x2x128xi32, #tpu.memory_space<hbm>>
            %dma_wait3A_93 = tpu.memref_squeeze %dma_wait3A_92 : memref<1x1x2x128xi32, #tpu.memory_space<hbm>> -> memref<2x128xi32, #tpu.memory_space<hbm>>
            %dma_wait3A_94 = arith.constant 0 : i32
            %dma_wait3A_95 = arith.constant 0 : i32
            %dma_wait3A_96 = tpu.memref_slice %arg5[%arg1, %add3A_73, %dma_wait3A_94, %dma_wait3A_95] : memref<16x80x2x128xi32, #tpu.memory_space<hbm>> -> memref<1x1x2x128xi32, #tpu.memory_space<hbm>>
            %dma_wait3A_97 = tpu.memref_squeeze %dma_wait3A_96 : memref<1x1x2x128xi32, #tpu.memory_space<hbm>> -> memref<2x128xi32, #tpu.memory_space<hbm>>
            tpu.wait_dma2 semaphore(%run_scoped3A_81 : memref<!tpu.dma_semaphore, #tpu.memory_space<semaphore_mem>>) src(%dma_wait3A_97 : memref<2x128xi32, #tpu.memory_space<hbm>>) dst(%arg7 : memref<2x128xi32, #tpu.memory_space<vmem>>)
            tpu.yield
          }) : () -> ()
          %dma_start3A_74 = arith.constant 0 : i32
          %dma_start3A_75 = arith.constant 0 : i32
          %dma_start3A_76 = tpu.memref_slice %arg7[%dma_start3A_74, %dma_start3A_75] : memref<2x128xi32, #tpu.memory_space<vmem>> -> memref<1x128xi32, #tpu.memory_space<vmem>>
          %dma_start3A_77 = tpu.memref_squeeze %dma_start3A_76 : memref<1x128xi32, #tpu.memory_space<vmem>> -> memref<128xi32, #tpu.memory_space<vmem>>
          %dma_start3A_78 = arith.constant 0 : i32
          %dma_start3A_79 = arith.constant 0 : i32
          %dma_start3A_80 = tpu.memref_slice %arg2[%dma_start3A_78, %dma_start3A_79] : memref<80000x128xf32, #tpu.memory_space<hbm>> -> memref<80000x128xf32, #tpu.memory_space<hbm>>
          tpu.enqueue_indirect_dma source(%dma_start3A_80 : memref<80000x128xf32, #tpu.memory_space<hbm>>) target(%arg9 : memref<128x128xf32, #tpu.memory_space<vmem>>) offsets(%dma_start3A_77 : memref<128xi32, #tpu.memory_space<vmem>>) semaphore(%arg12 : memref<!tpu.dma_semaphore, #tpu.memory_space<semaphore_mem>>)
        } else {
        }
        %dma_wait3A_64 = arith.constant 0 : i32
        %dma_wait3A_65 = arith.constant 0 : i32
        %dma_wait3A_66 = tpu.memref_slice %arg8[%dma_wait3A_64, %dma_wait3A_65] : memref<2x128xi32, #tpu.memory_space<vmem>> -> memref<1x128xi32, #tpu.memory_space<vmem>>
        %dma_wait3A_67 = tpu.memref_squeeze %dma_wait3A_66 : memref<1x128xi32, #tpu.memory_space<vmem>> -> memref<128xi32, #tpu.memory_space<vmem>>
        %dma_wait3A_68 = arith.constant 0 : i32
        %dma_wait3A_69 = arith.constant 0 : i32
        %dma_wait3A_70 = tpu.memref_slice %arg2[%dma_wait3A_68, %dma_wait3A_69] : memref<80000x128xf32, #tpu.memory_space<hbm>> -> memref<80000x128xf32, #tpu.memory_space<hbm>>
        tpu.wait_indirect_dma semaphore(%arg13 : memref<!tpu.dma_semaphore, #tpu.memory_space<semaphore_mem>>) src(%dma_wait3A_70 : memref<80000x128xf32, #tpu.memory_space<hbm>>) dst(%arg10 : memref<128x128xf32, #tpu.memory_space<vmem>>)
        %run_scoped3A_71 = arith.constant 1 : i32
        "tpu.region"() ({
          %run_scoped3A_72 = tpu.sem_alloc : memref<!tpu.dma_semaphore, #tpu.memory_space<semaphore_mem>>
          %dma_start3A_73 = arith.constant 0 : i32
          %dma_start3A_74 = tpu.memref_slice %arg8[%run_scoped3A_71, %dma_start3A_73] : memref<2x128xi32, #tpu.memory_space<vmem>> -> memref<1x128xi32, #tpu.memory_space<vmem>>
          %dma_start3A_75 = tpu.memref_squeeze %dma_start3A_74 : memref<1x128xi32, #tpu.memory_space<vmem>> -> memref<128xi32, #tpu.memory_space<vmem>>
          %dma_start3A_76 = arith.constant 0 : i32
          %dma_start3A_77 = arith.constant 0 : i32
          %dma_start3A_78 = tpu.memref_slice %arg11[%dma_start3A_76, %dma_start3A_77] : memref<10016x128xf32, #tpu.memory_space<vmem_shared>> -> memref<10016x128xf32, #tpu.memory_space<vmem_shared>>
          tpu.enqueue_indirect_dma source(%arg10 : memref<128x128xf32, #tpu.memory_space<vmem>>) target(%dma_start3A_78 : memref<10016x128xf32, #tpu.memory_space<vmem_shared>>) offsets(%dma_start3A_75 : memref<128xi32, #tpu.memory_space<vmem>>) semaphore(%run_scoped3A_72 : memref<!tpu.dma_semaphore, #tpu.memory_space<semaphore_mem>>) {add = true}
          %dma_wait3A_79 = arith.constant 0 : i32
          %dma_wait3A_80 = tpu.memref_slice %arg8[%run_scoped3A_71, %dma_wait3A_79] : memref<2x128xi32, #tpu.memory_space<vmem>> -> memref<1x128xi32, #tpu.memory_space<vmem>>
          %dma_wait3A_81 = tpu.memref_squeeze %dma_wait3A_80 : memref<1x128xi32, #tpu.memory_space<vmem>> -> memref<128xi32, #tpu.memory_space<vmem>>
          %dma_wait3A_82 = arith.constant 0 : i32
          %dma_wait3A_83 = arith.constant 0 : i32
          %dma_wait3A_84 = tpu.memref_slice %arg11[%dma_wait3A_82, %dma_wait3A_83] : memref<10016x128xf32, #tpu.memory_space<vmem_shared>> -> memref<10016x128xf32, #tpu.memory_space<vmem_shared>>
          tpu.wait_indirect_dma semaphore(%run_scoped3A_72 : memref<!tpu.dma_semaphore, #tpu.memory_space<semaphore_mem>>) src(%arg10 : memref<128x128xf32, #tpu.memory_space<vmem>>) dst(%dma_wait3A_84 : memref<10016x128xf32, #tpu.memory_space<vmem_shared>>)
          tpu.yield
        }) : () -> ()
      }
      %scan3A_40 = arith.constant 40 : i32
    } else {
    }
    %eq3A_12 = arith.constant 1 : i32
    %eq3A_13 = arith.cmpi eq, %arg0, %eq3A_12 : i32
    %convert_element_type3A_14 = arith.extui %eq3A_13 : i1 to i32
    %cond3A_15 = arith.constant 0 : i32
    %cond3A_16 = arith.cmpi ne, %convert_element_type3A_14, %cond3A_15 : i32
    scf.if %cond3A_16 {
      %run_scoped3A = arith.constant 0 : i32
      "tpu.region"() ({
        %run_scoped3A_41 = tpu.sem_alloc : memref<!tpu.dma_semaphore, #tpu.memory_space<semaphore_mem>>
        %dma_start3A_42 = arith.constant 0 : i32
        %dma_start3A_43 = arith.constant 0 : i32
        %dma_start3A_44 = tpu.memref_slice %arg5[%arg1, %run_scoped3A, %dma_start3A_42, %dma_start3A_43] : memref<16x80x2x128xi32, #tpu.memory_space<hbm>> -> memref<1x1x2x128xi32, #tpu.memory_space<hbm>>
        %dma_start3A_45 = tpu.memref_squeeze %dma_start3A_44 : memref<1x1x2x128xi32, #tpu.memory_space<hbm>> -> memref<2x128xi32, #tpu.memory_space<hbm>>
        %dma_start3A_46 = arith.constant 0 : i32
        %dma_start3A_47 = arith.constant 0 : i32
        %dma_start3A_48 = tpu.memref_slice %arg5[%arg1, %run_scoped3A, %dma_start3A_46, %dma_start3A_47] : memref<16x80x2x128xi32, #tpu.memory_space<hbm>> -> memref<1x1x2x128xi32, #tpu.memory_space<hbm>>
        %dma_start3A_49 = tpu.memref_squeeze %dma_start3A_48 : memref<1x1x2x128xi32, #tpu.memory_space<hbm>> -> memref<2x128xi32, #tpu.memory_space<hbm>>
        tpu.enqueue_dma source(%dma_start3A_49 : memref<2x128xi32, #tpu.memory_space<hbm>>) target(%arg7 : memref<2x128xi32, #tpu.memory_space<vmem>>) target_semaphore(%run_scoped3A_41 : memref<!tpu.dma_semaphore, #tpu.memory_space<semaphore_mem>>)
        %dma_wait3A = arith.constant 0 : i32
        %dma_wait3A_50 = arith.constant 0 : i32
        %dma_wait3A_51 = tpu.memref_slice %arg5[%arg1, %run_scoped3A, %dma_wait3A, %dma_wait3A_50] : memref<16x80x2x128xi32, #tpu.memory_space<hbm>> -> memref<1x1x2x128xi32, #tpu.memory_space<hbm>>
        %dma_wait3A_52 = tpu.memref_squeeze %dma_wait3A_51 : memref<1x1x2x128xi32, #tpu.memory_space<hbm>> -> memref<2x128xi32, #tpu.memory_space<hbm>>
        %dma_wait3A_53 = arith.constant 0 : i32
        %dma_wait3A_54 = arith.constant 0 : i32
        %dma_wait3A_55 = tpu.memref_slice %arg5[%arg1, %run_scoped3A, %dma_wait3A_53, %dma_wait3A_54] : memref<16x80x2x128xi32, #tpu.memory_space<hbm>> -> memref<1x1x2x128xi32, #tpu.memory_space<hbm>>
        %dma_wait3A_56 = tpu.memref_squeeze %dma_wait3A_55 : memref<1x1x2x128xi32, #tpu.memory_space<hbm>> -> memref<2x128xi32, #tpu.memory_space<hbm>>
        tpu.wait_dma2 semaphore(%run_scoped3A_41 : memref<!tpu.dma_semaphore, #tpu.memory_space<semaphore_mem>>) src(%dma_wait3A_56 : memref<2x128xi32, #tpu.memory_space<hbm>>) dst(%arg7 : memref<2x128xi32, #tpu.memory_space<vmem>>)
        tpu.yield
      }) : () -> ()
      %dma_start3A = arith.constant 0 : i32
      %dma_start3A_30 = arith.constant 0 : i32
      %dma_start3A_31 = tpu.memref_slice %arg7[%dma_start3A, %dma_start3A_30] : memref<2x128xi32, #tpu.memory_space<vmem>> -> memref<1x128xi32, #tpu.memory_space<vmem>>
      %dma_start3A_32 = tpu.memref_squeeze %dma_start3A_31 : memref<1x128xi32, #tpu.memory_space<vmem>> -> memref<128xi32, #tpu.memory_space<vmem>>
      %dma_start3A_33 = arith.constant 0 : i32
      %dma_start3A_34 = arith.constant 0 : i32
      %dma_start3A_35 = tpu.memref_slice %arg3[%dma_start3A_33, %dma_start3A_34] : memref<80000x128xf32, #tpu.memory_space<hbm>> -> memref<80000x128xf32, #tpu.memory_space<hbm>>
      tpu.enqueue_indirect_dma source(%dma_start3A_35 : memref<80000x128xf32, #tpu.memory_space<hbm>>) target(%arg9 : memref<128x128xf32, #tpu.memory_space<vmem>>) offsets(%dma_start3A_32 : memref<128xi32, #tpu.memory_space<vmem>>) semaphore(%arg12 : memref<!tpu.dma_semaphore, #tpu.memory_space<semaphore_mem>>)
      %scan3A = arith.constant 0 : i32
      %scan3A_36 = arith.constant 0 : i32
      %scan3A_37 = arith.constant 40 : i32
      %scan3A_38 = arith.addi %scan3A_36, %scan3A_37 : i32
      %scan3A_39 = arith.constant 1 : i32
      scf.for %scan3A_41 = %scan3A_36 to %scan3A_38 step %scan3A_39  : i32 {
        %mul3A_42 = arith.constant 2 : i32
        %mul3A_43 = arith.muli %mul3A_42, %scan3A_41 : i32
        %add3A = arith.constant 1 : i32
        %add3A_44 = arith.addi %mul3A_43, %add3A : i32
        "tpu.region"() ({
          %run_scoped3A_72 = tpu.sem_alloc : memref<!tpu.dma_semaphore, #tpu.memory_space<semaphore_mem>>
          %dma_start3A_73 = arith.constant 0 : i32
          %dma_start3A_74 = arith.constant 0 : i32
          %dma_start3A_75 = tpu.memref_slice %arg5[%arg1, %add3A_44, %dma_start3A_73, %dma_start3A_74] : memref<16x80x2x128xi32, #tpu.memory_space<hbm>> -> memref<1x1x2x128xi32, #tpu.memory_space<hbm>>
          %dma_start3A_76 = tpu.memref_squeeze %dma_start3A_75 : memref<1x1x2x128xi32, #tpu.memory_space<hbm>> -> memref<2x128xi32, #tpu.memory_space<hbm>>
          %dma_start3A_77 = arith.constant 0 : i32
          %dma_start3A_78 = arith.constant 0 : i32
          %dma_start3A_79 = tpu.memref_slice %arg5[%arg1, %add3A_44, %dma_start3A_77, %dma_start3A_78] : memref<16x80x2x128xi32, #tpu.memory_space<hbm>> -> memref<1x1x2x128xi32, #tpu.memory_space<hbm>>
          %dma_start3A_80 = tpu.memref_squeeze %dma_start3A_79 : memref<1x1x2x128xi32, #tpu.memory_space<hbm>> -> memref<2x128xi32, #tpu.memory_space<hbm>>
          tpu.enqueue_dma source(%dma_start3A_80 : memref<2x128xi32, #tpu.memory_space<hbm>>) target(%arg8 : memref<2x128xi32, #tpu.memory_space<vmem>>) target_semaphore(%run_scoped3A_72 : memref<!tpu.dma_semaphore, #tpu.memory_space<semaphore_mem>>)
          %dma_wait3A_81 = arith.constant 0 : i32
          %dma_wait3A_82 = arith.constant 0 : i32
          %dma_wait3A_83 = tpu.memref_slice %arg5[%arg1, %add3A_44, %dma_wait3A_81, %dma_wait3A_82] : memref<16x80x2x128xi32, #tpu.memory_space<hbm>> -> memref<1x1x2x128xi32, #tpu.memory_space<hbm>>
          %dma_wait3A_84 = tpu.memref_squeeze %dma_wait3A_83 : memref<1x1x2x128xi32, #tpu.memory_space<hbm>> -> memref<2x128xi32, #tpu.memory_space<hbm>>
          %dma_wait3A_85 = arith.constant 0 : i32
          %dma_wait3A_86 = arith.constant 0 : i32
          %dma_wait3A_87 = tpu.memref_slice %arg5[%arg1, %add3A_44, %dma_wait3A_85, %dma_wait3A_86] : memref<16x80x2x128xi32, #tpu.memory_space<hbm>> -> memref<1x1x2x128xi32, #tpu.memory_space<hbm>>
          %dma_wait3A_88 = tpu.memref_squeeze %dma_wait3A_87 : memref<1x1x2x128xi32, #tpu.memory_space<hbm>> -> memref<2x128xi32, #tpu.memory_space<hbm>>
          tpu.wait_dma2 semaphore(%run_scoped3A_72 : memref<!tpu.dma_semaphore, #tpu.memory_space<semaphore_mem>>) src(%dma_wait3A_88 : memref<2x128xi32, #tpu.memory_space<hbm>>) dst(%arg8 : memref<2x128xi32, #tpu.memory_space<vmem>>)
          tpu.yield
        }) : () -> ()
        %dma_start3A_45 = arith.constant 0 : i32
        %dma_start3A_46 = arith.constant 0 : i32
        %dma_start3A_47 = tpu.memref_slice %arg8[%dma_start3A_45, %dma_start3A_46] : memref<2x128xi32, #tpu.memory_space<vmem>> -> memref<1x128xi32, #tpu.memory_space<vmem>>
        %dma_start3A_48 = tpu.memref_squeeze %dma_start3A_47 : memref<1x128xi32, #tpu.memory_space<vmem>> -> memref<128xi32, #tpu.memory_space<vmem>>
        %dma_start3A_49 = arith.constant 0 : i32
        %dma_start3A_50 = arith.constant 0 : i32
        %dma_start3A_51 = tpu.memref_slice %arg3[%dma_start3A_49, %dma_start3A_50] : memref<80000x128xf32, #tpu.memory_space<hbm>> -> memref<80000x128xf32, #tpu.memory_space<hbm>>
        tpu.enqueue_indirect_dma source(%dma_start3A_51 : memref<80000x128xf32, #tpu.memory_space<hbm>>) target(%arg10 : memref<128x128xf32, #tpu.memory_space<vmem>>) offsets(%dma_start3A_48 : memref<128xi32, #tpu.memory_space<vmem>>) semaphore(%arg13 : memref<!tpu.dma_semaphore, #tpu.memory_space<semaphore_mem>>)
        %dma_wait3A = arith.constant 0 : i32
        %dma_wait3A_52 = arith.constant 0 : i32
        %dma_wait3A_53 = tpu.memref_slice %arg7[%dma_wait3A, %dma_wait3A_52] : memref<2x128xi32, #tpu.memory_space<vmem>> -> memref<1x128xi32, #tpu.memory_space<vmem>>
        %dma_wait3A_54 = tpu.memref_squeeze %dma_wait3A_53 : memref<1x128xi32, #tpu.memory_space<vmem>> -> memref<128xi32, #tpu.memory_space<vmem>>
        %dma_wait3A_55 = arith.constant 0 : i32
        %dma_wait3A_56 = arith.constant 0 : i32
        %dma_wait3A_57 = tpu.memref_slice %arg3[%dma_wait3A_55, %dma_wait3A_56] : memref<80000x128xf32, #tpu.memory_space<hbm>> -> memref<80000x128xf32, #tpu.memory_space<hbm>>
        tpu.wait_indirect_dma semaphore(%arg12 : memref<!tpu.dma_semaphore, #tpu.memory_space<semaphore_mem>>) src(%dma_wait3A_57 : memref<80000x128xf32, #tpu.memory_space<hbm>>) dst(%arg9 : memref<128x128xf32, #tpu.memory_space<vmem>>)
        %run_scoped3A_58 = arith.constant 1 : i32
        "tpu.region"() ({
          %run_scoped3A_72 = tpu.sem_alloc : memref<!tpu.dma_semaphore, #tpu.memory_space<semaphore_mem>>
          %dma_start3A_73 = arith.constant 0 : i32
          %dma_start3A_74 = tpu.memref_slice %arg7[%run_scoped3A_58, %dma_start3A_73] : memref<2x128xi32, #tpu.memory_space<vmem>> -> memref<1x128xi32, #tpu.memory_space<vmem>>
          %dma_start3A_75 = tpu.memref_squeeze %dma_start3A_74 : memref<1x128xi32, #tpu.memory_space<vmem>> -> memref<128xi32, #tpu.memory_space<vmem>>
          %dma_start3A_76 = arith.constant 0 : i32
          %dma_start3A_77 = arith.constant 0 : i32
          %dma_start3A_78 = tpu.memref_slice %arg11[%dma_start3A_76, %dma_start3A_77] : memref<10016x128xf32, #tpu.memory_space<vmem_shared>> -> memref<10016x128xf32, #tpu.memory_space<vmem_shared>>
          tpu.enqueue_indirect_dma source(%arg9 : memref<128x128xf32, #tpu.memory_space<vmem>>) target(%dma_start3A_78 : memref<10016x128xf32, #tpu.memory_space<vmem_shared>>) offsets(%dma_start3A_75 : memref<128xi32, #tpu.memory_space<vmem>>) semaphore(%run_scoped3A_72 : memref<!tpu.dma_semaphore, #tpu.memory_space<semaphore_mem>>) {add = true}
          %dma_wait3A_79 = arith.constant 0 : i32
          %dma_wait3A_80 = tpu.memref_slice %arg7[%run_scoped3A_58, %dma_wait3A_79] : memref<2x128xi32, #tpu.memory_space<vmem>> -> memref<1x128xi32, #tpu.memory_space<vmem>>
          %dma_wait3A_81 = tpu.memref_squeeze %dma_wait3A_80 : memref<1x128xi32, #tpu.memory_space<vmem>> -> memref<128xi32, #tpu.memory_space<vmem>>
          %dma_wait3A_82 = arith.constant 0 : i32
          %dma_wait3A_83 = arith.constant 0 : i32
          %dma_wait3A_84 = tpu.memref_slice %arg11[%dma_wait3A_82, %dma_wait3A_83] : memref<10016x128xf32, #tpu.memory_space<vmem_shared>> -> memref<10016x128xf32, #tpu.memory_space<vmem_shared>>
          tpu.wait_indirect_dma semaphore(%run_scoped3A_72 : memref<!tpu.dma_semaphore, #tpu.memory_space<semaphore_mem>>) src(%arg9 : memref<128x128xf32, #tpu.memory_space<vmem>>) dst(%dma_wait3A_84 : memref<10016x128xf32, #tpu.memory_space<vmem_shared>>)
          tpu.yield
        }) : () -> ()
        %lt3A_59 = arith.constant 39 : i32
        %lt3A_60 = arith.cmpi slt, %scan3A_41, %lt3A_59 : i32
        %convert_element_type3A_61 = arith.extui %lt3A_60 : i1 to i32
        %cond3A_62 = arith.constant 0 : i32
        %cond3A_63 = arith.cmpi ne, %convert_element_type3A_61, %cond3A_62 : i32
        scf.if %cond3A_63 {
          %add3A_72 = arith.constant 2 : i32
          %add3A_73 = arith.addi %mul3A_43, %add3A_72 : i32
          "tpu.region"() ({
            %run_scoped3A_81 = tpu.sem_alloc : memref<!tpu.dma_semaphore, #tpu.memory_space<semaphore_mem>>
            %dma_start3A_82 = arith.constant 0 : i32
            %dma_start3A_83 = arith.constant 0 : i32
            %dma_start3A_84 = tpu.memref_slice %arg5[%arg1, %add3A_73, %dma_start3A_82, %dma_start3A_83] : memref<16x80x2x128xi32, #tpu.memory_space<hbm>> -> memref<1x1x2x128xi32, #tpu.memory_space<hbm>>
            %dma_start3A_85 = tpu.memref_squeeze %dma_start3A_84 : memref<1x1x2x128xi32, #tpu.memory_space<hbm>> -> memref<2x128xi32, #tpu.memory_space<hbm>>
            %dma_start3A_86 = arith.constant 0 : i32
            %dma_start3A_87 = arith.constant 0 : i32
            %dma_start3A_88 = tpu.memref_slice %arg5[%arg1, %add3A_73, %dma_start3A_86, %dma_start3A_87] : memref<16x80x2x128xi32, #tpu.memory_space<hbm>> -> memref<1x1x2x128xi32, #tpu.memory_space<hbm>>
            %dma_start3A_89 = tpu.memref_squeeze %dma_start3A_88 : memref<1x1x2x128xi32, #tpu.memory_space<hbm>> -> memref<2x128xi32, #tpu.memory_space<hbm>>
            tpu.enqueue_dma source(%dma_start3A_89 : memref<2x128xi32, #tpu.memory_space<hbm>>) target(%arg7 : memref<2x128xi32, #tpu.memory_space<vmem>>) target_semaphore(%run_scoped3A_81 : memref<!tpu.dma_semaphore, #tpu.memory_space<semaphore_mem>>)
            %dma_wait3A_90 = arith.constant 0 : i32
            %dma_wait3A_91 = arith.constant 0 : i32
            %dma_wait3A_92 = tpu.memref_slice %arg5[%arg1, %add3A_73, %dma_wait3A_90, %dma_wait3A_91] : memref<16x80x2x128xi32, #tpu.memory_space<hbm>> -> memref<1x1x2x128xi32, #tpu.memory_space<hbm>>
            %dma_wait3A_93 = tpu.memref_squeeze %dma_wait3A_92 : memref<1x1x2x128xi32, #tpu.memory_space<hbm>> -> memref<2x128xi32, #tpu.memory_space<hbm>>
            %dma_wait3A_94 = arith.constant 0 : i32
            %dma_wait3A_95 = arith.constant 0 : i32
            %dma_wait3A_96 = tpu.memref_slice %arg5[%arg1, %add3A_73, %dma_wait3A_94, %dma_wait3A_95] : memref<16x80x2x128xi32, #tpu.memory_space<hbm>> -> memref<1x1x2x128xi32, #tpu.memory_space<hbm>>
            %dma_wait3A_97 = tpu.memref_squeeze %dma_wait3A_96 : memref<1x1x2x128xi32, #tpu.memory_space<hbm>> -> memref<2x128xi32, #tpu.memory_space<hbm>>
            tpu.wait_dma2 semaphore(%run_scoped3A_81 : memref<!tpu.dma_semaphore, #tpu.memory_space<semaphore_mem>>) src(%dma_wait3A_97 : memref<2x128xi32, #tpu.memory_space<hbm>>) dst(%arg7 : memref<2x128xi32, #tpu.memory_space<vmem>>)
            tpu.yield
          }) : () -> ()
          %dma_start3A_74 = arith.constant 0 : i32
          %dma_start3A_75 = arith.constant 0 : i32
          %dma_start3A_76 = tpu.memref_slice %arg7[%dma_start3A_74, %dma_start3A_75] : memref<2x128xi32, #tpu.memory_space<vmem>> -> memref<1x128xi32, #tpu.memory_space<vmem>>
          %dma_start3A_77 = tpu.memref_squeeze %dma_start3A_76 : memref<1x128xi32, #tpu.memory_space<vmem>> -> memref<128xi32, #tpu.memory_space<vmem>>
          %dma_start3A_78 = arith.constant 0 : i32
          %dma_start3A_79 = arith.constant 0 : i32
          %dma_start3A_80 = tpu.memref_slice %arg3[%dma_start3A_78, %dma_start3A_79] : memref<80000x128xf32, #tpu.memory_space<hbm>> -> memref<80000x128xf32, #tpu.memory_space<hbm>>
          tpu.enqueue_indirect_dma source(%dma_start3A_80 : memref<80000x128xf32, #tpu.memory_space<hbm>>) target(%arg9 : memref<128x128xf32, #tpu.memory_space<vmem>>) offsets(%dma_start3A_77 : memref<128xi32, #tpu.memory_space<vmem>>) semaphore(%arg12 : memref<!tpu.dma_semaphore, #tpu.memory_space<semaphore_mem>>)
        } else {
        }
        %dma_wait3A_64 = arith.constant 0 : i32
        %dma_wait3A_65 = arith.constant 0 : i32
        %dma_wait3A_66 = tpu.memref_slice %arg8[%dma_wait3A_64, %dma_wait3A_65] : memref<2x128xi32, #tpu.memory_space<vmem>> -> memref<1x128xi32, #tpu.memory_space<vmem>>
        %dma_wait3A_67 = tpu.memref_squeeze %dma_wait3A_66 : memref<1x128xi32, #tpu.memory_space<vmem>> -> memref<128xi32, #tpu.memory_space<vmem>>
        %dma_wait3A_68 = arith.constant 0 : i32
        %dma_wait3A_69 = arith.constant 0 : i32
        %dma_wait3A_70 = tpu.memref_slice %arg3[%dma_wait3A_68, %dma_wait3A_69] : memref<80000x128xf32, #tpu.memory_space<hbm>> -> memref<80000x128xf32, #tpu.memory_space<hbm>>
        tpu.wait_indirect_dma semaphore(%arg13 : memref<!tpu.dma_semaphore, #tpu.memory_space<semaphore_mem>>) src(%dma_wait3A_70 : memref<80000x128xf32, #tpu.memory_space<hbm>>) dst(%arg10 : memref<128x128xf32, #tpu.memory_space<vmem>>)
        %run_scoped3A_71 = arith.constant 1 : i32
        "tpu.region"() ({
          %run_scoped3A_72 = tpu.sem_alloc : memref<!tpu.dma_semaphore, #tpu.memory_space<semaphore_mem>>
          %dma_start3A_73 = arith.constant 0 : i32
          %dma_start3A_74 = tpu.memref_slice %arg8[%run_scoped3A_71, %dma_start3A_73] : memref<2x128xi32, #tpu.memory_space<vmem>> -> memref<1x128xi32, #tpu.memory_space<vmem>>
          %dma_start3A_75 = tpu.memref_squeeze %dma_start3A_74 : memref<1x128xi32, #tpu.memory_space<vmem>> -> memref<128xi32, #tpu.memory_space<vmem>>
          %dma_start3A_76 = arith.constant 0 : i32
          %dma_start3A_77 = arith.constant 0 : i32
          %dma_start3A_78 = tpu.memref_slice %arg11[%dma_start3A_76, %dma_start3A_77] : memref<10016x128xf32, #tpu.memory_space<vmem_shared>> -> memref<10016x128xf32, #tpu.memory_space<vmem_shared>>
          tpu.enqueue_indirect_dma source(%arg10 : memref<128x128xf32, #tpu.memory_space<vmem>>) target(%dma_start3A_78 : memref<10016x128xf32, #tpu.memory_space<vmem_shared>>) offsets(%dma_start3A_75 : memref<128xi32, #tpu.memory_space<vmem>>) semaphore(%run_scoped3A_72 : memref<!tpu.dma_semaphore, #tpu.memory_space<semaphore_mem>>) {add = true}
          %dma_wait3A_79 = arith.constant 0 : i32
          %dma_wait3A_80 = tpu.memref_slice %arg8[%run_scoped3A_71, %dma_wait3A_79] : memref<2x128xi32, #tpu.memory_space<vmem>> -> memref<1x128xi32, #tpu.memory_space<vmem>>
          %dma_wait3A_81 = tpu.memref_squeeze %dma_wait3A_80 : memref<1x128xi32, #tpu.memory_space<vmem>> -> memref<128xi32, #tpu.memory_space<vmem>>
          %dma_wait3A_82 = arith.constant 0 : i32
          %dma_wait3A_83 = arith.constant 0 : i32
          %dma_wait3A_84 = tpu.memref_slice %arg11[%dma_wait3A_82, %dma_wait3A_83] : memref<10016x128xf32, #tpu.memory_space<vmem_shared>> -> memref<10016x128xf32, #tpu.memory_space<vmem_shared>>
          tpu.wait_indirect_dma semaphore(%run_scoped3A_72 : memref<!tpu.dma_semaphore, #tpu.memory_space<semaphore_mem>>) src(%arg10 : memref<128x128xf32, #tpu.memory_space<vmem>>) dst(%dma_wait3A_84 : memref<10016x128xf32, #tpu.memory_space<vmem_shared>>)
          tpu.yield
        }) : () -> ()
      }
      %scan3A_40 = arith.constant 40 : i32
    } else {
    }
    %barrier3A_17 = arith.constant 0 : index
    tpu.barrier barrier_id(%barrier3A_17)
    %mul3A_18 = arith.constant 128 : i32
    %mul3A_19 = arith.muli %arg0, %mul3A_18 : i32
    %lt3A_20 = arith.constant 15 : i32
    %lt3A_21 = arith.cmpi slt, %arg1, %lt3A_20 : i32
    %convert_element_type3A_22 = arith.extui %lt3A_21 : i1 to i32
    %cond3A_23 = arith.constant 0 : i32
    %cond3A_24 = arith.cmpi ne, %convert_element_type3A_22, %cond3A_23 : i32
    scf.if %cond3A_24 {
      "tpu.region"() ({
        %run_scoped3A = tpu.sem_alloc : memref<!tpu.dma_semaphore, #tpu.memory_space<semaphore_mem>>
        %dma_start3A = tpu.memref_slice %arg6[%mul3A_0, %mul3A_19] : memref<10000x256xf32, #tpu.memory_space<hbm>> -> memref<624x128xf32, #tpu.memory_space<hbm>>
        %dma_start3A_30 = arith.constant 0 : i32
        %dma_start3A_31 = tpu.memref_slice %arg11[%mul3A_0, %dma_start3A_30] : memref<10016x128xf32, #tpu.memory_space<vmem_shared>> -> memref<624x128xf32, #tpu.memory_space<vmem_shared>>
        tpu.enqueue_dma source(%dma_start3A_31 : memref<624x128xf32, #tpu.memory_space<vmem_shared>>) target(%dma_start3A : memref<624x128xf32, #tpu.memory_space<hbm>>) target_semaphore(%run_scoped3A : memref<!tpu.dma_semaphore, #tpu.memory_space<semaphore_mem>>)
        %dma_wait3A = tpu.memref_slice %arg6[%mul3A_0, %mul3A_19] : memref<10000x256xf32, #tpu.memory_space<hbm>> -> memref<624x128xf32, #tpu.memory_space<hbm>>
        %dma_wait3A_32 = arith.constant 0 : i32
        %dma_wait3A_33 = tpu.memref_slice %arg11[%mul3A_0, %dma_wait3A_32] : memref<10016x128xf32, #tpu.memory_space<vmem_shared>> -> memref<624x128xf32, #tpu.memory_space<vmem_shared>>
        tpu.wait_dma2 semaphore(%run_scoped3A : memref<!tpu.dma_semaphore, #tpu.memory_space<semaphore_mem>>) src(%dma_wait3A_33 : memref<624x128xf32, #tpu.memory_space<vmem_shared>>) dst(%dma_wait3A : memref<624x128xf32, #tpu.memory_space<hbm>>)
        tpu.yield
      }) : () -> ()
    } else {
    }
    %eq3A_25 = arith.constant 15 : i32
    %eq3A_26 = arith.cmpi eq, %arg1, %eq3A_25 : i32
    %convert_element_type3A_27 = arith.extui %eq3A_26 : i1 to i32
    %cond3A_28 = arith.constant 0 : i32
    %cond3A_29 = arith.cmpi ne, %convert_element_type3A_27, %cond3A_28 : i32
    scf.if %cond3A_29 {
      "tpu.region"() ({
        %run_scoped3A = tpu.sem_alloc : memref<!tpu.dma_semaphore, #tpu.memory_space<semaphore_mem>>
        %dma_start3A = tpu.memref_slice %arg6[%mul3A_0, %mul3A_19] : memref<10000x256xf32, #tpu.memory_space<hbm>> -> memref<640x128xf32, #tpu.memory_space<hbm>>
        %dma_start3A_30 = arith.constant 0 : i32
        %dma_start3A_31 = tpu.memref_slice %arg11[%mul3A_0, %dma_start3A_30] : memref<10016x128xf32, #tpu.memory_space<vmem_shared>> -> memref<640x128xf32, #tpu.memory_space<vmem_shared>>
        tpu.enqueue_dma source(%dma_start3A_31 : memref<640x128xf32, #tpu.memory_space<vmem_shared>>) target(%dma_start3A : memref<640x128xf32, #tpu.memory_space<hbm>>) target_semaphore(%run_scoped3A : memref<!tpu.dma_semaphore, #tpu.memory_space<semaphore_mem>>)
        %dma_wait3A = tpu.memref_slice %arg6[%mul3A_0, %mul3A_19] : memref<10000x256xf32, #tpu.memory_space<hbm>> -> memref<640x128xf32, #tpu.memory_space<hbm>>
        %dma_wait3A_32 = arith.constant 0 : i32
        %dma_wait3A_33 = tpu.memref_slice %arg11[%mul3A_0, %dma_wait3A_32] : memref<10016x128xf32, #tpu.memory_space<vmem_shared>> -> memref<640x128xf32, #tpu.memory_space<vmem_shared>>
        tpu.wait_dma2 semaphore(%run_scoped3A : memref<!tpu.dma_semaphore, #tpu.memory_space<semaphore_mem>>) src(%dma_wait3A_33 : memref<640x128xf32, #tpu.memory_space<vmem_shared>>) dst(%dma_wait3A : memref<640x128xf32, #tpu.memory_space<hbm>>)
        tpu.yield
      }) : () -> ()
    } else {
    }
    return
  }
}

#map = affine_map<(d0, d1) -> (0, 0)>
#map1 = affine_map<(d0, d1) -> (0, 0, 0, 0)>
module attributes {stable_mosaic.version = 14 : i64} {
  func.func @_sc_body(%arg0: i32, %arg1: i32, %arg2: memref<80000x128xf32, #tpu.memory_space<hbm>>, %arg3: memref<80000x128xf32, #tpu.memory_space<hbm>>, %arg4: memref<640x128xf32, #tpu.memory_space<hbm>>, %arg5: memref<16x80x2x128xi32, #tpu.memory_space<hbm>>, %arg6: memref<10000x256xf32, #tpu.memory_space<hbm>>, %arg7: memref<2x128xi32, #tpu.memory_space<vmem>>, %arg8: memref<2x128xi32, #tpu.memory_space<vmem>>, %arg9: memref<128x128xf32, #tpu.memory_space<vmem>>, %arg10: memref<128x128xf32, #tpu.memory_space<vmem>>, %arg11: memref<10016x128xf32, #tpu.memory_space<vmem_shared>>, %arg12: memref<!tpu.dma_semaphore, #tpu.memory_space<semaphore_mem>>, %arg13: memref<!tpu.dma_semaphore, #tpu.memory_space<semaphore_mem>>) attributes {dimension_semantics = [#tpu.dimension_semantics<core_parallel>, #tpu.dimension_semantics<subcore_parallel>], iteration_bounds = array<i64: 2, 16>, scalar_prefetch = 0 : i64, scratch_operands = 7 : i64, tpu.core_type = #tpu.core_type<sc_vector_subcore>, window_params = [{transform_indices = #map}, {transform_indices = #map}, {transform_indices = #map}, {transform_indices = #map1}, {transform_indices = #map}]} {
    %mul3A = arith.constant 624 : i32
    %mul3A_0 = arith.muli %arg1, %mul3A : i32
    %lt3A = arith.constant 15 : i32
    %lt3A_1 = arith.cmpi slt, %arg1, %lt3A : i32
    %convert_element_type3A = arith.extui %lt3A_1 : i1 to i32
    %cond3A = arith.constant 0 : i32
    %cond3A_2 = arith.cmpi ne, %convert_element_type3A, %cond3A : i32
    scf.if %cond3A_2 {
      "tpu.region"() ({
        %run_scoped3A = tpu.sem_alloc : memref<!tpu.dma_semaphore, #tpu.memory_space<semaphore_mem>>
        %dma_start3A = arith.constant 0 : i32
        %dma_start3A_30 = tpu.memref_slice %arg11[%mul3A_0, %dma_start3A] : memref<10016x128xf32, #tpu.memory_space<vmem_shared>> -> memref<624x128xf32, #tpu.memory_space<vmem_shared>>
        %dma_start3A_31 = arith.constant 0 : i32
        %dma_start3A_32 = arith.constant 0 : i32
        %dma_start3A_33 = tpu.memref_slice %arg4[%dma_start3A_31, %dma_start3A_32] : memref<640x128xf32, #tpu.memory_space<hbm>> -> memref<624x128xf32, #tpu.memory_space<hbm>>
        tpu.enqueue_dma source(%dma_start3A_33 : memref<624x128xf32, #tpu.memory_space<hbm>>) target(%dma_start3A_30 : memref<624x128xf32, #tpu.memory_space<vmem_shared>>) target_semaphore(%run_scoped3A : memref<!tpu.dma_semaphore, #tpu.memory_space<semaphore_mem>>)
        %dma_wait3A = arith.constant 0 : i32
        %dma_wait3A_34 = tpu.memref_slice %arg11[%mul3A_0, %dma_wait3A] : memref<10016x128xf32, #tpu.memory_space<vmem_shared>> -> memref<624x128xf32, #tpu.memory_space<vmem_shared>>
        %dma_wait3A_35 = arith.constant 0 : i32
        %dma_wait3A_36 = arith.constant 0 : i32
        %dma_wait3A_37 = tpu.memref_slice %arg4[%dma_wait3A_35, %dma_wait3A_36] : memref<640x128xf32, #tpu.memory_space<hbm>> -> memref<624x128xf32, #tpu.memory_space<hbm>>
        tpu.wait_dma2 semaphore(%run_scoped3A : memref<!tpu.dma_semaphore, #tpu.memory_space<semaphore_mem>>) src(%dma_wait3A_37 : memref<624x128xf32, #tpu.memory_space<hbm>>) dst(%dma_wait3A_34 : memref<624x128xf32, #tpu.memory_space<vmem_shared>>)
        tpu.yield
      }) : () -> ()
    } else {
    }
    %eq3A = arith.constant 15 : i32
    %eq3A_3 = arith.cmpi eq, %arg1, %eq3A : i32
    %convert_element_type3A_4 = arith.extui %eq3A_3 : i1 to i32
    %cond3A_5 = arith.constant 0 : i32
    %cond3A_6 = arith.cmpi ne, %convert_element_type3A_4, %cond3A_5 : i32
    scf.if %cond3A_6 {
      "tpu.region"() ({
        %run_scoped3A = tpu.sem_alloc : memref<!tpu.dma_semaphore, #tpu.memory_space<semaphore_mem>>
        %dma_start3A = arith.constant 0 : i32
        %dma_start3A_30 = tpu.memref_slice %arg11[%mul3A_0, %dma_start3A] : memref<10016x128xf32, #tpu.memory_space<vmem_shared>> -> memref<640x128xf32, #tpu.memory_space<vmem_shared>>
        tpu.enqueue_dma source(%arg4 : memref<640x128xf32, #tpu.memory_space<hbm>>) target(%dma_start3A_30 : memref<640x128xf32, #tpu.memory_space<vmem_shared>>) target_semaphore(%run_scoped3A : memref<!tpu.dma_semaphore, #tpu.memory_space<semaphore_mem>>)
        %dma_wait3A = arith.constant 0 : i32
        %dma_wait3A_31 = tpu.memref_slice %arg11[%mul3A_0, %dma_wait3A] : memref<10016x128xf32, #tpu.memory_space<vmem_shared>> -> memref<640x128xf32, #tpu.memory_space<vmem_shared>>
        tpu.wait_dma2 semaphore(%run_scoped3A : memref<!tpu.dma_semaphore, #tpu.memory_space<semaphore_mem>>) src(%arg4 : memref<640x128xf32, #tpu.memory_space<hbm>>) dst(%dma_wait3A_31 : memref<640x128xf32, #tpu.memory_space<vmem_shared>>)
        tpu.yield
      }) : () -> ()
    } else {
    }
    %barrier3A = arith.constant 0 : index
    tpu.barrier barrier_id(%barrier3A)
    %eq3A_7 = arith.constant 0 : i32
    %eq3A_8 = arith.cmpi eq, %arg0, %eq3A_7 : i32
    %convert_element_type3A_9 = arith.extui %eq3A_8 : i1 to i32
    %cond3A_10 = arith.constant 0 : i32
    %cond3A_11 = arith.cmpi ne, %convert_element_type3A_9, %cond3A_10 : i32
    scf.if %cond3A_11 {
      %run_scoped3A = arith.constant 0 : i32
      "tpu.region"() ({
        %run_scoped3A_41 = tpu.sem_alloc : memref<!tpu.dma_semaphore, #tpu.memory_space<semaphore_mem>>
        %dma_start3A_42 = arith.constant 0 : i32
        %dma_start3A_43 = arith.constant 0 : i32
        %dma_start3A_44 = tpu.memref_slice %arg5[%arg1, %run_scoped3A, %dma_start3A_42, %dma_start3A_43] : memref<16x80x2x128xi32, #tpu.memory_space<hbm>> -> memref<1x1x2x128xi32, #tpu.memory_space<hbm>>
        %dma_start3A_45 = tpu.memref_squeeze %dma_start3A_44 : memref<1x1x2x128xi32, #tpu.memory_space<hbm>> -> memref<2x128xi32, #tpu.memory_space<hbm>>
        %dma_start3A_46 = arith.constant 0 : i32
        %dma_start3A_47 = arith.constant 0 : i32
        %dma_start3A_48 = tpu.memref_slice %arg5[%arg1, %run_scoped3A, %dma_start3A_46, %dma_start3A_47] : memref<16x80x2x128xi32, #tpu.memory_space<hbm>> -> memref<1x1x2x128xi32, #tpu.memory_space<hbm>>
        %dma_start3A_49 = tpu.memref_squeeze %dma_start3A_48 : memref<1x1x2x128xi32, #tpu.memory_space<hbm>> -> memref<2x128xi32, #tpu.memory_space<hbm>>
        tpu.enqueue_dma source(%dma_start3A_49 : memref<2x128xi32, #tpu.memory_space<hbm>>) target(%arg7 : memref<2x128xi32, #tpu.memory_space<vmem>>) target_semaphore(%run_scoped3A_41 : memref<!tpu.dma_semaphore, #tpu.memory_space<semaphore_mem>>)
        %dma_wait3A = arith.constant 0 : i32
        %dma_wait3A_50 = arith.constant 0 : i32
        %dma_wait3A_51 = tpu.memref_slice %arg5[%arg1, %run_scoped3A, %dma_wait3A, %dma_wait3A_50] : memref<16x80x2x128xi32, #tpu.memory_space<hbm>> -> memref<1x1x2x128xi32, #tpu.memory_space<hbm>>
        %dma_wait3A_52 = tpu.memref_squeeze %dma_wait3A_51 : memref<1x1x2x128xi32, #tpu.memory_space<hbm>> -> memref<2x128xi32, #tpu.memory_space<hbm>>
        %dma_wait3A_53 = arith.constant 0 : i32
        %dma_wait3A_54 = arith.constant 0 : i32
        %dma_wait3A_55 = tpu.memref_slice %arg5[%arg1, %run_scoped3A, %dma_wait3A_53, %dma_wait3A_54] : memref<16x80x2x128xi32, #tpu.memory_space<hbm>> -> memref<1x1x2x128xi32, #tpu.memory_space<hbm>>
        %dma_wait3A_56 = tpu.memref_squeeze %dma_wait3A_55 : memref<1x1x2x128xi32, #tpu.memory_space<hbm>> -> memref<2x128xi32, #tpu.memory_space<hbm>>
        tpu.wait_dma2 semaphore(%run_scoped3A_41 : memref<!tpu.dma_semaphore, #tpu.memory_space<semaphore_mem>>) src(%dma_wait3A_56 : memref<2x128xi32, #tpu.memory_space<hbm>>) dst(%arg7 : memref<2x128xi32, #tpu.memory_space<vmem>>)
        tpu.yield
      }) : () -> ()
      %dma_start3A = arith.constant 0 : i32
      %dma_start3A_30 = arith.constant 0 : i32
      %dma_start3A_31 = tpu.memref_slice %arg7[%dma_start3A, %dma_start3A_30] : memref<2x128xi32, #tpu.memory_space<vmem>> -> memref<1x128xi32, #tpu.memory_space<vmem>>
      %dma_start3A_32 = tpu.memref_squeeze %dma_start3A_31 : memref<1x128xi32, #tpu.memory_space<vmem>> -> memref<128xi32, #tpu.memory_space<vmem>>
      %dma_start3A_33 = arith.constant 0 : i32
      %dma_start3A_34 = arith.constant 0 : i32
      %dma_start3A_35 = tpu.memref_slice %arg2[%dma_start3A_33, %dma_start3A_34] : memref<80000x128xf32, #tpu.memory_space<hbm>> -> memref<80000x128xf32, #tpu.memory_space<hbm>>
      tpu.enqueue_indirect_dma source(%dma_start3A_35 : memref<80000x128xf32, #tpu.memory_space<hbm>>) target(%arg9 : memref<128x128xf32, #tpu.memory_space<vmem>>) offsets(%dma_start3A_32 : memref<128xi32, #tpu.memory_space<vmem>>) semaphore(%arg12 : memref<!tpu.dma_semaphore, #tpu.memory_space<semaphore_mem>>)
      %scan3A = arith.constant 0 : i32
      %scan3A_36 = arith.constant 0 : i32
      %scan3A_37 = arith.constant 40 : i32
      %scan3A_38 = arith.addi %scan3A_36, %scan3A_37 : i32
      %scan3A_39 = arith.constant 1 : i32
      scf.for %scan3A_41 = %scan3A_36 to %scan3A_38 step %scan3A_39  : i32 {
        %mul3A_42 = arith.constant 2 : i32
        %mul3A_43 = arith.muli %mul3A_42, %scan3A_41 : i32
        %add3A = arith.constant 1 : i32
        %add3A_44 = arith.addi %mul3A_43, %add3A : i32
        "tpu.region"() ({
          %run_scoped3A_72 = tpu.sem_alloc : memref<!tpu.dma_semaphore, #tpu.memory_space<semaphore_mem>>
          %dma_start3A_73 = arith.constant 0 : i32
          %dma_start3A_74 = arith.constant 0 : i32
          %dma_start3A_75 = tpu.memref_slice %arg5[%arg1, %add3A_44, %dma_start3A_73, %dma_start3A_74] : memref<16x80x2x128xi32, #tpu.memory_space<hbm>> -> memref<1x1x2x128xi32, #tpu.memory_space<hbm>>
          %dma_start3A_76 = tpu.memref_squeeze %dma_start3A_75 : memref<1x1x2x128xi32, #tpu.memory_space<hbm>> -> memref<2x128xi32, #tpu.memory_space<hbm>>
          %dma_start3A_77 = arith.constant 0 : i32
          %dma_start3A_78 = arith.constant 0 : i32
          %dma_start3A_79 = tpu.memref_slice %arg5[%arg1, %add3A_44, %dma_start3A_77, %dma_start3A_78] : memref<16x80x2x128xi32, #tpu.memory_space<hbm>> -> memref<1x1x2x128xi32, #tpu.memory_space<hbm>>
          %dma_start3A_80 = tpu.memref_squeeze %dma_start3A_79 : memref<1x1x2x128xi32, #tpu.memory_space<hbm>> -> memref<2x128xi32, #tpu.memory_space<hbm>>
          tpu.enqueue_dma source(%dma_start3A_80 : memref<2x128xi32, #tpu.memory_space<hbm>>) target(%arg8 : memref<2x128xi32, #tpu.memory_space<vmem>>) target_semaphore(%run_scoped3A_72 : memref<!tpu.dma_semaphore, #tpu.memory_space<semaphore_mem>>)
          %dma_wait3A_81 = arith.constant 0 : i32
          %dma_wait3A_82 = arith.constant 0 : i32
          %dma_wait3A_83 = tpu.memref_slice %arg5[%arg1, %add3A_44, %dma_wait3A_81, %dma_wait3A_82] : memref<16x80x2x128xi32, #tpu.memory_space<hbm>> -> memref<1x1x2x128xi32, #tpu.memory_space<hbm>>
          %dma_wait3A_84 = tpu.memref_squeeze %dma_wait3A_83 : memref<1x1x2x128xi32, #tpu.memory_space<hbm>> -> memref<2x128xi32, #tpu.memory_space<hbm>>
          %dma_wait3A_85 = arith.constant 0 : i32
          %dma_wait3A_86 = arith.constant 0 : i32
          %dma_wait3A_87 = tpu.memref_slice %arg5[%arg1, %add3A_44, %dma_wait3A_85, %dma_wait3A_86] : memref<16x80x2x128xi32, #tpu.memory_space<hbm>> -> memref<1x1x2x128xi32, #tpu.memory_space<hbm>>
          %dma_wait3A_88 = tpu.memref_squeeze %dma_wait3A_87 : memref<1x1x2x128xi32, #tpu.memory_space<hbm>> -> memref<2x128xi32, #tpu.memory_space<hbm>>
          tpu.wait_dma2 semaphore(%run_scoped3A_72 : memref<!tpu.dma_semaphore, #tpu.memory_space<semaphore_mem>>) src(%dma_wait3A_88 : memref<2x128xi32, #tpu.memory_space<hbm>>) dst(%arg8 : memref<2x128xi32, #tpu.memory_space<vmem>>)
          tpu.yield
        }) : () -> ()
        %dma_start3A_45 = arith.constant 0 : i32
        %dma_start3A_46 = arith.constant 0 : i32
        %dma_start3A_47 = tpu.memref_slice %arg8[%dma_start3A_45, %dma_start3A_46] : memref<2x128xi32, #tpu.memory_space<vmem>> -> memref<1x128xi32, #tpu.memory_space<vmem>>
        %dma_start3A_48 = tpu.memref_squeeze %dma_start3A_47 : memref<1x128xi32, #tpu.memory_space<vmem>> -> memref<128xi32, #tpu.memory_space<vmem>>
        %dma_start3A_49 = arith.constant 0 : i32
        %dma_start3A_50 = arith.constant 0 : i32
        %dma_start3A_51 = tpu.memref_slice %arg2[%dma_start3A_49, %dma_start3A_50] : memref<80000x128xf32, #tpu.memory_space<hbm>> -> memref<80000x128xf32, #tpu.memory_space<hbm>>
        tpu.enqueue_indirect_dma source(%dma_start3A_51 : memref<80000x128xf32, #tpu.memory_space<hbm>>) target(%arg10 : memref<128x128xf32, #tpu.memory_space<vmem>>) offsets(%dma_start3A_48 : memref<128xi32, #tpu.memory_space<vmem>>) semaphore(%arg13 : memref<!tpu.dma_semaphore, #tpu.memory_space<semaphore_mem>>)
        %dma_wait3A = arith.constant 0 : i32
        %dma_wait3A_52 = arith.constant 0 : i32
        %dma_wait3A_53 = tpu.memref_slice %arg7[%dma_wait3A, %dma_wait3A_52] : memref<2x128xi32, #tpu.memory_space<vmem>> -> memref<1x128xi32, #tpu.memory_space<vmem>>
        %dma_wait3A_54 = tpu.memref_squeeze %dma_wait3A_53 : memref<1x128xi32, #tpu.memory_space<vmem>> -> memref<128xi32, #tpu.memory_space<vmem>>
        %dma_wait3A_55 = arith.constant 0 : i32
        %dma_wait3A_56 = arith.constant 0 : i32
        %dma_wait3A_57 = tpu.memref_slice %arg2[%dma_wait3A_55, %dma_wait3A_56] : memref<80000x128xf32, #tpu.memory_space<hbm>> -> memref<80000x128xf32, #tpu.memory_space<hbm>>
        tpu.wait_indirect_dma semaphore(%arg12 : memref<!tpu.dma_semaphore, #tpu.memory_space<semaphore_mem>>) src(%dma_wait3A_57 : memref<80000x128xf32, #tpu.memory_space<hbm>>) dst(%arg9 : memref<128x128xf32, #tpu.memory_space<vmem>>)
        %run_scoped3A_58 = arith.constant 1 : i32
        "tpu.region"() ({
          %run_scoped3A_72 = tpu.sem_alloc : memref<!tpu.dma_semaphore, #tpu.memory_space<semaphore_mem>>
          %dma_start3A_73 = arith.constant 0 : i32
          %dma_start3A_74 = tpu.memref_slice %arg7[%run_scoped3A_58, %dma_start3A_73] : memref<2x128xi32, #tpu.memory_space<vmem>> -> memref<1x128xi32, #tpu.memory_space<vmem>>
          %dma_start3A_75 = tpu.memref_squeeze %dma_start3A_74 : memref<1x128xi32, #tpu.memory_space<vmem>> -> memref<128xi32, #tpu.memory_space<vmem>>
          %dma_start3A_76 = arith.constant 0 : i32
          %dma_start3A_77 = arith.constant 0 : i32
          %dma_start3A_78 = tpu.memref_slice %arg11[%dma_start3A_76, %dma_start3A_77] : memref<10016x128xf32, #tpu.memory_space<vmem_shared>> -> memref<10016x128xf32, #tpu.memory_space<vmem_shared>>
          tpu.enqueue_indirect_dma source(%arg9 : memref<128x128xf32, #tpu.memory_space<vmem>>) target(%dma_start3A_78 : memref<10016x128xf32, #tpu.memory_space<vmem_shared>>) offsets(%dma_start3A_75 : memref<128xi32, #tpu.memory_space<vmem>>) semaphore(%run_scoped3A_72 : memref<!tpu.dma_semaphore, #tpu.memory_space<semaphore_mem>>) {add = true}
          %dma_wait3A_79 = arith.constant 0 : i32
          %dma_wait3A_80 = tpu.memref_slice %arg7[%run_scoped3A_58, %dma_wait3A_79] : memref<2x128xi32, #tpu.memory_space<vmem>> -> memref<1x128xi32, #tpu.memory_space<vmem>>
          %dma_wait3A_81 = tpu.memref_squeeze %dma_wait3A_80 : memref<1x128xi32, #tpu.memory_space<vmem>> -> memref<128xi32, #tpu.memory_space<vmem>>
          %dma_wait3A_82 = arith.constant 0 : i32
          %dma_wait3A_83 = arith.constant 0 : i32
          %dma_wait3A_84 = tpu.memref_slice %arg11[%dma_wait3A_82, %dma_wait3A_83] : memref<10016x128xf32, #tpu.memory_space<vmem_shared>> -> memref<10016x128xf32, #tpu.memory_space<vmem_shared>>
          tpu.wait_indirect_dma semaphore(%run_scoped3A_72 : memref<!tpu.dma_semaphore, #tpu.memory_space<semaphore_mem>>) src(%arg9 : memref<128x128xf32, #tpu.memory_space<vmem>>) dst(%dma_wait3A_84 : memref<10016x128xf32, #tpu.memory_space<vmem_shared>>)
          tpu.yield
        }) : () -> ()
        %lt3A_59 = arith.constant 39 : i32
        %lt3A_60 = arith.cmpi slt, %scan3A_41, %lt3A_59 : i32
        %convert_element_type3A_61 = arith.extui %lt3A_60 : i1 to i32
        %cond3A_62 = arith.constant 0 : i32
        %cond3A_63 = arith.cmpi ne, %convert_element_type3A_61, %cond3A_62 : i32
        scf.if %cond3A_63 {
          %add3A_72 = arith.constant 2 : i32
          %add3A_73 = arith.addi %mul3A_43, %add3A_72 : i32
          "tpu.region"() ({
            %run_scoped3A_81 = tpu.sem_alloc : memref<!tpu.dma_semaphore, #tpu.memory_space<semaphore_mem>>
            %dma_start3A_82 = arith.constant 0 : i32
            %dma_start3A_83 = arith.constant 0 : i32
            %dma_start3A_84 = tpu.memref_slice %arg5[%arg1, %add3A_73, %dma_start3A_82, %dma_start3A_83] : memref<16x80x2x128xi32, #tpu.memory_space<hbm>> -> memref<1x1x2x128xi32, #tpu.memory_space<hbm>>
            %dma_start3A_85 = tpu.memref_squeeze %dma_start3A_84 : memref<1x1x2x128xi32, #tpu.memory_space<hbm>> -> memref<2x128xi32, #tpu.memory_space<hbm>>
            %dma_start3A_86 = arith.constant 0 : i32
            %dma_start3A_87 = arith.constant 0 : i32
            %dma_start3A_88 = tpu.memref_slice %arg5[%arg1, %add3A_73, %dma_start3A_86, %dma_start3A_87] : memref<16x80x2x128xi32, #tpu.memory_space<hbm>> -> memref<1x1x2x128xi32, #tpu.memory_space<hbm>>
            %dma_start3A_89 = tpu.memref_squeeze %dma_start3A_88 : memref<1x1x2x128xi32, #tpu.memory_space<hbm>> -> memref<2x128xi32, #tpu.memory_space<hbm>>
            tpu.enqueue_dma source(%dma_start3A_89 : memref<2x128xi32, #tpu.memory_space<hbm>>) target(%arg7 : memref<2x128xi32, #tpu.memory_space<vmem>>) target_semaphore(%run_scoped3A_81 : memref<!tpu.dma_semaphore, #tpu.memory_space<semaphore_mem>>)
            %dma_wait3A_90 = arith.constant 0 : i32
            %dma_wait3A_91 = arith.constant 0 : i32
            %dma_wait3A_92 = tpu.memref_slice %arg5[%arg1, %add3A_73, %dma_wait3A_90, %dma_wait3A_91] : memref<16x80x2x128xi32, #tpu.memory_space<hbm>> -> memref<1x1x2x128xi32, #tpu.memory_space<hbm>>
            %dma_wait3A_93 = tpu.memref_squeeze %dma_wait3A_92 : memref<1x1x2x128xi32, #tpu.memory_space<hbm>> -> memref<2x128xi32, #tpu.memory_space<hbm>>
            %dma_wait3A_94 = arith.constant 0 : i32
            %dma_wait3A_95 = arith.constant 0 : i32
            %dma_wait3A_96 = tpu.memref_slice %arg5[%arg1, %add3A_73, %dma_wait3A_94, %dma_wait3A_95] : memref<16x80x2x128xi32, #tpu.memory_space<hbm>> -> memref<1x1x2x128xi32, #tpu.memory_space<hbm>>
            %dma_wait3A_97 = tpu.memref_squeeze %dma_wait3A_96 : memref<1x1x2x128xi32, #tpu.memory_space<hbm>> -> memref<2x128xi32, #tpu.memory_space<hbm>>
            tpu.wait_dma2 semaphore(%run_scoped3A_81 : memref<!tpu.dma_semaphore, #tpu.memory_space<semaphore_mem>>) src(%dma_wait3A_97 : memref<2x128xi32, #tpu.memory_space<hbm>>) dst(%arg7 : memref<2x128xi32, #tpu.memory_space<vmem>>)
            tpu.yield
          }) : () -> ()
          %dma_start3A_74 = arith.constant 0 : i32
          %dma_start3A_75 = arith.constant 0 : i32
          %dma_start3A_76 = tpu.memref_slice %arg7[%dma_start3A_74, %dma_start3A_75] : memref<2x128xi32, #tpu.memory_space<vmem>> -> memref<1x128xi32, #tpu.memory_space<vmem>>
          %dma_start3A_77 = tpu.memref_squeeze %dma_start3A_76 : memref<1x128xi32, #tpu.memory_space<vmem>> -> memref<128xi32, #tpu.memory_space<vmem>>
          %dma_start3A_78 = arith.constant 0 : i32
          %dma_start3A_79 = arith.constant 0 : i32
          %dma_start3A_80 = tpu.memref_slice %arg2[%dma_start3A_78, %dma_start3A_79] : memref<80000x128xf32, #tpu.memory_space<hbm>> -> memref<80000x128xf32, #tpu.memory_space<hbm>>
          tpu.enqueue_indirect_dma source(%dma_start3A_80 : memref<80000x128xf32, #tpu.memory_space<hbm>>) target(%arg9 : memref<128x128xf32, #tpu.memory_space<vmem>>) offsets(%dma_start3A_77 : memref<128xi32, #tpu.memory_space<vmem>>) semaphore(%arg12 : memref<!tpu.dma_semaphore, #tpu.memory_space<semaphore_mem>>)
        } else {
        }
        %dma_wait3A_64 = arith.constant 0 : i32
        %dma_wait3A_65 = arith.constant 0 : i32
        %dma_wait3A_66 = tpu.memref_slice %arg8[%dma_wait3A_64, %dma_wait3A_65] : memref<2x128xi32, #tpu.memory_space<vmem>> -> memref<1x128xi32, #tpu.memory_space<vmem>>
        %dma_wait3A_67 = tpu.memref_squeeze %dma_wait3A_66 : memref<1x128xi32, #tpu.memory_space<vmem>> -> memref<128xi32, #tpu.memory_space<vmem>>
        %dma_wait3A_68 = arith.constant 0 : i32
        %dma_wait3A_69 = arith.constant 0 : i32
        %dma_wait3A_70 = tpu.memref_slice %arg2[%dma_wait3A_68, %dma_wait3A_69] : memref<80000x128xf32, #tpu.memory_space<hbm>> -> memref<80000x128xf32, #tpu.memory_space<hbm>>
        tpu.wait_indirect_dma semaphore(%arg13 : memref<!tpu.dma_semaphore, #tpu.memory_space<semaphore_mem>>) src(%dma_wait3A_70 : memref<80000x128xf32, #tpu.memory_space<hbm>>) dst(%arg10 : memref<128x128xf32, #tpu.memory_space<vmem>>)
        %run_scoped3A_71 = arith.constant 1 : i32
        "tpu.region"() ({
          %run_scoped3A_72 = tpu.sem_alloc : memref<!tpu.dma_semaphore, #tpu.memory_space<semaphore_mem>>
          %dma_start3A_73 = arith.constant 0 : i32
          %dma_start3A_74 = tpu.memref_slice %arg8[%run_scoped3A_71, %dma_start3A_73] : memref<2x128xi32, #tpu.memory_space<vmem>> -> memref<1x128xi32, #tpu.memory_space<vmem>>
          %dma_start3A_75 = tpu.memref_squeeze %dma_start3A_74 : memref<1x128xi32, #tpu.memory_space<vmem>> -> memref<128xi32, #tpu.memory_space<vmem>>
          %dma_start3A_76 = arith.constant 0 : i32
          %dma_start3A_77 = arith.constant 0 : i32
          %dma_start3A_78 = tpu.memref_slice %arg11[%dma_start3A_76, %dma_start3A_77] : memref<10016x128xf32, #tpu.memory_space<vmem_shared>> -> memref<10016x128xf32, #tpu.memory_space<vmem_shared>>
          tpu.enqueue_indirect_dma source(%arg10 : memref<128x128xf32, #tpu.memory_space<vmem>>) target(%dma_start3A_78 : memref<10016x128xf32, #tpu.memory_space<vmem_shared>>) offsets(%dma_start3A_75 : memref<128xi32, #tpu.memory_space<vmem>>) semaphore(%run_scoped3A_72 : memref<!tpu.dma_semaphore, #tpu.memory_space<semaphore_mem>>) {add = true}
          %dma_wait3A_79 = arith.constant 0 : i32
          %dma_wait3A_80 = tpu.memref_slice %arg8[%run_scoped3A_71, %dma_wait3A_79] : memref<2x128xi32, #tpu.memory_space<vmem>> -> memref<1x128xi32, #tpu.memory_space<vmem>>
          %dma_wait3A_81 = tpu.memref_squeeze %dma_wait3A_80 : memref<1x128xi32, #tpu.memory_space<vmem>> -> memref<128xi32, #tpu.memory_space<vmem>>
          %dma_wait3A_82 = arith.constant 0 : i32
          %dma_wait3A_83 = arith.constant 0 : i32
          %dma_wait3A_84 = tpu.memref_slice %arg11[%dma_wait3A_82, %dma_wait3A_83] : memref<10016x128xf32, #tpu.memory_space<vmem_shared>> -> memref<10016x128xf32, #tpu.memory_space<vmem_shared>>
          tpu.wait_indirect_dma semaphore(%run_scoped3A_72 : memref<!tpu.dma_semaphore, #tpu.memory_space<semaphore_mem>>) src(%arg10 : memref<128x128xf32, #tpu.memory_space<vmem>>) dst(%dma_wait3A_84 : memref<10016x128xf32, #tpu.memory_space<vmem_shared>>)
          tpu.yield
        }) : () -> ()
      }
      %scan3A_40 = arith.constant 40 : i32
    } else {
    }
    %eq3A_12 = arith.constant 1 : i32
    %eq3A_13 = arith.cmpi eq, %arg0, %eq3A_12 : i32
    %convert_element_type3A_14 = arith.extui %eq3A_13 : i1 to i32
    %cond3A_15 = arith.constant 0 : i32
    %cond3A_16 = arith.cmpi ne, %convert_element_type3A_14, %cond3A_15 : i32
    scf.if %cond3A_16 {
      %run_scoped3A = arith.constant 0 : i32
      "tpu.region"() ({
        %run_scoped3A_41 = tpu.sem_alloc : memref<!tpu.dma_semaphore, #tpu.memory_space<semaphore_mem>>
        %dma_start3A_42 = arith.constant 0 : i32
        %dma_start3A_43 = arith.constant 0 : i32
        %dma_start3A_44 = tpu.memref_slice %arg5[%arg1, %run_scoped3A, %dma_start3A_42, %dma_start3A_43] : memref<16x80x2x128xi32, #tpu.memory_space<hbm>> -> memref<1x1x2x128xi32, #tpu.memory_space<hbm>>
        %dma_start3A_45 = tpu.memref_squeeze %dma_start3A_44 : memref<1x1x2x128xi32, #tpu.memory_space<hbm>> -> memref<2x128xi32, #tpu.memory_space<hbm>>
        %dma_start3A_46 = arith.constant 0 : i32
        %dma_start3A_47 = arith.constant 0 : i32
        %dma_start3A_48 = tpu.memref_slice %arg5[%arg1, %run_scoped3A, %dma_start3A_46, %dma_start3A_47] : memref<16x80x2x128xi32, #tpu.memory_space<hbm>> -> memref<1x1x2x128xi32, #tpu.memory_space<hbm>>
        %dma_start3A_49 = tpu.memref_squeeze %dma_start3A_48 : memref<1x1x2x128xi32, #tpu.memory_space<hbm>> -> memref<2x128xi32, #tpu.memory_space<hbm>>
        tpu.enqueue_dma source(%dma_start3A_49 : memref<2x128xi32, #tpu.memory_space<hbm>>) target(%arg7 : memref<2x128xi32, #tpu.memory_space<vmem>>) target_semaphore(%run_scoped3A_41 : memref<!tpu.dma_semaphore, #tpu.memory_space<semaphore_mem>>)
        %dma_wait3A = arith.constant 0 : i32
        %dma_wait3A_50 = arith.constant 0 : i32
        %dma_wait3A_51 = tpu.memref_slice %arg5[%arg1, %run_scoped3A, %dma_wait3A, %dma_wait3A_50] : memref<16x80x2x128xi32, #tpu.memory_space<hbm>> -> memref<1x1x2x128xi32, #tpu.memory_space<hbm>>
        %dma_wait3A_52 = tpu.memref_squeeze %dma_wait3A_51 : memref<1x1x2x128xi32, #tpu.memory_space<hbm>> -> memref<2x128xi32, #tpu.memory_space<hbm>>
        %dma_wait3A_53 = arith.constant 0 : i32
        %dma_wait3A_54 = arith.constant 0 : i32
        %dma_wait3A_55 = tpu.memref_slice %arg5[%arg1, %run_scoped3A, %dma_wait3A_53, %dma_wait3A_54] : memref<16x80x2x128xi32, #tpu.memory_space<hbm>> -> memref<1x1x2x128xi32, #tpu.memory_space<hbm>>
        %dma_wait3A_56 = tpu.memref_squeeze %dma_wait3A_55 : memref<1x1x2x128xi32, #tpu.memory_space<hbm>> -> memref<2x128xi32, #tpu.memory_space<hbm>>
        tpu.wait_dma2 semaphore(%run_scoped3A_41 : memref<!tpu.dma_semaphore, #tpu.memory_space<semaphore_mem>>) src(%dma_wait3A_56 : memref<2x128xi32, #tpu.memory_space<hbm>>) dst(%arg7 : memref<2x128xi32, #tpu.memory_space<vmem>>)
        tpu.yield
      }) : () -> ()
      %dma_start3A = arith.constant 0 : i32
      %dma_start3A_30 = arith.constant 0 : i32
      %dma_start3A_31 = tpu.memref_slice %arg7[%dma_start3A, %dma_start3A_30] : memref<2x128xi32, #tpu.memory_space<vmem>> -> memref<1x128xi32, #tpu.memory_space<vmem>>
      %dma_start3A_32 = tpu.memref_squeeze %dma_start3A_31 : memref<1x128xi32, #tpu.memory_space<vmem>> -> memref<128xi32, #tpu.memory_space<vmem>>
      %dma_start3A_33 = arith.constant 0 : i32
      %dma_start3A_34 = arith.constant 0 : i32
      %dma_start3A_35 = tpu.memref_slice %arg3[%dma_start3A_33, %dma_start3A_34] : memref<80000x128xf32, #tpu.memory_space<hbm>> -> memref<80000x128xf32, #tpu.memory_space<hbm>>
      tpu.enqueue_indirect_dma source(%dma_start3A_35 : memref<80000x128xf32, #tpu.memory_space<hbm>>) target(%arg9 : memref<128x128xf32, #tpu.memory_space<vmem>>) offsets(%dma_start3A_32 : memref<128xi32, #tpu.memory_space<vmem>>) semaphore(%arg12 : memref<!tpu.dma_semaphore, #tpu.memory_space<semaphore_mem>>)
      %scan3A = arith.constant 0 : i32
      %scan3A_36 = arith.constant 0 : i32
      %scan3A_37 = arith.constant 40 : i32
      %scan3A_38 = arith.addi %scan3A_36, %scan3A_37 : i32
      %scan3A_39 = arith.constant 1 : i32
      scf.for %scan3A_41 = %scan3A_36 to %scan3A_38 step %scan3A_39  : i32 {
        %mul3A_42 = arith.constant 2 : i32
        %mul3A_43 = arith.muli %mul3A_42, %scan3A_41 : i32
        %add3A = arith.constant 1 : i32
        %add3A_44 = arith.addi %mul3A_43, %add3A : i32
        "tpu.region"() ({
          %run_scoped3A_72 = tpu.sem_alloc : memref<!tpu.dma_semaphore, #tpu.memory_space<semaphore_mem>>
          %dma_start3A_73 = arith.constant 0 : i32
          %dma_start3A_74 = arith.constant 0 : i32
          %dma_start3A_75 = tpu.memref_slice %arg5[%arg1, %add3A_44, %dma_start3A_73, %dma_start3A_74] : memref<16x80x2x128xi32, #tpu.memory_space<hbm>> -> memref<1x1x2x128xi32, #tpu.memory_space<hbm>>
          %dma_start3A_76 = tpu.memref_squeeze %dma_start3A_75 : memref<1x1x2x128xi32, #tpu.memory_space<hbm>> -> memref<2x128xi32, #tpu.memory_space<hbm>>
          %dma_start3A_77 = arith.constant 0 : i32
          %dma_start3A_78 = arith.constant 0 : i32
          %dma_start3A_79 = tpu.memref_slice %arg5[%arg1, %add3A_44, %dma_start3A_77, %dma_start3A_78] : memref<16x80x2x128xi32, #tpu.memory_space<hbm>> -> memref<1x1x2x128xi32, #tpu.memory_space<hbm>>
          %dma_start3A_80 = tpu.memref_squeeze %dma_start3A_79 : memref<1x1x2x128xi32, #tpu.memory_space<hbm>> -> memref<2x128xi32, #tpu.memory_space<hbm>>
          tpu.enqueue_dma source(%dma_start3A_80 : memref<2x128xi32, #tpu.memory_space<hbm>>) target(%arg8 : memref<2x128xi32, #tpu.memory_space<vmem>>) target_semaphore(%run_scoped3A_72 : memref<!tpu.dma_semaphore, #tpu.memory_space<semaphore_mem>>)
          %dma_wait3A_81 = arith.constant 0 : i32
          %dma_wait3A_82 = arith.constant 0 : i32
          %dma_wait3A_83 = tpu.memref_slice %arg5[%arg1, %add3A_44, %dma_wait3A_81, %dma_wait3A_82] : memref<16x80x2x128xi32, #tpu.memory_space<hbm>> -> memref<1x1x2x128xi32, #tpu.memory_space<hbm>>
          %dma_wait3A_84 = tpu.memref_squeeze %dma_wait3A_83 : memref<1x1x2x128xi32, #tpu.memory_space<hbm>> -> memref<2x128xi32, #tpu.memory_space<hbm>>
          %dma_wait3A_85 = arith.constant 0 : i32
          %dma_wait3A_86 = arith.constant 0 : i32
          %dma_wait3A_87 = tpu.memref_slice %arg5[%arg1, %add3A_44, %dma_wait3A_85, %dma_wait3A_86] : memref<16x80x2x128xi32, #tpu.memory_space<hbm>> -> memref<1x1x2x128xi32, #tpu.memory_space<hbm>>
          %dma_wait3A_88 = tpu.memref_squeeze %dma_wait3A_87 : memref<1x1x2x128xi32, #tpu.memory_space<hbm>> -> memref<2x128xi32, #tpu.memory_space<hbm>>
          tpu.wait_dma2 semaphore(%run_scoped3A_72 : memref<!tpu.dma_semaphore, #tpu.memory_space<semaphore_mem>>) src(%dma_wait3A_88 : memref<2x128xi32, #tpu.memory_space<hbm>>) dst(%arg8 : memref<2x128xi32, #tpu.memory_space<vmem>>)
          tpu.yield
        }) : () -> ()
        %dma_start3A_45 = arith.constant 0 : i32
        %dma_start3A_46 = arith.constant 0 : i32
        %dma_start3A_47 = tpu.memref_slice %arg8[%dma_start3A_45, %dma_start3A_46] : memref<2x128xi32, #tpu.memory_space<vmem>> -> memref<1x128xi32, #tpu.memory_space<vmem>>
        %dma_start3A_48 = tpu.memref_squeeze %dma_start3A_47 : memref<1x128xi32, #tpu.memory_space<vmem>> -> memref<128xi32, #tpu.memory_space<vmem>>
        %dma_start3A_49 = arith.constant 0 : i32
        %dma_start3A_50 = arith.constant 0 : i32
        %dma_start3A_51 = tpu.memref_slice %arg3[%dma_start3A_49, %dma_start3A_50] : memref<80000x128xf32, #tpu.memory_space<hbm>> -> memref<80000x128xf32, #tpu.memory_space<hbm>>
        tpu.enqueue_indirect_dma source(%dma_start3A_51 : memref<80000x128xf32, #tpu.memory_space<hbm>>) target(%arg10 : memref<128x128xf32, #tpu.memory_space<vmem>>) offsets(%dma_start3A_48 : memref<128xi32, #tpu.memory_space<vmem>>) semaphore(%arg13 : memref<!tpu.dma_semaphore, #tpu.memory_space<semaphore_mem>>)
        %dma_wait3A = arith.constant 0 : i32
        %dma_wait3A_52 = arith.constant 0 : i32
        %dma_wait3A_53 = tpu.memref_slice %arg7[%dma_wait3A, %dma_wait3A_52] : memref<2x128xi32, #tpu.memory_space<vmem>> -> memref<1x128xi32, #tpu.memory_space<vmem>>
        %dma_wait3A_54 = tpu.memref_squeeze %dma_wait3A_53 : memref<1x128xi32, #tpu.memory_space<vmem>> -> memref<128xi32, #tpu.memory_space<vmem>>
        %dma_wait3A_55 = arith.constant 0 : i32
        %dma_wait3A_56 = arith.constant 0 : i32
        %dma_wait3A_57 = tpu.memref_slice %arg3[%dma_wait3A_55, %dma_wait3A_56] : memref<80000x128xf32, #tpu.memory_space<hbm>> -> memref<80000x128xf32, #tpu.memory_space<hbm>>
        tpu.wait_indirect_dma semaphore(%arg12 : memref<!tpu.dma_semaphore, #tpu.memory_space<semaphore_mem>>) src(%dma_wait3A_57 : memref<80000x128xf32, #tpu.memory_space<hbm>>) dst(%arg9 : memref<128x128xf32, #tpu.memory_space<vmem>>)
        %run_scoped3A_58 = arith.constant 1 : i32
        "tpu.region"() ({
          %run_scoped3A_72 = tpu.sem_alloc : memref<!tpu.dma_semaphore, #tpu.memory_space<semaphore_mem>>
          %dma_start3A_73 = arith.constant 0 : i32
          %dma_start3A_74 = tpu.memref_slice %arg7[%run_scoped3A_58, %dma_start3A_73] : memref<2x128xi32, #tpu.memory_space<vmem>> -> memref<1x128xi32, #tpu.memory_space<vmem>>
          %dma_start3A_75 = tpu.memref_squeeze %dma_start3A_74 : memref<1x128xi32, #tpu.memory_space<vmem>> -> memref<128xi32, #tpu.memory_space<vmem>>
          %dma_start3A_76 = arith.constant 0 : i32
          %dma_start3A_77 = arith.constant 0 : i32
          %dma_start3A_78 = tpu.memref_slice %arg11[%dma_start3A_76, %dma_start3A_77] : memref<10016x128xf32, #tpu.memory_space<vmem_shared>> -> memref<10016x128xf32, #tpu.memory_space<vmem_shared>>
          tpu.enqueue_indirect_dma source(%arg9 : memref<128x128xf32, #tpu.memory_space<vmem>>) target(%dma_start3A_78 : memref<10016x128xf32, #tpu.memory_space<vmem_shared>>) offsets(%dma_start3A_75 : memref<128xi32, #tpu.memory_space<vmem>>) semaphore(%run_scoped3A_72 : memref<!tpu.dma_semaphore, #tpu.memory_space<semaphore_mem>>) {add = true}
          %dma_wait3A_79 = arith.constant 0 : i32
          %dma_wait3A_80 = tpu.memref_slice %arg7[%run_scoped3A_58, %dma_wait3A_79] : memref<2x128xi32, #tpu.memory_space<vmem>> -> memref<1x128xi32, #tpu.memory_space<vmem>>
          %dma_wait3A_81 = tpu.memref_squeeze %dma_wait3A_80 : memref<1x128xi32, #tpu.memory_space<vmem>> -> memref<128xi32, #tpu.memory_space<vmem>>
          %dma_wait3A_82 = arith.constant 0 : i32
          %dma_wait3A_83 = arith.constant 0 : i32
          %dma_wait3A_84 = tpu.memref_slice %arg11[%dma_wait3A_82, %dma_wait3A_83] : memref<10016x128xf32, #tpu.memory_space<vmem_shared>> -> memref<10016x128xf32, #tpu.memory_space<vmem_shared>>
          tpu.wait_indirect_dma semaphore(%run_scoped3A_72 : memref<!tpu.dma_semaphore, #tpu.memory_space<semaphore_mem>>) src(%arg9 : memref<128x128xf32, #tpu.memory_space<vmem>>) dst(%dma_wait3A_84 : memref<10016x128xf32, #tpu.memory_space<vmem_shared>>)
          tpu.yield
        }) : () -> ()
        %lt3A_59 = arith.constant 39 : i32
        %lt3A_60 = arith.cmpi slt, %scan3A_41, %lt3A_59 : i32
        %convert_element_type3A_61 = arith.extui %lt3A_60 : i1 to i32
        %cond3A_62 = arith.constant 0 : i32
        %cond3A_63 = arith.cmpi ne, %convert_element_type3A_61, %cond3A_62 : i32
        scf.if %cond3A_63 {
          %add3A_72 = arith.constant 2 : i32
          %add3A_73 = arith.addi %mul3A_43, %add3A_72 : i32
          "tpu.region"() ({
            %run_scoped3A_81 = tpu.sem_alloc : memref<!tpu.dma_semaphore, #tpu.memory_space<semaphore_mem>>
            %dma_start3A_82 = arith.constant 0 : i32
            %dma_start3A_83 = arith.constant 0 : i32
            %dma_start3A_84 = tpu.memref_slice %arg5[%arg1, %add3A_73, %dma_start3A_82, %dma_start3A_83] : memref<16x80x2x128xi32, #tpu.memory_space<hbm>> -> memref<1x1x2x128xi32, #tpu.memory_space<hbm>>
            %dma_start3A_85 = tpu.memref_squeeze %dma_start3A_84 : memref<1x1x2x128xi32, #tpu.memory_space<hbm>> -> memref<2x128xi32, #tpu.memory_space<hbm>>
            %dma_start3A_86 = arith.constant 0 : i32
            %dma_start3A_87 = arith.constant 0 : i32
            %dma_start3A_88 = tpu.memref_slice %arg5[%arg1, %add3A_73, %dma_start3A_86, %dma_start3A_87] : memref<16x80x2x128xi32, #tpu.memory_space<hbm>> -> memref<1x1x2x128xi32, #tpu.memory_space<hbm>>
            %dma_start3A_89 = tpu.memref_squeeze %dma_start3A_88 : memref<1x1x2x128xi32, #tpu.memory_space<hbm>> -> memref<2x128xi32, #tpu.memory_space<hbm>>
            tpu.enqueue_dma source(%dma_start3A_89 : memref<2x128xi32, #tpu.memory_space<hbm>>) target(%arg7 : memref<2x128xi32, #tpu.memory_space<vmem>>) target_semaphore(%run_scoped3A_81 : memref<!tpu.dma_semaphore, #tpu.memory_space<semaphore_mem>>)
            %dma_wait3A_90 = arith.constant 0 : i32
            %dma_wait3A_91 = arith.constant 0 : i32
            %dma_wait3A_92 = tpu.memref_slice %arg5[%arg1, %add3A_73, %dma_wait3A_90, %dma_wait3A_91] : memref<16x80x2x128xi32, #tpu.memory_space<hbm>> -> memref<1x1x2x128xi32, #tpu.memory_space<hbm>>
            %dma_wait3A_93 = tpu.memref_squeeze %dma_wait3A_92 : memref<1x1x2x128xi32, #tpu.memory_space<hbm>> -> memref<2x128xi32, #tpu.memory_space<hbm>>
            %dma_wait3A_94 = arith.constant 0 : i32
            %dma_wait3A_95 = arith.constant 0 : i32
            %dma_wait3A_96 = tpu.memref_slice %arg5[%arg1, %add3A_73, %dma_wait3A_94, %dma_wait3A_95] : memref<16x80x2x128xi32, #tpu.memory_space<hbm>> -> memref<1x1x2x128xi32, #tpu.memory_space<hbm>>
            %dma_wait3A_97 = tpu.memref_squeeze %dma_wait3A_96 : memref<1x1x2x128xi32, #tpu.memory_space<hbm>> -> memref<2x128xi32, #tpu.memory_space<hbm>>
            tpu.wait_dma2 semaphore(%run_scoped3A_81 : memref<!tpu.dma_semaphore, #tpu.memory_space<semaphore_mem>>) src(%dma_wait3A_97 : memref<2x128xi32, #tpu.memory_space<hbm>>) dst(%arg7 : memref<2x128xi32, #tpu.memory_space<vmem>>)
            tpu.yield
          }) : () -> ()
          %dma_start3A_74 = arith.constant 0 : i32
          %dma_start3A_75 = arith.constant 0 : i32
          %dma_start3A_76 = tpu.memref_slice %arg7[%dma_start3A_74, %dma_start3A_75] : memref<2x128xi32, #tpu.memory_space<vmem>> -> memref<1x128xi32, #tpu.memory_space<vmem>>
          %dma_start3A_77 = tpu.memref_squeeze %dma_start3A_76 : memref<1x128xi32, #tpu.memory_space<vmem>> -> memref<128xi32, #tpu.memory_space<vmem>>
          %dma_start3A_78 = arith.constant 0 : i32
          %dma_start3A_79 = arith.constant 0 : i32
          %dma_start3A_80 = tpu.memref_slice %arg3[%dma_start3A_78, %dma_start3A_79] : memref<80000x128xf32, #tpu.memory_space<hbm>> -> memref<80000x128xf32, #tpu.memory_space<hbm>>
          tpu.enqueue_indirect_dma source(%dma_start3A_80 : memref<80000x128xf32, #tpu.memory_space<hbm>>) target(%arg9 : memref<128x128xf32, #tpu.memory_space<vmem>>) offsets(%dma_start3A_77 : memref<128xi32, #tpu.memory_space<vmem>>) semaphore(%arg12 : memref<!tpu.dma_semaphore, #tpu.memory_space<semaphore_mem>>)
        } else {
        }
        %dma_wait3A_64 = arith.constant 0 : i32
        %dma_wait3A_65 = arith.constant 0 : i32
        %dma_wait3A_66 = tpu.memref_slice %arg8[%dma_wait3A_64, %dma_wait3A_65] : memref<2x128xi32, #tpu.memory_space<vmem>> -> memref<1x128xi32, #tpu.memory_space<vmem>>
        %dma_wait3A_67 = tpu.memref_squeeze %dma_wait3A_66 : memref<1x128xi32, #tpu.memory_space<vmem>> -> memref<128xi32, #tpu.memory_space<vmem>>
        %dma_wait3A_68 = arith.constant 0 : i32
        %dma_wait3A_69 = arith.constant 0 : i32
        %dma_wait3A_70 = tpu.memref_slice %arg3[%dma_wait3A_68, %dma_wait3A_69] : memref<80000x128xf32, #tpu.memory_space<hbm>> -> memref<80000x128xf32, #tpu.memory_space<hbm>>
        tpu.wait_indirect_dma semaphore(%arg13 : memref<!tpu.dma_semaphore, #tpu.memory_space<semaphore_mem>>) src(%dma_wait3A_70 : memref<80000x128xf32, #tpu.memory_space<hbm>>) dst(%arg10 : memref<128x128xf32, #tpu.memory_space<vmem>>)
        %run_scoped3A_71 = arith.constant 1 : i32
        "tpu.region"() ({
          %run_scoped3A_72 = tpu.sem_alloc : memref<!tpu.dma_semaphore, #tpu.memory_space<semaphore_mem>>
          %dma_start3A_73 = arith.constant 0 : i32
          %dma_start3A_74 = tpu.memref_slice %arg8[%run_scoped3A_71, %dma_start3A_73] : memref<2x128xi32, #tpu.memory_space<vmem>> -> memref<1x128xi32, #tpu.memory_space<vmem>>
          %dma_start3A_75 = tpu.memref_squeeze %dma_start3A_74 : memref<1x128xi32, #tpu.memory_space<vmem>> -> memref<128xi32, #tpu.memory_space<vmem>>
          %dma_start3A_76 = arith.constant 0 : i32
          %dma_start3A_77 = arith.constant 0 : i32
          %dma_start3A_78 = tpu.memref_slice %arg11[%dma_start3A_76, %dma_start3A_77] : memref<10016x128xf32, #tpu.memory_space<vmem_shared>> -> memref<10016x128xf32, #tpu.memory_space<vmem_shared>>
          tpu.enqueue_indirect_dma source(%arg10 : memref<128x128xf32, #tpu.memory_space<vmem>>) target(%dma_start3A_78 : memref<10016x128xf32, #tpu.memory_space<vmem_shared>>) offsets(%dma_start3A_75 : memref<128xi32, #tpu.memory_space<vmem>>) semaphore(%run_scoped3A_72 : memref<!tpu.dma_semaphore, #tpu.memory_space<semaphore_mem>>) {add = true}
          %dma_wait3A_79 = arith.constant 0 : i32
          %dma_wait3A_80 = tpu.memref_slice %arg8[%run_scoped3A_71, %dma_wait3A_79] : memref<2x128xi32, #tpu.memory_space<vmem>> -> memref<1x128xi32, #tpu.memory_space<vmem>>
          %dma_wait3A_81 = tpu.memref_squeeze %dma_wait3A_80 : memref<1x128xi32, #tpu.memory_space<vmem>> -> memref<128xi32, #tpu.memory_space<vmem>>
          %dma_wait3A_82 = arith.constant 0 : i32
          %dma_wait3A_83 = arith.constant 0 : i32
          %dma_wait3A_84 = tpu.memref_slice %arg11[%dma_wait3A_82, %dma_wait3A_83] : memref<10016x128xf32, #tpu.memory_space<vmem_shared>> -> memref<10016x128xf32, #tpu.memory_space<vmem_shared>>
          tpu.wait_indirect_dma semaphore(%run_scoped3A_72 : memref<!tpu.dma_semaphore, #tpu.memory_space<semaphore_mem>>) src(%arg10 : memref<128x128xf32, #tpu.memory_space<vmem>>) dst(%dma_wait3A_84 : memref<10016x128xf32, #tpu.memory_space<vmem_shared>>)
          tpu.yield
        }) : () -> ()
      }
      %scan3A_40 = arith.constant 40 : i32
    } else {
    }
    %barrier3A_17 = arith.constant 0 : index
    tpu.barrier barrier_id(%barrier3A_17)
    %mul3A_18 = arith.constant 128 : i32
    %mul3A_19 = arith.muli %arg0, %mul3A_18 : i32
    %lt3A_20 = arith.constant 15 : i32
    %lt3A_21 = arith.cmpi slt, %arg1, %lt3A_20 : i32
    %convert_element_type3A_22 = arith.extui %lt3A_21 : i1 to i32
    %cond3A_23 = arith.constant 0 : i32
    %cond3A_24 = arith.cmpi ne, %convert_element_type3A_22, %cond3A_23 : i32
    scf.if %cond3A_24 {
      "tpu.region"() ({
        %run_scoped3A = tpu.sem_alloc : memref<!tpu.dma_semaphore, #tpu.memory_space<semaphore_mem>>
        %dma_start3A = tpu.memref_slice %arg6[%mul3A_0, %mul3A_19] : memref<10000x256xf32, #tpu.memory_space<hbm>> -> memref<624x128xf32, #tpu.memory_space<hbm>>
        %dma_start3A_30 = arith.constant 0 : i32
        %dma_start3A_31 = tpu.memref_slice %arg11[%mul3A_0, %dma_start3A_30] : memref<10016x128xf32, #tpu.memory_space<vmem_shared>> -> memref<624x128xf32, #tpu.memory_space<vmem_shared>>
        tpu.enqueue_dma source(%dma_start3A_31 : memref<624x128xf32, #tpu.memory_space<vmem_shared>>) target(%dma_start3A : memref<624x128xf32, #tpu.memory_space<hbm>>) target_semaphore(%run_scoped3A : memref<!tpu.dma_semaphore, #tpu.memory_space<semaphore_mem>>)
        %dma_wait3A = tpu.memref_slice %arg6[%mul3A_0, %mul3A_19] : memref<10000x256xf32, #tpu.memory_space<hbm>> -> memref<624x128xf32, #tpu.memory_space<hbm>>
        %dma_wait3A_32 = arith.constant 0 : i32
        %dma_wait3A_33 = tpu.memref_slice %arg11[%mul3A_0, %dma_wait3A_32] : memref<10016x128xf32, #tpu.memory_space<vmem_shared>> -> memref<624x128xf32, #tpu.memory_space<vmem_shared>>
        tpu.wait_dma2 semaphore(%run_scoped3A : memref<!tpu.dma_semaphore, #tpu.memory_space<semaphore_mem>>) src(%dma_wait3A_33 : memref<624x128xf32, #tpu.memory_space<vmem_shared>>) dst(%dma_wait3A : memref<624x128xf32, #tpu.memory_space<hbm>>)
        tpu.yield
      }) : () -> ()
    } else {
    }
    %eq3A_25 = arith.constant 15 : i32
    %eq3A_26 = arith.cmpi eq, %arg1, %eq3A_25 : i32
    %convert_element_type3A_27 = arith.extui %eq3A_26 : i1 to i32
    %cond3A_28 = arith.constant 0 : i32
    %cond3A_29 = arith.cmpi ne, %convert_element_type3A_27, %cond3A_28 : i32
    scf.if %cond3A_29 {
      "tpu.region"() ({
        %run_scoped3A = tpu.sem_alloc : memref<!tpu.dma_semaphore, #tpu.memory_space<semaphore_mem>>
        %dma_start3A = tpu.memref_slice %arg6[%mul3A_0, %mul3A_19] : memref<10000x256xf32, #tpu.memory_space<hbm>> -> memref<640x128xf32, #tpu.memory_space<hbm>>
        %dma_start3A_30 = arith.constant 0 : i32
        %dma_start3A_31 = tpu.memref_slice %arg11[%mul3A_0, %dma_start3A_30] : memref<10016x128xf32, #tpu.memory_space<vmem_shared>> -> memref<640x128xf32, #tpu.memory_space<vmem_shared>>
        tpu.enqueue_dma source(%dma_start3A_31 : memref<640x128xf32, #tpu.memory_space<vmem_shared>>) target(%dma_start3A : memref<640x128xf32, #tpu.memory_space<hbm>>) target_semaphore(%run_scoped3A : memref<!tpu.dma_semaphore, #tpu.memory_space<semaphore_mem>>)
        %dma_wait3A = tpu.memref_slice %arg6[%mul3A_0, %mul3A_19] : memref<10000x256xf32, #tpu.memory_space<hbm>> -> memref<640x128xf32, #tpu.memory_space<hbm>>
        %dma_wait3A_32 = arith.constant 0 : i32
        %dma_wait3A_33 = tpu.memref_slice %arg11[%mul3A_0, %dma_wait3A_32] : memref<10016x128xf32, #tpu.memory_space<vmem_shared>> -> memref<640x128xf32, #tpu.memory_space<vmem_shared>>
        tpu.wait_dma2 semaphore(%run_scoped3A : memref<!tpu.dma_semaphore, #tpu.memory_space<semaphore_mem>>) src(%dma_wait3A_33 : memref<640x128xf32, #tpu.memory_space<vmem_shared>>) dst(%dma_wait3A : memref<640x128xf32, #tpu.memory_space<hbm>>)
        tpu.yield
      }) : () -> ()
    } else {
    }
    return
  }
}

module attributes {stable_mosaic.version = 14 : i64} {
  func.func @_wfull_body(%arg0: i32, %arg1: memref<1x1x4xf32, #tpu.memory_space<vmem>>, %arg2: memref<4x256x256xf32, #tpu.memory_space<vmem>>, %arg3: memref<1x256x256xf32, #tpu.memory_space<vmem>>) attributes {dimension_semantics = [#tpu.dimension_semantics<arbitrary>], iteration_bounds = array<i64: 8>, scalar_prefetch = 0 : i64, scratch_operands = 0 : i64, tpu.core_type = #tpu.core_type<tc>, window_params = [{transform_indices = @transform_0, window_bounds = array<i64: 1, 1, 4>}, {pipeline_mode = #tpu.pipeline_mode<synchronous>, transform_indices = @transform_1, window_bounds = array<i64: 4, 256, 256>}, {transform_indices = @transform_2, window_bounds = array<i64: 1, 256, 256>}]} {
    %broadcast_in_dim3A = arith.constant 0.000000e+00 : f32
    %broadcast_in_dim3A_0 = vector.broadcast %broadcast_in_dim3A : f32 to vector<256x256xf32>
    %get3A = arith.constant 0 : index
    %get3A_1 = arith.constant 0 : index
    %get3A_2 = arith.constant 0 : index
    %get3A_3 = vector.load %arg1[%get3A, %get3A_1, %get3A_2] : memref<1x1x4xf32, #tpu.memory_space<vmem>>, vector<1x1x1xf32>
    %get3A_4 = vector.extract %get3A_3[0, 0, 0] : f32 from vector<1x1x1xf32>
    %get3A_5 = arith.constant 0 : index
    %get3A_6 = arith.constant 0 : index
    %get3A_7 = arith.constant 0 : index
    %get3A_8 = vector.load %arg2[%get3A_5, %get3A_6, %get3A_7] : memref<4x256x256xf32, #tpu.memory_space<vmem>>, vector<1x256x256xf32>
    %get3A_9 = vector.shape_cast %get3A_8 : vector<1x256x256xf32> to vector<256x256xf32>
    %mul3A = vector.broadcast %get3A_4 : f32 to vector<256x256xf32>
    %mul3A_10 = arith.mulf %mul3A, %get3A_9 : vector<256x256xf32>
    %add3A = arith.addf %broadcast_in_dim3A_0, %mul3A_10 : vector<256x256xf32>
    %get3A_11 = arith.constant 0 : index
    %get3A_12 = arith.constant 0 : index
    %get3A_13 = arith.constant 1 : index
    %get3A_14 = vector.load %arg1[%get3A_11, %get3A_12, %get3A_13] : memref<1x1x4xf32, #tpu.memory_space<vmem>>, vector<1x1x1xf32>
    %get3A_15 = vector.extract %get3A_14[0, 0, 0] : f32 from vector<1x1x1xf32>
    %get3A_16 = arith.constant 1 : index
    %get3A_17 = arith.constant 0 : index
    %get3A_18 = arith.constant 0 : index
    %get3A_19 = vector.load %arg2[%get3A_16, %get3A_17, %get3A_18] : memref<4x256x256xf32, #tpu.memory_space<vmem>>, vector<1x256x256xf32>
    %get3A_20 = vector.shape_cast %get3A_19 : vector<1x256x256xf32> to vector<256x256xf32>
    %mul3A_21 = vector.broadcast %get3A_15 : f32 to vector<256x256xf32>
    %mul3A_22 = arith.mulf %mul3A_21, %get3A_20 : vector<256x256xf32>
    %add3A_23 = arith.addf %add3A, %mul3A_22 : vector<256x256xf32>
    %get3A_24 = arith.constant 0 : index
    %get3A_25 = arith.constant 0 : index
    %get3A_26 = arith.constant 2 : index
    %get3A_27 = vector.load %arg1[%get3A_24, %get3A_25, %get3A_26] : memref<1x1x4xf32, #tpu.memory_space<vmem>>, vector<1x1x1xf32>
    %get3A_28 = vector.extract %get3A_27[0, 0, 0] : f32 from vector<1x1x1xf32>
    %get3A_29 = arith.constant 2 : index
    %get3A_30 = arith.constant 0 : index
    %get3A_31 = arith.constant 0 : index
    %get3A_32 = vector.load %arg2[%get3A_29, %get3A_30, %get3A_31] : memref<4x256x256xf32, #tpu.memory_space<vmem>>, vector<1x256x256xf32>
    %get3A_33 = vector.shape_cast %get3A_32 : vector<1x256x256xf32> to vector<256x256xf32>
    %mul3A_34 = vector.broadcast %get3A_28 : f32 to vector<256x256xf32>
    %mul3A_35 = arith.mulf %mul3A_34, %get3A_33 : vector<256x256xf32>
    %add3A_36 = arith.addf %add3A_23, %mul3A_35 : vector<256x256xf32>
    %get3A_37 = arith.constant 0 : index
    %get3A_38 = arith.constant 0 : index
    %get3A_39 = arith.constant 3 : index
    %get3A_40 = vector.load %arg1[%get3A_37, %get3A_38, %get3A_39] : memref<1x1x4xf32, #tpu.memory_space<vmem>>, vector<1x1x1xf32>
    %get3A_41 = vector.extract %get3A_40[0, 0, 0] : f32 from vector<1x1x1xf32>
    %get3A_42 = arith.constant 3 : index
    %get3A_43 = arith.constant 0 : index
    %get3A_44 = arith.constant 0 : index
    %get3A_45 = vector.load %arg2[%get3A_42, %get3A_43, %get3A_44] : memref<4x256x256xf32, #tpu.memory_space<vmem>>, vector<1x256x256xf32>
    %get3A_46 = vector.shape_cast %get3A_45 : vector<1x256x256xf32> to vector<256x256xf32>
    %mul3A_47 = vector.broadcast %get3A_41 : f32 to vector<256x256xf32>
    %mul3A_48 = arith.mulf %mul3A_47, %get3A_46 : vector<256x256xf32>
    %add3A_49 = arith.addf %add3A_36, %mul3A_48 : vector<256x256xf32>
    %swap3A = arith.constant 0 : index
    %swap3A_50 = arith.constant 0 : index
    %swap3A_51 = arith.constant 0 : index
    %swap3A_52 = vector.load %arg3[%swap3A, %swap3A_50, %swap3A_51] : memref<1x256x256xf32, #tpu.memory_space<vmem>>, vector<1x256x256xf32>
    %swap3A_53 = vector.shape_cast %swap3A_52 : vector<1x256x256xf32> to vector<256x256xf32>
    %swap3A_54 = vector.shape_cast %add3A_49 : vector<256x256xf32> to vector<1x256x256xf32>
    tpu.vector_store %arg3[%swap3A, %swap3A_50, %swap3A_51], %swap3A_54 {strides = array<i32>} : memref<1x256x256xf32, #tpu.memory_space<vmem>>, vector<1x256x256xf32>,
    return
  }
  func.func @transform_0(%arg0: i32) -> (i32, i32, i32) {
    %c0_i32 = arith.constant 0 : i32
    %c0_i32_0 = arith.constant 0 : i32
    %c0_i32_1 = arith.constant 0 : i32
    return %arg0, %c0_i32, %c0_i32_0 : i32, i32, i32
  }
  func.func @transform_1(%arg0: i32) -> (i32, i32, i32) {
    %c0_i32 = arith.constant 0 : i32
    %c0_i32_0 = arith.constant 0 : i32
    %c0_i32_1 = arith.constant 0 : i32
    %c0_i32_2 = arith.constant 0 : i32
    return %c0_i32, %c0_i32_0, %c0_i32_1 : i32, i32, i32
  }
  func.func @transform_2(%arg0: i32) -> (i32, i32, i32) {
    %c0_i32 = arith.constant 0 : i32
    %c0_i32_0 = arith.constant 0 : i32
    %c0_i32_1 = arith.constant 0 : i32
    return %arg0, %c0_i32, %c0_i32_0 : i32, i32, i32
  }
}

module attributes {stable_mosaic.version = 14 : i64} {
  func.func @_hw_body(%arg0: i32, %arg1: i32, %arg2: memref<1000x256xf32, #tpu.memory_space<vmem>>, %arg3: memref<1x256x256xf32, #tpu.memory_space<vmem>>, %arg4: memref<1x1000x128xf32, #tpu.memory_space<vmem>>, %arg5: memref<1x1000x128xf32, #tpu.memory_space<vmem>>) attributes {dimension_semantics = [#tpu.dimension_semantics<arbitrary>, #tpu.dimension_semantics<arbitrary>], iteration_bounds = array<i64: 10, 8>, scalar_prefetch = 0 : i64, scratch_operands = 0 : i64, tpu.core_type = #tpu.core_type<tc>, window_params = [{transform_indices = @transform_0, window_bounds = array<i64: 1000, 256>}, {transform_indices = @transform_1, window_bounds = array<i64: 1, 256, 256>}, {transform_indices = @transform_2, window_bounds = array<i64: 1, 1000, 128>}, {transform_indices = @transform_3, window_bounds = array<i64: 1, 1000, 128>}]} {
    %get3A = arith.constant 0 : index
    %get3A_0 = arith.constant 0 : index
    %get3A_1 = vector.load %arg2[%get3A, %get3A_0] : memref<1000x256xf32, #tpu.memory_space<vmem>>, vector<1000x256xf32>
    %get3A_2 = arith.constant 0 : index
    %get3A_3 = arith.constant 0 : index
    %get3A_4 = arith.constant 0 : index
    %get3A_5 = vector.load %arg3[%get3A_2, %get3A_3, %get3A_4] : memref<1x256x256xf32, #tpu.memory_space<vmem>>, vector<1x256x256xf32>
    %get3A_6 = vector.shape_cast %get3A_5 : vector<1x256x256xf32> to vector<256x256xf32>
    %dot_general3A = arith.constant dense<0.000000e+00> : vector<1000x256xf32>
    %dot_general3A_7 = tpu.matmul %get3A_1, %get3A_6, %dot_general3A {dimension_numbers = #tpu.dot_dimension_numbers<[1], [0], [0], [1], [0, 0, 1, 1], [], []>, transpose_lhs_hint = false} : vector<1000x256xf32>, vector<256x256xf32>, vector<1000x256xf32> -> vector<1000x256xf32>
    %slice3A = vector.extract_strided_slice %dot_general3A_7 {offsets = [0, 0], sizes = [1000, 128], strides = [1, 1]} : vector<1000x256xf32> to vector<1000x128xf32>
    %swap3A = arith.constant 0 : index
    %swap3A_8 = arith.constant 0 : index
    %swap3A_9 = arith.constant 0 : index
    %swap3A_10 = vector.load %arg4[%swap3A, %swap3A_8, %swap3A_9] : memref<1x1000x128xf32, #tpu.memory_space<vmem>>, vector<1x1000x128xf32>
    %swap3A_11 = vector.shape_cast %swap3A_10 : vector<1x1000x128xf32> to vector<1000x128xf32>
    %swap3A_12 = vector.shape_cast %slice3A : vector<1000x128xf32> to vector<1x1000x128xf32>
    tpu.vector_store %arg4[%swap3A, %swap3A_8, %swap3A_9], %swap3A_12 {strides = array<i32>} : memref<1x1000x128xf32, #tpu.memory_space<vmem>>, vector<1x1000x128xf32>,
    %slice3A_13 = vector.extract_strided_slice %dot_general3A_7 {offsets = [0, 128], sizes = [1000, 128], strides = [1, 1]} : vector<1000x256xf32> to vector<1000x128xf32>
    %swap3A_14 = arith.constant 0 : index
    %swap3A_15 = arith.constant 0 : index
    %swap3A_16 = arith.constant 0 : index
    %swap3A_17 = vector.load %arg5[%swap3A_14, %swap3A_15, %swap3A_16] : memref<1x1000x128xf32, #tpu.memory_space<vmem>>, vector<1x1000x128xf32>
    %swap3A_18 = vector.shape_cast %swap3A_17 : vector<1x1000x128xf32> to vector<1000x128xf32>
    %swap3A_19 = vector.shape_cast %slice3A_13 : vector<1000x128xf32> to vector<1x1000x128xf32>
    tpu.vector_store %arg5[%swap3A_14, %swap3A_15, %swap3A_16], %swap3A_19 {strides = array<i32>} : memref<1x1000x128xf32, #tpu.memory_space<vmem>>, vector<1x1000x128xf32>,
    return
  }
  func.func @transform_0(%arg0: i32, %arg1: i32) -> (i32, i32) {
    %c0_i32 = arith.constant 0 : i32
    %c0_i32_0 = arith.constant 0 : i32
    return %arg0, %c0_i32 : i32, i32
  }
  func.func @transform_1(%arg0: i32, %arg1: i32) -> (i32, i32, i32) {
    %c0_i32 = arith.constant 0 : i32
    %c0_i32_0 = arith.constant 0 : i32
    %c0_i32_1 = arith.constant 0 : i32
    return %arg1, %c0_i32, %c0_i32_0 : i32, i32, i32
  }
  func.func @transform_2(%arg0: i32, %arg1: i32) -> (i32, i32, i32) {
    %c0_i32 = arith.constant 0 : i32
    %c0_i32_0 = arith.constant 0 : i32
    return %arg1, %arg0, %c0_i32 : i32, i32, i32
  }
  func.func @transform_3(%arg0: i32, %arg1: i32) -> (i32, i32, i32) {
    %c0_i32 = arith.constant 0 : i32
    %c0_i32_0 = arith.constant 0 : i32
    return %arg1, %arg0, %c0_i32 : i32, i32, i32
  }
}

module attributes {stable_mosaic.version = 14 : i64} {
  func.func @_bn_mm_stats_body(%arg0: i32, %arg1: memref<1000x256xf32, #tpu.memory_space<vmem>>, %arg2: memref<8x256xf32, #tpu.memory_space<vmem>>, %arg3: memref<1x256xf32, #tpu.memory_space<vmem>>, %arg4: memref<1x256xf32, #tpu.memory_space<vmem>>, %arg5: memref<256x256xf32, #tpu.memory_space<vmem>>, %arg6: memref<1000x256xf32, #tpu.memory_space<vmem>>, %arg7: memref<8x256xf32, #tpu.memory_space<vmem>>) attributes {dimension_semantics = [#tpu.dimension_semantics<arbitrary>], iteration_bounds = array<i64: 10>, scalar_prefetch = 0 : i64, scratch_operands = 0 : i64, tpu.core_type = #tpu.core_type<tc>, window_params = [{transform_indices = @transform_0, window_bounds = array<i64: 1000, 256>}, {pipeline_mode = #tpu.pipeline_mode<synchronous>, transform_indices = @transform_1, window_bounds = array<i64: 8, 256>}, {pipeline_mode = #tpu.pipeline_mode<synchronous>, transform_indices = @transform_2, window_bounds = array<i64: 1, 256>}, {pipeline_mode = #tpu.pipeline_mode<synchronous>, transform_indices = @transform_3, window_bounds = array<i64: 1, 256>}, {pipeline_mode = #tpu.pipeline_mode<synchronous>, transform_indices = @transform_4, window_bounds = array<i64: 256, 256>}, {transform_indices = @transform_5, window_bounds = array<i64: 1000, 256>}, {pipeline_mode = #tpu.pipeline_mode<synchronous>, transform_indices = @transform_6, window_bounds = array<i64: 8, 256>}]} {
    %get3A = arith.constant 0 : index
    %get3A_0 = arith.constant 0 : index
    %get3A_1 = vector.load %arg2[%get3A, %get3A_0] : memref<8x256xf32, #tpu.memory_space<vmem>>, vector<1x256xf32>
    %mul3A = arith.constant 9.99999974E-5 : f32
    %mul3A_2 = vector.broadcast %mul3A : f32 to vector<1x256xf32>
    %mul3A_3 = arith.mulf %get3A_1, %mul3A_2 : vector<1x256xf32>
    %get3A_4 = arith.constant 1 : index
    %get3A_5 = arith.constant 0 : index
    %get3A_6 = vector.load %arg2[%get3A_4, %get3A_5] : memref<8x256xf32, #tpu.memory_space<vmem>>, vector<1x256xf32>
    %mul3A_7 = arith.constant 9.99999974E-5 : f32
    %mul3A_8 = vector.broadcast %mul3A_7 : f32 to vector<1x256xf32>
    %mul3A_9 = arith.mulf %get3A_6, %mul3A_8 : vector<1x256xf32>
    %mul3A_10 = arith.mulf %mul3A_3, %mul3A_3 : vector<1x256xf32>
    %sub3A = arith.subf %mul3A_9, %mul3A_10 : vector<1x256xf32>
    %get3A_11 = arith.constant 0 : index
    %get3A_12 = arith.constant 0 : index
    %get3A_13 = vector.load %arg3[%get3A_11, %get3A_12] : memref<1x256xf32, #tpu.memory_space<vmem>>, vector<1x256xf32>
    %add3A = arith.constant 9.99999974E-6 : f32
    %add3A_14 = vector.broadcast %add3A : f32 to vector<1x256xf32>
    %add3A_15 = arith.addf %sub3A, %add3A_14 : vector<1x256xf32>
    %rsqrt3A = math.rsqrt %add3A_15 : vector<1x256xf32>
    %mul3A_16 = arith.mulf %get3A_13, %rsqrt3A : vector<1x256xf32>
    %get3A_17 = arith.constant 0 : index
    %get3A_18 = arith.constant 0 : index
    %get3A_19 = vector.load %arg1[%get3A_17, %get3A_18] : memref<1000x256xf32, #tpu.memory_space<vmem>>, vector<1000x256xf32>
    %sub3A_20 = vector.broadcast %mul3A_3 : vector<1x256xf32> to vector<1000x256xf32>
    %sub3A_21 = arith.subf %get3A_19, %sub3A_20 : vector<1000x256xf32>
    %mul3A_22 = vector.broadcast %mul3A_16 : vector<1x256xf32> to vector<1000x256xf32>
    %mul3A_23 = arith.mulf %sub3A_21, %mul3A_22 : vector<1000x256xf32>
    %get3A_24 = arith.constant 0 : index
    %get3A_25 = arith.constant 0 : index
    %get3A_26 = vector.load %arg4[%get3A_24, %get3A_25] : memref<1x256xf32, #tpu.memory_space<vmem>>, vector<1x256xf32>
    %add3A_27 = vector.broadcast %get3A_26 : vector<1x256xf32> to vector<1000x256xf32>
    %add3A_28 = arith.addf %mul3A_23, %add3A_27 : vector<1000x256xf32>
    %max3A = arith.constant 0.000000e+00 : f32
    %max3A_29 = vector.broadcast %max3A : f32 to vector<1000x256xf32>
    %max3A_30 = arith.maximumf %add3A_28, %max3A_29 : vector<1000x256xf32>
    %get3A_31 = arith.constant 0 : index
    %get3A_32 = arith.constant 0 : index
    %get3A_33 = vector.load %arg5[%get3A_31, %get3A_32] : memref<256x256xf32, #tpu.memory_space<vmem>>, vector<256x256xf32>
    %dot_general3A = arith.constant dense<0.000000e+00> : vector<1000x256xf32>
    %dot_general3A_34 = tpu.matmul %max3A_30, %get3A_33, %dot_general3A {dimension_numbers = #tpu.dot_dimension_numbers<[1], [0], [0], [1], [0, 0, 1, 1], [], []>, transpose_lhs_hint = false} : vector<1000x256xf32>, vector<256x256xf32>, vector<1000x256xf32> -> vector<1000x256xf32>
    %swap3A = arith.constant 0 : index
    %swap3A_35 = arith.constant 0 : index
    %swap3A_36 = vector.load %arg6[%swap3A, %swap3A_35] : memref<1000x256xf32, #tpu.memory_space<vmem>>, vector<1000x256xf32>
    tpu.vector_store %arg6[%swap3A, %swap3A_35], %dot_general3A_34 {strides = array<i32>} : memref<1000x256xf32, #tpu.memory_space<vmem>>, vector<1000x256xf32>,
    %reduce_sum3A = arith.constant dense<0.000000e+00> : vector<256xf32>
    %reduce_sum3A_37 = vector.multi_reduction <add>, %dot_general3A_34, %reduce_sum3A [0] : vector<1000x256xf32> to vector<256xf32>
    %broadcast_in_dim3A = vector.shape_cast %reduce_sum3A_37 : vector<256xf32> to vector<1x256xf32>
    %mul3A_38 = arith.mulf %dot_general3A_34, %dot_general3A_34 : vector<1000x256xf32>
    %reduce_sum3A_39 = arith.constant dense<0.000000e+00> : vector<256xf32>
    %reduce_sum3A_40 = vector.multi_reduction <add>, %mul3A_38, %reduce_sum3A_39 [0] : vector<1000x256xf32> to vector<256xf32>
    %broadcast_in_dim3A_41 = vector.shape_cast %reduce_sum3A_40 : vector<256xf32> to vector<1x256xf32>
    %broadcast_in_dim3A_42 = arith.constant 0.000000e+00 : f32
    %broadcast_in_dim3A_43 = vector.broadcast %broadcast_in_dim3A_42 : f32 to vector<6x256xf32>
    %concatenate3A = tpu.concatenate %broadcast_in_dim3A, %broadcast_in_dim3A_41, %broadcast_in_dim3A_43 in 0 : vector<1x256xf32>, vector<1x256xf32>, vector<6x256xf32> -> vector<8x256xf32>
    %eq3A = arith.constant 0 : i32
    %eq3A_44 = arith.cmpi eq, %arg0, %eq3A : i32
    %convert_element_type3A = arith.extui %eq3A_44 : i1 to i32
    %cond3A = arith.constant 0 : i32
    %cond3A_45 = arith.cmpi ne, %convert_element_type3A, %cond3A : i32
    scf.if %cond3A_45 {
      %broadcast_in_dim3A_53 = arith.constant 0.000000e+00 : f32
      %broadcast_in_dim3A_54 = vector.broadcast %broadcast_in_dim3A_53 : f32 to vector<8x256xf32>
      %swap3A_55 = arith.constant 0 : index
      %swap3A_56 = arith.constant 0 : index
      %swap3A_57 = vector.load %arg7[%swap3A_55, %swap3A_56] : memref<8x256xf32, #tpu.memory_space<vmem>>, vector<8x256xf32>
      tpu.vector_store %arg7[%swap3A_55, %swap3A_56], %broadcast_in_dim3A_54 {strides = array<i32>} : memref<8x256xf32, #tpu.memory_space<vmem>>, vector<8x256xf32>,
    } else {
    }
    %get3A_46 = arith.constant 0 : index
    %get3A_47 = arith.constant 0 : index
    %get3A_48 = vector.load %arg7[%get3A_46, %get3A_47] : memref<8x256xf32, #tpu.memory_space<vmem>>, vector<8x256xf32>
    %add3A_49 = arith.addf %get3A_48, %concatenate3A : vector<8x256xf32>
    %swap3A_50 = arith.constant 0 : index
    %swap3A_51 = arith.constant 0 : index
    %swap3A_52 = vector.load %arg7[%swap3A_50, %swap3A_51] : memref<8x256xf32, #tpu.memory_space<vmem>>, vector<8x256xf32>
    tpu.vector_store %arg7[%swap3A_50, %swap3A_51], %add3A_49 {strides = array<i32>} : memref<8x256xf32, #tpu.memory_space<vmem>>, vector<8x256xf32>,
    return
  }
  func.func @transform_0(%arg0: i32) -> (i32, i32) {
    %c0_i32 = arith.constant 0 : i32
    %c0_i32_0 = arith.constant 0 : i32
    return %arg0, %c0_i32 : i32, i32
  }
  func.func @transform_1(%arg0: i32) -> (i32, i32) {
    %c0_i32 = arith.constant 0 : i32
    %c0_i32_0 = arith.constant 0 : i32
    %c0_i32_1 = arith.constant 0 : i32
    return %c0_i32, %c0_i32_0 : i32, i32
  }
  func.func @transform_2(%arg0: i32) -> (i32, i32) {
    %c0_i32 = arith.constant 0 : i32
    %c0_i32_0 = arith.constant 0 : i32
    %c0_i32_1 = arith.constant 0 : i32
    return %c0_i32, %c0_i32_0 : i32, i32
  }
  func.func @transform_3(%arg0: i32) -> (i32, i32) {
    %c0_i32 = arith.constant 0 : i32
    %c0_i32_0 = arith.constant 0 : i32
    %c0_i32_1 = arith.constant 0 : i32
    return %c0_i32, %c0_i32_0 : i32, i32
  }
  func.func @transform_4(%arg0: i32) -> (i32, i32) {
    %c0_i32 = arith.constant 0 : i32
    %c0_i32_0 = arith.constant 0 : i32
    %c0_i32_1 = arith.constant 0 : i32
    return %c0_i32, %c0_i32_0 : i32, i32
  }
  func.func @transform_5(%arg0: i32) -> (i32, i32) {
    %c0_i32 = arith.constant 0 : i32
    %c0_i32_0 = arith.constant 0 : i32
    return %arg0, %c0_i32 : i32, i32
  }
  func.func @transform_6(%arg0: i32) -> (i32, i32) {
    %c0_i32 = arith.constant 0 : i32
    %c0_i32_0 = arith.constant 0 : i32
    %c0_i32_1 = arith.constant 0 : i32
    return %c0_i32, %c0_i32_0 : i32, i32
  }
}

module attributes {stable_mosaic.version = 14 : i64} {
  func.func @_mlp1_body(%arg0: i32, %arg1: memref<1000x256xf32, #tpu.memory_space<vmem>>, %arg2: memref<1000x256xf32, #tpu.memory_space<vmem>>, %arg3: memref<256x256xf32, #tpu.memory_space<vmem>>, %arg4: memref<1000x256xf32, #tpu.memory_space<vmem>>, %arg5: memref<8x256xf32, #tpu.memory_space<vmem>>) attributes {dimension_semantics = [#tpu.dimension_semantics<arbitrary>], iteration_bounds = array<i64: 10>, scalar_prefetch = 0 : i64, scratch_operands = 0 : i64, tpu.core_type = #tpu.core_type<tc>, window_params = [{transform_indices = @transform_0, window_bounds = array<i64: 1000, 256>}, {transform_indices = @transform_1, window_bounds = array<i64: 1000, 256>}, {pipeline_mode = #tpu.pipeline_mode<synchronous>, transform_indices = @transform_2, window_bounds = array<i64: 256, 256>}, {transform_indices = @transform_3, window_bounds = array<i64: 1000, 256>}, {pipeline_mode = #tpu.pipeline_mode<synchronous>, transform_indices = @transform_4, window_bounds = array<i64: 8, 256>}]} {
    %get3A = arith.constant 0 : index
    %get3A_0 = arith.constant 0 : index
    %get3A_1 = vector.load %arg1[%get3A, %get3A_0] : memref<1000x256xf32, #tpu.memory_space<vmem>>, vector<1000x256xf32>
    %get3A_2 = arith.constant 0 : index
    %get3A_3 = arith.constant 0 : index
    %get3A_4 = vector.load %arg2[%get3A_2, %get3A_3] : memref<1000x256xf32, #tpu.memory_space<vmem>>, vector<1000x256xf32>
    %add3A = arith.addf %get3A_1, %get3A_4 : vector<1000x256xf32>
    %get3A_5 = arith.constant 0 : index
    %get3A_6 = arith.constant 0 : index
    %get3A_7 = vector.load %arg3[%get3A_5, %get3A_6] : memref<256x256xf32, #tpu.memory_space<vmem>>, vector<256x256xf32>
    %dot_general3A = arith.constant dense<0.000000e+00> : vector<1000x256xf32>
    %dot_general3A_8 = tpu.matmul %add3A, %get3A_7, %dot_general3A {dimension_numbers = #tpu.dot_dimension_numbers<[1], [0], [0], [1], [0, 0, 1, 1], [], []>, transpose_lhs_hint = false} : vector<1000x256xf32>, vector<256x256xf32>, vector<1000x256xf32> -> vector<1000x256xf32>
    %swap3A = arith.constant 0 : index
    %swap3A_9 = arith.constant 0 : index
    %swap3A_10 = vector.load %arg4[%swap3A, %swap3A_9] : memref<1000x256xf32, #tpu.memory_space<vmem>>, vector<1000x256xf32>
    tpu.vector_store %arg4[%swap3A, %swap3A_9], %dot_general3A_8 {strides = array<i32>} : memref<1000x256xf32, #tpu.memory_space<vmem>>, vector<1000x256xf32>,
    %reduce_sum3A = arith.constant dense<0.000000e+00> : vector<256xf32>
    %reduce_sum3A_11 = vector.multi_reduction <add>, %dot_general3A_8, %reduce_sum3A [0] : vector<1000x256xf32> to vector<256xf32>
    %broadcast_in_dim3A = vector.shape_cast %reduce_sum3A_11 : vector<256xf32> to vector<1x256xf32>
    %mul3A = arith.mulf %dot_general3A_8, %dot_general3A_8 : vector<1000x256xf32>
    %reduce_sum3A_12 = arith.constant dense<0.000000e+00> : vector<256xf32>
    %reduce_sum3A_13 = vector.multi_reduction <add>, %mul3A, %reduce_sum3A_12 [0] : vector<1000x256xf32> to vector<256xf32>
    %broadcast_in_dim3A_14 = vector.shape_cast %reduce_sum3A_13 : vector<256xf32> to vector<1x256xf32>
    %broadcast_in_dim3A_15 = arith.constant 0.000000e+00 : f32
    %broadcast_in_dim3A_16 = vector.broadcast %broadcast_in_dim3A_15 : f32 to vector<6x256xf32>
    %concatenate3A = tpu.concatenate %broadcast_in_dim3A, %broadcast_in_dim3A_14, %broadcast_in_dim3A_16 in 0 : vector<1x256xf32>, vector<1x256xf32>, vector<6x256xf32> -> vector<8x256xf32>
    %eq3A = arith.constant 0 : i32
    %eq3A_17 = arith.cmpi eq, %arg0, %eq3A : i32
    %convert_element_type3A = arith.extui %eq3A_17 : i1 to i32
    %cond3A = arith.constant 0 : i32
    %cond3A_18 = arith.cmpi ne, %convert_element_type3A, %cond3A : i32
    scf.if %cond3A_18 {
      %broadcast_in_dim3A_26 = arith.constant 0.000000e+00 : f32
      %broadcast_in_dim3A_27 = vector.broadcast %broadcast_in_dim3A_26 : f32 to vector<8x256xf32>
      %swap3A_28 = arith.constant 0 : index
      %swap3A_29 = arith.constant 0 : index
      %swap3A_30 = vector.load %arg5[%swap3A_28, %swap3A_29] : memref<8x256xf32, #tpu.memory_space<vmem>>, vector<8x256xf32>
      tpu.vector_store %arg5[%swap3A_28, %swap3A_29], %broadcast_in_dim3A_27 {strides = array<i32>} : memref<8x256xf32, #tpu.memory_space<vmem>>, vector<8x256xf32>,
    } else {
    }
    %get3A_19 = arith.constant 0 : index
    %get3A_20 = arith.constant 0 : index
    %get3A_21 = vector.load %arg5[%get3A_19, %get3A_20] : memref<8x256xf32, #tpu.memory_space<vmem>>, vector<8x256xf32>
    %add3A_22 = arith.addf %get3A_21, %concatenate3A : vector<8x256xf32>
    %swap3A_23 = arith.constant 0 : index
    %swap3A_24 = arith.constant 0 : index
    %swap3A_25 = vector.load %arg5[%swap3A_23, %swap3A_24] : memref<8x256xf32, #tpu.memory_space<vmem>>, vector<8x256xf32>
    tpu.vector_store %arg5[%swap3A_23, %swap3A_24], %add3A_22 {strides = array<i32>} : memref<8x256xf32, #tpu.memory_space<vmem>>, vector<8x256xf32>,
    return
  }
  func.func @transform_0(%arg0: i32) -> (i32, i32) {
    %c0_i32 = arith.constant 0 : i32
    %c0_i32_0 = arith.constant 0 : i32
    return %arg0, %c0_i32 : i32, i32
  }
  func.func @transform_1(%arg0: i32) -> (i32, i32) {
    %c0_i32 = arith.constant 0 : i32
    %c0_i32_0 = arith.constant 0 : i32
    return %arg0, %c0_i32 : i32, i32
  }
  func.func @transform_2(%arg0: i32) -> (i32, i32) {
    %c0_i32 = arith.constant 0 : i32
    %c0_i32_0 = arith.constant 0 : i32
    %c0_i32_1 = arith.constant 0 : i32
    return %c0_i32, %c0_i32_0 : i32, i32
  }
  func.func @transform_3(%arg0: i32) -> (i32, i32) {
    %c0_i32 = arith.constant 0 : i32
    %c0_i32_0 = arith.constant 0 : i32
    return %arg0, %c0_i32 : i32, i32
  }
  func.func @transform_4(%arg0: i32) -> (i32, i32) {
    %c0_i32 = arith.constant 0 : i32
    %c0_i32_0 = arith.constant 0 : i32
    %c0_i32_1 = arith.constant 0 : i32
    return %c0_i32, %c0_i32_0 : i32, i32
  }
}

module attributes {stable_mosaic.version = 14 : i64} {
  func.func @_bn_final_body(%arg0: i32, %arg1: memref<1000x256xf32, #tpu.memory_space<vmem>>, %arg2: memref<8x256xf32, #tpu.memory_space<vmem>>, %arg3: memref<1x256xf32, #tpu.memory_space<vmem>>, %arg4: memref<1x256xf32, #tpu.memory_space<vmem>>, %arg5: memref<1000x256xf32, #tpu.memory_space<vmem>>, %arg6: memref<8x256xf32, #tpu.memory_space<vmem>>) attributes {dimension_semantics = [#tpu.dimension_semantics<arbitrary>], iteration_bounds = array<i64: 10>, scalar_prefetch = 0 : i64, scratch_operands = 0 : i64, tpu.core_type = #tpu.core_type<tc>, window_params = [{transform_indices = @transform_0, window_bounds = array<i64: 1000, 256>}, {pipeline_mode = #tpu.pipeline_mode<synchronous>, transform_indices = @transform_1, window_bounds = array<i64: 8, 256>}, {pipeline_mode = #tpu.pipeline_mode<synchronous>, transform_indices = @transform_2, window_bounds = array<i64: 1, 256>}, {pipeline_mode = #tpu.pipeline_mode<synchronous>, transform_indices = @transform_3, window_bounds = array<i64: 1, 256>}, {transform_indices = @transform_4, window_bounds = array<i64: 1000, 256>}, {pipeline_mode = #tpu.pipeline_mode<synchronous>, transform_indices = @transform_5, window_bounds = array<i64: 8, 256>}]} {
    %get3A = arith.constant 0 : index
    %get3A_0 = arith.constant 0 : index
    %get3A_1 = vector.load %arg2[%get3A, %get3A_0] : memref<8x256xf32, #tpu.memory_space<vmem>>, vector<1x256xf32>
    %mul3A = arith.constant 9.99999974E-5 : f32
    %mul3A_2 = vector.broadcast %mul3A : f32 to vector<1x256xf32>
    %mul3A_3 = arith.mulf %get3A_1, %mul3A_2 : vector<1x256xf32>
    %get3A_4 = arith.constant 1 : index
    %get3A_5 = arith.constant 0 : index
    %get3A_6 = vector.load %arg2[%get3A_4, %get3A_5] : memref<8x256xf32, #tpu.memory_space<vmem>>, vector<1x256xf32>
    %mul3A_7 = arith.constant 9.99999974E-5 : f32
    %mul3A_8 = vector.broadcast %mul3A_7 : f32 to vector<1x256xf32>
    %mul3A_9 = arith.mulf %get3A_6, %mul3A_8 : vector<1x256xf32>
    %mul3A_10 = arith.mulf %mul3A_3, %mul3A_3 : vector<1x256xf32>
    %sub3A = arith.subf %mul3A_9, %mul3A_10 : vector<1x256xf32>
    %get3A_11 = arith.constant 0 : index
    %get3A_12 = arith.constant 0 : index
    %get3A_13 = vector.load %arg3[%get3A_11, %get3A_12] : memref<1x256xf32, #tpu.memory_space<vmem>>, vector<1x256xf32>
    %add3A = arith.constant 9.99999974E-6 : f32
    %add3A_14 = vector.broadcast %add3A : f32 to vector<1x256xf32>
    %add3A_15 = arith.addf %sub3A, %add3A_14 : vector<1x256xf32>
    %rsqrt3A = math.rsqrt %add3A_15 : vector<1x256xf32>
    %mul3A_16 = arith.mulf %get3A_13, %rsqrt3A : vector<1x256xf32>
    %get3A_17 = arith.constant 0 : index
    %get3A_18 = arith.constant 0 : index
    %get3A_19 = vector.load %arg1[%get3A_17, %get3A_18] : memref<1000x256xf32, #tpu.memory_space<vmem>>, vector<1000x256xf32>
    %sub3A_20 = vector.broadcast %mul3A_3 : vector<1x256xf32> to vector<1000x256xf32>
    %sub3A_21 = arith.subf %get3A_19, %sub3A_20 : vector<1000x256xf32>
    %mul3A_22 = vector.broadcast %mul3A_16 : vector<1x256xf32> to vector<1000x256xf32>
    %mul3A_23 = arith.mulf %sub3A_21, %mul3A_22 : vector<1000x256xf32>
    %get3A_24 = arith.constant 0 : index
    %get3A_25 = arith.constant 0 : index
    %get3A_26 = vector.load %arg4[%get3A_24, %get3A_25] : memref<1x256xf32, #tpu.memory_space<vmem>>, vector<1x256xf32>
    %add3A_27 = vector.broadcast %get3A_26 : vector<1x256xf32> to vector<1000x256xf32>
    %add3A_28 = arith.addf %mul3A_23, %add3A_27 : vector<1000x256xf32>
    %max3A = arith.constant 0.000000e+00 : f32
    %max3A_29 = vector.broadcast %max3A : f32 to vector<1000x256xf32>
    %max3A_30 = arith.maximumf %add3A_28, %max3A_29 : vector<1000x256xf32>
    %swap3A = arith.constant 0 : index
    %swap3A_31 = arith.constant 0 : index
    %swap3A_32 = vector.load %arg5[%swap3A, %swap3A_31] : memref<1000x256xf32, #tpu.memory_space<vmem>>, vector<1000x256xf32>
    tpu.vector_store %arg5[%swap3A, %swap3A_31], %max3A_30 {strides = array<i32>} : memref<1000x256xf32, #tpu.memory_space<vmem>>, vector<1000x256xf32>,
    %reduce_sum3A = arith.constant dense<0.000000e+00> : vector<256xf32>
    %reduce_sum3A_33 = vector.multi_reduction <add>, %max3A_30, %reduce_sum3A [0] : vector<1000x256xf32> to vector<256xf32>
    %broadcast_in_dim3A = vector.shape_cast %reduce_sum3A_33 : vector<256xf32> to vector<1x256xf32>
    %broadcast_in_dim3A_34 = arith.constant 0.000000e+00 : f32
    %broadcast_in_dim3A_35 = vector.broadcast %broadcast_in_dim3A_34 : f32 to vector<7x256xf32>
    %concatenate3A = tpu.concatenate %broadcast_in_dim3A, %broadcast_in_dim3A_35 in 0 : vector<1x256xf32>, vector<7x256xf32> -> vector<8x256xf32>
    %eq3A = arith.constant 0 : i32
    %eq3A_36 = arith.cmpi eq, %arg0, %eq3A : i32
    %convert_element_type3A = arith.extui %eq3A_36 : i1 to i32
    %cond3A = arith.constant 0 : i32
    %cond3A_37 = arith.cmpi ne, %convert_element_type3A, %cond3A : i32
    scf.if %cond3A_37 {
      %broadcast_in_dim3A_45 = arith.constant 0.000000e+00 : f32
      %broadcast_in_dim3A_46 = vector.broadcast %broadcast_in_dim3A_45 : f32 to vector<8x256xf32>
      %swap3A_47 = arith.constant 0 : index
      %swap3A_48 = arith.constant 0 : index
      %swap3A_49 = vector.load %arg6[%swap3A_47, %swap3A_48] : memref<8x256xf32, #tpu.memory_space<vmem>>, vector<8x256xf32>
      tpu.vector_store %arg6[%swap3A_47, %swap3A_48], %broadcast_in_dim3A_46 {strides = array<i32>} : memref<8x256xf32, #tpu.memory_space<vmem>>, vector<8x256xf32>,
    } else {
    }
    %get3A_38 = arith.constant 0 : index
    %get3A_39 = arith.constant 0 : index
    %get3A_40 = vector.load %arg6[%get3A_38, %get3A_39] : memref<8x256xf32, #tpu.memory_space<vmem>>, vector<8x256xf32>
    %add3A_41 = arith.addf %get3A_40, %concatenate3A : vector<8x256xf32>
    %swap3A_42 = arith.constant 0 : index
    %swap3A_43 = arith.constant 0 : index
    %swap3A_44 = vector.load %arg6[%swap3A_42, %swap3A_43] : memref<8x256xf32, #tpu.memory_space<vmem>>, vector<8x256xf32>
    tpu.vector_store %arg6[%swap3A_42, %swap3A_43], %add3A_41 {strides = array<i32>} : memref<8x256xf32, #tpu.memory_space<vmem>>, vector<8x256xf32>,
    return
  }
  func.func @transform_0(%arg0: i32) -> (i32, i32) {
    %c0_i32 = arith.constant 0 : i32
    %c0_i32_0 = arith.constant 0 : i32
    return %arg0, %c0_i32 : i32, i32
  }
  func.func @transform_1(%arg0: i32) -> (i32, i32) {
    %c0_i32 = arith.constant 0 : i32
    %c0_i32_0 = arith.constant 0 : i32
    %c0_i32_1 = arith.constant 0 : i32
    return %c0_i32, %c0_i32_0 : i32, i32
  }
  func.func @transform_2(%arg0: i32) -> (i32, i32) {
    %c0_i32 = arith.constant 0 : i32
    %c0_i32_0 = arith.constant 0 : i32
    %c0_i32_1 = arith.constant 0 : i32
    return %c0_i32, %c0_i32_0 : i32, i32
  }
  func.func @transform_3(%arg0: i32) -> (i32, i32) {
    %c0_i32 = arith.constant 0 : i32
    %c0_i32_0 = arith.constant 0 : i32
    %c0_i32_1 = arith.constant 0 : i32
    return %c0_i32, %c0_i32_0 : i32, i32
  }
  func.func @transform_4(%arg0: i32) -> (i32, i32) {
    %c0_i32 = arith.constant 0 : i32
    %c0_i32_0 = arith.constant 0 : i32
    return %arg0, %c0_i32 : i32, i32
  }
  func.func @transform_5(%arg0: i32) -> (i32, i32) {
    %c0_i32 = arith.constant 0 : i32
    %c0_i32_0 = arith.constant 0 : i32
    %c0_i32_1 = arith.constant 0 : i32
    return %c0_i32, %c0_i32_0 : i32, i32
  }
}

module attributes {stable_mosaic.version = 14 : i64} {
  func.func @_pool_body(%arg0: i32, %arg1: memref<1000x256xf32, #tpu.memory_space<vmem>>, %arg2: memref<8x256xf32, #tpu.memory_space<vmem>>) attributes {dimension_semantics = [#tpu.dimension_semantics<arbitrary>], iteration_bounds = array<i64: 10>, scalar_prefetch = 0 : i64, scratch_operands = 0 : i64, tpu.core_type = #tpu.core_type<tc>, window_params = [{transform_indices = @transform_0, window_bounds = array<i64: 1000, 256>}, {pipeline_mode = #tpu.pipeline_mode<synchronous>, transform_indices = @transform_1, window_bounds = array<i64: 8, 256>}]} {
    %get3A = arith.constant 0 : index
    %get3A_0 = arith.constant 0 : index
    %get3A_1 = vector.load %arg1[%get3A, %get3A_0] : memref<1000x256xf32, #tpu.memory_space<vmem>>, vector<1000x256xf32>
    %reduce_sum3A = arith.constant dense<0.000000e+00> : vector<256xf32>
    %reduce_sum3A_2 = vector.multi_reduction <add>, %get3A_1, %reduce_sum3A [0] : vector<1000x256xf32> to vector<256xf32>
    %broadcast_in_dim3A = vector.shape_cast %reduce_sum3A_2 : vector<256xf32> to vector<1x256xf32>
    %broadcast_in_dim3A_3 = arith.constant 0.000000e+00 : f32
    %broadcast_in_dim3A_4 = vector.broadcast %broadcast_in_dim3A_3 : f32 to vector<7x256xf32>
    %concatenate3A = tpu.concatenate %broadcast_in_dim3A, %broadcast_in_dim3A_4 in 0 : vector<1x256xf32>, vector<7x256xf32> -> vector<8x256xf32>
    %eq3A = arith.constant 0 : i32
    %eq3A_5 = arith.cmpi eq, %arg0, %eq3A : i32
    %convert_element_type3A = arith.extui %eq3A_5 : i1 to i32
    %cond3A = arith.constant 0 : i32
    %cond3A_6 = arith.cmpi ne, %convert_element_type3A, %cond3A : i32
    scf.if %cond3A_6 {
      %broadcast_in_dim3A_12 = arith.constant 0.000000e+00 : f32
      %broadcast_in_dim3A_13 = vector.broadcast %broadcast_in_dim3A_12 : f32 to vector<8x256xf32>
      %swap3A_14 = arith.constant 0 : index
      %swap3A_15 = arith.constant 0 : index
      %swap3A_16 = vector.load %arg2[%swap3A_14, %swap3A_15] : memref<8x256xf32, #tpu.memory_space<vmem>>, vector<8x256xf32>
      tpu.vector_store %arg2[%swap3A_14, %swap3A_15], %broadcast_in_dim3A_13 {strides = array<i32>} : memref<8x256xf32, #tpu.memory_space<vmem>>, vector<8x256xf32>,
    } else {
    }
    %get3A_7 = arith.constant 0 : index
    %get3A_8 = arith.constant 0 : index
    %get3A_9 = vector.load %arg2[%get3A_7, %get3A_8] : memref<8x256xf32, #tpu.memory_space<vmem>>, vector<8x256xf32>
    %add3A = arith.addf %get3A_9, %concatenate3A : vector<8x256xf32>
    %swap3A = arith.constant 0 : index
    %swap3A_10 = arith.constant 0 : index
    %swap3A_11 = vector.load %arg2[%swap3A, %swap3A_10] : memref<8x256xf32, #tpu.memory_space<vmem>>, vector<8x256xf32>
    tpu.vector_store %arg2[%swap3A, %swap3A_10], %add3A {strides = array<i32>} : memref<8x256xf32, #tpu.memory_space<vmem>>, vector<8x256xf32>,
    return
  }
  func.func @transform_0(%arg0: i32) -> (i32, i32) {
    %c0_i32 = arith.constant 0 : i32
    %c0_i32_0 = arith.constant 0 : i32
    return %arg0, %c0_i32 : i32, i32
  }
  func.func @transform_1(%arg0: i32) -> (i32, i32) {
    %c0_i32 = arith.constant 0 : i32
    %c0_i32_0 = arith.constant 0 : i32
    %c0_i32_1 = arith.constant 0 : i32
    return %c0_i32, %c0_i32_0 : i32, i32
  }
}

module attributes {stable_mosaic.version = 14 : i64} {
  func.func @_bn_final_body(%arg0: i32, %arg1: memref<1000x256xf32, #tpu.memory_space<vmem>>, %arg2: memref<8x256xf32, #tpu.memory_space<vmem>>, %arg3: memref<1x256xf32, #tpu.memory_space<vmem>>, %arg4: memref<1x256xf32, #tpu.memory_space<vmem>>, %arg5: memref<1000x256xf32, #tpu.memory_space<vmem>>, %arg6: memref<8x256xf32, #tpu.memory_space<vmem>>) attributes {dimension_semantics = [#tpu.dimension_semantics<arbitrary>], iteration_bounds = array<i64: 10>, scalar_prefetch = 0 : i64, scratch_operands = 0 : i64, tpu.core_type = #tpu.core_type<tc>, window_params = [{transform_indices = @transform_0, window_bounds = array<i64: 1000, 256>}, {pipeline_mode = #tpu.pipeline_mode<synchronous>, transform_indices = @transform_1, window_bounds = array<i64: 8, 256>}, {pipeline_mode = #tpu.pipeline_mode<synchronous>, transform_indices = @transform_2, window_bounds = array<i64: 1, 256>}, {pipeline_mode = #tpu.pipeline_mode<synchronous>, transform_indices = @transform_3, window_bounds = array<i64: 1, 256>}, {transform_indices = @transform_4, window_bounds = array<i64: 1000, 256>}, {pipeline_mode = #tpu.pipeline_mode<synchronous>, transform_indices = @transform_5, window_bounds = array<i64: 8, 256>}]} {
    %get3A = arith.constant 0 : index
    %get3A_0 = arith.constant 0 : index
    %get3A_1 = vector.load %arg2[%get3A, %get3A_0] : memref<8x256xf32, #tpu.memory_space<vmem>>, vector<1x256xf32>
    %mul3A = arith.constant 9.99999974E-5 : f32
    %mul3A_2 = vector.broadcast %mul3A : f32 to vector<1x256xf32>
    %mul3A_3 = arith.mulf %get3A_1, %mul3A_2 : vector<1x256xf32>
    %get3A_4 = arith.constant 1 : index
    %get3A_5 = arith.constant 0 : index
    %get3A_6 = vector.load %arg2[%get3A_4, %get3A_5] : memref<8x256xf32, #tpu.memory_space<vmem>>, vector<1x256xf32>
    %mul3A_7 = arith.constant 9.99999974E-5 : f32
    %mul3A_8 = vector.broadcast %mul3A_7 : f32 to vector<1x256xf32>
    %mul3A_9 = arith.mulf %get3A_6, %mul3A_8 : vector<1x256xf32>
    %mul3A_10 = arith.mulf %mul3A_3, %mul3A_3 : vector<1x256xf32>
    %sub3A = arith.subf %mul3A_9, %mul3A_10 : vector<1x256xf32>
    %get3A_11 = arith.constant 0 : index
    %get3A_12 = arith.constant 0 : index
    %get3A_13 = vector.load %arg3[%get3A_11, %get3A_12] : memref<1x256xf32, #tpu.memory_space<vmem>>, vector<1x256xf32>
    %add3A = arith.constant 9.99999974E-6 : f32
    %add3A_14 = vector.broadcast %add3A : f32 to vector<1x256xf32>
    %add3A_15 = arith.addf %sub3A, %add3A_14 : vector<1x256xf32>
    %rsqrt3A = math.rsqrt %add3A_15 : vector<1x256xf32>
    %mul3A_16 = arith.mulf %get3A_13, %rsqrt3A : vector<1x256xf32>
    %get3A_17 = arith.constant 0 : index
    %get3A_18 = arith.constant 0 : index
    %get3A_19 = vector.load %arg1[%get3A_17, %get3A_18] : memref<1000x256xf32, #tpu.memory_space<vmem>>, vector<1000x256xf32>
    %sub3A_20 = vector.broadcast %mul3A_3 : vector<1x256xf32> to vector<1000x256xf32>
    %sub3A_21 = arith.subf %get3A_19, %sub3A_20 : vector<1000x256xf32>
    %mul3A_22 = vector.broadcast %mul3A_16 : vector<1x256xf32> to vector<1000x256xf32>
    %mul3A_23 = arith.mulf %sub3A_21, %mul3A_22 : vector<1000x256xf32>
    %get3A_24 = arith.constant 0 : index
    %get3A_25 = arith.constant 0 : index
    %get3A_26 = vector.load %arg4[%get3A_24, %get3A_25] : memref<1x256xf32, #tpu.memory_space<vmem>>, vector<1x256xf32>
    %add3A_27 = vector.broadcast %get3A_26 : vector<1x256xf32> to vector<1000x256xf32>
    %add3A_28 = arith.addf %mul3A_23, %add3A_27 : vector<1000x256xf32>
    %max3A = arith.constant 0.000000e+00 : f32
    %max3A_29 = vector.broadcast %max3A : f32 to vector<1000x256xf32>
    %max3A_30 = arith.maximumf %add3A_28, %max3A_29 : vector<1000x256xf32>
    %swap3A = arith.constant 0 : index
    %swap3A_31 = arith.constant 0 : index
    %swap3A_32 = vector.load %arg5[%swap3A, %swap3A_31] : memref<1000x256xf32, #tpu.memory_space<vmem>>, vector<1000x256xf32>
    tpu.vector_store %arg5[%swap3A, %swap3A_31], %max3A_30 {strides = array<i32>} : memref<1000x256xf32, #tpu.memory_space<vmem>>, vector<1000x256xf32>,
    %reduce_sum3A = arith.constant dense<0.000000e+00> : vector<256xf32>
    %reduce_sum3A_33 = vector.multi_reduction <add>, %max3A_30, %reduce_sum3A [0] : vector<1000x256xf32> to vector<256xf32>
    %broadcast_in_dim3A = vector.shape_cast %reduce_sum3A_33 : vector<256xf32> to vector<1x256xf32>
    %broadcast_in_dim3A_34 = arith.constant 0.000000e+00 : f32
    %broadcast_in_dim3A_35 = vector.broadcast %broadcast_in_dim3A_34 : f32 to vector<7x256xf32>
    %concatenate3A = tpu.concatenate %broadcast_in_dim3A, %broadcast_in_dim3A_35 in 0 : vector<1x256xf32>, vector<7x256xf32> -> vector<8x256xf32>
    %eq3A = arith.constant 0 : i32
    %eq3A_36 = arith.cmpi eq, %arg0, %eq3A : i32
    %convert_element_type3A = arith.extui %eq3A_36 : i1 to i32
    %cond3A = arith.constant 0 : i32
    %cond3A_37 = arith.cmpi ne, %convert_element_type3A, %cond3A : i32
    scf.if %cond3A_37 {
      %broadcast_in_dim3A_45 = arith.constant 0.000000e+00 : f32
      %broadcast_in_dim3A_46 = vector.broadcast %broadcast_in_dim3A_45 : f32 to vector<8x256xf32>
      %swap3A_47 = arith.constant 0 : index
      %swap3A_48 = arith.constant 0 : index
      %swap3A_49 = vector.load %arg6[%swap3A_47, %swap3A_48] : memref<8x256xf32, #tpu.memory_space<vmem>>, vector<8x256xf32>
      tpu.vector_store %arg6[%swap3A_47, %swap3A_48], %broadcast_in_dim3A_46 {strides = array<i32>} : memref<8x256xf32, #tpu.memory_space<vmem>>, vector<8x256xf32>,
    } else {
    }
    %get3A_38 = arith.constant 0 : index
    %get3A_39 = arith.constant 0 : index
    %get3A_40 = vector.load %arg6[%get3A_38, %get3A_39] : memref<8x256xf32, #tpu.memory_space<vmem>>, vector<8x256xf32>
    %add3A_41 = arith.addf %get3A_40, %concatenate3A : vector<8x256xf32>
    %swap3A_42 = arith.constant 0 : index
    %swap3A_43 = arith.constant 0 : index
    %swap3A_44 = vector.load %arg6[%swap3A_42, %swap3A_43] : memref<8x256xf32, #tpu.memory_space<vmem>>, vector<8x256xf32>
    tpu.vector_store %arg6[%swap3A_42, %swap3A_43], %add3A_41 {strides = array<i32>} : memref<8x256xf32, #tpu.memory_space<vmem>>, vector<8x256xf32>,
    return
  }
  func.func @transform_0(%arg0: i32) -> (i32, i32) {
    %c0_i32 = arith.constant 0 : i32
    %c0_i32_0 = arith.constant 0 : i32
    return %arg0, %c0_i32 : i32, i32
  }
  func.func @transform_1(%arg0: i32) -> (i32, i32) {
    %c0_i32 = arith.constant 0 : i32
    %c0_i32_0 = arith.constant 0 : i32
    %c0_i32_1 = arith.constant 0 : i32
    return %c0_i32, %c0_i32_0 : i32, i32
  }
  func.func @transform_2(%arg0: i32) -> (i32, i32) {
    %c0_i32 = arith.constant 0 : i32
    %c0_i32_0 = arith.constant 0 : i32
    %c0_i32_1 = arith.constant 0 : i32
    return %c0_i32, %c0_i32_0 : i32, i32
  }
  func.func @transform_3(%arg0: i32) -> (i32, i32) {
    %c0_i32 = arith.constant 0 : i32
    %c0_i32_0 = arith.constant 0 : i32
    %c0_i32_1 = arith.constant 0 : i32
    return %c0_i32, %c0_i32_0 : i32, i32
  }
  func.func @transform_4(%arg0: i32) -> (i32, i32) {
    %c0_i32 = arith.constant 0 : i32
    %c0_i32_0 = arith.constant 0 : i32
    return %arg0, %c0_i32 : i32, i32
  }
  func.func @transform_5(%arg0: i32) -> (i32, i32) {
    %c0_i32 = arith.constant 0 : i32
    %c0_i32_0 = arith.constant 0 : i32
    %c0_i32_1 = arith.constant 0 : i32
    return %c0_i32, %c0_i32_0 : i32, i32
  }
}

module attributes {stable_mosaic.version = 14 : i64} {
  func.func @_final_body(%arg0: i32, %arg1: memref<8x256xf32, #tpu.memory_space<vmem>>, %arg2: memref<5x256x128xf32, #tpu.memory_space<vmem>>, %arg3: memref<5x1x128xf32, #tpu.memory_space<vmem>>, %arg4: memref<1x128xf32, #tpu.memory_space<vmem>>) attributes {dimension_semantics = [#tpu.dimension_semantics<arbitrary>], iteration_bounds = array<i64: 1>, scalar_prefetch = 0 : i64, scratch_operands = 0 : i64, tpu.core_type = #tpu.core_type<tc>, window_params = [{pipeline_mode = #tpu.pipeline_mode<synchronous>, transform_indices = @transform_0, window_bounds = array<i64: 8, 256>}, {pipeline_mode = #tpu.pipeline_mode<synchronous>, transform_indices = @transform_1, window_bounds = array<i64: 5, 256, 128>}, {pipeline_mode = #tpu.pipeline_mode<synchronous>, transform_indices = @transform_2, window_bounds = array<i64: 5, 1, 128>}, {pipeline_mode = #tpu.pipeline_mode<synchronous>, transform_indices = @transform_3, window_bounds = array<i64: 1, 128>}]} {
    %broadcast_in_dim3A = arith.constant 0.000000e+00 : f32
    %broadcast_in_dim3A_0 = vector.broadcast %broadcast_in_dim3A : f32 to vector<1x128xf32>
    %get3A = arith.constant 0 : index
    %get3A_1 = arith.constant 0 : index
    %get3A_2 = vector.load %arg1[%get3A, %get3A_1] : memref<8x256xf32, #tpu.memory_space<vmem>>, vector<1x256xf32>
    %get3A_3 = arith.constant 0 : index
    %get3A_4 = arith.constant 0 : index
    %get3A_5 = arith.constant 0 : index
    %get3A_6 = vector.load %arg2[%get3A_3, %get3A_4, %get3A_5] : memref<5x256x128xf32, #tpu.memory_space<vmem>>, vector<1x256x128xf32>
    %get3A_7 = vector.shape_cast %get3A_6 : vector<1x256x128xf32> to vector<256x128xf32>
    %dot_general3A = arith.constant dense<0.000000e+00> : vector<1x128xf32>
    %dot_general3A_8 = tpu.matmul %get3A_2, %get3A_7, %dot_general3A {dimension_numbers = #tpu.dot_dimension_numbers<[1], [0], [0], [1], [0, 0, 1, 1], [], []>, transpose_lhs_hint = false} : vector<1x256xf32>, vector<256x128xf32>, vector<1x128xf32> -> vector<1x128xf32>
    %add3A = arith.addf %broadcast_in_dim3A_0, %dot_general3A_8 : vector<1x128xf32>
    %get3A_9 = arith.constant 1 : index
    %get3A_10 = arith.constant 0 : index
    %get3A_11 = vector.load %arg1[%get3A_9, %get3A_10] : memref<8x256xf32, #tpu.memory_space<vmem>>, vector<1x256xf32>
    %get3A_12 = arith.constant 1 : index
    %get3A_13 = arith.constant 0 : index
    %get3A_14 = arith.constant 0 : index
    %get3A_15 = vector.load %arg2[%get3A_12, %get3A_13, %get3A_14] : memref<5x256x128xf32, #tpu.memory_space<vmem>>, vector<1x256x128xf32>
    %get3A_16 = vector.shape_cast %get3A_15 : vector<1x256x128xf32> to vector<256x128xf32>
    %dot_general3A_17 = arith.constant dense<0.000000e+00> : vector<1x128xf32>
    %dot_general3A_18 = tpu.matmul %get3A_11, %get3A_16, %dot_general3A_17 {dimension_numbers = #tpu.dot_dimension_numbers<[1], [0], [0], [1], [0, 0, 1, 1], [], []>, transpose_lhs_hint = false} : vector<1x256xf32>, vector<256x128xf32>, vector<1x128xf32> -> vector<1x128xf32>
    %add3A_19 = arith.addf %add3A, %dot_general3A_18 : vector<1x128xf32>
    %get3A_20 = arith.constant 2 : index
    %get3A_21 = arith.constant 0 : index
    %get3A_22 = vector.load %arg1[%get3A_20, %get3A_21] : memref<8x256xf32, #tpu.memory_space<vmem>>, vector<1x256xf32>
    %get3A_23 = arith.constant 2 : index
    %get3A_24 = arith.constant 0 : index
    %get3A_25 = arith.constant 0 : index
    %get3A_26 = vector.load %arg2[%get3A_23, %get3A_24, %get3A_25] : memref<5x256x128xf32, #tpu.memory_space<vmem>>, vector<1x256x128xf32>
    %get3A_27 = vector.shape_cast %get3A_26 : vector<1x256x128xf32> to vector<256x128xf32>
    %dot_general3A_28 = arith.constant dense<0.000000e+00> : vector<1x128xf32>
    %dot_general3A_29 = tpu.matmul %get3A_22, %get3A_27, %dot_general3A_28 {dimension_numbers = #tpu.dot_dimension_numbers<[1], [0], [0], [1], [0, 0, 1, 1], [], []>, transpose_lhs_hint = false} : vector<1x256xf32>, vector<256x128xf32>, vector<1x128xf32> -> vector<1x128xf32>
    %add3A_30 = arith.addf %add3A_19, %dot_general3A_29 : vector<1x128xf32>
    %get3A_31 = arith.constant 3 : index
    %get3A_32 = arith.constant 0 : index
    %get3A_33 = vector.load %arg1[%get3A_31, %get3A_32] : memref<8x256xf32, #tpu.memory_space<vmem>>, vector<1x256xf32>
    %get3A_34 = arith.constant 3 : index
    %get3A_35 = arith.constant 0 : index
    %get3A_36 = arith.constant 0 : index
    %get3A_37 = vector.load %arg2[%get3A_34, %get3A_35, %get3A_36] : memref<5x256x128xf32, #tpu.memory_space<vmem>>, vector<1x256x128xf32>
    %get3A_38 = vector.shape_cast %get3A_37 : vector<1x256x128xf32> to vector<256x128xf32>
    %dot_general3A_39 = arith.constant dense<0.000000e+00> : vector<1x128xf32>
    %dot_general3A_40 = tpu.matmul %get3A_33, %get3A_38, %dot_general3A_39 {dimension_numbers = #tpu.dot_dimension_numbers<[1], [0], [0], [1], [0, 0, 1, 1], [], []>, transpose_lhs_hint = false} : vector<1x256xf32>, vector<256x128xf32>, vector<1x128xf32> -> vector<1x128xf32>
    %add3A_41 = arith.addf %add3A_30, %dot_general3A_40 : vector<1x128xf32>
    %get3A_42 = arith.constant 4 : index
    %get3A_43 = arith.constant 0 : index
    %get3A_44 = vector.load %arg1[%get3A_42, %get3A_43] : memref<8x256xf32, #tpu.memory_space<vmem>>, vector<1x256xf32>
    %get3A_45 = arith.constant 4 : index
    %get3A_46 = arith.constant 0 : index
    %get3A_47 = arith.constant 0 : index
    %get3A_48 = vector.load %arg2[%get3A_45, %get3A_46, %get3A_47] : memref<5x256x128xf32, #tpu.memory_space<vmem>>, vector<1x256x128xf32>
    %get3A_49 = vector.shape_cast %get3A_48 : vector<1x256x128xf32> to vector<256x128xf32>
    %dot_general3A_50 = arith.constant dense<0.000000e+00> : vector<1x128xf32>
    %dot_general3A_51 = tpu.matmul %get3A_44, %get3A_49, %dot_general3A_50 {dimension_numbers = #tpu.dot_dimension_numbers<[1], [0], [0], [1], [0, 0, 1, 1], [], []>, transpose_lhs_hint = false} : vector<1x256xf32>, vector<256x128xf32>, vector<1x128xf32> -> vector<1x128xf32>
    %add3A_52 = arith.addf %add3A_41, %dot_general3A_51 : vector<1x128xf32>
    %get3A_53 = arith.constant 0 : index
    %get3A_54 = arith.constant 0 : index
    %get3A_55 = arith.constant 0 : index
    %get3A_56 = vector.load %arg3[%get3A_53, %get3A_54, %get3A_55] : memref<5x1x128xf32, #tpu.memory_space<vmem>>, vector<5x1x128xf32>
    %get3A_57 = vector.shape_cast %get3A_56 : vector<5x1x128xf32> to vector<5x128xf32>
    %reduce_sum3A = arith.constant dense<0.000000e+00> : vector<128xf32>
    %reduce_sum3A_58 = vector.multi_reduction <add>, %get3A_57, %reduce_sum3A [0] : vector<5x128xf32> to vector<128xf32>
    %broadcast_in_dim3A_59 = vector.shape_cast %reduce_sum3A_58 : vector<128xf32> to vector<1x128xf32>
    %add3A_60 = arith.addf %add3A_52, %broadcast_in_dim3A_59 : vector<1x128xf32>
    %swap3A = arith.constant 0 : index
    %swap3A_61 = arith.constant 0 : index
    %swap3A_62 = vector.load %arg4[%swap3A, %swap3A_61] : memref<1x128xf32, #tpu.memory_space<vmem>>, vector<1x128xf32>
    tpu.vector_store %arg4[%swap3A, %swap3A_61], %add3A_60 {strides = array<i32>} : memref<1x128xf32, #tpu.memory_space<vmem>>, vector<1x128xf32>,
    return
  }
  func.func @transform_0(%arg0: i32) -> (i32, i32) {
    %c0_i32 = arith.constant 0 : i32
    %c0_i32_0 = arith.constant 0 : i32
    %c0_i32_1 = arith.constant 0 : i32
    return %c0_i32, %c0_i32_0 : i32, i32
  }
  func.func @transform_1(%arg0: i32) -> (i32, i32, i32) {
    %c0_i32 = arith.constant 0 : i32
    %c0_i32_0 = arith.constant 0 : i32
    %c0_i32_1 = arith.constant 0 : i32
    %c0_i32_2 = arith.constant 0 : i32
    return %c0_i32, %c0_i32_0, %c0_i32_1 : i32, i32, i32
  }
  func.func @transform_2(%arg0: i32) -> (i32, i32, i32) {
    %c0_i32 = arith.constant 0 : i32
    %c0_i32_0 = arith.constant 0 : i32
    %c0_i32_1 = arith.constant 0 : i32
    %c0_i32_2 = arith.constant 0 : i32
    return %c0_i32, %c0_i32_0, %c0_i32_1 : i32, i32, i32
  }
  func.func @transform_3(%arg0: i32) -> (i32, i32) {
    %c0_i32 = arith.constant 0 : i32
    %c0_i32_0 = arith.constant 0 : i32
    %c0_i32_1 = arith.constant 0 : i32
    return %c0_i32, %c0_i32_0 : i32, i32
  }
}

</mosaic_0001>

<sc_bundles>
// kernel: kernel.28.cloned.1.call-start
scs
__scs_entry_jumppad:
0x0: {  	(pc) =	sbr.rel $0x88, $3  }
0x1: {  	(tag) =	ssettag $0x0;
	lr =	simm.s32 $0x1  }
0x2: {  	[smem:$0x3F94] =	sst lr;
	_ =	strace $0xD0000000  }
0x3: {  	_ = 	snop  }
0x4: {  	_ = 	snop  }
0x5: {  	_ = 	snop  }
0x6: {  	_ = 	snop  }
0x7: {  	_ = 	snop  }
__scs_overlays_trampoline_lowered:
0x8: {  	[smem:$0x3FA3] =	sst s0  }
0x9: {  	[smem:$0x3FA4] =	sst s1  }
0xa: {  	[smem:$0x3FA5] =	sst s2  }
0xb: {  	[smem:$0x3FA6] =	sst s3  }
0xc: {  	[smem:$0x3FA7] =	sst s4  }
0xd: {  	[smem:$0x3FA8] =	sst s5  }
0xe: {  	[smem:$0x3FA9] =	sst s6  }
0xf: {  	[smem:$0x3FAA] =	sst s7  }
0x10: {  	[smem:$0x3FAB] =	sst s8  }
0x11: {  	[smem:$0x3FAC] =	sst s9;
	s0 =	simm.s32 @!p0 $0x0  }
0x12: {  	s1 =	sld [smem:$0x3F92];
	s0 =	simm.s32 @p0 $0x1  }
0x13: {  	[smem:$0x3FAD] =	sst s0;
	s0 =	simm.s32 @!p1 $0x0  }
0x14: {  	s2 =	sld [smem:$0x3F91];
	s0 =	simm.s32 @p1 $0x1  }
0x15: {  	[smem:$0x3FAE] =	sst s0;
	s0 =	simm.s32 @!p2 $0x0  }
0x16: {  	s3 =	sld [smem:$0x3FDB];
	s0 =	simm.s32 @p2 $0x1  }
0x17: {  	s4 =	simm.s32 $0x1BF5;
	[smem:$0x3FB0] =	sst s0  }
0x18: {  	s0 =	sld [smem:$0x3F93];
	_ =	swait.ge [sflag:s4], $0x0  }
0x19: {  	s7 =	sld [smem:$0x3F94]  }
0x1a: {  	s8 =	sadd.s32 $0xFFFFE003, lr  }
0x1b: {  	s9 =	sadd.s32 $0xFFFFFEF7, lr;
	s5 =	simm.s32 $0xFFFFFFFF;
	p2 =	slt.u32 s8, $0xFFFFF086  }
0x1c: {  	p1 =	slt.u32 s9, $0xF7A;
	s5 =	simm.s32 @!p2 $0x0  }
0x1d: {  	s5 =	simm.s32 @p1 $0x1;
	p0 =	seq.s32 s7, s2  }
0x1e: {  	s7 =	smul.u32 @!p0 $0xF7A, s2;
	p2 =	seq.s32 @!p0 s5, $0x0  }
0x1f: {  	s9 =	smul.u32 $0xF7A, s1;
	s8 =	simm.s32 @!p0 $0x1BF5;
	p2 =	por !p2, p0  }
0x20: {  	[sflag:s8] =	ssyncset.s32 @!p0 $0xFFFFF086;
	s6 =	sadd.s32 @!p0 s3, s7;
	s7 =	simm.s32 @!p0 $0x108  }
0x21: {  	s3 =	sadd.s32 s3, s9;
	s6 =	sadd.s32 @!p0 $0x88, s6;
	s7 =	simm.s32 @p2 $0x1082  }
0x22: {  	[simem:s7], [sflag:s8] =	dma.local @!p0 [hbm:s6], $0xF7A  }
0x23: {  	s9 =	sor.u32 $0xD0000000, s2;
	s6 =	simm.s32 $0x108;
	_ =	swait.ge @!p0 [sflag:s8], $0x0  }
0x24: {  	s3 =	sadd.s32 $0x88, s3;
	s6 =	simm.s32 @!p1 $0x1082;
	[sflag:s4] =	ssyncset.s32 $0xFFFFF086  }
0x25: {  	[simem:s6], [sflag:s4] =	dma.local [hbm:s3], $0xF7A  }
0x26: {  	[smem:$0x3F94] =	sst s1;
	(tag) =	ssettag s2;
	_ =	strace s9  }
0x27: {  	s1 =	sld [smem:$0x3FA4]  }
0x28: {  	s2 =	sld [smem:$0x3FA5]  }
0x29: {  	s4 =	sld [smem:$0x3FA7]  }
0x2a: {  	p0 =	seq.s32 s5, $0x0;
	s5 =	sld [smem:$0x3FA8]  }
0x2b: {  	s6 =	sld [smem:$0x3FA9]  }
0x2c: {  	s7 =	sld [smem:$0x3FAA]  }
0x2d: {  	s3 =	simm.s32 $0x108;
	s8 =	sld [smem:$0x3FAB]  }
0x2e: {  	s3 =	simm.s32 @!p0 $0x1082;
	s9 =	sld [smem:$0x3FAC]  }
0x2f: {  	lr =	sadd.s32 s0, s3;
	s0 =	sld [smem:$0x3FA3]  }
0x30: {  	s3 =	sld [smem:$0x3FA6]  }
0x31: {  	[smem:$0x3FAF] =	sst s10  }
0x32: {  	s10 =	sld [smem:$0x3FAD];
	_ =	sdelay $0x3  }
0x33: {  	p0 =	seq.s32 s10, $0x1;
	s10 =	sld [smem:$0x3FAF];
	_ =	sdelay $0x3  }
0x34: {  	[smem:$0x3FAF] =	sst s10  }
0x35: {  	s10 =	sld [smem:$0x3FAE];
	_ =	sdelay $0x3  }
0x36: {  	p1 =	seq.s32 s10, $0x1;
	s10 =	sld [smem:$0x3FAF];
	_ =	sdelay $0x3  }
0x37: {  	[smem:$0x3FAF] =	sst s10  }
0x38: {  	s10 =	sld [smem:$0x3FB0]  }
0x39: {  	_ = 	snop;
	(pc) =	sbr.ind lr, $3  }
0x3a: {  	_ = 	snop  }
0x3b: {  	_ = 	snop  }
0x3c: {  	p2 =	seq.s32 s10, $0x1;
	s10 =	sld [smem:$0x3FAF]  }
0x3d: {  	_ =	shalt  }
0x3e: {  	_ =	shalt  }
0x3f: {  	_ =	shalt  }
0x40: {  	_ =	shalt  }
0x41: {  	_ =	shalt  }
0x42: {  	_ =	shalt  }
0x43: {  	_ =	shalt  }
0x44: {  	_ =	shalt  }
0x45: {  	_ =	shalt  }
0x46: {  	_ =	shalt  }
0x47: {  	_ =	shalt  }
0x48: {  	_ =	shalt  }
0x49: {  	_ =	shalt  }
0x4a: {  	_ =	shalt  }
0x4b: {  	_ =	shalt  }
0x4c: {  	_ =	shalt  }
0x4d: {  	_ =	shalt  }
0x4e: {  	_ =	shalt  }
0x4f: {  	_ =	shalt  }
0x50: {  	_ =	shalt  }
0x51: {  	_ =	shalt  }
0x52: {  	_ =	shalt  }
0x53: {  	_ =	shalt  }
0x54: {  	_ =	shalt  }
0x55: {  	_ =	shalt  }
0x56: {  	_ =	shalt  }
0x57: {  	_ =	shalt  }
0x58: {  	_ =	shalt  }
0x59: {  	_ =	shalt  }
0x5a: {  	_ =	shalt  }
0x5b: {  	_ =	shalt  }
0x5c: {  	_ =	shalt  }
0x5d: {  	_ =	shalt  }
0x5e: {  	_ =	shalt  }
0x5f: {  	_ =	shalt  }
0x60: {  	_ =	shalt  }
0x61: {  	_ =	shalt  }
0x62: {  	_ =	shalt  }
0x63: {  	_ =	shalt  }
0x64: {  	_ =	shalt  }
0x65: {  	_ =	shalt  }
0x66: {  	_ =	shalt  }
0x67: {  	_ =	shalt  }
0x68: {  	_ =	shalt  }
0x69: {  	_ =	shalt  }
0x6a: {  	_ =	shalt  }
0x6b: {  	_ =	shalt  }
0x6c: {  	_ =	shalt  }
0x6d: {  	_ =	shalt  }
0x6e: {  	_ =	shalt  }
0x6f: {  	_ =	shalt  }
0x70: {  	_ =	shalt  }
0x71: {  	_ =	shalt  }
0x72: {  	_ =	shalt  }
0x73: {  	_ =	shalt  }
0x74: {  	_ =	shalt  }
0x75: {  	_ =	shalt  }
0x76: {  	_ =	shalt  }
0x77: {  	_ =	shalt  }
0x78: {  	_ =	shalt  }
0x79: {  	_ =	shalt  }
0x7a: {  	_ =	shalt  }
0x7b: {  	_ =	shalt  }
0x7c: {  	_ =	shalt  }
0x7d: {  	_ =	shalt  }
0x7e: {  	_ =	shalt  }
0x7f: {  	_ =	shalt  }
0x80: {  	_ =	shalt  }
0x81: {  	_ =	shalt  }
0x82: {  	_ =	shalt  }
0x83: {  	_ =	shalt  }
0x84: {  	_ =	shalt  }
0x85: {  	_ =	shalt  }
0x86: {  	_ =	shalt  }
0x87: {  	_ =	shalt  }
.Lfunc_end0:
.L_simem_size_0:
called_computation_lowered:
.L_overlay_start_0:
0x88: {  	s2 =	sld [smem:$0x3FD9]  }
0x89: {  	s3 =	sld [smem:$0x3FFE];
	_ =	sdelay $0x1  }
0x8a: {  	s1 =	srdreg.scid  }
0x8b: {  	s0 =	sand.u32 $0x1, s1  }
0x8c: {  	s16 =	sshll.u32 s0, $0xA;
	s2 =	sadd.s32 s3, s2  }
0x8d: {  	s2 =	sadd.s32 s2, s16  }
0x8e: {  	[smem:$0x3FBB] =	sst s2  }
0x8f: {  	_ = 	snop  }
0x90: {  	(tm) =	ssettm $0x1  }
0x91: {  	s17 =	sld [smem:$0x3FFB];
	_ =	sdelay $0x3  }
0x92: {  	_ =	strace s17  }
0x93: {  	s2 =	sld [smem:$0x3FFC];
	_ =	sdelay $0x3  }
0x94: {  	_ =	strace s2  }
0x95: {  	s2 =	sld [smem:$0x3FFD];
	_ =	sdelay $0x3  }
0x96: {  	_ =	strace s2  }
0x97: {  	_ =	strace $0x8FFFFFFF  }
0x98: {  	s18 =	sld [smem:$0x3FDB];
	_ =	sdelay $0x1  }
0x99: {  	s19 =	simm.s32 $_scs_section_size  }
0x9a: {  	s4 =	simm.s32 $_size__tile_overlayer_lowered;
	s5 =	simm.s32 $_tile_overlayer_lowered  }
0x9b: {  	s22 =	simm.s32 $0x1BFF;
	s21 =	sshll.u32 s5, $0x1;
	s2 =	sadd.s32 s19, s18  }
0x9c: {  	s6 =	simm.s32 $0x0;
	s20 =	sshll.u32 s4, $0x1;
	s4 =	sadd.s32 s21, s2  }
0x9d: {  	[timem:s6], [sflag:s22] =	dma.local [hbm:s4], s20  }
0x9e: {  	_ =	swait.ge [sflag:s22], s20  }
0x9f: {  	s3 =	ssub.s32 $0x0, s20;
	[sflag:s22] =	ssyncset.done $0x0  }
0xa0: {  	[sflag:s22] =	ssyncadd.s32 s3;
	_ =	sdelay $0x1  }
0xa1: {  	s23 =	simm.s32 $0x1B8B  }
0xa2: {  	_ =	swait.ge [sflag:s23], $0x1  }
0xa3: {  	[sflag:s23] =	ssyncset.done $0x0  }
0xa4: {  	s25 =	simm.s32 $0x1B8E;
	s24 =	sld [smem:$0x3FFE];
	[sflag:s23] =	ssyncadd.s32 $0xFFFFFFFF  }
0xa5: {  	s26 =	simm.s32 $execute0_lowered;
	[smem:$0x3FD2] =	sst s25  }
0xa6: {  	s4 =	sshll.u32 s26, $0x1;
	_ =	strace $0x80000046;
	[dreg:$0x1] =	wrdreg $0xFFFFFFFF  }
0xa7: {  	s28 =	simm.s32 $_size_execute0_lowered;
	s2 =	sadd.s32 s2, s4;
	[dreg:$0x0] =	wrdreg $0x0  }
0xa8: {  	s4 =	sshll.u32 s28, $0x1;
	[dreg:$0x2] =	wrdreg s2  }
0xa9: {  	[dreg:$0x3] =	wrdreg s4  }
0xaa: {  	[dreg:$0x4] =	wrdreg $0xC0  }
0xab: {  	_ =	task [dreg:s6], $0x5FFFF  }
0xac: {  	[dreg:$0x1] =	wrdreg $0xFFFFFFFF  }
0xad: {  	[dreg:$0x0] =	wrdreg $0x60  }
0xae: {  	[dreg:$0x2] =	wrdreg s24  }
0xaf: {  	[dreg:$0x3] =	wrdreg $0x82000  }
0xb0: {  	[dreg:$0x4] =	wrdreg $0x9  }
0xb1: {  	_ =	task.clear_ibuf [dreg:s6], $0x5FFFF;
	_ =	strace $0x90000046  }
0xb2: {  	s29 =	simm.s32 $0x9;
	_ =	strace $0x80000048  }
0xb3: {  	_ =	swait.ge [sflag:s29], $0x1  }
0xb4: {  	[sflag:s29] =	ssyncadd.s32 $0xFFFFFFFF  }
0xb5: {  	_ =	strace $0x90000048  }
0xb6: {  	_ =	sfence  }
0xb7: {  	s30 =	sld [smem:$0x0];
	_ =	sdelay $0x2  }
0xb8: {  	s31 =	sshll.u32 s1, $0xD;
	s1 =	sshrl.u32 s1, $0x2  }
0xb9: {  	s3 =	sand.u32 $0x4000, s31;
	s1 =	sadd.s32 s1, s30  }
0xba: {  	s0 =	sor.u32 s3, s0;
	s1 =	sshll.u32 s1, $0x11  }
0xbb: {  	s0 =	sor.u32 s1, s0  }
0xbc: {  	s0 =	sadd.s32 $0x8F2B, s0  }
0xbd: {  	[sflag:s0] =	ssyncadd.remote.s32 $0x1  }
0xbe: {  	_ =	sfence.sel $0xFFFF  }
0xbf: {  	[dreg:$0x0] =	wrdreg $0xFFFFFFFF;
	(pc) =	sbr.abs _section_cstart, $3  }
0xc0: {  	[dreg:$0x1] =	wrdreg $0xFFFFFFFF  }
0xc1: {  	_ =	task.clear_ibuf [dreg:s6], $0x2FFFF;
	_ =	strace $0x9FFFFFFF  }
0xc2: {  	(tm) =	ssettm $0x7FFFFFFF  }
0xc3: {  	_ =	shalt  }
tec
execute0_lowered:
.L_overlay_start_1:
0x0: {  	(tag) =	ssettag $0x1  }
0x1: {  	s7 =	rddreg [dreg:$0x0]  }
0x2: {  	s1 =	rddreg [dreg:$0x1]  }
0x3: {  	s0 =	rddreg [dreg:$0x2];
	s2 =	simm.s32 $0x0  }
0x4: {  	s8 =	srdreg.scid;
	s3 =	stileid.u32;
	s17 =	simm.s32 $0x80  }
0x5: {  	s18 =	simm.s32 $0x200;
	s19 =	simm.s32 $0x100;
	s20 =	simm.s32 $0x4200  }
0x6: {  	s21 =	simm.s32 $0x1;
	s22 =	simm.s32 $0x2;
	s5 =	sadd.s32 $0x152400, s7  }
0x7: {  	[smem:$0x7FF] =	sst s2;
	s6 =	sadd.s32 $0x294C00, s7;
	s10 =	smul.u32 $0x4E000, s3  }
0x8: {  	s4 =	sadd.s32 $0x19C00, s7;
	s12 =	sadd.s32 $0x28AC00, s7;
	s13 =	smul.u32 $0x5000, s3  }
0x9: {  	s8 =	sand.u32 $0x1, s8;
	s11 =	sadd.s32 $0x297400, s7;
	s25 =	smul.u32 $0x27000, s3  }
0xa: {  	s16 =	sadd.s32 $0x124800, s1;
	s31 =	smul.u32 $0xA00, s3;
	p1 =	seq.s32 s3, $0xF  }
0xb: {  	_ =	strace $0x80000047;
	s9 =	ssub.s32 $0x2, s8;
	s26 =	sshll.u32 s8, $0xA  }
0xc: {  	p0 =	seq.s32 s8, $0x1;
	s29 =	sshll.u32 s8, $0x7;
	s23 =	sshrl.u32 s9, $0x1  }
0xd: {  	s24 =	sshrl.u32 s10, $0x2;
	s28 =	sshrl.u32 s13, $0x3;
	s30 =	sadd.s32 s29, s11  }
0xe: {  	s13 =	sshrl.u32 @p1 s16, $0x3;
	s16 =	simm.s32 $0x3;
	s14 =	ssub.s32 s9, s23  }
.Ltmp0:
0xf: {  	s15 =	sadd.s32 s24, s1;
	s9 =	sor.u32 s26, s25;
	(pc) =	sbr.rel .LBB2_1-.Ltmp0, $4  }
0x10: {  	s7 =	sadd.s32 s12, s28;
	s12 =	sadd.s32 s31, s12;
	s23 =	simm.s32 $0x180  }
0x11: {  	s24 =	simm.s32 $0x0;
	s9 =	sshrl.u32 s9, $0x3;
	s10 =	smax.u32 s14, $0x1  }
0x12: {  	s14 =	sshll.u32 @!p1 s3, $0x6;
	s15 =	sshrl.u32 @!p1 s15, $0x3;
	s8 =	sadd.s32 s11, s9  }
0x13: {  	s9 =	sadd.s32 $0x49200, s30;
	s11 =	sadd.s32 $0x9E0, s7;
	s14 =	sor.u32 @!p1 $0x1C03, s14  }
.LBB2_7:
0x14: {  	s26 =	sadd.s32 $0x9E0, s25;
	[sflag:s16] =	ssyncadd.s32 $0xFFFFC000  }
0x15: {  	[tilespmem:s19], [sflag:$0x3] =	stream.linear.gather [hbm4b:s26+s2], $0x100, $0x38;
	[tilespmem:$0x1BB00] =	vst v63  }
0x16: {  	_ =	swait.ge [sflag:s16], $0x100  }
0x17: {  	[sflag:s16] =	ssyncset.done $0x0  }
0x18: {  	[sflag:s16] =	ssyncadd.s32 $0xFFFFFF00  }
0x19: {  	[tilespmem:s20], [sflag:$0x2] =	stream.indirect.gather [hbm4b:s5+s17], $0x80, s19, s17, $0xb8;
	[tilespmem:$0x1BB00] =	vst v63  }
0x1a: {  	_ =	swait.ge [sflag:s21], $0x4000  }
0x1b: {  	[sflag:s21] =	ssyncset.done $0x0  }
0x1c: {  	[sflag:s21] =	ssyncadd.s32 $0xFFFFC000  }
0x1d: {  	[spmem:s1] =	stream.indirect.scatter.add.f32 [tilespmem:s18], [sflag:$0x3], $0x80, s17, s17, $0xb8;
	[tilespmem:$0x1BB00] =	vst v63  }
0x1e: {  	_ =	swait.ge [sflag:s16], $0x4000  }
0x1f: {  	[sflag:s16] =	ssyncset.done $0x0  }
0x20: {  	s31 =	sadd.s32 $0xA00, s25;
	[sflag:s16] =	ssyncadd.s32 $0xFFFFC000  }
0x21: {  	[tilespmem:s2], [sflag:$0x3] =	stream.linear.gather [hbm4b:s31+s2], $0x100, $0x38;
	[tilespmem:$0x1BB00] =	vst v63  }
0x22: {  	_ =	swait.ge [sflag:s16], $0x100  }
0x23: {  	[sflag:s16] =	ssyncset.done $0x0  }
0x24: {  	[sflag:s16] =	ssyncadd.s32 $0xFFFFFF00  }
0x25: {  	[tilespmem:s18], [sflag:$0x1] =	stream.indirect.gather [hbm4b:s5+s17], $0x80, s2, s17, $0xb8;
	[tilespmem:$0x1BB00] =	vst v63  }
0x26: {  	_ =	swait.ge [sflag:s22], $0x4000  }
0x27: {  	[sflag:s22] =	ssyncset.done $0x0  }
0x28: {  	[sflag:s22] =	ssyncadd.s32 $0xFFFFC000  }
0x29: {  	[spmem:s1] =	stream.indirect.scatter.add.f32 [tilespmem:s20], [sflag:$0x3], $0x80, s23, s17, $0xb8;
	[tilespmem:$0x1BB00] =	vst v63  }
0x2a: {  	_ =	swait.ge [sflag:s16], $0x4000  }
0x2b: {  	[sflag:s16] =	ssyncset.done $0x0  }
0x2c: {  	s25 =	smov.u32 s5;
	[sflag:s16] =	ssyncadd.s32 $0xFFFFC000  }
.LBB2_8:
0x2d: {  	[tilespmem:s19], [sflag:$0x3] =	stream.linear.gather [hbm4b:s11+s2], $0x100, $0x38;
	[tilespmem:$0x1BB00] =	vst v63  }
0x2e: {  	_ =	swait.ge [sflag:s16], $0x100  }
0x2f: {  	[sflag:s16] =	ssyncset.done $0x0  }
0x30: {  	[sflag:s16] =	ssyncadd.s32 $0xFFFFFF00  }
0x31: {  	[tilespmem:s20], [sflag:$0x2] =	stream.indirect.gather [hbm4b:s25+s17], $0x80, s19, s17, $0xb8;
	[tilespmem:$0x1BB00] =	vst v63  }
0x32: {  	_ =	swait.ge [sflag:s21], $0x4000  }
0x33: {  	[sflag:s21] =	ssyncset.done $0x0  }
0x34: {  	[sflag:s21] =	ssyncadd.s32 $0xFFFFC000  }
0x35: {  	[spmem:s1] =	stream.indirect.scatter.add.f32 [tilespmem:s18], [sflag:$0x3], $0x80, s17, s17, $0xb8;
	[tilespmem:$0x1BB00] =	vst v63  }
0x36: {  	_ =	swait.ge [sflag:s16], $0x4000  }
0x37: {  	[sflag:s16] =	ssyncset.done $0x0  }
0x38: {  	[sflag:s16] =	ssyncadd.s32 $0xFFFFC000  }
0x39: {  	_ =	swait.ge [sflag:s22], $0x4000  }
0x3a: {  	[sflag:s22] =	ssyncset.done $0x0  }
0x3b: {  	[sflag:s22] =	ssyncadd.s32 $0xFFFFC000  }
0x3c: {  	[spmem:s1] =	stream.indirect.scatter.add.f32 [tilespmem:s20], [sflag:$0x3], $0x80, s23, s17, $0xb8;
	[tilespmem:$0x1BB00] =	vst v63  }
0x3d: {  	_ =	swait.ge [sflag:s16], $0x4000  }
0x3e: {  	[sflag:s16] =	ssyncset.done $0x0  }
0x3f: {  	s26 =	simm.s32 @p1 $0x100;
	s28 =	simm.s32 @p1 $0x80;
	[sflag:s16] =	ssyncadd.s32 $0xFFFFC000  }
0x40: {  	s29 =	simm.s32 @p1 $0x1FC3;
	s25 =	simm.s32 @p1 $0x8;
	[bflag:$0x0] =	sbarrier.arrive $0xFFFF  }
0x41: {  	[hbm:s9@s26], [sflag:s29] =	dma.strided @p1 [spmem:s13@s28], $0x2800, s25, $0x10   }
0x42: {  	s25 =	simm.s32 @p1 $0x3  }
0x43: {  	s24 =	sadd.s32 $0x1, s24;
	_ =	swait.ge @p1 [sflag:s25], $0x2800  }
0x44: {  	p2 =	sne.s32 s24, s10;
	s26 =	simm.s32 @!p1 $0x100;
	[sflag:s25] =	ssyncset.done @p1 $0x0  }
0x45: {  	s28 =	simm.s32 @!p1 $0x80;
	[sflag:s25] =	ssyncadd.s32 @p1 $0xFFFFD800;
	s25 =	simm.s32 @!p1 $0x8  }
0x46: {  	[hbm:s8@s26], [sflag:s14] =	dma.strided @!p1 [spmem:s15@s28], $0x2700, s25, $0x10   }
.Ltmp1:
0x47: {  	_ = 	snop;
	(pc) =	sbr.rel @!p2 .LBB2_9-.Ltmp1, $4  }
0x48: {  	s25 =	simm.s32 @!p1 $0x3  }
0x49: {  	_ =	swait.ge @!p1 [sflag:s25], $0x2700  }
0x4a: {  	[sflag:s25] =	ssyncset.done @!p1 $0x0  }
0x4b: {  	[sflag:s25] =	ssyncadd.s32 @!p1 $0xFFFFD900  }
.LBB2_1:
0x4c: {  	s25 =	simm.s32 @p1 $0x1FC3  }
0x4d: {  	[spmem:s13], [sflag:s25] =	dma.local @p1 [hbm:s6], $0x2800  }
0x4e: {  	s25 =	simm.s32 @p1 $0x3  }
0x4f: {  	_ =	swait.ge @p1 [sflag:s25], $0x2800  }
0x50: {  	[sflag:s25] =	ssyncset.done @p1 $0x0  }
0x51: {  	[sflag:s25] =	ssyncadd.s32 @p1 $0xFFFFD800;
	s25 =	simm.s32 @!p1 $0x3  }
0x52: {  	[spmem:s15], [sflag:s14] =	dma.local @!p1 [hbm:s6], $0x2700  }
0x53: {  	_ =	swait.ge @!p1 [sflag:s25], $0x2700  }
0x54: {  	[sflag:s25] =	ssyncset.done @!p1 $0x0  }
0x55: {  	[sflag:s25] =	ssyncadd.s32 @!p1 $0xFFFFD900  }
.Ltmp2:
0x56: {  	[bflag:$0x0] =	sbarrier.arrive $0xFFFF;
	(pc) =	sbr.rel @!p0 .LBB2_2-.Ltmp2, $4  }
0x57: {  	[tilespmem:s2], [sflag:$0x3] =	stream.linear.gather [hbm4b:s7+s2], $0x100, $0x38;
	[tilespmem:$0x1BB00] =	vst v63  }
0x58: {  	_ =	swait.ge [sflag:s16], $0x100  }
0x59: {  	[sflag:s16] =	ssyncset.done $0x0  }
0x5a: {  	[sflag:s16] =	ssyncadd.s32 $0xFFFFFF00  }
0x5b: {  	[tilespmem:s18], [sflag:$0x1] =	stream.indirect.gather [hbm4b:s5+s17], $0x80, s2, s17, $0xb8;
	[tilespmem:$0x1BB00] =	vst v63  }
0x5c: {  	s25 =	sadd.s32 $0xFFFFF640, s12  }
0x5d: {  	s26 =	sadd.s32 $0x9E0, s25  }
0x5e: {  	[tilespmem:s19], [sflag:$0x3] =	stream.linear.gather [hbm4b:s26+s2], $0x100, $0x38;
	[tilespmem:$0x1BB00] =	vst v63  }
0x5f: {  	_ =	swait.ge [sflag:s16], $0x100  }
0x60: {  	[sflag:s16] =	ssyncset.done $0x0  }
0x61: {  	[sflag:s16] =	ssyncadd.s32 $0xFFFFFF00  }
0x62: {  	[tilespmem:s20], [sflag:$0x2] =	stream.indirect.gather [hbm4b:s5+s17], $0x80, s19, s17, $0xb8;
	[tilespmem:$0x1BB00] =	vst v63  }
0x63: {  	_ =	swait.ge [sflag:s21], $0x4000  }
0x64: {  	[sflag:s21] =	ssyncset.done $0x0  }
0x65: {  	[sflag:s21] =	ssyncadd.s32 $0xFFFFC000  }
0x66: {  	[spmem:s1] =	stream.indirect.scatter.add.f32 [tilespmem:s18], [sflag:$0x3], $0x80, s17, s17, $0xb8;
	[tilespmem:$0x1BB00] =	vst v63  }
0x67: {  	_ =	swait.ge [sflag:s16], $0x4000  }
0x68: {  	[sflag:s16] =	ssyncset.done $0x0  }
0x69: {  	s25 =	sadd.s32 $0xA00, s25;
	[sflag:s16] =	ssyncadd.s32 $0xFFFFC000  }
0x6a: {  	[tilespmem:s2], [sflag:$0x3] =	stream.linear.gather [hbm4b:s25+s2], $0x100, $0x38;
	[tilespmem:$0x1BB00] =	vst v63  }
0x6b: {  	_ =	swait.ge [sflag:s16], $0x100  }
0x6c: {  	[sflag:s16] =	ssyncset.done $0x0  }
0x6d: {  	[sflag:s16] =	ssyncadd.s32 $0xFFFFFF00  }
0x6e: {  	[tilespmem:s18], [sflag:$0x1] =	stream.indirect.gather [hbm4b:s5+s17], $0x80, s2, s17, $0xb8;
	[tilespmem:$0x1BB00] =	vst v63  }
0x6f: {  	_ =	swait.ge [sflag:s22], $0x4000  }
0x70: {  	[sflag:s22] =	ssyncset.done $0x0  }
0x71: {  	[sflag:s22] =	ssyncadd.s32 $0xFFFFC000  }
0x72: {  	[spmem:s1] =	stream.indirect.scatter.add.f32 [tilespmem:s20], [sflag:$0x3], $0x80, s23, s17, $0xb8;
	[tilespmem:$0x1BB00] =	vst v63  }
0x73: {  	_ =	swait.ge [sflag:s16], $0x4000  }
0x74: {  	s26 =	simm.s32 $0xFFFFF6C0;
	s25 =	sadd.s32 $0xFFFFF680, s12;
	[sflag:s16] =	ssyncset.done $0x0  }
.LBB2_6:
0x75: {  	s28 =	sadd.s32 $0x9E0, s25  }
0x76: {  	[sflag:s16] =	ssyncadd.s32 $0xFFFFC000;
	s29 =	smov.u32 s26;
	s30 =	sadd.s32 $0x40, s26  }
0x77: {  	[tilespmem:s19], [sflag:$0x3] =	stream.linear.gather [hbm4b:s28+s2], $0x100, $0x38;
	[tilespmem:$0x1BB00] =	vst v63  }
0x78: {  	p2 =	sne.s32 s26, $0xFFFFFFC0;
	_ =	swait.ge [sflag:s16], $0x100  }
0x79: {  	[sflag:s16] =	ssyncset.done $0x0  }
0x7a: {  	[sflag:s16] =	ssyncadd.s32 $0xFFFFFF00  }
0x7b: {  	[tilespmem:s20], [sflag:$0x2] =	stream.indirect.gather [hbm4b:s5+s17], $0x80, s19, s17, $0xb8;
	[tilespmem:$0x1BB00] =	vst v63  }
0x7c: {  	_ =	swait.ge [sflag:s21], $0x4000  }
0x7d: {  	[sflag:s21] =	ssyncset.done $0x0  }
0x7e: {  	[sflag:s21] =	ssyncadd.s32 $0xFFFFC000  }
0x7f: {  	[spmem:s1] =	stream.indirect.scatter.add.f32 [tilespmem:s18], [sflag:$0x3], $0x80, s17, s17, $0xb8;
	[tilespmem:$0x1BB00] =	vst v63  }
0x80: {  	_ =	swait.ge [sflag:s16], $0x4000  }
0x81: {  	[sflag:s16] =	ssyncset.done $0x0  }
0x82: {  	s25 =	sadd.s32 $0xA00, s25;
	[sflag:s16] =	ssyncadd.s32 $0xFFFFC000  }
0x83: {  	[tilespmem:s2], [sflag:$0x3] =	stream.linear.gather [hbm4b:s25+s2], $0x100, $0x38;
	[tilespmem:$0x1BB00] =	vst v63  }
0x84: {  	_ =	swait.ge [sflag:s16], $0x100  }
0x85: {  	[sflag:s16] =	ssyncset.done $0x0  }
0x86: {  	[sflag:s16] =	ssyncadd.s32 $0xFFFFFF00  }
0x87: {  	[tilespmem:s18], [sflag:$0x1] =	stream.indirect.gather [hbm4b:s5+s17], $0x80, s2, s17, $0xb8;
	[tilespmem:$0x1BB00] =	vst v63  }
0x88: {  	_ =	swait.ge [sflag:s22], $0x4000  }
.Ltmp3:
0x89: {  	[sflag:s22] =	ssyncset.done $0x0;
	(pc) =	sbr.rel @p2 .LBB2_6-.Ltmp3, $4  }
0x8a: {  	[sflag:s22] =	ssyncadd.s32 $0xFFFFC000  }
0x8b: {  	[spmem:s1] =	stream.indirect.scatter.add.f32 [tilespmem:s20], [sflag:$0x3], $0x80, s23, s17, $0xb8;
	[tilespmem:$0x1BB00] =	vst v63  }
0x8c: {  	_ =	swait.ge [sflag:s16], $0x4000  }
0x8d: {  	s26 =	smov.u32 s30;
	s25 =	sadd.s32 s29, s12;
	[sflag:s16] =	ssyncset.done $0x0  }
.Ltmp4:
0x8e: {  	_ = 	snop;
	(pc) =	sbr.rel .LBB2_7-.Ltmp4, $1  }
0x8f: {  	_ =	sdelay $0x3  }
.LBB2_2:
0x90: {  	[tilespmem:s18], [sflag:$0x1] =	stream.indirect.gather [hbm4b:s4+s17], $0x80, s2, s17, $0xb8;
	[tilespmem:$0x1BB00] =	vst v63  }
0x91: {  	s25 =	sadd.s32 $0xFFFFF640, s12  }
0x92: {  	s26 =	sadd.s32 $0x9E0, s25  }
0x93: {  	[tilespmem:s19], [sflag:$0x3] =	stream.linear.gather [hbm4b:s26+s2], $0x100, $0x38;
	[tilespmem:$0x1BB00] =	vst v63  }
0x94: {  	_ =	swait.ge [sflag:s16], $0x100  }
0x95: {  	[sflag:s16] =	ssyncset.done $0x0  }
0x96: {  	[sflag:s16] =	ssyncadd.s32 $0xFFFFFF00  }
0x97: {  	[tilespmem:s20], [sflag:$0x2] =	stream.indirect.gather [hbm4b:s4+s17], $0x80, s19, s17, $0xb8;
	[tilespmem:$0x1BB00] =	vst v63  }
0x98: {  	_ =	swait.ge [sflag:s21], $0x4000  }
0x99: {  	[sflag:s21] =	ssyncset.done $0x0  }
0x9a: {  	[sflag:s21] =	ssyncadd.s32 $0xFFFFC000  }
0x9b: {  	[spmem:s1] =	stream.indirect.scatter.add.f32 [tilespmem:s18], [sflag:$0x3], $0x80, s17, s17, $0xb8;
	[tilespmem:$0x1BB00] =	vst v63  }
0x9c: {  	_ =	swait.ge [sflag:s16], $0x4000  }
0x9d: {  	[sflag:s16] =	ssyncset.done $0x0  }
0x9e: {  	s25 =	sadd.s32 $0xA00, s25;
	[sflag:s16] =	ssyncadd.s32 $0xFFFFC000  }
0x9f: {  	[tilespmem:s2], [sflag:$0x3] =	stream.linear.gather [hbm4b:s25+s2], $0x100, $0x38;
	[tilespmem:$0x1BB00] =	vst v63  }
0xa0: {  	_ =	swait.ge [sflag:s16], $0x100  }
0xa1: {  	[sflag:s16] =	ssyncset.done $0x0  }
0xa2: {  	[sflag:s16] =	ssyncadd.s32 $0xFFFFFF00  }
0xa3: {  	[tilespmem:s18], [sflag:$0x1] =	stream.indirect.gather [hbm4b:s4+s17], $0x80, s2, s17, $0xb8;
	[tilespmem:$0x1BB00] =	vst v63  }
0xa4: {  	_ =	swait.ge [sflag:s22], $0x4000  }
0xa5: {  	[sflag:s22] =	ssyncset.done $0x0  }
0xa6: {  	[sflag:s22] =	ssyncadd.s32 $0xFFFFC000  }
0xa7: {  	[spmem:s1] =	stream.indirect.scatter.add.f32 [tilespmem:s20], [sflag:$0x3], $0x80, s23, s17, $0xb8;
	[tilespmem:$0x1BB00] =	vst v63  }
0xa8: {  	_ =	swait.ge [sflag:s16], $0x4000  }
0xa9: {  	s26 =	simm.s32 $0xFFFFF6C0;
	s25 =	sadd.s32 $0xFFFFF680, s12;
	[sflag:s16] =	ssyncset.done $0x0  }
.LBB2_3:
0xaa: {  	s28 =	sadd.s32 $0x9E0, s25  }
0xab: {  	[sflag:s16] =	ssyncadd.s32 $0xFFFFC000;
	s29 =	smov.u32 s26;
	s30 =	sadd.s32 $0x40, s26  }
0xac: {  	[tilespmem:s19], [sflag:$0x3] =	stream.linear.gather [hbm4b:s28+s2], $0x100, $0x38;
	[tilespmem:$0x1BB00] =	vst v63  }
0xad: {  	p2 =	seq.s32 s26, $0xFFFFFFC0;
	_ =	swait.ge [sflag:s16], $0x100  }
0xae: {  	[sflag:s16] =	ssyncset.done $0x0  }
0xaf: {  	[sflag:s16] =	ssyncadd.s32 $0xFFFFFF00  }
0xb0: {  	[tilespmem:s20], [sflag:$0x2] =	stream.indirect.gather [hbm4b:s4+s17], $0x80, s19, s17, $0xb8;
	[tilespmem:$0x1BB00] =	vst v63  }
0xb1: {  	_ =	swait.ge [sflag:s21], $0x4000  }
0xb2: {  	[sflag:s21] =	ssyncset.done $0x0  }
0xb3: {  	[sflag:s21] =	ssyncadd.s32 $0xFFFFC000  }
0xb4: {  	[spmem:s1] =	stream.indirect.scatter.add.f32 [tilespmem:s18], [sflag:$0x3], $0x80, s17, s17, $0xb8;
	[tilespmem:$0x1BB00] =	vst v63  }
0xb5: {  	_ =	swait.ge [sflag:s16], $0x4000  }
0xb6: {  	[sflag:s16] =	ssyncset.done $0x0  }
0xb7: {  	s25 =	sadd.s32 $0xA00, s25;
	[sflag:s16] =	ssyncadd.s32 $0xFFFFC000  }
0xb8: {  	[tilespmem:s2], [sflag:$0x3] =	stream.linear.gather [hbm4b:s25+s2], $0x100, $0x38;
	[tilespmem:$0x1BB00] =	vst v63  }
0xb9: {  	_ =	swait.ge [sflag:s16], $0x100  }
0xba: {  	[sflag:s16] =	ssyncset.done $0x0  }
0xbb: {  	[sflag:s16] =	ssyncadd.s32 $0xFFFFFF00  }
0xbc: {  	[tilespmem:s18], [sflag:$0x1] =	stream.indirect.gather [hbm4b:s4+s17], $0x80, s2, s17, $0xb8;
	[tilespmem:$0x1BB00] =	vst v63  }
0xbd: {  	_ =	swait.ge [sflag:s22], $0x4000  }
.Ltmp5:
0xbe: {  	[sflag:s22] =	ssyncset.done $0x0;
	(pc) =	sbr.rel @!p2 .LBB2_3-.Ltmp5, $4  }
0xbf: {  	[sflag:s22] =	ssyncadd.s32 $0xFFFFC000  }
0xc0: {  	[spmem:s1] =	stream.indirect.scatter.add.f32 [tilespmem:s20], [sflag:$0x3], $0x80, s23, s17, $0xb8;
	[tilespmem:$0x1BB00] =	vst v63  }
0xc1: {  	_ =	swait.ge [sflag:s16], $0x4000  }
0xc2: {  	s26 =	smov.u32 s30;
	s25 =	sadd.s32 s29, s12;
	[sflag:s16] =	ssyncset.done $0x0  }
0xc3: {  	s26 =	sadd.s32 $0x9E0, s25;
	[sflag:s16] =	ssyncadd.s32 $0xFFFFC000  }
0xc4: {  	[tilespmem:s19], [sflag:$0x3] =	stream.linear.gather [hbm4b:s26+s2], $0x100, $0x38;
	[tilespmem:$0x1BB00] =	vst v63  }
0xc5: {  	_ =	swait.ge [sflag:s16], $0x100  }
0xc6: {  	[sflag:s16] =	ssyncset.done $0x0  }
0xc7: {  	[sflag:s16] =	ssyncadd.s32 $0xFFFFFF00  }
0xc8: {  	[tilespmem:s20], [sflag:$0x2] =	stream.indirect.gather [hbm4b:s4+s17], $0x80, s19, s17, $0xb8;
	[tilespmem:$0x1BB00] =	vst v63  }
0xc9: {  	_ =	swait.ge [sflag:s21], $0x4000  }
0xca: {  	[sflag:s21] =	ssyncset.done $0x0  }
0xcb: {  	[sflag:s21] =	ssyncadd.s32 $0xFFFFC000  }
0xcc: {  	[spmem:s1] =	stream.indirect.scatter.add.f32 [tilespmem:s18], [sflag:$0x3], $0x80, s17, s17, $0xb8;
	[tilespmem:$0x1BB00] =	vst v63  }
0xcd: {  	_ =	swait.ge [sflag:s16], $0x4000  }
0xce: {  	[sflag:s16] =	ssyncset.done $0x0  }
0xcf: {  	s31 =	sadd.s32 $0xA00, s25;
	[sflag:s16] =	ssyncadd.s32 $0xFFFFC000  }
0xd0: {  	[tilespmem:s2], [sflag:$0x3] =	stream.linear.gather [hbm4b:s31+s2], $0x100, $0x38;
	[tilespmem:$0x1BB00] =	vst v63  }
0xd1: {  	_ =	swait.ge [sflag:s16], $0x100  }
0xd2: {  	[sflag:s16] =	ssyncset.done $0x0  }
0xd3: {  	[sflag:s16] =	ssyncadd.s32 $0xFFFFFF00  }
0xd4: {  	[tilespmem:s18], [sflag:$0x1] =	stream.indirect.gather [hbm4b:s4+s17], $0x80, s2, s17, $0xb8;
	[tilespmem:$0x1BB00] =	vst v63  }
0xd5: {  	_ =	swait.ge [sflag:s22], $0x4000  }
0xd6: {  	[sflag:s22] =	ssyncset.done $0x0  }
.Ltmp6:
0xd7: {  	[sflag:s22] =	ssyncadd.s32 $0xFFFFC000;
	(pc) =	sbr.rel .LBB2_8-.Ltmp6, $4  }
0xd8: {  	[spmem:s1] =	stream.indirect.scatter.add.f32 [tilespmem:s20], [sflag:$0x3], $0x80, s23, s17, $0xb8;
	[tilespmem:$0x1BB00] =	vst v63  }
0xd9: {  	_ =	swait.ge [sflag:s16], $0x4000  }
0xda: {  	[sflag:s16] =	ssyncset.done $0x0  }
0xdb: {  	s25 =	smov.u32 s4;
	[sflag:s16] =	ssyncadd.s32 $0xFFFFC000  }
.LBB2_9:
0xdc: {  	_ =	sfence.sel $0x180000  }
0xdd: {  	[bflag:$0x0] =	sbarrier.arrive $0xFFFF  }
0xde: {  	p0 =	sne.s32 s3, $0x0;
	_ =	strace $0x90000047  }
0xdf: {  	s0 =	sadd.s32 @!p0 $0x100000, s0;
	[bflag:$0x2] =	sbarrier.arrive $0xFFFF  }
0xe0: {  	[sflag:s0] =	ssyncadd.tile.s32 @!p0 $0x1;
	_ =	shalt  }
.Lfunc_end2:
_tile_overlayer_lowered:
.L_overlay_start_2:
0xe1: {  	(tag) =	ssettag $0x2  }
0xe2: {  	s0 =	rddreg [dreg:$0x0];
	s2 =	stileid.u32  }
0xe3: {  	s1 =	rddreg [dreg:$0x1];
	p0 =	sne.s32 s2, $0x0  }
0xe4: {  	s3 =	rddreg [dreg:$0x2];
	[bflag:$0x3] =	sbarrier.arrive $0xFFFF;
	s2 =	simm.s32 @!p0 $0x1C03  }
0xe5: {  	[timem:s3], [sflag:s2] =	dma.local @!p0 [hbm:s0], s1  }
0xe6: {  	s0 =	simm.s32 @!p0 $0x3  }
0xe7: {  	_ =	swait.ge @!p0 [sflag:s0], s1  }
0xe8: {  	s1 =	ssub.s32 @!p0 $0x0, s1;
	[sflag:s0] =	ssyncset.done @!p0 $0x0  }
0xe9: {  	[sflag:s0] =	ssyncadd.s32 @!p0 s1  }
0xea: {  	[bflag:$0x3] =	sbarrier.arrive $0xFFFF  }
0xeb: {  	_ =	shalt  }

// kernel: kernel.31.cloned.1.call-start
scs
__scs_entry_jumppad:
0x0: {  	(pc) =	sbr.rel $0x88, $3  }
0x1: {  	(tag) =	ssettag $0x0;
	lr =	simm.s32 $0x1  }
0x2: {  	[smem:$0x3F94] =	sst lr;
	_ =	strace $0xD0000000  }
0x3: {  	_ = 	snop  }
0x4: {  	_ = 	snop  }
0x5: {  	_ = 	snop  }
0x6: {  	_ = 	snop  }
0x7: {  	_ = 	snop  }
__scs_overlays_trampoline_lowered:
0x8: {  	[smem:$0x3FA3] =	sst s0  }
0x9: {  	[smem:$0x3FA4] =	sst s1  }
0xa: {  	[smem:$0x3FA5] =	sst s2  }
0xb: {  	[smem:$0x3FA6] =	sst s3  }
0xc: {  	[smem:$0x3FA7] =	sst s4  }
0xd: {  	[smem:$0x3FA8] =	sst s5  }
0xe: {  	[smem:$0x3FA9] =	sst s6  }
0xf: {  	[smem:$0x3FAA] =	sst s7  }
0x10: {  	[smem:$0x3FAB] =	sst s8  }
0x11: {  	[smem:$0x3FAC] =	sst s9;
	s0 =	simm.s32 @!p0 $0x0  }
0x12: {  	s1 =	sld [smem:$0x3F92];
	s0 =	simm.s32 @p0 $0x1  }
0x13: {  	[smem:$0x3FAD] =	sst s0;
	s0 =	simm.s32 @!p1 $0x0  }
0x14: {  	s2 =	sld [smem:$0x3F91];
	s0 =	simm.s32 @p1 $0x1  }
0x15: {  	[smem:$0x3FAE] =	sst s0;
	s0 =	simm.s32 @!p2 $0x0  }
0x16: {  	s3 =	sld [smem:$0x3FDB];
	s0 =	simm.s32 @p2 $0x1  }
0x17: {  	s4 =	simm.s32 $0x1BF5;
	[smem:$0x3FB0] =	sst s0  }
0x18: {  	s0 =	sld [smem:$0x3F93];
	_ =	swait.ge [sflag:s4], $0x0  }
0x19: {  	s7 =	sld [smem:$0x3F94]  }
0x1a: {  	s8 =	sadd.s32 $0xFFFFE003, lr  }
0x1b: {  	s9 =	sadd.s32 $0xFFFFFEF7, lr;
	s5 =	simm.s32 $0xFFFFFFFF;
	p2 =	slt.u32 s8, $0xFFFFF086  }
0x1c: {  	p1 =	slt.u32 s9, $0xF7A;
	s5 =	simm.s32 @!p2 $0x0  }
0x1d: {  	s5 =	simm.s32 @p1 $0x1;
	p0 =	seq.s32 s7, s2  }
0x1e: {  	s7 =	smul.u32 @!p0 $0xF7A, s2;
	p2 =	seq.s32 @!p0 s5, $0x0  }
0x1f: {  	s9 =	smul.u32 $0xF7A, s1;
	s8 =	simm.s32 @!p0 $0x1BF5;
	p2 =	por !p2, p0  }
0x20: {  	[sflag:s8] =	ssyncset.s32 @!p0 $0xFFFFF086;
	s6 =	sadd.s32 @!p0 s3, s7;
	s7 =	simm.s32 @!p0 $0x108  }
0x21: {  	s3 =	sadd.s32 s3, s9;
	s6 =	sadd.s32 @!p0 $0x88, s6;
	s7 =	simm.s32 @p2 $0x1082  }
0x22: {  	[simem:s7], [sflag:s8] =	dma.local @!p0 [hbm:s6], $0xF7A  }
0x23: {  	s9 =	sor.u32 $0xD0000000, s2;
	s6 =	simm.s32 $0x108;
	_ =	swait.ge @!p0 [sflag:s8], $0x0  }
0x24: {  	s3 =	sadd.s32 $0x88, s3;
	s6 =	simm.s32 @!p1 $0x1082;
	[sflag:s4] =	ssyncset.s32 $0xFFFFF086  }
0x25: {  	[simem:s6], [sflag:s4] =	dma.local [hbm:s3], $0xF7A  }
0x26: {  	[smem:$0x3F94] =	sst s1;
	(tag) =	ssettag s2;
	_ =	strace s9  }
0x27: {  	s1 =	sld [smem:$0x3FA4]  }
0x28: {  	s2 =	sld [smem:$0x3FA5]  }
0x29: {  	s4 =	sld [smem:$0x3FA7]  }
0x2a: {  	p0 =	seq.s32 s5, $0x0;
	s5 =	sld [smem:$0x3FA8]  }
0x2b: {  	s6 =	sld [smem:$0x3FA9]  }
0x2c: {  	s7 =	sld [smem:$0x3FAA]  }
0x2d: {  	s3 =	simm.s32 $0x108;
	s8 =	sld [smem:$0x3FAB]  }
0x2e: {  	s3 =	simm.s32 @!p0 $0x1082;
	s9 =	sld [smem:$0x3FAC]  }
0x2f: {  	lr =	sadd.s32 s0, s3;
	s0 =	sld [smem:$0x3FA3]  }
0x30: {  	s3 =	sld [smem:$0x3FA6]  }
0x31: {  	[smem:$0x3FAF] =	sst s10  }
0x32: {  	s10 =	sld [smem:$0x3FAD];
	_ =	sdelay $0x3  }
0x33: {  	p0 =	seq.s32 s10, $0x1;
	s10 =	sld [smem:$0x3FAF];
	_ =	sdelay $0x3  }
0x34: {  	[smem:$0x3FAF] =	sst s10  }
0x35: {  	s10 =	sld [smem:$0x3FAE];
	_ =	sdelay $0x3  }
0x36: {  	p1 =	seq.s32 s10, $0x1;
	s10 =	sld [smem:$0x3FAF];
	_ =	sdelay $0x3  }
0x37: {  	[smem:$0x3FAF] =	sst s10  }
0x38: {  	s10 =	sld [smem:$0x3FB0]  }
0x39: {  	_ = 	snop;
	(pc) =	sbr.ind lr, $3  }
0x3a: {  	_ = 	snop  }
0x3b: {  	_ = 	snop  }
0x3c: {  	p2 =	seq.s32 s10, $0x1;
	s10 =	sld [smem:$0x3FAF]  }
0x3d: {  	_ =	shalt  }
0x3e: {  	_ =	shalt  }
0x3f: {  	_ =	shalt  }
0x40: {  	_ =	shalt  }
0x41: {  	_ =	shalt  }
0x42: {  	_ =	shalt  }
0x43: {  	_ =	shalt  }
0x44: {  	_ =	shalt  }
0x45: {  	_ =	shalt  }
0x46: {  	_ =	shalt  }
0x47: {  	_ =	shalt  }
0x48: {  	_ =	shalt  }
0x49: {  	_ =	shalt  }
0x4a: {  	_ =	shalt  }
0x4b: {  	_ =	shalt  }
0x4c: {  	_ =	shalt  }
0x4d: {  	_ =	shalt  }
0x4e: {  	_ =	shalt  }
0x4f: {  	_ =	shalt  }
0x50: {  	_ =	shalt  }
0x51: {  	_ =	shalt  }
0x52: {  	_ =	shalt  }
0x53: {  	_ =	shalt  }
0x54: {  	_ =	shalt  }
0x55: {  	_ =	shalt  }
0x56: {  	_ =	shalt  }
0x57: {  	_ =	shalt  }
0x58: {  	_ =	shalt  }
0x59: {  	_ =	shalt  }
0x5a: {  	_ =	shalt  }
0x5b: {  	_ =	shalt  }
0x5c: {  	_ =	shalt  }
0x5d: {  	_ =	shalt  }
0x5e: {  	_ =	shalt  }
0x5f: {  	_ =	shalt  }
0x60: {  	_ =	shalt  }
0x61: {  	_ =	shalt  }
0x62: {  	_ =	shalt  }
0x63: {  	_ =	shalt  }
0x64: {  	_ =	shalt  }
0x65: {  	_ =	shalt  }
0x66: {  	_ =	shalt  }
0x67: {  	_ =	shalt  }
0x68: {  	_ =	shalt  }
0x69: {  	_ =	shalt  }
0x6a: {  	_ =	shalt  }
0x6b: {  	_ =	shalt  }
0x6c: {  	_ =	shalt  }
0x6d: {  	_ =	shalt  }
0x6e: {  	_ =	shalt  }
0x6f: {  	_ =	shalt  }
0x70: {  	_ =	shalt  }
0x71: {  	_ =	shalt  }
0x72: {  	_ =	shalt  }
0x73: {  	_ =	shalt  }
0x74: {  	_ =	shalt  }
0x75: {  	_ =	shalt  }
0x76: {  	_ =	shalt  }
0x77: {  	_ =	shalt  }
0x78: {  	_ =	shalt  }
0x79: {  	_ =	shalt  }
0x7a: {  	_ =	shalt  }
0x7b: {  	_ =	shalt  }
0x7c: {  	_ =	shalt  }
0x7d: {  	_ =	shalt  }
0x7e: {  	_ =	shalt  }
0x7f: {  	_ =	shalt  }
0x80: {  	_ =	shalt  }
0x81: {  	_ =	shalt  }
0x82: {  	_ =	shalt  }
0x83: {  	_ =	shalt  }
0x84: {  	_ =	shalt  }
0x85: {  	_ =	shalt  }
0x86: {  	_ =	shalt  }
0x87: {  	_ =	shalt  }
.Lfunc_end0:
.L_simem_size_0:
called_computation.1_lowered:
.L_overlay_start_0:
0x88: {  	s2 =	sld [smem:$0x3FD9]  }
0x89: {  	s3 =	sld [smem:$0x3FFE];
	_ =	sdelay $0x1  }
0x8a: {  	s1 =	srdreg.scid  }
0x8b: {  	s0 =	sand.u32 $0x1, s1  }
0x8c: {  	s16 =	sshll.u32 s0, $0xA;
	s2 =	sadd.s32 s3, s2  }
0x8d: {  	s2 =	sadd.s32 s2, s16  }
0x8e: {  	[smem:$0x3FBB] =	sst s2  }
0x8f: {  	_ = 	snop  }
0x90: {  	(tm) =	ssettm $0x1  }
0x91: {  	s17 =	sld [smem:$0x3FFB];
	_ =	sdelay $0x3  }
0x92: {  	_ =	strace s17  }
0x93: {  	s2 =	sld [smem:$0x3FFC];
	_ =	sdelay $0x3  }
0x94: {  	_ =	strace s2  }
0x95: {  	s2 =	sld [smem:$0x3FFD];
	_ =	sdelay $0x3  }
0x96: {  	_ =	strace s2  }
0x97: {  	_ =	strace $0x8FFFFFFF  }
0x98: {  	s18 =	sld [smem:$0x3FDB];
	_ =	sdelay $0x1  }
0x99: {  	s19 =	simm.s32 $_scs_section_size  }
0x9a: {  	s4 =	simm.s32 $_size__tile_overlayer_lowered;
	s5 =	simm.s32 $_tile_overlayer_lowered  }
0x9b: {  	s22 =	simm.s32 $0x1BFF;
	s21 =	sshll.u32 s5, $0x1;
	s2 =	sadd.s32 s19, s18  }
0x9c: {  	s6 =	simm.s32 $0x0;
	s20 =	sshll.u32 s4, $0x1;
	s4 =	sadd.s32 s21, s2  }
0x9d: {  	[timem:s6], [sflag:s22] =	dma.local [hbm:s4], s20  }
0x9e: {  	_ =	swait.ge [sflag:s22], s20  }
0x9f: {  	s3 =	ssub.s32 $0x0, s20;
	[sflag:s22] =	ssyncset.done $0x0  }
0xa0: {  	[sflag:s22] =	ssyncadd.s32 s3;
	_ =	sdelay $0x1  }
0xa1: {  	s23 =	simm.s32 $0x1B8B  }
0xa2: {  	_ =	swait.ge [sflag:s23], $0x1  }
0xa3: {  	[sflag:s23] =	ssyncset.done $0x0  }
0xa4: {  	s25 =	simm.s32 $0x1B8E;
	s24 =	sld [smem:$0x3FFE];
	[sflag:s23] =	ssyncadd.s32 $0xFFFFFFFF  }
0xa5: {  	s26 =	simm.s32 $execute0_lowered;
	[smem:$0x3FD2] =	sst s25  }
0xa6: {  	s4 =	sshll.u32 s26, $0x1;
	_ =	strace $0x80000049;
	[dreg:$0x1] =	wrdreg $0xFFFFFFFF  }
0xa7: {  	s28 =	simm.s32 $_size_execute0_lowered;
	s2 =	sadd.s32 s2, s4;
	[dreg:$0x0] =	wrdreg $0x0  }
0xa8: {  	s4 =	sshll.u32 s28, $0x1;
	[dreg:$0x2] =	wrdreg s2  }
0xa9: {  	[dreg:$0x3] =	wrdreg s4  }
0xaa: {  	[dreg:$0x4] =	wrdreg $0xC0  }
0xab: {  	_ =	task [dreg:s6], $0x5FFFF  }
0xac: {  	[dreg:$0x1] =	wrdreg $0xFFFFFFFF  }
0xad: {  	[dreg:$0x0] =	wrdreg $0x60  }
0xae: {  	[dreg:$0x2] =	wrdreg s24  }
0xaf: {  	[dreg:$0x3] =	wrdreg $0x82000  }
0xb0: {  	[dreg:$0x4] =	wrdreg $0x9  }
0xb1: {  	_ =	task.clear_ibuf [dreg:s6], $0x5FFFF;
	_ =	strace $0x90000049  }
0xb2: {  	s29 =	simm.s32 $0x9;
	_ =	strace $0x8000004B  }
0xb3: {  	_ =	swait.ge [sflag:s29], $0x1  }
0xb4: {  	[sflag:s29] =	ssyncadd.s32 $0xFFFFFFFF  }
0xb5: {  	_ =	strace $0x9000004B  }
0xb6: {  	_ =	sfence  }
0xb7: {  	s30 =	sld [smem:$0x0];
	_ =	sdelay $0x2  }
0xb8: {  	s31 =	sshll.u32 s1, $0xD;
	s1 =	sshrl.u32 s1, $0x2  }
0xb9: {  	s3 =	sand.u32 $0x4000, s31;
	s1 =	sadd.s32 s1, s30  }
0xba: {  	s0 =	sor.u32 s3, s0;
	s1 =	sshll.u32 s1, $0x11  }
0xbb: {  	s0 =	sor.u32 s1, s0  }
0xbc: {  	s0 =	sadd.s32 $0x8F2B, s0  }
0xbd: {  	[sflag:s0] =	ssyncadd.remote.s32 $0x1  }
0xbe: {  	_ =	sfence.sel $0xFFFF  }
0xbf: {  	[dreg:$0x0] =	wrdreg $0xFFFFFFFF;
	(pc) =	sbr.abs _section_cstart, $3  }
0xc0: {  	[dreg:$0x1] =	wrdreg $0xFFFFFFFF  }
0xc1: {  	_ =	task.clear_ibuf [dreg:s6], $0x2FFFF;
	_ =	strace $0x9FFFFFFF  }
0xc2: {  	(tm) =	ssettm $0x7FFFFFFF  }
0xc3: {  	_ =	shalt  }
tec
execute0_lowered:
.L_overlay_start_1:
0x0: {  	(tag) =	ssettag $0x1  }
0x1: {  	s7 =	rddreg [dreg:$0x0]  }
0x2: {  	s1 =	rddreg [dreg:$0x1]  }
0x3: {  	s0 =	rddreg [dreg:$0x2];
	s2 =	simm.s32 $0x0  }
0x4: {  	s8 =	srdreg.scid;
	s3 =	stileid.u32;
	s17 =	simm.s32 $0x80  }
0x5: {  	s18 =	simm.s32 $0x200;
	s19 =	simm.s32 $0x100;
	s20 =	simm.s32 $0x4200  }
0x6: {  	s21 =	simm.s32 $0x1;
	s22 =	simm.s32 $0x2;
	s5 =	sadd.s32 $0x152400, s7  }
0x7: {  	[smem:$0x7FF] =	sst s2;
	s6 =	sadd.s32 $0x294C00, s7;
	s10 =	smul.u32 $0x4E000, s3  }
0x8: {  	s4 =	sadd.s32 $0x19C00, s7;
	s12 =	sadd.s32 $0x28AC00, s7;
	s13 =	smul.u32 $0x5000, s3  }
0x9: {  	s8 =	sand.u32 $0x1, s8;
	s11 =	sadd.s32 $0x297400, s7;
	s25 =	smul.u32 $0x27000, s3  }
0xa: {  	s16 =	sadd.s32 $0x124800, s1;
	s31 =	smul.u32 $0xA00, s3;
	p1 =	seq.s32 s3, $0xF  }
0xb: {  	_ =	strace $0x8000004A;
	s9 =	ssub.s32 $0x2, s8;
	s26 =	sshll.u32 s8, $0xA  }
0xc: {  	p0 =	seq.s32 s8, $0x1;
	s29 =	sshll.u32 s8, $0x7;
	s23 =	sshrl.u32 s9, $0x1  }
0xd: {  	s24 =	sshrl.u32 s10, $0x2;
	s28 =	sshrl.u32 s13, $0x3;
	s30 =	sadd.s32 s29, s11  }
0xe: {  	s13 =	sshrl.u32 @p1 s16, $0x3;
	s16 =	simm.s32 $0x3;
	s14 =	ssub.s32 s9, s23  }
.Ltmp0:
0xf: {  	s15 =	sadd.s32 s24, s1;
	s9 =	sor.u32 s26, s25;
	(pc) =	sbr.rel .LBB2_1-.Ltmp0, $4  }
0x10: {  	s7 =	sadd.s32 s12, s28;
	s12 =	sadd.s32 s31, s12;
	s23 =	simm.s32 $0x180  }
0x11: {  	s24 =	simm.s32 $0x0;
	s9 =	sshrl.u32 s9, $0x3;
	s10 =	smax.u32 s14, $0x1  }
0x12: {  	s14 =	sshll.u32 @!p1 s3, $0x6;
	s15 =	sshrl.u32 @!p1 s15, $0x3;
	s8 =	sadd.s32 s11, s9  }
0x13: {  	s9 =	sadd.s32 $0x49200, s30;
	s11 =	sadd.s32 $0x9E0, s7;
	s14 =	sor.u32 @!p1 $0x1C03, s14  }
.LBB2_7:
0x14: {  	s26 =	sadd.s32 $0x9E0, s25;
	[sflag:s16] =	ssyncadd.s32 $0xFFFFC000  }
0x15: {  	[tilespmem:s19], [sflag:$0x3] =	stream.linear.gather [hbm4b:s26+s2], $0x100, $0x38;
	[tilespmem:$0x1BB00] =	vst v63  }
0x16: {  	_ =	swait.ge [sflag:s16], $0x100  }
0x17: {  	[sflag:s16] =	ssyncset.done $0x0  }
0x18: {  	[sflag:s16] =	ssyncadd.s32 $0xFFFFFF00  }
0x19: {  	[tilespmem:s20], [sflag:$0x2] =	stream.indirect.gather [hbm4b:s5+s17], $0x80, s19, s17, $0xb8;
	[tilespmem:$0x1BB00] =	vst v63  }
0x1a: {  	_ =	swait.ge [sflag:s21], $0x4000  }
0x1b: {  	[sflag:s21] =	ssyncset.done $0x0  }
0x1c: {  	[sflag:s21] =	ssyncadd.s32 $0xFFFFC000  }
0x1d: {  	[spmem:s1] =	stream.indirect.scatter.add.f32 [tilespmem:s18], [sflag:$0x3], $0x80, s17, s17, $0xb8;
	[tilespmem:$0x1BB00] =	vst v63  }
0x1e: {  	_ =	swait.ge [sflag:s16], $0x4000  }
0x1f: {  	[sflag:s16] =	ssyncset.done $0x0  }
0x20: {  	s31 =	sadd.s32 $0xA00, s25;
	[sflag:s16] =	ssyncadd.s32 $0xFFFFC000  }
0x21: {  	[tilespmem:s2], [sflag:$0x3] =	stream.linear.gather [hbm4b:s31+s2], $0x100, $0x38;
	[tilespmem:$0x1BB00] =	vst v63  }
0x22: {  	_ =	swait.ge [sflag:s16], $0x100  }
0x23: {  	[sflag:s16] =	ssyncset.done $0x0  }
0x24: {  	[sflag:s16] =	ssyncadd.s32 $0xFFFFFF00  }
0x25: {  	[tilespmem:s18], [sflag:$0x1] =	stream.indirect.gather [hbm4b:s5+s17], $0x80, s2, s17, $0xb8;
	[tilespmem:$0x1BB00] =	vst v63  }
0x26: {  	_ =	swait.ge [sflag:s22], $0x4000  }
0x27: {  	[sflag:s22] =	ssyncset.done $0x0  }
0x28: {  	[sflag:s22] =	ssyncadd.s32 $0xFFFFC000  }
0x29: {  	[spmem:s1] =	stream.indirect.scatter.add.f32 [tilespmem:s20], [sflag:$0x3], $0x80, s23, s17, $0xb8;
	[tilespmem:$0x1BB00] =	vst v63  }
0x2a: {  	_ =	swait.ge [sflag:s16], $0x4000  }
0x2b: {  	[sflag:s16] =	ssyncset.done $0x0  }
0x2c: {  	s25 =	smov.u32 s5;
	[sflag:s16] =	ssyncadd.s32 $0xFFFFC000  }
.LBB2_8:
0x2d: {  	[tilespmem:s19], [sflag:$0x3] =	stream.linear.gather [hbm4b:s11+s2], $0x100, $0x38;
	[tilespmem:$0x1BB00] =	vst v63  }
0x2e: {  	_ =	swait.ge [sflag:s16], $0x100  }
0x2f: {  	[sflag:s16] =	ssyncset.done $0x0  }
0x30: {  	[sflag:s16] =	ssyncadd.s32 $0xFFFFFF00  }
0x31: {  	[tilespmem:s20], [sflag:$0x2] =	stream.indirect.gather [hbm4b:s25+s17], $0x80, s19, s17, $0xb8;
	[tilespmem:$0x1BB00] =	vst v63  }
0x32: {  	_ =	swait.ge [sflag:s21], $0x4000  }
0x33: {  	[sflag:s21] =	ssyncset.done $0x0  }
0x34: {  	[sflag:s21] =	ssyncadd.s32 $0xFFFFC000  }
0x35: {  	[spmem:s1] =	stream.indirect.scatter.add.f32 [tilespmem:s18], [sflag:$0x3], $0x80, s17, s17, $0xb8;
	[tilespmem:$0x1BB00] =	vst v63  }
0x36: {  	_ =	swait.ge [sflag:s16], $0x4000  }
0x37: {  	[sflag:s16] =	ssyncset.done $0x0  }
0x38: {  	[sflag:s16] =	ssyncadd.s32 $0xFFFFC000  }
0x39: {  	_ =	swait.ge [sflag:s22], $0x4000  }
0x3a: {  	[sflag:s22] =	ssyncset.done $0x0  }
0x3b: {  	[sflag:s22] =	ssyncadd.s32 $0xFFFFC000  }
0x3c: {  	[spmem:s1] =	stream.indirect.scatter.add.f32 [tilespmem:s20], [sflag:$0x3], $0x80, s23, s17, $0xb8;
	[tilespmem:$0x1BB00] =	vst v63  }
0x3d: {  	_ =	swait.ge [sflag:s16], $0x4000  }
0x3e: {  	[sflag:s16] =	ssyncset.done $0x0  }
0x3f: {  	s26 =	simm.s32 @p1 $0x100;
	s28 =	simm.s32 @p1 $0x80;
	[sflag:s16] =	ssyncadd.s32 $0xFFFFC000  }
0x40: {  	s29 =	simm.s32 @p1 $0x1FC3;
	s25 =	simm.s32 @p1 $0x8;
	[bflag:$0x0] =	sbarrier.arrive $0xFFFF  }
0x41: {  	[hbm:s9@s26], [sflag:s29] =	dma.strided @p1 [spmem:s13@s28], $0x2800, s25, $0x10   }
0x42: {  	s25 =	simm.s32 @p1 $0x3  }
0x43: {  	s24 =	sadd.s32 $0x1, s24;
	_ =	swait.ge @p1 [sflag:s25], $0x2800  }
0x44: {  	p2 =	sne.s32 s24, s10;
	s26 =	simm.s32 @!p1 $0x100;
	[sflag:s25] =	ssyncset.done @p1 $0x0  }
0x45: {  	s28 =	simm.s32 @!p1 $0x80;
	[sflag:s25] =	ssyncadd.s32 @p1 $0xFFFFD800;
	s25 =	simm.s32 @!p1 $0x8  }
0x46: {  	[hbm:s8@s26], [sflag:s14] =	dma.strided @!p1 [spmem:s15@s28], $0x2700, s25, $0x10   }
.Ltmp1:
0x47: {  	_ = 	snop;
	(pc) =	sbr.rel @!p2 .LBB2_9-.Ltmp1, $4  }
0x48: {  	s25 =	simm.s32 @!p1 $0x3  }
0x49: {  	_ =	swait.ge @!p1 [sflag:s25], $0x2700  }
0x4a: {  	[sflag:s25] =	ssyncset.done @!p1 $0x0  }
0x4b: {  	[sflag:s25] =	ssyncadd.s32 @!p1 $0xFFFFD900  }
.LBB2_1:
0x4c: {  	s25 =	simm.s32 @p1 $0x1FC3  }
0x4d: {  	[spmem:s13], [sflag:s25] =	dma.local @p1 [hbm:s6], $0x2800  }
0x4e: {  	s25 =	simm.s32 @p1 $0x3  }
0x4f: {  	_ =	swait.ge @p1 [sflag:s25], $0x2800  }
0x50: {  	[sflag:s25] =	ssyncset.done @p1 $0x0  }
0x51: {  	[sflag:s25] =	ssyncadd.s32 @p1 $0xFFFFD800;
	s25 =	simm.s32 @!p1 $0x3  }
0x52: {  	[spmem:s15], [sflag:s14] =	dma.local @!p1 [hbm:s6], $0x2700  }
0x53: {  	_ =	swait.ge @!p1 [sflag:s25], $0x2700  }
0x54: {  	[sflag:s25] =	ssyncset.done @!p1 $0x0  }
0x55: {  	[sflag:s25] =	ssyncadd.s32 @!p1 $0xFFFFD900  }
.Ltmp2:
0x56: {  	[bflag:$0x0] =	sbarrier.arrive $0xFFFF;
	(pc) =	sbr.rel @!p0 .LBB2_2-.Ltmp2, $4  }
0x57: {  	[tilespmem:s2], [sflag:$0x3] =	stream.linear.gather [hbm4b:s7+s2], $0x100, $0x38;
	[tilespmem:$0x1BB00] =	vst v63  }
0x58: {  	_ =	swait.ge [sflag:s16], $0x100  }
0x59: {  	[sflag:s16] =	ssyncset.done $0x0  }
0x5a: {  	[sflag:s16] =	ssyncadd.s32 $0xFFFFFF00  }
0x5b: {  	[tilespmem:s18], [sflag:$0x1] =	stream.indirect.gather [hbm4b:s5+s17], $0x80, s2, s17, $0xb8;
	[tilespmem:$0x1BB00] =	vst v63  }
0x5c: {  	s25 =	sadd.s32 $0xFFFFF640, s12  }
0x5d: {  	s26 =	sadd.s32 $0x9E0, s25  }
0x5e: {  	[tilespmem:s19], [sflag:$0x3] =	stream.linear.gather [hbm4b:s26+s2], $0x100, $0x38;
	[tilespmem:$0x1BB00] =	vst v63  }
0x5f: {  	_ =	swait.ge [sflag:s16], $0x100  }
0x60: {  	[sflag:s16] =	ssyncset.done $0x0  }
0x61: {  	[sflag:s16] =	ssyncadd.s32 $0xFFFFFF00  }
0x62: {  	[tilespmem:s20], [sflag:$0x2] =	stream.indirect.gather [hbm4b:s5+s17], $0x80, s19, s17, $0xb8;
	[tilespmem:$0x1BB00] =	vst v63  }
0x63: {  	_ =	swait.ge [sflag:s21], $0x4000  }
0x64: {  	[sflag:s21] =	ssyncset.done $0x0  }
0x65: {  	[sflag:s21] =	ssyncadd.s32 $0xFFFFC000  }
0x66: {  	[spmem:s1] =	stream.indirect.scatter.add.f32 [tilespmem:s18], [sflag:$0x3], $0x80, s17, s17, $0xb8;
	[tilespmem:$0x1BB00] =	vst v63  }
0x67: {  	_ =	swait.ge [sflag:s16], $0x4000  }
0x68: {  	[sflag:s16] =	ssyncset.done $0x0  }
0x69: {  	s25 =	sadd.s32 $0xA00, s25;
	[sflag:s16] =	ssyncadd.s32 $0xFFFFC000  }
0x6a: {  	[tilespmem:s2], [sflag:$0x3] =	stream.linear.gather [hbm4b:s25+s2], $0x100, $0x38;
	[tilespmem:$0x1BB00] =	vst v63  }
0x6b: {  	_ =	swait.ge [sflag:s16], $0x100  }
0x6c: {  	[sflag:s16] =	ssyncset.done $0x0  }
0x6d: {  	[sflag:s16] =	ssyncadd.s32 $0xFFFFFF00  }
0x6e: {  	[tilespmem:s18], [sflag:$0x1] =	stream.indirect.gather [hbm4b:s5+s17], $0x80, s2, s17, $0xb8;
	[tilespmem:$0x1BB00] =	vst v63  }
0x6f: {  	_ =	swait.ge [sflag:s22], $0x4000  }
0x70: {  	[sflag:s22] =	ssyncset.done $0x0  }
0x71: {  	[sflag:s22] =	ssyncadd.s32 $0xFFFFC000  }
0x72: {  	[spmem:s1] =	stream.indirect.scatter.add.f32 [tilespmem:s20], [sflag:$0x3], $0x80, s23, s17, $0xb8;
	[tilespmem:$0x1BB00] =	vst v63  }
0x73: {  	_ =	swait.ge [sflag:s16], $0x4000  }
0x74: {  	s26 =	simm.s32 $0xFFFFF6C0;
	s25 =	sadd.s32 $0xFFFFF680, s12;
	[sflag:s16] =	ssyncset.done $0x0  }
.LBB2_6:
0x75: {  	s28 =	sadd.s32 $0x9E0, s25  }
0x76: {  	[sflag:s16] =	ssyncadd.s32 $0xFFFFC000;
	s29 =	smov.u32 s26;
	s30 =	sadd.s32 $0x40, s26  }
0x77: {  	[tilespmem:s19], [sflag:$0x3] =	stream.linear.gather [hbm4b:s28+s2], $0x100, $0x38;
	[tilespmem:$0x1BB00] =	vst v63  }
0x78: {  	p2 =	sne.s32 s26, $0xFFFFFFC0;
	_ =	swait.ge [sflag:s16], $0x100  }
0x79: {  	[sflag:s16] =	ssyncset.done $0x0  }
0x7a: {  	[sflag:s16] =	ssyncadd.s32 $0xFFFFFF00  }
0x7b: {  	[tilespmem:s20], [sflag:$0x2] =	stream.indirect.gather [hbm4b:s5+s17], $0x80, s19, s17, $0xb8;
	[tilespmem:$0x1BB00] =	vst v63  }
0x7c: {  	_ =	swait.ge [sflag:s21], $0x4000  }
0x7d: {  	[sflag:s21] =	ssyncset.done $0x0  }
0x7e: {  	[sflag:s21] =	ssyncadd.s32 $0xFFFFC000  }
0x7f: {  	[spmem:s1] =	stream.indirect.scatter.add.f32 [tilespmem:s18], [sflag:$0x3], $0x80, s17, s17, $0xb8;
	[tilespmem:$0x1BB00] =	vst v63  }
0x80: {  	_ =	swait.ge [sflag:s16], $0x4000  }
0x81: {  	[sflag:s16] =	ssyncset.done $0x0  }
0x82: {  	s25 =	sadd.s32 $0xA00, s25;
	[sflag:s16] =	ssyncadd.s32 $0xFFFFC000  }
0x83: {  	[tilespmem:s2], [sflag:$0x3] =	stream.linear.gather [hbm4b:s25+s2], $0x100, $0x38;
	[tilespmem:$0x1BB00] =	vst v63  }
0x84: {  	_ =	swait.ge [sflag:s16], $0x100  }
0x85: {  	[sflag:s16] =	ssyncset.done $0x0  }
0x86: {  	[sflag:s16] =	ssyncadd.s32 $0xFFFFFF00  }
0x87: {  	[tilespmem:s18], [sflag:$0x1] =	stream.indirect.gather [hbm4b:s5+s17], $0x80, s2, s17, $0xb8;
	[tilespmem:$0x1BB00] =	vst v63  }
0x88: {  	_ =	swait.ge [sflag:s22], $0x4000  }
.Ltmp3:
0x89: {  	[sflag:s22] =	ssyncset.done $0x0;
	(pc) =	sbr.rel @p2 .LBB2_6-.Ltmp3, $4  }
0x8a: {  	[sflag:s22] =	ssyncadd.s32 $0xFFFFC000  }
0x8b: {  	[spmem:s1] =	stream.indirect.scatter.add.f32 [tilespmem:s20], [sflag:$0x3], $0x80, s23, s17, $0xb8;
	[tilespmem:$0x1BB00] =	vst v63  }
0x8c: {  	_ =	swait.ge [sflag:s16], $0x4000  }
0x8d: {  	s26 =	smov.u32 s30;
	s25 =	sadd.s32 s29, s12;
	[sflag:s16] =	ssyncset.done $0x0  }
.Ltmp4:
0x8e: {  	_ = 	snop;
	(pc) =	sbr.rel .LBB2_7-.Ltmp4, $1  }
0x8f: {  	_ =	sdelay $0x3  }
.LBB2_2:
0x90: {  	[tilespmem:s18], [sflag:$0x1] =	stream.indirect.gather [hbm4b:s4+s17], $0x80, s2, s17, $0xb8;
	[tilespmem:$0x1BB00] =	vst v63  }
0x91: {  	s25 =	sadd.s32 $0xFFFFF640, s12  }
0x92: {  	s26 =	sadd.s32 $0x9E0, s25  }
0x93: {  	[tilespmem:s19], [sflag:$0x3] =	stream.linear.gather [hbm4b:s26+s2], $0x100, $0x38;
	[tilespmem:$0x1BB00] =	vst v63  }
0x94: {  	_ =	swait.ge [sflag:s16], $0x100  }
0x95: {  	[sflag:s16] =	ssyncset.done $0x0  }
0x96: {  	[sflag:s16] =	ssyncadd.s32 $0xFFFFFF00  }
0x97: {  	[tilespmem:s20], [sflag:$0x2] =	stream.indirect.gather [hbm4b:s4+s17], $0x80, s19, s17, $0xb8;
	[tilespmem:$0x1BB00] =	vst v63  }
0x98: {  	_ =	swait.ge [sflag:s21], $0x4000  }
0x99: {  	[sflag:s21] =	ssyncset.done $0x0  }
0x9a: {  	[sflag:s21] =	ssyncadd.s32 $0xFFFFC000  }
0x9b: {  	[spmem:s1] =	stream.indirect.scatter.add.f32 [tilespmem:s18], [sflag:$0x3], $0x80, s17, s17, $0xb8;
	[tilespmem:$0x1BB00] =	vst v63  }
0x9c: {  	_ =	swait.ge [sflag:s16], $0x4000  }
0x9d: {  	[sflag:s16] =	ssyncset.done $0x0  }
0x9e: {  	s25 =	sadd.s32 $0xA00, s25;
	[sflag:s16] =	ssyncadd.s32 $0xFFFFC000  }
0x9f: {  	[tilespmem:s2], [sflag:$0x3] =	stream.linear.gather [hbm4b:s25+s2], $0x100, $0x38;
	[tilespmem:$0x1BB00] =	vst v63  }
0xa0: {  	_ =	swait.ge [sflag:s16], $0x100  }
0xa1: {  	[sflag:s16] =	ssyncset.done $0x0  }
0xa2: {  	[sflag:s16] =	ssyncadd.s32 $0xFFFFFF00  }
0xa3: {  	[tilespmem:s18], [sflag:$0x1] =	stream.indirect.gather [hbm4b:s4+s17], $0x80, s2, s17, $0xb8;
	[tilespmem:$0x1BB00] =	vst v63  }
0xa4: {  	_ =	swait.ge [sflag:s22], $0x4000  }
0xa5: {  	[sflag:s22] =	ssyncset.done $0x0  }
0xa6: {  	[sflag:s22] =	ssyncadd.s32 $0xFFFFC000  }
0xa7: {  	[spmem:s1] =	stream.indirect.scatter.add.f32 [tilespmem:s20], [sflag:$0x3], $0x80, s23, s17, $0xb8;
	[tilespmem:$0x1BB00] =	vst v63  }
0xa8: {  	_ =	swait.ge [sflag:s16], $0x4000  }
0xa9: {  	s26 =	simm.s32 $0xFFFFF6C0;
	s25 =	sadd.s32 $0xFFFFF680, s12;
	[sflag:s16] =	ssyncset.done $0x0  }
.LBB2_3:
0xaa: {  	s28 =	sadd.s32 $0x9E0, s25  }
0xab: {  	[sflag:s16] =	ssyncadd.s32 $0xFFFFC000;
	s29 =	smov.u32 s26;
	s30 =	sadd.s32 $0x40, s26  }
0xac: {  	[tilespmem:s19], [sflag:$0x3] =	stream.linear.gather [hbm4b:s28+s2], $0x100, $0x38;
	[tilespmem:$0x1BB00] =	vst v63  }
0xad: {  	p2 =	seq.s32 s26, $0xFFFFFFC0;
	_ =	swait.ge [sflag:s16], $0x100  }
0xae: {  	[sflag:s16] =	ssyncset.done $0x0  }
0xaf: {  	[sflag:s16] =	ssyncadd.s32 $0xFFFFFF00  }
0xb0: {  	[tilespmem:s20], [sflag:$0x2] =	stream.indirect.gather [hbm4b:s4+s17], $0x80, s19, s17, $0xb8;
	[tilespmem:$0x1BB00] =	vst v63  }
0xb1: {  	_ =	swait.ge [sflag:s21], $0x4000  }
0xb2: {  	[sflag:s21] =	ssyncset.done $0x0  }
0xb3: {  	[sflag:s21] =	ssyncadd.s32 $0xFFFFC000  }
0xb4: {  	[spmem:s1] =	stream.indirect.scatter.add.f32 [tilespmem:s18], [sflag:$0x3], $0x80, s17, s17, $0xb8;
	[tilespmem:$0x1BB00] =	vst v63  }
0xb5: {  	_ =	swait.ge [sflag:s16], $0x4000  }
0xb6: {  	[sflag:s16] =	ssyncset.done $0x0  }
0xb7: {  	s25 =	sadd.s32 $0xA00, s25;
	[sflag:s16] =	ssyncadd.s32 $0xFFFFC000  }
0xb8: {  	[tilespmem:s2], [sflag:$0x3] =	stream.linear.gather [hbm4b:s25+s2], $0x100, $0x38;
	[tilespmem:$0x1BB00] =	vst v63  }
0xb9: {  	_ =	swait.ge [sflag:s16], $0x100  }
0xba: {  	[sflag:s16] =	ssyncset.done $0x0  }
0xbb: {  	[sflag:s16] =	ssyncadd.s32 $0xFFFFFF00  }
0xbc: {  	[tilespmem:s18], [sflag:$0x1] =	stream.indirect.gather [hbm4b:s4+s17], $0x80, s2, s17, $0xb8;
	[tilespmem:$0x1BB00] =	vst v63  }
0xbd: {  	_ =	swait.ge [sflag:s22], $0x4000  }
.Ltmp5:
0xbe: {  	[sflag:s22] =	ssyncset.done $0x0;
	(pc) =	sbr.rel @!p2 .LBB2_3-.Ltmp5, $4  }
0xbf: {  	[sflag:s22] =	ssyncadd.s32 $0xFFFFC000  }
0xc0: {  	[spmem:s1] =	stream.indirect.scatter.add.f32 [tilespmem:s20], [sflag:$0x3], $0x80, s23, s17, $0xb8;
	[tilespmem:$0x1BB00] =	vst v63  }
0xc1: {  	_ =	swait.ge [sflag:s16], $0x4000  }
0xc2: {  	s26 =	smov.u32 s30;
	s25 =	sadd.s32 s29, s12;
	[sflag:s16] =	ssyncset.done $0x0  }
0xc3: {  	s26 =	sadd.s32 $0x9E0, s25;
	[sflag:s16] =	ssyncadd.s32 $0xFFFFC000  }
0xc4: {  	[tilespmem:s19], [sflag:$0x3] =	stream.linear.gather [hbm4b:s26+s2], $0x100, $0x38;
	[tilespmem:$0x1BB00] =	vst v63  }
0xc5: {  	_ =	swait.ge [sflag:s16], $0x100  }
0xc6: {  	[sflag:s16] =	ssyncset.done $0x0  }
0xc7: {  	[sflag:s16] =	ssyncadd.s32 $0xFFFFFF00  }
0xc8: {  	[tilespmem:s20], [sflag:$0x2] =	stream.indirect.gather [hbm4b:s4+s17], $0x80, s19, s17, $0xb8;
	[tilespmem:$0x1BB00] =	vst v63  }
0xc9: {  	_ =	swait.ge [sflag:s21], $0x4000  }
0xca: {  	[sflag:s21] =	ssyncset.done $0x0  }
0xcb: {  	[sflag:s21] =	ssyncadd.s32 $0xFFFFC000  }
0xcc: {  	[spmem:s1] =	stream.indirect.scatter.add.f32 [tilespmem:s18], [sflag:$0x3], $0x80, s17, s17, $0xb8;
	[tilespmem:$0x1BB00] =	vst v63  }
0xcd: {  	_ =	swait.ge [sflag:s16], $0x4000  }
0xce: {  	[sflag:s16] =	ssyncset.done $0x0  }
0xcf: {  	s31 =	sadd.s32 $0xA00, s25;
	[sflag:s16] =	ssyncadd.s32 $0xFFFFC000  }
0xd0: {  	[tilespmem:s2], [sflag:$0x3] =	stream.linear.gather [hbm4b:s31+s2], $0x100, $0x38;
	[tilespmem:$0x1BB00] =	vst v63  }
0xd1: {  	_ =	swait.ge [sflag:s16], $0x100  }
0xd2: {  	[sflag:s16] =	ssyncset.done $0x0  }
0xd3: {  	[sflag:s16] =	ssyncadd.s32 $0xFFFFFF00  }
0xd4: {  	[tilespmem:s18], [sflag:$0x1] =	stream.indirect.gather [hbm4b:s4+s17], $0x80, s2, s17, $0xb8;
	[tilespmem:$0x1BB00] =	vst v63  }
0xd5: {  	_ =	swait.ge [sflag:s22], $0x4000  }
0xd6: {  	[sflag:s22] =	ssyncset.done $0x0  }
.Ltmp6:
0xd7: {  	[sflag:s22] =	ssyncadd.s32 $0xFFFFC000;
	(pc) =	sbr.rel .LBB2_8-.Ltmp6, $4  }
0xd8: {  	[spmem:s1] =	stream.indirect.scatter.add.f32 [tilespmem:s20], [sflag:$0x3], $0x80, s23, s17, $0xb8;
	[tilespmem:$0x1BB00] =	vst v63  }
0xd9: {  	_ =	swait.ge [sflag:s16], $0x4000  }
0xda: {  	[sflag:s16] =	ssyncset.done $0x0  }
0xdb: {  	s25 =	smov.u32 s4;
	[sflag:s16] =	ssyncadd.s32 $0xFFFFC000  }
.LBB2_9:
0xdc: {  	_ =	sfence.sel $0x180000  }
0xdd: {  	[bflag:$0x0] =	sbarrier.arrive $0xFFFF  }
0xde: {  	p0 =	sne.s32 s3, $0x0;
	_ =	strace $0x9000004A  }
0xdf: {  	s0 =	sadd.s32 @!p0 $0x100000, s0;
	[bflag:$0x2] =	sbarrier.arrive $0xFFFF  }
0xe0: {  	[sflag:s0] =	ssyncadd.tile.s32 @!p0 $0x1;
	_ =	shalt  }
.Lfunc_end2:
_tile_overlayer_lowered:
.L_overlay_start_2:
0xe1: {  	(tag) =	ssettag $0x2  }
0xe2: {  	s0 =	rddreg [dreg:$0x0];
	s2 =	stileid.u32  }
0xe3: {  	s1 =	rddreg [dreg:$0x1];
	p0 =	sne.s32 s2, $0x0  }
0xe4: {  	s3 =	rddreg [dreg:$0x2];
	[bflag:$0x3] =	sbarrier.arrive $0xFFFF;
	s2 =	simm.s32 @!p0 $0x1C03  }
0xe5: {  	[timem:s3], [sflag:s2] =	dma.local @!p0 [hbm:s0], s1  }
0xe6: {  	s0 =	simm.s32 @!p0 $0x3  }
0xe7: {  	_ =	swait.ge @!p0 [sflag:s0], s1  }
0xe8: {  	s1 =	ssub.s32 @!p0 $0x0, s1;
	[sflag:s0] =	ssyncset.done @!p0 $0x0  }
0xe9: {  	[sflag:s0] =	ssyncadd.s32 @!p0 s1  }
0xea: {  	[bflag:$0x3] =	sbarrier.arrive $0xFFFF  }
0xeb: {  	_ =	shalt  }

// kernel: kernel.34.cloned.1.call-start
scs
__scs_entry_jumppad:
0x0: {  	(pc) =	sbr.rel $0x88, $3  }
0x1: {  	(tag) =	ssettag $0x0;
	lr =	simm.s32 $0x1  }
0x2: {  	[smem:$0x3F94] =	sst lr;
	_ =	strace $0xD0000000  }
0x3: {  	_ = 	snop  }
0x4: {  	_ = 	snop  }
0x5: {  	_ = 	snop  }
0x6: {  	_ = 	snop  }
0x7: {  	_ = 	snop  }
__scs_overlays_trampoline_lowered:
0x8: {  	[smem:$0x3FA3] =	sst s0  }
0x9: {  	[smem:$0x3FA4] =	sst s1  }
0xa: {  	[smem:$0x3FA5] =	sst s2  }
0xb: {  	[smem:$0x3FA6] =	sst s3  }
0xc: {  	[smem:$0x3FA7] =	sst s4  }
0xd: {  	[smem:$0x3FA8] =	sst s5  }
0xe: {  	[smem:$0x3FA9] =	sst s6  }
0xf: {  	[smem:$0x3FAA] =	sst s7  }
0x10: {  	[smem:$0x3FAB] =	sst s8  }
0x11: {  	[smem:$0x3FAC] =	sst s9;
	s0 =	simm.s32 @!p0 $0x0  }
0x12: {  	s1 =	sld [smem:$0x3F92];
	s0 =	simm.s32 @p0 $0x1  }
0x13: {  	[smem:$0x3FAD] =	sst s0;
	s0 =	simm.s32 @!p1 $0x0  }
0x14: {  	s2 =	sld [smem:$0x3F91];
	s0 =	simm.s32 @p1 $0x1  }
0x15: {  	[smem:$0x3FAE] =	sst s0;
	s0 =	simm.s32 @!p2 $0x0  }
0x16: {  	s3 =	sld [smem:$0x3FDB];
	s0 =	simm.s32 @p2 $0x1  }
0x17: {  	s4 =	simm.s32 $0x1BF5;
	[smem:$0x3FB0] =	sst s0  }
0x18: {  	s0 =	sld [smem:$0x3F93];
	_ =	swait.ge [sflag:s4], $0x0  }
0x19: {  	s7 =	sld [smem:$0x3F94]  }
0x1a: {  	s8 =	sadd.s32 $0xFFFFE003, lr  }
0x1b: {  	s9 =	sadd.s32 $0xFFFFFEF7, lr;
	s5 =	simm.s32 $0xFFFFFFFF;
	p2 =	slt.u32 s8, $0xFFFFF086  }
0x1c: {  	p1 =	slt.u32 s9, $0xF7A;
	s5 =	simm.s32 @!p2 $0x0  }
0x1d: {  	s5 =	simm.s32 @p1 $0x1;
	p0 =	seq.s32 s7, s2  }
0x1e: {  	s7 =	smul.u32 @!p0 $0xF7A, s2;
	p2 =	seq.s32 @!p0 s5, $0x0  }
0x1f: {  	s9 =	smul.u32 $0xF7A, s1;
	s8 =	simm.s32 @!p0 $0x1BF5;
	p2 =	por !p2, p0  }
0x20: {  	[sflag:s8] =	ssyncset.s32 @!p0 $0xFFFFF086;
	s6 =	sadd.s32 @!p0 s3, s7;
	s7 =	simm.s32 @!p0 $0x108  }
0x21: {  	s3 =	sadd.s32 s3, s9;
	s6 =	sadd.s32 @!p0 $0x88, s6;
	s7 =	simm.s32 @p2 $0x1082  }
0x22: {  	[simem:s7], [sflag:s8] =	dma.local @!p0 [hbm:s6], $0xF7A  }
0x23: {  	s9 =	sor.u32 $0xD0000000, s2;
	s6 =	simm.s32 $0x108;
	_ =	swait.ge @!p0 [sflag:s8], $0x0  }
0x24: {  	s3 =	sadd.s32 $0x88, s3;
	s6 =	simm.s32 @!p1 $0x1082;
	[sflag:s4] =	ssyncset.s32 $0xFFFFF086  }
0x25: {  	[simem:s6], [sflag:s4] =	dma.local [hbm:s3], $0xF7A  }
0x26: {  	[smem:$0x3F94] =	sst s1;
	(tag) =	ssettag s2;
	_ =	strace s9  }
0x27: {  	s1 =	sld [smem:$0x3FA4]  }
0x28: {  	s2 =	sld [smem:$0x3FA5]  }
0x29: {  	s4 =	sld [smem:$0x3FA7]  }
0x2a: {  	p0 =	seq.s32 s5, $0x0;
	s5 =	sld [smem:$0x3FA8]  }
0x2b: {  	s6 =	sld [smem:$0x3FA9]  }
0x2c: {  	s7 =	sld [smem:$0x3FAA]  }
0x2d: {  	s3 =	simm.s32 $0x108;
	s8 =	sld [smem:$0x3FAB]  }
0x2e: {  	s3 =	simm.s32 @!p0 $0x1082;
	s9 =	sld [smem:$0x3FAC]  }
0x2f: {  	lr =	sadd.s32 s0, s3;
	s0 =	sld [smem:$0x3FA3]  }
0x30: {  	s3 =	sld [smem:$0x3FA6]  }
0x31: {  	[smem:$0x3FAF] =	sst s10  }
0x32: {  	s10 =	sld [smem:$0x3FAD];
	_ =	sdelay $0x3  }
0x33: {  	p0 =	seq.s32 s10, $0x1;
	s10 =	sld [smem:$0x3FAF];
	_ =	sdelay $0x3  }
0x34: {  	[smem:$0x3FAF] =	sst s10  }
0x35: {  	s10 =	sld [smem:$0x3FAE];
	_ =	sdelay $0x3  }
0x36: {  	p1 =	seq.s32 s10, $0x1;
	s10 =	sld [smem:$0x3FAF];
	_ =	sdelay $0x3  }
0x37: {  	[smem:$0x3FAF] =	sst s10  }
0x38: {  	s10 =	sld [smem:$0x3FB0]  }
0x39: {  	_ = 	snop;
	(pc) =	sbr.ind lr, $3  }
0x3a: {  	_ = 	snop  }
0x3b: {  	_ = 	snop  }
0x3c: {  	p2 =	seq.s32 s10, $0x1;
	s10 =	sld [smem:$0x3FAF]  }
0x3d: {  	_ =	shalt  }
0x3e: {  	_ =	shalt  }
0x3f: {  	_ =	shalt  }
0x40: {  	_ =	shalt  }
0x41: {  	_ =	shalt  }
0x42: {  	_ =	shalt  }
0x43: {  	_ =	shalt  }
0x44: {  	_ =	shalt  }
0x45: {  	_ =	shalt  }
0x46: {  	_ =	shalt  }
0x47: {  	_ =	shalt  }
0x48: {  	_ =	shalt  }
0x49: {  	_ =	shalt  }
0x4a: {  	_ =	shalt  }
0x4b: {  	_ =	shalt  }
0x4c: {  	_ =	shalt  }
0x4d: {  	_ =	shalt  }
0x4e: {  	_ =	shalt  }
0x4f: {  	_ =	shalt  }
0x50: {  	_ =	shalt  }
0x51: {  	_ =	shalt  }
0x52: {  	_ =	shalt  }
0x53: {  	_ =	shalt  }
0x54: {  	_ =	shalt  }
0x55: {  	_ =	shalt  }
0x56: {  	_ =	shalt  }
0x57: {  	_ =	shalt  }
0x58: {  	_ =	shalt  }
0x59: {  	_ =	shalt  }
0x5a: {  	_ =	shalt  }
0x5b: {  	_ =	shalt  }
0x5c: {  	_ =	shalt  }
0x5d: {  	_ =	shalt  }
0x5e: {  	_ =	shalt  }
0x5f: {  	_ =	shalt  }
0x60: {  	_ =	shalt  }
0x61: {  	_ =	shalt  }
0x62: {  	_ =	shalt  }
0x63: {  	_ =	shalt  }
0x64: {  	_ =	shalt  }
0x65: {  	_ =	shalt  }
0x66: {  	_ =	shalt  }
0x67: {  	_ =	shalt  }
0x68: {  	_ =	shalt  }
0x69: {  	_ =	shalt  }
0x6a: {  	_ =	shalt  }
0x6b: {  	_ =	shalt  }
0x6c: {  	_ =	shalt  }
0x6d: {  	_ =	shalt  }
0x6e: {  	_ =	shalt  }
0x6f: {  	_ =	shalt  }
0x70: {  	_ =	shalt  }
0x71: {  	_ =	shalt  }
0x72: {  	_ =	shalt  }
0x73: {  	_ =	shalt  }
0x74: {  	_ =	shalt  }
0x75: {  	_ =	shalt  }
0x76: {  	_ =	shalt  }
0x77: {  	_ =	shalt  }
0x78: {  	_ =	shalt  }
0x79: {  	_ =	shalt  }
0x7a: {  	_ =	shalt  }
0x7b: {  	_ =	shalt  }
0x7c: {  	_ =	shalt  }
0x7d: {  	_ =	shalt  }
0x7e: {  	_ =	shalt  }
0x7f: {  	_ =	shalt  }
0x80: {  	_ =	shalt  }
0x81: {  	_ =	shalt  }
0x82: {  	_ =	shalt  }
0x83: {  	_ =	shalt  }
0x84: {  	_ =	shalt  }
0x85: {  	_ =	shalt  }
0x86: {  	_ =	shalt  }
0x87: {  	_ =	shalt  }
.Lfunc_end0:
.L_simem_size_0:
called_computation.2_lowered:
.L_overlay_start_0:
0x88: {  	s2 =	sld [smem:$0x3FD9]  }
0x89: {  	s3 =	sld [smem:$0x3FFE];
	_ =	sdelay $0x1  }
0x8a: {  	s1 =	srdreg.scid  }
0x8b: {  	s0 =	sand.u32 $0x1, s1  }
0x8c: {  	s16 =	sshll.u32 s0, $0xA;
	s2 =	sadd.s32 s3, s2  }
0x8d: {  	s2 =	sadd.s32 s2, s16  }
0x8e: {  	[smem:$0x3FBB] =	sst s2  }
0x8f: {  	_ = 	snop  }
0x90: {  	(tm) =	ssettm $0x1  }
0x91: {  	s17 =	sld [smem:$0x3FFB];
	_ =	sdelay $0x3  }
0x92: {  	_ =	strace s17  }
0x93: {  	s2 =	sld [smem:$0x3FFC];
	_ =	sdelay $0x3  }
0x94: {  	_ =	strace s2  }
0x95: {  	s2 =	sld [smem:$0x3FFD];
	_ =	sdelay $0x3  }
0x96: {  	_ =	strace s2  }
0x97: {  	_ =	strace $0x8FFFFFFF  }
0x98: {  	s18 =	sld [smem:$0x3FDB];
	_ =	sdelay $0x1  }
0x99: {  	s19 =	simm.s32 $_scs_section_size  }
0x9a: {  	s4 =	simm.s32 $_size__tile_overlayer_lowered;
	s5 =	simm.s32 $_tile_overlayer_lowered  }
0x9b: {  	s22 =	simm.s32 $0x1BFF;
	s21 =	sshll.u32 s5, $0x1;
	s2 =	sadd.s32 s19, s18  }
0x9c: {  	s6 =	simm.s32 $0x0;
	s20 =	sshll.u32 s4, $0x1;
	s4 =	sadd.s32 s21, s2  }
0x9d: {  	[timem:s6], [sflag:s22] =	dma.local [hbm:s4], s20  }
0x9e: {  	_ =	swait.ge [sflag:s22], s20  }
0x9f: {  	s3 =	ssub.s32 $0x0, s20;
	[sflag:s22] =	ssyncset.done $0x0  }
0xa0: {  	[sflag:s22] =	ssyncadd.s32 s3;
	_ =	sdelay $0x1  }
0xa1: {  	s23 =	simm.s32 $0x1B8B  }
0xa2: {  	_ =	swait.ge [sflag:s23], $0x1  }
0xa3: {  	[sflag:s23] =	ssyncset.done $0x0  }
0xa4: {  	s25 =	simm.s32 $0x1B8E;
	s24 =	sld [smem:$0x3FFE];
	[sflag:s23] =	ssyncadd.s32 $0xFFFFFFFF  }
0xa5: {  	s26 =	simm.s32 $execute0_lowered;
	[smem:$0x3FD2] =	sst s25  }
0xa6: {  	s4 =	sshll.u32 s26, $0x1;
	_ =	strace $0x8000004C;
	[dreg:$0x1] =	wrdreg $0xFFFFFFFF  }
0xa7: {  	s28 =	simm.s32 $_size_execute0_lowered;
	s2 =	sadd.s32 s2, s4;
	[dreg:$0x0] =	wrdreg $0x0  }
0xa8: {  	s4 =	sshll.u32 s28, $0x1;
	[dreg:$0x2] =	wrdreg s2  }
0xa9: {  	[dreg:$0x3] =	wrdreg s4  }
0xaa: {  	[dreg:$0x4] =	wrdreg $0xC0  }
0xab: {  	_ =	task [dreg:s6], $0x5FFFF  }
0xac: {  	[dreg:$0x1] =	wrdreg $0xFFFFFFFF  }
0xad: {  	[dreg:$0x0] =	wrdreg $0x60  }
0xae: {  	[dreg:$0x2] =	wrdreg s24  }
0xaf: {  	[dreg:$0x3] =	wrdreg $0x82000  }
0xb0: {  	[dreg:$0x4] =	wrdreg $0x9  }
0xb1: {  	_ =	task.clear_ibuf [dreg:s6], $0x5FFFF;
	_ =	strace $0x9000004C  }
0xb2: {  	s29 =	simm.s32 $0x9;
	_ =	strace $0x8000004E  }
0xb3: {  	_ =	swait.ge [sflag:s29], $0x1  }
0xb4: {  	[sflag:s29] =	ssyncadd.s32 $0xFFFFFFFF  }
0xb5: {  	_ =	strace $0x9000004E  }
0xb6: {  	_ =	sfence  }
0xb7: {  	s30 =	sld [smem:$0x0];
	_ =	sdelay $0x2  }
0xb8: {  	s31 =	sshll.u32 s1, $0xD;
	s1 =	sshrl.u32 s1, $0x2  }
0xb9: {  	s3 =	sand.u32 $0x4000, s31;
	s1 =	sadd.s32 s1, s30  }
0xba: {  	s0 =	sor.u32 s3, s0;
	s1 =	sshll.u32 s1, $0x11  }
0xbb: {  	s0 =	sor.u32 s1, s0  }
0xbc: {  	s0 =	sadd.s32 $0x8F2B, s0  }
0xbd: {  	[sflag:s0] =	ssyncadd.remote.s32 $0x1  }
0xbe: {  	_ =	sfence.sel $0xFFFF  }
0xbf: {  	[dreg:$0x0] =	wrdreg $0xFFFFFFFF;
	(pc) =	sbr.abs _section_cstart, $3  }
0xc0: {  	[dreg:$0x1] =	wrdreg $0xFFFFFFFF  }
0xc1: {  	_ =	task.clear_ibuf [dreg:s6], $0x2FFFF;
	_ =	strace $0x9FFFFFFF  }
0xc2: {  	(tm) =	ssettm $0x7FFFFFFF  }
0xc3: {  	_ =	shalt  }
tec
execute0_lowered:
.L_overlay_start_1:
0x0: {  	(tag) =	ssettag $0x1  }
0x1: {  	s7 =	rddreg [dreg:$0x0]  }
0x2: {  	s1 =	rddreg [dreg:$0x1]  }
0x3: {  	s0 =	rddreg [dreg:$0x2];
	s2 =	simm.s32 $0x0  }
0x4: {  	s8 =	srdreg.scid;
	s3 =	stileid.u32;
	s17 =	simm.s32 $0x80  }
0x5: {  	s18 =	simm.s32 $0x200;
	s19 =	simm.s32 $0x100;
	s20 =	simm.s32 $0x4200  }
0x6: {  	s21 =	simm.s32 $0x1;
	s22 =	simm.s32 $0x2;
	s5 =	sadd.s32 $0x152400, s7  }
0x7: {  	[smem:$0x7FF] =	sst s2;
	s6 =	sadd.s32 $0x294C00, s7;
	s10 =	smul.u32 $0x4E000, s3  }
0x8: {  	s4 =	sadd.s32 $0x19C00, s7;
	s12 =	sadd.s32 $0x28AC00, s7;
	s13 =	smul.u32 $0x5000, s3  }
0x9: {  	s8 =	sand.u32 $0x1, s8;
	s11 =	sadd.s32 $0x297400, s7;
	s25 =	smul.u32 $0x27000, s3  }
0xa: {  	s16 =	sadd.s32 $0x124800, s1;
	s31 =	smul.u32 $0xA00, s3;
	p1 =	seq.s32 s3, $0xF  }
0xb: {  	_ =	strace $0x8000004D;
	s9 =	ssub.s32 $0x2, s8;
	s26 =	sshll.u32 s8, $0xA  }
0xc: {  	p0 =	seq.s32 s8, $0x1;
	s29 =	sshll.u32 s8, $0x7;
	s23 =	sshrl.u32 s9, $0x1  }
0xd: {  	s24 =	sshrl.u32 s10, $0x2;
	s28 =	sshrl.u32 s13, $0x3;
	s30 =	sadd.s32 s29, s11  }
0xe: {  	s13 =	sshrl.u32 @p1 s16, $0x3;
	s16 =	simm.s32 $0x3;
	s14 =	ssub.s32 s9, s23  }
.Ltmp0:
0xf: {  	s15 =	sadd.s32 s24, s1;
	s9 =	sor.u32 s26, s25;
	(pc) =	sbr.rel .LBB2_1-.Ltmp0, $4  }
0x10: {  	s7 =	sadd.s32 s12, s28;
	s12 =	sadd.s32 s31, s12;
	s23 =	simm.s32 $0x180  }
0x11: {  	s24 =	simm.s32 $0x0;
	s9 =	sshrl.u32 s9, $0x3;
	s10 =	smax.u32 s14, $0x1  }
0x12: {  	s14 =	sshll.u32 @!p1 s3, $0x6;
	s15 =	sshrl.u32 @!p1 s15, $0x3;
	s8 =	sadd.s32 s11, s9  }
0x13: {  	s9 =	sadd.s32 $0x49200, s30;
	s11 =	sadd.s32 $0x9E0, s7;
	s14 =	sor.u32 @!p1 $0x1C03, s14  }
.LBB2_7:
0x14: {  	s26 =	sadd.s32 $0x9E0, s25;
	[sflag:s16] =	ssyncadd.s32 $0xFFFFC000  }
0x15: {  	[tilespmem:s19], [sflag:$0x3] =	stream.linear.gather [hbm4b:s26+s2], $0x100, $0x38;
	[tilespmem:$0x1BB00] =	vst v63  }
0x16: {  	_ =	swait.ge [sflag:s16], $0x100  }
0x17: {  	[sflag:s16] =	ssyncset.done $0x0  }
0x18: {  	[sflag:s16] =	ssyncadd.s32 $0xFFFFFF00  }
0x19: {  	[tilespmem:s20], [sflag:$0x2] =	stream.indirect.gather [hbm4b:s5+s17], $0x80, s19, s17, $0xb8;
	[tilespmem:$0x1BB00] =	vst v63  }
0x1a: {  	_ =	swait.ge [sflag:s21], $0x4000  }
0x1b: {  	[sflag:s21] =	ssyncset.done $0x0  }
0x1c: {  	[sflag:s21] =	ssyncadd.s32 $0xFFFFC000  }
0x1d: {  	[spmem:s1] =	stream.indirect.scatter.add.f32 [tilespmem:s18], [sflag:$0x3], $0x80, s17, s17, $0xb8;
	[tilespmem:$0x1BB00] =	vst v63  }
0x1e: {  	_ =	swait.ge [sflag:s16], $0x4000  }
0x1f: {  	[sflag:s16] =	ssyncset.done $0x0  }
0x20: {  	s31 =	sadd.s32 $0xA00, s25;
	[sflag:s16] =	ssyncadd.s32 $0xFFFFC000  }
0x21: {  	[tilespmem:s2], [sflag:$0x3] =	stream.linear.gather [hbm4b:s31+s2], $0x100, $0x38;
	[tilespmem:$0x1BB00] =	vst v63  }
0x22: {  	_ =	swait.ge [sflag:s16], $0x100  }
0x23: {  	[sflag:s16] =	ssyncset.done $0x0  }
0x24: {  	[sflag:s16] =	ssyncadd.s32 $0xFFFFFF00  }
0x25: {  	[tilespmem:s18], [sflag:$0x1] =	stream.indirect.gather [hbm4b:s5+s17], $0x80, s2, s17, $0xb8;
	[tilespmem:$0x1BB00] =	vst v63  }
0x26: {  	_ =	swait.ge [sflag:s22], $0x4000  }
0x27: {  	[sflag:s22] =	ssyncset.done $0x0  }
0x28: {  	[sflag:s22] =	ssyncadd.s32 $0xFFFFC000  }
0x29: {  	[spmem:s1] =	stream.indirect.scatter.add.f32 [tilespmem:s20], [sflag:$0x3], $0x80, s23, s17, $0xb8;
	[tilespmem:$0x1BB00] =	vst v63  }
0x2a: {  	_ =	swait.ge [sflag:s16], $0x4000  }
0x2b: {  	[sflag:s16] =	ssyncset.done $0x0  }
0x2c: {  	s25 =	smov.u32 s5;
	[sflag:s16] =	ssyncadd.s32 $0xFFFFC000  }
.LBB2_8:
0x2d: {  	[tilespmem:s19], [sflag:$0x3] =	stream.linear.gather [hbm4b:s11+s2], $0x100, $0x38;
	[tilespmem:$0x1BB00] =	vst v63  }
0x2e: {  	_ =	swait.ge [sflag:s16], $0x100  }
0x2f: {  	[sflag:s16] =	ssyncset.done $0x0  }
0x30: {  	[sflag:s16] =	ssyncadd.s32 $0xFFFFFF00  }
0x31: {  	[tilespmem:s20], [sflag:$0x2] =	stream.indirect.gather [hbm4b:s25+s17], $0x80, s19, s17, $0xb8;
	[tilespmem:$0x1BB00] =	vst v63  }
0x32: {  	_ =	swait.ge [sflag:s21], $0x4000  }
0x33: {  	[sflag:s21] =	ssyncset.done $0x0  }
0x34: {  	[sflag:s21] =	ssyncadd.s32 $0xFFFFC000  }
0x35: {  	[spmem:s1] =	stream.indirect.scatter.add.f32 [tilespmem:s18], [sflag:$0x3], $0x80, s17, s17, $0xb8;
	[tilespmem:$0x1BB00] =	vst v63  }
0x36: {  	_ =	swait.ge [sflag:s16], $0x4000  }
0x37: {  	[sflag:s16] =	ssyncset.done $0x0  }
0x38: {  	[sflag:s16] =	ssyncadd.s32 $0xFFFFC000  }
0x39: {  	_ =	swait.ge [sflag:s22], $0x4000  }
0x3a: {  	[sflag:s22] =	ssyncset.done $0x0  }
0x3b: {  	[sflag:s22] =	ssyncadd.s32 $0xFFFFC000  }
0x3c: {  	[spmem:s1] =	stream.indirect.scatter.add.f32 [tilespmem:s20], [sflag:$0x3], $0x80, s23, s17, $0xb8;
	[tilespmem:$0x1BB00] =	vst v63  }
0x3d: {  	_ =	swait.ge [sflag:s16], $0x4000  }
0x3e: {  	[sflag:s16] =	ssyncset.done $0x0  }
0x3f: {  	s26 =	simm.s32 @p1 $0x100;
	s28 =	simm.s32 @p1 $0x80;
	[sflag:s16] =	ssyncadd.s32 $0xFFFFC000  }
0x40: {  	s29 =	simm.s32 @p1 $0x1FC3;
	s25 =	simm.s32 @p1 $0x8;
	[bflag:$0x0] =	sbarrier.arrive $0xFFFF  }
0x41: {  	[hbm:s9@s26], [sflag:s29] =	dma.strided @p1 [spmem:s13@s28], $0x2800, s25, $0x10   }
0x42: {  	s25 =	simm.s32 @p1 $0x3  }
0x43: {  	s24 =	sadd.s32 $0x1, s24;
	_ =	swait.ge @p1 [sflag:s25], $0x2800  }
0x44: {  	p2 =	sne.s32 s24, s10;
	s26 =	simm.s32 @!p1 $0x100;
	[sflag:s25] =	ssyncset.done @p1 $0x0  }
0x45: {  	s28 =	simm.s32 @!p1 $0x80;
	[sflag:s25] =	ssyncadd.s32 @p1 $0xFFFFD800;
	s25 =	simm.s32 @!p1 $0x8  }
0x46: {  	[hbm:s8@s26], [sflag:s14] =	dma.strided @!p1 [spmem:s15@s28], $0x2700, s25, $0x10   }
.Ltmp1:
0x47: {  	_ = 	snop;
	(pc) =	sbr.rel @!p2 .LBB2_9-.Ltmp1, $4  }
0x48: {  	s25 =	simm.s32 @!p1 $0x3  }
0x49: {  	_ =	swait.ge @!p1 [sflag:s25], $0x2700  }
0x4a: {  	[sflag:s25] =	ssyncset.done @!p1 $0x0  }
0x4b: {  	[sflag:s25] =	ssyncadd.s32 @!p1 $0xFFFFD900  }
.LBB2_1:
0x4c: {  	s25 =	simm.s32 @p1 $0x1FC3  }
0x4d: {  	[spmem:s13], [sflag:s25] =	dma.local @p1 [hbm:s6], $0x2800  }
0x4e: {  	s25 =	simm.s32 @p1 $0x3  }
0x4f: {  	_ =	swait.ge @p1 [sflag:s25], $0x2800  }
0x50: {  	[sflag:s25] =	ssyncset.done @p1 $0x0  }
0x51: {  	[sflag:s25] =	ssyncadd.s32 @p1 $0xFFFFD800;
	s25 =	simm.s32 @!p1 $0x3  }
0x52: {  	[spmem:s15], [sflag:s14] =	dma.local @!p1 [hbm:s6], $0x2700  }
0x53: {  	_ =	swait.ge @!p1 [sflag:s25], $0x2700  }
0x54: {  	[sflag:s25] =	ssyncset.done @!p1 $0x0  }
0x55: {  	[sflag:s25] =	ssyncadd.s32 @!p1 $0xFFFFD900  }
.Ltmp2:
0x56: {  	[bflag:$0x0] =	sbarrier.arrive $0xFFFF;
	(pc) =	sbr.rel @!p0 .LBB2_2-.Ltmp2, $4  }
0x57: {  	[tilespmem:s2], [sflag:$0x3] =	stream.linear.gather [hbm4b:s7+s2], $0x100, $0x38;
	[tilespmem:$0x1BB00] =	vst v63  }
0x58: {  	_ =	swait.ge [sflag:s16], $0x100  }
0x59: {  	[sflag:s16] =	ssyncset.done $0x0  }
0x5a: {  	[sflag:s16] =	ssyncadd.s32 $0xFFFFFF00  }
0x5b: {  	[tilespmem:s18], [sflag:$0x1] =	stream.indirect.gather [hbm4b:s5+s17], $0x80, s2, s17, $0xb8;
	[tilespmem:$0x1BB00] =	vst v63  }
0x5c: {  	s25 =	sadd.s32 $0xFFFFF640, s12  }
0x5d: {  	s26 =	sadd.s32 $0x9E0, s25  }
0x5e: {  	[tilespmem:s19], [sflag:$0x3] =	stream.linear.gather [hbm4b:s26+s2], $0x100, $0x38;
	[tilespmem:$0x1BB00] =	vst v63  }
0x5f: {  	_ =	swait.ge [sflag:s16], $0x100  }
0x60: {  	[sflag:s16] =	ssyncset.done $0x0  }
0x61: {  	[sflag:s16] =	ssyncadd.s32 $0xFFFFFF00  }
0x62: {  	[tilespmem:s20], [sflag:$0x2] =	stream.indirect.gather [hbm4b:s5+s17], $0x80, s19, s17, $0xb8;
	[tilespmem:$0x1BB00] =	vst v63  }
0x63: {  	_ =	swait.ge [sflag:s21], $0x4000  }
0x64: {  	[sflag:s21] =	ssyncset.done $0x0  }
0x65: {  	[sflag:s21] =	ssyncadd.s32 $0xFFFFC000  }
0x66: {  	[spmem:s1] =	stream.indirect.scatter.add.f32 [tilespmem:s18], [sflag:$0x3], $0x80, s17, s17, $0xb8;
	[tilespmem:$0x1BB00] =	vst v63  }
0x67: {  	_ =	swait.ge [sflag:s16], $0x4000  }
0x68: {  	[sflag:s16] =	ssyncset.done $0x0  }
0x69: {  	s25 =	sadd.s32 $0xA00, s25;
	[sflag:s16] =	ssyncadd.s32 $0xFFFFC000  }
0x6a: {  	[tilespmem:s2], [sflag:$0x3] =	stream.linear.gather [hbm4b:s25+s2], $0x100, $0x38;
	[tilespmem:$0x1BB00] =	vst v63  }
0x6b: {  	_ =	swait.ge [sflag:s16], $0x100  }
0x6c: {  	[sflag:s16] =	ssyncset.done $0x0  }
0x6d: {  	[sflag:s16] =	ssyncadd.s32 $0xFFFFFF00  }
0x6e: {  	[tilespmem:s18], [sflag:$0x1] =	stream.indirect.gather [hbm4b:s5+s17], $0x80, s2, s17, $0xb8;
	[tilespmem:$0x1BB00] =	vst v63  }
0x6f: {  	_ =	swait.ge [sflag:s22], $0x4000  }
0x70: {  	[sflag:s22] =	ssyncset.done $0x0  }
0x71: {  	[sflag:s22] =	ssyncadd.s32 $0xFFFFC000  }
0x72: {  	[spmem:s1] =	stream.indirect.scatter.add.f32 [tilespmem:s20], [sflag:$0x3], $0x80, s23, s17, $0xb8;
	[tilespmem:$0x1BB00] =	vst v63  }
0x73: {  	_ =	swait.ge [sflag:s16], $0x4000  }
0x74: {  	s26 =	simm.s32 $0xFFFFF6C0;
	s25 =	sadd.s32 $0xFFFFF680, s12;
	[sflag:s16] =	ssyncset.done $0x0  }
.LBB2_6:
0x75: {  	s28 =	sadd.s32 $0x9E0, s25  }
0x76: {  	[sflag:s16] =	ssyncadd.s32 $0xFFFFC000;
	s29 =	smov.u32 s26;
	s30 =	sadd.s32 $0x40, s26  }
0x77: {  	[tilespmem:s19], [sflag:$0x3] =	stream.linear.gather [hbm4b:s28+s2], $0x100, $0x38;
	[tilespmem:$0x1BB00] =	vst v63  }
0x78: {  	p2 =	sne.s32 s26, $0xFFFFFFC0;
	_ =	swait.ge [sflag:s16], $0x100  }
0x79: {  	[sflag:s16] =	ssyncset.done $0x0  }
0x7a: {  	[sflag:s16] =	ssyncadd.s32 $0xFFFFFF00  }
0x7b: {  	[tilespmem:s20], [sflag:$0x2] =	stream.indirect.gather [hbm4b:s5+s17], $0x80, s19, s17, $0xb8;
	[tilespmem:$0x1BB00] =	vst v63  }
0x7c: {  	_ =	swait.ge [sflag:s21], $0x4000  }
0x7d: {  	[sflag:s21] =	ssyncset.done $0x0  }
0x7e: {  	[sflag:s21] =	ssyncadd.s32 $0xFFFFC000  }
0x7f: {  	[spmem:s1] =	stream.indirect.scatter.add.f32 [tilespmem:s18], [sflag:$0x3], $0x80, s17, s17, $0xb8;
	[tilespmem:$0x1BB00] =	vst v63  }
0x80: {  	_ =	swait.ge [sflag:s16], $0x4000  }
0x81: {  	[sflag:s16] =	ssyncset.done $0x0  }
0x82: {  	s25 =	sadd.s32 $0xA00, s25;
	[sflag:s16] =	ssyncadd.s32 $0xFFFFC000  }
0x83: {  	[tilespmem:s2], [sflag:$0x3] =	stream.linear.gather [hbm4b:s25+s2], $0x100, $0x38;
	[tilespmem:$0x1BB00] =	vst v63  }
0x84: {  	_ =	swait.ge [sflag:s16], $0x100  }
0x85: {  	[sflag:s16] =	ssyncset.done $0x0  }
0x86: {  	[sflag:s16] =	ssyncadd.s32 $0xFFFFFF00  }
0x87: {  	[tilespmem:s18], [sflag:$0x1] =	stream.indirect.gather [hbm4b:s5+s17], $0x80, s2, s17, $0xb8;
	[tilespmem:$0x1BB00] =	vst v63  }
0x88: {  	_ =	swait.ge [sflag:s22], $0x4000  }
.Ltmp3:
0x89: {  	[sflag:s22] =	ssyncset.done $0x0;
	(pc) =	sbr.rel @p2 .LBB2_6-.Ltmp3, $4  }
0x8a: {  	[sflag:s22] =	ssyncadd.s32 $0xFFFFC000  }
0x8b: {  	[spmem:s1] =	stream.indirect.scatter.add.f32 [tilespmem:s20], [sflag:$0x3], $0x80, s23, s17, $0xb8;
	[tilespmem:$0x1BB00] =	vst v63  }
0x8c: {  	_ =	swait.ge [sflag:s16], $0x4000  }
0x8d: {  	s26 =	smov.u32 s30;
	s25 =	sadd.s32 s29, s12;
	[sflag:s16] =	ssyncset.done $0x0  }
.Ltmp4:
0x8e: {  	_ = 	snop;
	(pc) =	sbr.rel .LBB2_7-.Ltmp4, $1  }
0x8f: {  	_ =	sdelay $0x3  }
.LBB2_2:
0x90: {  	[tilespmem:s18], [sflag:$0x1] =	stream.indirect.gather [hbm4b:s4+s17], $0x80, s2, s17, $0xb8;
	[tilespmem:$0x1BB00] =	vst v63  }
0x91: {  	s25 =	sadd.s32 $0xFFFFF640, s12  }
0x92: {  	s26 =	sadd.s32 $0x9E0, s25  }
0x93: {  	[tilespmem:s19], [sflag:$0x3] =	stream.linear.gather [hbm4b:s26+s2], $0x100, $0x38;
	[tilespmem:$0x1BB00] =	vst v63  }
0x94: {  	_ =	swait.ge [sflag:s16], $0x100  }
0x95: {  	[sflag:s16] =	ssyncset.done $0x0  }
0x96: {  	[sflag:s16] =	ssyncadd.s32 $0xFFFFFF00  }
0x97: {  	[tilespmem:s20], [sflag:$0x2] =	stream.indirect.gather [hbm4b:s4+s17], $0x80, s19, s17, $0xb8;
	[tilespmem:$0x1BB00] =	vst v63  }
0x98: {  	_ =	swait.ge [sflag:s21], $0x4000  }
0x99: {  	[sflag:s21] =	ssyncset.done $0x0  }
0x9a: {  	[sflag:s21] =	ssyncadd.s32 $0xFFFFC000  }
0x9b: {  	[spmem:s1] =	stream.indirect.scatter.add.f32 [tilespmem:s18], [sflag:$0x3], $0x80, s17, s17, $0xb8;
	[tilespmem:$0x1BB00] =	vst v63  }
0x9c: {  	_ =	swait.ge [sflag:s16], $0x4000  }
0x9d: {  	[sflag:s16] =	ssyncset.done $0x0  }
0x9e: {  	s25 =	sadd.s32 $0xA00, s25;
	[sflag:s16] =	ssyncadd.s32 $0xFFFFC000  }
0x9f: {  	[tilespmem:s2], [sflag:$0x3] =	stream.linear.gather [hbm4b:s25+s2], $0x100, $0x38;
	[tilespmem:$0x1BB00] =	vst v63  }
0xa0: {  	_ =	swait.ge [sflag:s16], $0x100  }
0xa1: {  	[sflag:s16] =	ssyncset.done $0x0  }
0xa2: {  	[sflag:s16] =	ssyncadd.s32 $0xFFFFFF00  }
0xa3: {  	[tilespmem:s18], [sflag:$0x1] =	stream.indirect.gather [hbm4b:s4+s17], $0x80, s2, s17, $0xb8;
	[tilespmem:$0x1BB00] =	vst v63  }
0xa4: {  	_ =	swait.ge [sflag:s22], $0x4000  }
0xa5: {  	[sflag:s22] =	ssyncset.done $0x0  }
0xa6: {  	[sflag:s22] =	ssyncadd.s32 $0xFFFFC000  }
0xa7: {  	[spmem:s1] =	stream.indirect.scatter.add.f32 [tilespmem:s20], [sflag:$0x3], $0x80, s23, s17, $0xb8;
	[tilespmem:$0x1BB00] =	vst v63  }
0xa8: {  	_ =	swait.ge [sflag:s16], $0x4000  }
0xa9: {  	s26 =	simm.s32 $0xFFFFF6C0;
	s25 =	sadd.s32 $0xFFFFF680, s12;
	[sflag:s16] =	ssyncset.done $0x0  }
.LBB2_3:
0xaa: {  	s28 =	sadd.s32 $0x9E0, s25  }
0xab: {  	[sflag:s16] =	ssyncadd.s32 $0xFFFFC000;
	s29 =	smov.u32 s26;
	s30 =	sadd.s32 $0x40, s26  }
0xac: {  	[tilespmem:s19], [sflag:$0x3] =	stream.linear.gather [hbm4b:s28+s2], $0x100, $0x38;
	[tilespmem:$0x1BB00] =	vst v63  }
0xad: {  	p2 =	seq.s32 s26, $0xFFFFFFC0;
	_ =	swait.ge [sflag:s16], $0x100  }
0xae: {  	[sflag:s16] =	ssyncset.done $0x0  }
0xaf: {  	[sflag:s16] =	ssyncadd.s32 $0xFFFFFF00  }
0xb0: {  	[tilespmem:s20], [sflag:$0x2] =	stream.indirect.gather [hbm4b:s4+s17], $0x80, s19, s17, $0xb8;
	[tilespmem:$0x1BB00] =	vst v63  }
0xb1: {  	_ =	swait.ge [sflag:s21], $0x4000  }
0xb2: {  	[sflag:s21] =	ssyncset.done $0x0  }
0xb3: {  	[sflag:s21] =	ssyncadd.s32 $0xFFFFC000  }
0xb4: {  	[spmem:s1] =	stream.indirect.scatter.add.f32 [tilespmem:s18], [sflag:$0x3], $0x80, s17, s17, $0xb8;
	[tilespmem:$0x1BB00] =	vst v63  }
0xb5: {  	_ =	swait.ge [sflag:s16], $0x4000  }
0xb6: {  	[sflag:s16] =	ssyncset.done $0x0  }
0xb7: {  	s25 =	sadd.s32 $0xA00, s25;
	[sflag:s16] =	ssyncadd.s32 $0xFFFFC000  }
0xb8: {  	[tilespmem:s2], [sflag:$0x3] =	stream.linear.gather [hbm4b:s25+s2], $0x100, $0x38;
	[tilespmem:$0x1BB00] =	vst v63  }
0xb9: {  	_ =	swait.ge [sflag:s16], $0x100  }
0xba: {  	[sflag:s16] =	ssyncset.done $0x0  }
0xbb: {  	[sflag:s16] =	ssyncadd.s32 $0xFFFFFF00  }
0xbc: {  	[tilespmem:s18], [sflag:$0x1] =	stream.indirect.gather [hbm4b:s4+s17], $0x80, s2, s17, $0xb8;
	[tilespmem:$0x1BB00] =	vst v63  }
0xbd: {  	_ =	swait.ge [sflag:s22], $0x4000  }
.Ltmp5:
0xbe: {  	[sflag:s22] =	ssyncset.done $0x0;
	(pc) =	sbr.rel @!p2 .LBB2_3-.Ltmp5, $4  }
0xbf: {  	[sflag:s22] =	ssyncadd.s32 $0xFFFFC000  }
0xc0: {  	[spmem:s1] =	stream.indirect.scatter.add.f32 [tilespmem:s20], [sflag:$0x3], $0x80, s23, s17, $0xb8;
	[tilespmem:$0x1BB00] =	vst v63  }
0xc1: {  	_ =	swait.ge [sflag:s16], $0x4000  }
0xc2: {  	s26 =	smov.u32 s30;
	s25 =	sadd.s32 s29, s12;
	[sflag:s16] =	ssyncset.done $0x0  }
0xc3: {  	s26 =	sadd.s32 $0x9E0, s25;
	[sflag:s16] =	ssyncadd.s32 $0xFFFFC000  }
0xc4: {  	[tilespmem:s19], [sflag:$0x3] =	stream.linear.gather [hbm4b:s26+s2], $0x100, $0x38;
	[tilespmem:$0x1BB00] =	vst v63  }
0xc5: {  	_ =	swait.ge [sflag:s16], $0x100  }
0xc6: {  	[sflag:s16] =	ssyncset.done $0x0  }
0xc7: {  	[sflag:s16] =	ssyncadd.s32 $0xFFFFFF00  }
0xc8: {  	[tilespmem:s20], [sflag:$0x2] =	stream.indirect.gather [hbm4b:s4+s17], $0x80, s19, s17, $0xb8;
	[tilespmem:$0x1BB00] =	vst v63  }
0xc9: {  	_ =	swait.ge [sflag:s21], $0x4000  }
0xca: {  	[sflag:s21] =	ssyncset.done $0x0  }
0xcb: {  	[sflag:s21] =	ssyncadd.s32 $0xFFFFC000  }
0xcc: {  	[spmem:s1] =	stream.indirect.scatter.add.f32 [tilespmem:s18], [sflag:$0x3], $0x80, s17, s17, $0xb8;
	[tilespmem:$0x1BB00] =	vst v63  }
0xcd: {  	_ =	swait.ge [sflag:s16], $0x4000  }
0xce: {  	[sflag:s16] =	ssyncset.done $0x0  }
0xcf: {  	s31 =	sadd.s32 $0xA00, s25;
	[sflag:s16] =	ssyncadd.s32 $0xFFFFC000  }
0xd0: {  	[tilespmem:s2], [sflag:$0x3] =	stream.linear.gather [hbm4b:s31+s2], $0x100, $0x38;
	[tilespmem:$0x1BB00] =	vst v63  }
0xd1: {  	_ =	swait.ge [sflag:s16], $0x100  }
0xd2: {  	[sflag:s16] =	ssyncset.done $0x0  }
0xd3: {  	[sflag:s16] =	ssyncadd.s32 $0xFFFFFF00  }
0xd4: {  	[tilespmem:s18], [sflag:$0x1] =	stream.indirect.gather [hbm4b:s4+s17], $0x80, s2, s17, $0xb8;
	[tilespmem:$0x1BB00] =	vst v63  }
0xd5: {  	_ =	swait.ge [sflag:s22], $0x4000  }
0xd6: {  	[sflag:s22] =	ssyncset.done $0x0  }
.Ltmp6:
0xd7: {  	[sflag:s22] =	ssyncadd.s32 $0xFFFFC000;
	(pc) =	sbr.rel .LBB2_8-.Ltmp6, $4  }
0xd8: {  	[spmem:s1] =	stream.indirect.scatter.add.f32 [tilespmem:s20], [sflag:$0x3], $0x80, s23, s17, $0xb8;
	[tilespmem:$0x1BB00] =	vst v63  }
0xd9: {  	_ =	swait.ge [sflag:s16], $0x4000  }
0xda: {  	[sflag:s16] =	ssyncset.done $0x0  }
0xdb: {  	s25 =	smov.u32 s4;
	[sflag:s16] =	ssyncadd.s32 $0xFFFFC000  }
.LBB2_9:
0xdc: {  	_ =	sfence.sel $0x180000  }
0xdd: {  	[bflag:$0x0] =	sbarrier.arrive $0xFFFF  }
0xde: {  	p0 =	sne.s32 s3, $0x0;
	_ =	strace $0x9000004D  }
0xdf: {  	s0 =	sadd.s32 @!p0 $0x100000, s0;
	[bflag:$0x2] =	sbarrier.arrive $0xFFFF  }
0xe0: {  	[sflag:s0] =	ssyncadd.tile.s32 @!p0 $0x1;
	_ =	shalt  }
.Lfunc_end2:
_tile_overlayer_lowered:
.L_overlay_start_2:
0xe1: {  	(tag) =	ssettag $0x2  }
0xe2: {  	s0 =	rddreg [dreg:$0x0];
	s2 =	stileid.u32  }
0xe3: {  	s1 =	rddreg [dreg:$0x1];
	p0 =	sne.s32 s2, $0x0  }
0xe4: {  	s3 =	rddreg [dreg:$0x2];
	[bflag:$0x3] =	sbarrier.arrive $0xFFFF;
	s2 =	simm.s32 @!p0 $0x1C03  }
0xe5: {  	[timem:s3], [sflag:s2] =	dma.local @!p0 [hbm:s0], s1  }
0xe6: {  	s0 =	simm.s32 @!p0 $0x3  }
0xe7: {  	_ =	swait.ge @!p0 [sflag:s0], s1  }
0xe8: {  	s1 =	ssub.s32 @!p0 $0x0, s1;
	[sflag:s0] =	ssyncset.done @!p0 $0x0  }
0xe9: {  	[sflag:s0] =	ssyncadd.s32 @!p0 s1  }
0xea: {  	[bflag:$0x3] =	sbarrier.arrive $0xFFFF  }
0xeb: {  	_ =	shalt  }

// kernel: kernel.37.cloned.1.call-start
scs
__scs_entry_jumppad:
0x0: {  	(pc) =	sbr.rel $0x88, $3  }
0x1: {  	(tag) =	ssettag $0x0;
	lr =	simm.s32 $0x1  }
0x2: {  	[smem:$0x3F94] =	sst lr;
	_ =	strace $0xD0000000  }
0x3: {  	_ = 	snop  }
0x4: {  	_ = 	snop  }
0x5: {  	_ = 	snop  }
0x6: {  	_ = 	snop  }
0x7: {  	_ = 	snop  }
__scs_overlays_trampoline_lowered:
0x8: {  	[smem:$0x3FA3] =	sst s0  }
0x9: {  	[smem:$0x3FA4] =	sst s1  }
0xa: {  	[smem:$0x3FA5] =	sst s2  }
0xb: {  	[smem:$0x3FA6] =	sst s3  }
0xc: {  	[smem:$0x3FA7] =	sst s4  }
0xd: {  	[smem:$0x3FA8] =	sst s5  }
0xe: {  	[smem:$0x3FA9] =	sst s6  }
0xf: {  	[smem:$0x3FAA] =	sst s7  }
0x10: {  	[smem:$0x3FAB] =	sst s8  }
0x11: {  	[smem:$0x3FAC] =	sst s9;
	s0 =	simm.s32 @!p0 $0x0  }
0x12: {  	s1 =	sld [smem:$0x3F92];
	s0 =	simm.s32 @p0 $0x1  }
0x13: {  	[smem:$0x3FAD] =	sst s0;
	s0 =	simm.s32 @!p1 $0x0  }
0x14: {  	s2 =	sld [smem:$0x3F91];
	s0 =	simm.s32 @p1 $0x1  }
0x15: {  	[smem:$0x3FAE] =	sst s0;
	s0 =	simm.s32 @!p2 $0x0  }
0x16: {  	s3 =	sld [smem:$0x3FDB];
	s0 =	simm.s32 @p2 $0x1  }
0x17: {  	s4 =	simm.s32 $0x1BF5;
	[smem:$0x3FB0] =	sst s0  }
0x18: {  	s0 =	sld [smem:$0x3F93];
	_ =	swait.ge [sflag:s4], $0x0  }
0x19: {  	s7 =	sld [smem:$0x3F94]  }
0x1a: {  	s8 =	sadd.s32 $0xFFFFE003, lr  }
0x1b: {  	s9 =	sadd.s32 $0xFFFFFEF7, lr;
	s5 =	simm.s32 $0xFFFFFFFF;
	p2 =	slt.u32 s8, $0xFFFFF086  }
0x1c: {  	p1 =	slt.u32 s9, $0xF7A;
	s5 =	simm.s32 @!p2 $0x0  }
0x1d: {  	s5 =	simm.s32 @p1 $0x1;
	p0 =	seq.s32 s7, s2  }
0x1e: {  	s7 =	smul.u32 @!p0 $0xF7A, s2;
	p2 =	seq.s32 @!p0 s5, $0x0  }
0x1f: {  	s9 =	smul.u32 $0xF7A, s1;
	s8 =	simm.s32 @!p0 $0x1BF5;
	p2 =	por !p2, p0  }
0x20: {  	[sflag:s8] =	ssyncset.s32 @!p0 $0xFFFFF086;
	s6 =	sadd.s32 @!p0 s3, s7;
	s7 =	simm.s32 @!p0 $0x108  }
0x21: {  	s3 =	sadd.s32 s3, s9;
	s6 =	sadd.s32 @!p0 $0x88, s6;
	s7 =	simm.s32 @p2 $0x1082  }
0x22: {  	[simem:s7], [sflag:s8] =	dma.local @!p0 [hbm:s6], $0xF7A  }
0x23: {  	s9 =	sor.u32 $0xD0000000, s2;
	s6 =	simm.s32 $0x108;
	_ =	swait.ge @!p0 [sflag:s8], $0x0  }
0x24: {  	s3 =	sadd.s32 $0x88, s3;
	s6 =	simm.s32 @!p1 $0x1082;
	[sflag:s4] =	ssyncset.s32 $0xFFFFF086  }
0x25: {  	[simem:s6], [sflag:s4] =	dma.local [hbm:s3], $0xF7A  }
0x26: {  	[smem:$0x3F94] =	sst s1;
	(tag) =	ssettag s2;
	_ =	strace s9  }
0x27: {  	s1 =	sld [smem:$0x3FA4]  }
0x28: {  	s2 =	sld [smem:$0x3FA5]  }
0x29: {  	s4 =	sld [smem:$0x3FA7]  }
0x2a: {  	p0 =	seq.s32 s5, $0x0;
	s5 =	sld [smem:$0x3FA8]  }
0x2b: {  	s6 =	sld [smem:$0x3FA9]  }
0x2c: {  	s7 =	sld [smem:$0x3FAA]  }
0x2d: {  	s3 =	simm.s32 $0x108;
	s8 =	sld [smem:$0x3FAB]  }
0x2e: {  	s3 =	simm.s32 @!p0 $0x1082;
	s9 =	sld [smem:$0x3FAC]  }
0x2f: {  	lr =	sadd.s32 s0, s3;
	s0 =	sld [smem:$0x3FA3]  }
0x30: {  	s3 =	sld [smem:$0x3FA6]  }
0x31: {  	[smem:$0x3FAF] =	sst s10  }
0x32: {  	s10 =	sld [smem:$0x3FAD];
	_ =	sdelay $0x3  }
0x33: {  	p0 =	seq.s32 s10, $0x1;
	s10 =	sld [smem:$0x3FAF];
	_ =	sdelay $0x3  }
0x34: {  	[smem:$0x3FAF] =	sst s10  }
0x35: {  	s10 =	sld [smem:$0x3FAE];
	_ =	sdelay $0x3  }
0x36: {  	p1 =	seq.s32 s10, $0x1;
	s10 =	sld [smem:$0x3FAF];
	_ =	sdelay $0x3  }
0x37: {  	[smem:$0x3FAF] =	sst s10  }
0x38: {  	s10 =	sld [smem:$0x3FB0]  }
0x39: {  	_ = 	snop;
	(pc) =	sbr.ind lr, $3  }
0x3a: {  	_ = 	snop  }
0x3b: {  	_ = 	snop  }
0x3c: {  	p2 =	seq.s32 s10, $0x1;
	s10 =	sld [smem:$0x3FAF]  }
0x3d: {  	_ =	shalt  }
0x3e: {  	_ =	shalt  }
0x3f: {  	_ =	shalt  }
0x40: {  	_ =	shalt  }
0x41: {  	_ =	shalt  }
0x42: {  	_ =	shalt  }
0x43: {  	_ =	shalt  }
0x44: {  	_ =	shalt  }
0x45: {  	_ =	shalt  }
0x46: {  	_ =	shalt  }
0x47: {  	_ =	shalt  }
0x48: {  	_ =	shalt  }
0x49: {  	_ =	shalt  }
0x4a: {  	_ =	shalt  }
0x4b: {  	_ =	shalt  }
0x4c: {  	_ =	shalt  }
0x4d: {  	_ =	shalt  }
0x4e: {  	_ =	shalt  }
0x4f: {  	_ =	shalt  }
0x50: {  	_ =	shalt  }
0x51: {  	_ =	shalt  }
0x52: {  	_ =	shalt  }
0x53: {  	_ =	shalt  }
0x54: {  	_ =	shalt  }
0x55: {  	_ =	shalt  }
0x56: {  	_ =	shalt  }
0x57: {  	_ =	shalt  }
0x58: {  	_ =	shalt  }
0x59: {  	_ =	shalt  }
0x5a: {  	_ =	shalt  }
0x5b: {  	_ =	shalt  }
0x5c: {  	_ =	shalt  }
0x5d: {  	_ =	shalt  }
0x5e: {  	_ =	shalt  }
0x5f: {  	_ =	shalt  }
0x60: {  	_ =	shalt  }
0x61: {  	_ =	shalt  }
0x62: {  	_ =	shalt  }
0x63: {  	_ =	shalt  }
0x64: {  	_ =	shalt  }
0x65: {  	_ =	shalt  }
0x66: {  	_ =	shalt  }
0x67: {  	_ =	shalt  }
0x68: {  	_ =	shalt  }
0x69: {  	_ =	shalt  }
0x6a: {  	_ =	shalt  }
0x6b: {  	_ =	shalt  }
0x6c: {  	_ =	shalt  }
0x6d: {  	_ =	shalt  }
0x6e: {  	_ =	shalt  }
0x6f: {  	_ =	shalt  }
0x70: {  	_ =	shalt  }
0x71: {  	_ =	shalt  }
0x72: {  	_ =	shalt  }
0x73: {  	_ =	shalt  }
0x74: {  	_ =	shalt  }
0x75: {  	_ =	shalt  }
0x76: {  	_ =	shalt  }
0x77: {  	_ =	shalt  }
0x78: {  	_ =	shalt  }
0x79: {  	_ =	shalt  }
0x7a: {  	_ =	shalt  }
0x7b: {  	_ =	shalt  }
0x7c: {  	_ =	shalt  }
0x7d: {  	_ =	shalt  }
0x7e: {  	_ =	shalt  }
0x7f: {  	_ =	shalt  }
0x80: {  	_ =	shalt  }
0x81: {  	_ =	shalt  }
0x82: {  	_ =	shalt  }
0x83: {  	_ =	shalt  }
0x84: {  	_ =	shalt  }
0x85: {  	_ =	shalt  }
0x86: {  	_ =	shalt  }
0x87: {  	_ =	shalt  }
.Lfunc_end0:
.L_simem_size_0:
called_computation.3_lowered:
.L_overlay_start_0:
0x88: {  	s2 =	sld [smem:$0x3FD9]  }
0x89: {  	s3 =	sld [smem:$0x3FFE];
	_ =	sdelay $0x1  }
0x8a: {  	s1 =	srdreg.scid  }
0x8b: {  	s0 =	sand.u32 $0x1, s1  }
0x8c: {  	s16 =	sshll.u32 s0, $0xA;
	s2 =	sadd.s32 s3, s2  }
0x8d: {  	s2 =	sadd.s32 s2, s16  }
0x8e: {  	[smem:$0x3FBB] =	sst s2  }
0x8f: {  	_ = 	snop  }
0x90: {  	(tm) =	ssettm $0x1  }
0x91: {  	s17 =	sld [smem:$0x3FFB];
	_ =	sdelay $0x3  }
0x92: {  	_ =	strace s17  }
0x93: {  	s2 =	sld [smem:$0x3FFC];
	_ =	sdelay $0x3  }
0x94: {  	_ =	strace s2  }
0x95: {  	s2 =	sld [smem:$0x3FFD];
	_ =	sdelay $0x3  }
0x96: {  	_ =	strace s2  }
0x97: {  	_ =	strace $0x8FFFFFFF  }
0x98: {  	s18 =	sld [smem:$0x3FDB];
	_ =	sdelay $0x1  }
0x99: {  	s19 =	simm.s32 $_scs_section_size  }
0x9a: {  	s4 =	simm.s32 $_size__tile_overlayer_lowered;
	s5 =	simm.s32 $_tile_overlayer_lowered  }
0x9b: {  	s22 =	simm.s32 $0x1BFF;
	s21 =	sshll.u32 s5, $0x1;
	s2 =	sadd.s32 s19, s18  }
0x9c: {  	s6 =	simm.s32 $0x0;
	s20 =	sshll.u32 s4, $0x1;
	s4 =	sadd.s32 s21, s2  }
0x9d: {  	[timem:s6], [sflag:s22] =	dma.local [hbm:s4], s20  }
0x9e: {  	_ =	swait.ge [sflag:s22], s20  }
0x9f: {  	s3 =	ssub.s32 $0x0, s20;
	[sflag:s22] =	ssyncset.done $0x0  }
0xa0: {  	[sflag:s22] =	ssyncadd.s32 s3;
	_ =	sdelay $0x1  }
0xa1: {  	s23 =	simm.s32 $0x1B8B  }
0xa2: {  	_ =	swait.ge [sflag:s23], $0x1  }
0xa3: {  	[sflag:s23] =	ssyncset.done $0x0  }
0xa4: {  	s25 =	simm.s32 $0x1B8E;
	s24 =	sld [smem:$0x3FFE];
	[sflag:s23] =	ssyncadd.s32 $0xFFFFFFFF  }
0xa5: {  	s26 =	simm.s32 $execute0_lowered;
	[smem:$0x3FD2] =	sst s25  }
0xa6: {  	s4 =	sshll.u32 s26, $0x1;
	_ =	strace $0x8000004F;
	[dreg:$0x1] =	wrdreg $0xFFFFFFFF  }
0xa7: {  	s28 =	simm.s32 $_size_execute0_lowered;
	s2 =	sadd.s32 s2, s4;
	[dreg:$0x0] =	wrdreg $0x0  }
0xa8: {  	s4 =	sshll.u32 s28, $0x1;
	[dreg:$0x2] =	wrdreg s2  }
0xa9: {  	[dreg:$0x3] =	wrdreg s4  }
0xaa: {  	[dreg:$0x4] =	wrdreg $0xC0  }
0xab: {  	_ =	task [dreg:s6], $0x5FFFF  }
0xac: {  	[dreg:$0x1] =	wrdreg $0xFFFFFFFF  }
0xad: {  	[dreg:$0x0] =	wrdreg $0x60  }
0xae: {  	[dreg:$0x2] =	wrdreg s24  }
0xaf: {  	[dreg:$0x3] =	wrdreg $0x82000  }
0xb0: {  	[dreg:$0x4] =	wrdreg $0x9  }
0xb1: {  	_ =	task.clear_ibuf [dreg:s6], $0x5FFFF;
	_ =	strace $0x9000004F  }
0xb2: {  	s29 =	simm.s32 $0x9;
	_ =	strace $0x80000051  }
0xb3: {  	_ =	swait.ge [sflag:s29], $0x1  }
0xb4: {  	[sflag:s29] =	ssyncadd.s32 $0xFFFFFFFF  }
0xb5: {  	_ =	strace $0x90000051  }
0xb6: {  	_ =	sfence  }
0xb7: {  	s30 =	sld [smem:$0x0];
	_ =	sdelay $0x2  }
0xb8: {  	s31 =	sshll.u32 s1, $0xD;
	s1 =	sshrl.u32 s1, $0x2  }
0xb9: {  	s3 =	sand.u32 $0x4000, s31;
	s1 =	sadd.s32 s1, s30  }
0xba: {  	s0 =	sor.u32 s3, s0;
	s1 =	sshll.u32 s1, $0x11  }
0xbb: {  	s0 =	sor.u32 s1, s0  }
0xbc: {  	s0 =	sadd.s32 $0x8F2B, s0  }
0xbd: {  	[sflag:s0] =	ssyncadd.remote.s32 $0x1  }
0xbe: {  	_ =	sfence.sel $0xFFFF  }
0xbf: {  	[dreg:$0x0] =	wrdreg $0xFFFFFFFF;
	(pc) =	sbr.abs _section_cstart, $3  }
0xc0: {  	[dreg:$0x1] =	wrdreg $0xFFFFFFFF  }
0xc1: {  	_ =	task.clear_ibuf [dreg:s6], $0x2FFFF;
	_ =	strace $0x9FFFFFFF  }
0xc2: {  	(tm) =	ssettm $0x7FFFFFFF  }
0xc3: {  	_ =	shalt  }
tec
execute0_lowered:
.L_overlay_start_1:
0x0: {  	(tag) =	ssettag $0x1  }
0x1: {  	s7 =	rddreg [dreg:$0x0]  }
0x2: {  	s1 =	rddreg [dreg:$0x1]  }
0x3: {  	s0 =	rddreg [dreg:$0x2];
	s2 =	simm.s32 $0x0  }
0x4: {  	s8 =	srdreg.scid;
	s3 =	stileid.u32;
	s17 =	simm.s32 $0x80  }
0x5: {  	s18 =	simm.s32 $0x200;
	s19 =	simm.s32 $0x100;
	s20 =	simm.s32 $0x4200  }
0x6: {  	s21 =	simm.s32 $0x1;
	s22 =	simm.s32 $0x2;
	[smem:$0x7FF] =	sst s2  }
0x7: {  	s4 =	sadd.s32 $0x9800, s7;
	s6 =	sadd.s32 $0x294C00, s7;
	s10 =	smul.u32 $0x4E000, s3  }
0x8: {  	s5 =	sadd.s32 $0x142000, s7;
	s12 =	sadd.s32 $0x28AC00, s7;
	s13 =	smul.u32 $0x5000, s3  }
0x9: {  	s8 =	sand.u32 $0x1, s8;
	s11 =	sadd.s32 $0x297400, s7;
	s25 =	smul.u32 $0x27000, s3  }
0xa: {  	s16 =	sadd.s32 $0x124800, s1;
	s31 =	smul.u32 $0xA00, s3;
	p1 =	seq.s32 s3, $0xF  }
0xb: {  	_ =	strace $0x80000050;
	s9 =	ssub.s32 $0x2, s8;
	s26 =	sshll.u32 s8, $0xA  }
0xc: {  	p0 =	seq.s32 s8, $0x1;
	s29 =	sshll.u32 s8, $0x7;
	s23 =	sshrl.u32 s9, $0x1  }
0xd: {  	s24 =	sshrl.u32 s10, $0x2;
	s28 =	sshrl.u32 s13, $0x3;
	s30 =	sadd.s32 s29, s11  }
0xe: {  	s13 =	sshrl.u32 @p1 s16, $0x3;
	s16 =	simm.s32 $0x3;
	s14 =	ssub.s32 s9, s23  }
.Ltmp0:
0xf: {  	s15 =	sadd.s32 s24, s1;
	s9 =	sor.u32 s26, s25;
	(pc) =	sbr.rel .LBB2_1-.Ltmp0, $4  }
0x10: {  	s7 =	sadd.s32 s12, s28;
	s12 =	sadd.s32 s31, s12;
	s23 =	simm.s32 $0x180  }
0x11: {  	s24 =	simm.s32 $0x0;
	s9 =	sshrl.u32 s9, $0x3;
	s10 =	smax.u32 s14, $0x1  }
0x12: {  	s14 =	sshll.u32 @!p1 s3, $0x6;
	s15 =	sshrl.u32 @!p1 s15, $0x3;
	s8 =	sadd.s32 s11, s9  }
0x13: {  	s9 =	sadd.s32 $0x49200, s30;
	s11 =	sadd.s32 $0x9E0, s7;
	s14 =	sor.u32 @!p1 $0x1C03, s14  }
.LBB2_7:
0x14: {  	s26 =	sadd.s32 $0x9E0, s25;
	[sflag:s16] =	ssyncadd.s32 $0xFFFFC000  }
0x15: {  	[tilespmem:s19], [sflag:$0x3] =	stream.linear.gather [hbm4b:s26+s2], $0x100, $0x38;
	[tilespmem:$0x1BB00] =	vst v63  }
0x16: {  	_ =	swait.ge [sflag:s16], $0x100  }
0x17: {  	[sflag:s16] =	ssyncset.done $0x0  }
0x18: {  	[sflag:s16] =	ssyncadd.s32 $0xFFFFFF00  }
0x19: {  	[tilespmem:s20], [sflag:$0x2] =	stream.indirect.gather [hbm4b:s5+s17], $0x80, s19, s17, $0xb8;
	[tilespmem:$0x1BB00] =	vst v63  }
0x1a: {  	_ =	swait.ge [sflag:s21], $0x4000  }
0x1b: {  	[sflag:s21] =	ssyncset.done $0x0  }
0x1c: {  	[sflag:s21] =	ssyncadd.s32 $0xFFFFC000  }
0x1d: {  	[spmem:s1] =	stream.indirect.scatter.add.f32 [tilespmem:s18], [sflag:$0x3], $0x80, s17, s17, $0xb8;
	[tilespmem:$0x1BB00] =	vst v63  }
0x1e: {  	_ =	swait.ge [sflag:s16], $0x4000  }
0x1f: {  	[sflag:s16] =	ssyncset.done $0x0  }
0x20: {  	s31 =	sadd.s32 $0xA00, s25;
	[sflag:s16] =	ssyncadd.s32 $0xFFFFC000  }
0x21: {  	[tilespmem:s2], [sflag:$0x3] =	stream.linear.gather [hbm4b:s31+s2], $0x100, $0x38;
	[tilespmem:$0x1BB00] =	vst v63  }
0x22: {  	_ =	swait.ge [sflag:s16], $0x100  }
0x23: {  	[sflag:s16] =	ssyncset.done $0x0  }
0x24: {  	[sflag:s16] =	ssyncadd.s32 $0xFFFFFF00  }
0x25: {  	[tilespmem:s18], [sflag:$0x1] =	stream.indirect.gather [hbm4b:s5+s17], $0x80, s2, s17, $0xb8;
	[tilespmem:$0x1BB00] =	vst v63  }
0x26: {  	_ =	swait.ge [sflag:s22], $0x4000  }
0x27: {  	[sflag:s22] =	ssyncset.done $0x0  }
0x28: {  	[sflag:s22] =	ssyncadd.s32 $0xFFFFC000  }
0x29: {  	[spmem:s1] =	stream.indirect.scatter.add.f32 [tilespmem:s20], [sflag:$0x3], $0x80, s23, s17, $0xb8;
	[tilespmem:$0x1BB00] =	vst v63  }
0x2a: {  	_ =	swait.ge [sflag:s16], $0x4000  }
0x2b: {  	[sflag:s16] =	ssyncset.done $0x0  }
0x2c: {  	s25 =	smov.u32 s5;
	[sflag:s16] =	ssyncadd.s32 $0xFFFFC000  }
.LBB2_8:
0x2d: {  	[tilespmem:s19], [sflag:$0x3] =	stream.linear.gather [hbm4b:s11+s2], $0x100, $0x38;
	[tilespmem:$0x1BB00] =	vst v63  }
0x2e: {  	_ =	swait.ge [sflag:s16], $0x100  }
0x2f: {  	[sflag:s16] =	ssyncset.done $0x0  }
0x30: {  	[sflag:s16] =	ssyncadd.s32 $0xFFFFFF00  }
0x31: {  	[tilespmem:s20], [sflag:$0x2] =	stream.indirect.gather [hbm4b:s25+s17], $0x80, s19, s17, $0xb8;
	[tilespmem:$0x1BB00] =	vst v63  }
0x32: {  	_ =	swait.ge [sflag:s21], $0x4000  }
0x33: {  	[sflag:s21] =	ssyncset.done $0x0  }
0x34: {  	[sflag:s21] =	ssyncadd.s32 $0xFFFFC000  }
0x35: {  	[spmem:s1] =	stream.indirect.scatter.add.f32 [tilespmem:s18], [sflag:$0x3], $0x80, s17, s17, $0xb8;
	[tilespmem:$0x1BB00] =	vst v63  }
0x36: {  	_ =	swait.ge [sflag:s16], $0x4000  }
0x37: {  	[sflag:s16] =	ssyncset.done $0x0  }
0x38: {  	[sflag:s16] =	ssyncadd.s32 $0xFFFFC000  }
0x39: {  	_ =	swait.ge [sflag:s22], $0x4000  }
0x3a: {  	[sflag:s22] =	ssyncset.done $0x0  }
0x3b: {  	[sflag:s22] =	ssyncadd.s32 $0xFFFFC000  }
0x3c: {  	[spmem:s1] =	stream.indirect.scatter.add.f32 [tilespmem:s20], [sflag:$0x3], $0x80, s23, s17, $0xb8;
	[tilespmem:$0x1BB00] =	vst v63  }
0x3d: {  	_ =	swait.ge [sflag:s16], $0x4000  }
0x3e: {  	[sflag:s16] =	ssyncset.done $0x0  }
0x3f: {  	s26 =	simm.s32 @p1 $0x100;
	s28 =	simm.s32 @p1 $0x80;
	[sflag:s16] =	ssyncadd.s32 $0xFFFFC000  }
0x40: {  	s29 =	simm.s32 @p1 $0x1FC3;
	s25 =	simm.s32 @p1 $0x8;
	[bflag:$0x0] =	sbarrier.arrive $0xFFFF  }
0x41: {  	[hbm:s9@s26], [sflag:s29] =	dma.strided @p1 [spmem:s13@s28], $0x2800, s25, $0x10   }
0x42: {  	s25 =	simm.s32 @p1 $0x3  }
0x43: {  	s24 =	sadd.s32 $0x1, s24;
	_ =	swait.ge @p1 [sflag:s25], $0x2800  }
0x44: {  	p2 =	sne.s32 s24, s10;
	s26 =	simm.s32 @!p1 $0x100;
	[sflag:s25] =	ssyncset.done @p1 $0x0  }
0x45: {  	s28 =	simm.s32 @!p1 $0x80;
	[sflag:s25] =	ssyncadd.s32 @p1 $0xFFFFD800;
	s25 =	simm.s32 @!p1 $0x8  }
0x46: {  	[hbm:s8@s26], [sflag:s14] =	dma.strided @!p1 [spmem:s15@s28], $0x2700, s25, $0x10   }
.Ltmp1:
0x47: {  	_ = 	snop;
	(pc) =	sbr.rel @!p2 .LBB2_9-.Ltmp1, $4  }
0x48: {  	s25 =	simm.s32 @!p1 $0x3  }
0x49: {  	_ =	swait.ge @!p1 [sflag:s25], $0x2700  }
0x4a: {  	[sflag:s25] =	ssyncset.done @!p1 $0x0  }
0x4b: {  	[sflag:s25] =	ssyncadd.s32 @!p1 $0xFFFFD900  }
.LBB2_1:
0x4c: {  	s25 =	simm.s32 @p1 $0x1FC3  }
0x4d: {  	[spmem:s13], [sflag:s25] =	dma.local @p1 [hbm:s6], $0x2800  }
0x4e: {  	s25 =	simm.s32 @p1 $0x3  }
0x4f: {  	_ =	swait.ge @p1 [sflag:s25], $0x2800  }
0x50: {  	[sflag:s25] =	ssyncset.done @p1 $0x0  }
0x51: {  	[sflag:s25] =	ssyncadd.s32 @p1 $0xFFFFD800;
	s25 =	simm.s32 @!p1 $0x3  }
0x52: {  	[spmem:s15], [sflag:s14] =	dma.local @!p1 [hbm:s6], $0x2700  }
0x53: {  	_ =	swait.ge @!p1 [sflag:s25], $0x2700  }
0x54: {  	[sflag:s25] =	ssyncset.done @!p1 $0x0  }
0x55: {  	[sflag:s25] =	ssyncadd.s32 @!p1 $0xFFFFD900  }
.Ltmp2:
0x56: {  	[bflag:$0x0] =	sbarrier.arrive $0xFFFF;
	(pc) =	sbr.rel @!p0 .LBB2_2-.Ltmp2, $4  }
0x57: {  	[tilespmem:s2], [sflag:$0x3] =	stream.linear.gather [hbm4b:s7+s2], $0x100, $0x38;
	[tilespmem:$0x1BB00] =	vst v63  }
0x58: {  	_ =	swait.ge [sflag:s16], $0x100  }
0x59: {  	[sflag:s16] =	ssyncset.done $0x0  }
0x5a: {  	[sflag:s16] =	ssyncadd.s32 $0xFFFFFF00  }
0x5b: {  	[tilespmem:s18], [sflag:$0x1] =	stream.indirect.gather [hbm4b:s5+s17], $0x80, s2, s17, $0xb8;
	[tilespmem:$0x1BB00] =	vst v63  }
0x5c: {  	s25 =	sadd.s32 $0xFFFFF640, s12  }
0x5d: {  	s26 =	sadd.s32 $0x9E0, s25  }
0x5e: {  	[tilespmem:s19], [sflag:$0x3] =	stream.linear.gather [hbm4b:s26+s2], $0x100, $0x38;
	[tilespmem:$0x1BB00] =	vst v63  }
0x5f: {  	_ =	swait.ge [sflag:s16], $0x100  }
0x60: {  	[sflag:s16] =	ssyncset.done $0x0  }
0x61: {  	[sflag:s16] =	ssyncadd.s32 $0xFFFFFF00  }
0x62: {  	[tilespmem:s20], [sflag:$0x2] =	stream.indirect.gather [hbm4b:s5+s17], $0x80, s19, s17, $0xb8;
	[tilespmem:$0x1BB00] =	vst v63  }
0x63: {  	_ =	swait.ge [sflag:s21], $0x4000  }
0x64: {  	[sflag:s21] =	ssyncset.done $0x0  }
0x65: {  	[sflag:s21] =	ssyncadd.s32 $0xFFFFC000  }
0x66: {  	[spmem:s1] =	stream.indirect.scatter.add.f32 [tilespmem:s18], [sflag:$0x3], $0x80, s17, s17, $0xb8;
	[tilespmem:$0x1BB00] =	vst v63  }
0x67: {  	_ =	swait.ge [sflag:s16], $0x4000  }
0x68: {  	[sflag:s16] =	ssyncset.done $0x0  }
0x69: {  	s25 =	sadd.s32 $0xA00, s25;
	[sflag:s16] =	ssyncadd.s32 $0xFFFFC000  }
0x6a: {  	[tilespmem:s2], [sflag:$0x3] =	stream.linear.gather [hbm4b:s25+s2], $0x100, $0x38;
	[tilespmem:$0x1BB00] =	vst v63  }
0x6b: {  	_ =	swait.ge [sflag:s16], $0x100  }
0x6c: {  	[sflag:s16] =	ssyncset.done $0x0  }
0x6d: {  	[sflag:s16] =	ssyncadd.s32 $0xFFFFFF00  }
0x6e: {  	[tilespmem:s18], [sflag:$0x1] =	stream.indirect.gather [hbm4b:s5+s17], $0x80, s2, s17, $0xb8;
	[tilespmem:$0x1BB00] =	vst v63  }
0x6f: {  	_ =	swait.ge [sflag:s22], $0x4000  }
0x70: {  	[sflag:s22] =	ssyncset.done $0x0  }
0x71: {  	[sflag:s22] =	ssyncadd.s32 $0xFFFFC000  }
0x72: {  	[spmem:s1] =	stream.indirect.scatter.add.f32 [tilespmem:s20], [sflag:$0x3], $0x80, s23, s17, $0xb8;
	[tilespmem:$0x1BB00] =	vst v63  }
0x73: {  	_ =	swait.ge [sflag:s16], $0x4000  }
0x74: {  	s26 =	simm.s32 $0xFFFFF6C0;
	s25 =	sadd.s32 $0xFFFFF680, s12;
	[sflag:s16] =	ssyncset.done $0x0  }
.LBB2_6:
0x75: {  	s28 =	sadd.s32 $0x9E0, s25  }
0x76: {  	[sflag:s16] =	ssyncadd.s32 $0xFFFFC000;
	s29 =	smov.u32 s26;
	s30 =	sadd.s32 $0x40, s26  }
0x77: {  	[tilespmem:s19], [sflag:$0x3] =	stream.linear.gather [hbm4b:s28+s2], $0x100, $0x38;
	[tilespmem:$0x1BB00] =	vst v63  }
0x78: {  	p2 =	sne.s32 s26, $0xFFFFFFC0;
	_ =	swait.ge [sflag:s16], $0x100  }
0x79: {  	[sflag:s16] =	ssyncset.done $0x0  }
0x7a: {  	[sflag:s16] =	ssyncadd.s32 $0xFFFFFF00  }
0x7b: {  	[tilespmem:s20], [sflag:$0x2] =	stream.indirect.gather [hbm4b:s5+s17], $0x80, s19, s17, $0xb8;
	[tilespmem:$0x1BB00] =	vst v63  }
0x7c: {  	_ =	swait.ge [sflag:s21], $0x4000  }
0x7d: {  	[sflag:s21] =	ssyncset.done $0x0  }
0x7e: {  	[sflag:s21] =	ssyncadd.s32 $0xFFFFC000  }
0x7f: {  	[spmem:s1] =	stream.indirect.scatter.add.f32 [tilespmem:s18], [sflag:$0x3], $0x80, s17, s17, $0xb8;
	[tilespmem:$0x1BB00] =	vst v63  }
0x80: {  	_ =	swait.ge [sflag:s16], $0x4000  }
0x81: {  	[sflag:s16] =	ssyncset.done $0x0  }
0x82: {  	s25 =	sadd.s32 $0xA00, s25;
	[sflag:s16] =	ssyncadd.s32 $0xFFFFC000  }
0x83: {  	[tilespmem:s2], [sflag:$0x3] =	stream.linear.gather [hbm4b:s25+s2], $0x100, $0x38;
	[tilespmem:$0x1BB00] =	vst v63  }
0x84: {  	_ =	swait.ge [sflag:s16], $0x100  }
0x85: {  	[sflag:s16] =	ssyncset.done $0x0  }
0x86: {  	[sflag:s16] =	ssyncadd.s32 $0xFFFFFF00  }
0x87: {  	[tilespmem:s18], [sflag:$0x1] =	stream.indirect.gather [hbm4b:s5+s17], $0x80, s2, s17, $0xb8;
	[tilespmem:$0x1BB00] =	vst v63  }
0x88: {  	_ =	swait.ge [sflag:s22], $0x4000  }
.Ltmp3:
0x89: {  	[sflag:s22] =	ssyncset.done $0x0;
	(pc) =	sbr.rel @p2 .LBB2_6-.Ltmp3, $4  }
0x8a: {  	[sflag:s22] =	ssyncadd.s32 $0xFFFFC000  }
0x8b: {  	[spmem:s1] =	stream.indirect.scatter.add.f32 [tilespmem:s20], [sflag:$0x3], $0x80, s23, s17, $0xb8;
	[tilespmem:$0x1BB00] =	vst v63  }
0x8c: {  	_ =	swait.ge [sflag:s16], $0x4000  }
0x8d: {  	s26 =	smov.u32 s30;
	s25 =	sadd.s32 s29, s12;
	[sflag:s16] =	ssyncset.done $0x0  }
.Ltmp4:
0x8e: {  	_ = 	snop;
	(pc) =	sbr.rel .LBB2_7-.Ltmp4, $1  }
0x8f: {  	_ =	sdelay $0x3  }
.LBB2_2:
0x90: {  	[tilespmem:s18], [sflag:$0x1] =	stream.indirect.gather [hbm4b:s4+s17], $0x80, s2, s17, $0xb8;
	[tilespmem:$0x1BB00] =	vst v63  }
0x91: {  	s25 =	sadd.s32 $0xFFFFF640, s12  }
0x92: {  	s26 =	sadd.s32 $0x9E0, s25  }
0x93: {  	[tilespmem:s19], [sflag:$0x3] =	stream.linear.gather [hbm4b:s26+s2], $0x100, $0x38;
	[tilespmem:$0x1BB00] =	vst v63  }
0x94: {  	_ =	swait.ge [sflag:s16], $0x100  }
0x95: {  	[sflag:s16] =	ssyncset.done $0x0  }
0x96: {  	[sflag:s16] =	ssyncadd.s32 $0xFFFFFF00  }
0x97: {  	[tilespmem:s20], [sflag:$0x2] =	stream.indirect.gather [hbm4b:s4+s17], $0x80, s19, s17, $0xb8;
	[tilespmem:$0x1BB00] =	vst v63  }
0x98: {  	_ =	swait.ge [sflag:s21], $0x4000  }
0x99: {  	[sflag:s21] =	ssyncset.done $0x0  }
0x9a: {  	[sflag:s21] =	ssyncadd.s32 $0xFFFFC000  }
0x9b: {  	[spmem:s1] =	stream.indirect.scatter.add.f32 [tilespmem:s18], [sflag:$0x3], $0x80, s17, s17, $0xb8;
	[tilespmem:$0x1BB00] =	vst v63  }
0x9c: {  	_ =	swait.ge [sflag:s16], $0x4000  }
0x9d: {  	[sflag:s16] =	ssyncset.done $0x0  }
0x9e: {  	s25 =	sadd.s32 $0xA00, s25;
	[sflag:s16] =	ssyncadd.s32 $0xFFFFC000  }
0x9f: {  	[tilespmem:s2], [sflag:$0x3] =	stream.linear.gather [hbm4b:s25+s2], $0x100, $0x38;
	[tilespmem:$0x1BB00] =	vst v63  }
0xa0: {  	_ =	swait.ge [sflag:s16], $0x100  }
0xa1: {  	[sflag:s16] =	ssyncset.done $0x0  }
0xa2: {  	[sflag:s16] =	ssyncadd.s32 $0xFFFFFF00  }
0xa3: {  	[tilespmem:s18], [sflag:$0x1] =	stream.indirect.gather [hbm4b:s4+s17], $0x80, s2, s17, $0xb8;
	[tilespmem:$0x1BB00] =	vst v63  }
0xa4: {  	_ =	swait.ge [sflag:s22], $0x4000  }
0xa5: {  	[sflag:s22] =	ssyncset.done $0x0  }
0xa6: {  	[sflag:s22] =	ssyncadd.s32 $0xFFFFC000  }
0xa7: {  	[spmem:s1] =	stream.indirect.scatter.add.f32 [tilespmem:s20], [sflag:$0x3], $0x80, s23, s17, $0xb8;
	[tilespmem:$0x1BB00] =	vst v63  }
0xa8: {  	_ =	swait.ge [sflag:s16], $0x4000  }
0xa9: {  	s26 =	simm.s32 $0xFFFFF6C0;
	s25 =	sadd.s32 $0xFFFFF680, s12;
	[sflag:s16] =	ssyncset.done $0x0  }
.LBB2_3:
0xaa: {  	s28 =	sadd.s32 $0x9E0, s25  }
0xab: {  	[sflag:s16] =	ssyncadd.s32 $0xFFFFC000;
	s29 =	smov.u32 s26;
	s30 =	sadd.s32 $0x40, s26  }
0xac: {  	[tilespmem:s19], [sflag:$0x3] =	stream.linear.gather [hbm4b:s28+s2], $0x100, $0x38;
	[tilespmem:$0x1BB00] =	vst v63  }
0xad: {  	p2 =	seq.s32 s26, $0xFFFFFFC0;
	_ =	swait.ge [sflag:s16], $0x100  }
0xae: {  	[sflag:s16] =	ssyncset.done $0x0  }
0xaf: {  	[sflag:s16] =	ssyncadd.s32 $0xFFFFFF00  }
0xb0: {  	[tilespmem:s20], [sflag:$0x2] =	stream.indirect.gather [hbm4b:s4+s17], $0x80, s19, s17, $0xb8;
	[tilespmem:$0x1BB00] =	vst v63  }
0xb1: {  	_ =	swait.ge [sflag:s21], $0x4000  }
0xb2: {  	[sflag:s21] =	ssyncset.done $0x0  }
0xb3: {  	[sflag:s21] =	ssyncadd.s32 $0xFFFFC000  }
0xb4: {  	[spmem:s1] =	stream.indirect.scatter.add.f32 [tilespmem:s18], [sflag:$0x3], $0x80, s17, s17, $0xb8;
	[tilespmem:$0x1BB00] =	vst v63  }
0xb5: {  	_ =	swait.ge [sflag:s16], $0x4000  }
0xb6: {  	[sflag:s16] =	ssyncset.done $0x0  }
0xb7: {  	s25 =	sadd.s32 $0xA00, s25;
	[sflag:s16] =	ssyncadd.s32 $0xFFFFC000  }
0xb8: {  	[tilespmem:s2], [sflag:$0x3] =	stream.linear.gather [hbm4b:s25+s2], $0x100, $0x38;
	[tilespmem:$0x1BB00] =	vst v63  }
0xb9: {  	_ =	swait.ge [sflag:s16], $0x100  }
0xba: {  	[sflag:s16] =	ssyncset.done $0x0  }
0xbb: {  	[sflag:s16] =	ssyncadd.s32 $0xFFFFFF00  }
0xbc: {  	[tilespmem:s18], [sflag:$0x1] =	stream.indirect.gather [hbm4b:s4+s17], $0x80, s2, s17, $0xb8;
	[tilespmem:$0x1BB00] =	vst v63  }
0xbd: {  	_ =	swait.ge [sflag:s22], $0x4000  }
.Ltmp5:
0xbe: {  	[sflag:s22] =	ssyncset.done $0x0;
	(pc) =	sbr.rel @!p2 .LBB2_3-.Ltmp5, $4  }
0xbf: {  	[sflag:s22] =	ssyncadd.s32 $0xFFFFC000  }
0xc0: {  	[spmem:s1] =	stream.indirect.scatter.add.f32 [tilespmem:s20], [sflag:$0x3], $0x80, s23, s17, $0xb8;
	[tilespmem:$0x1BB00] =	vst v63  }
0xc1: {  	_ =	swait.ge [sflag:s16], $0x4000  }
0xc2: {  	s26 =	smov.u32 s30;
	s25 =	sadd.s32 s29, s12;
	[sflag:s16] =	ssyncset.done $0x0  }
0xc3: {  	s26 =	sadd.s32 $0x9E0, s25;
	[sflag:s16] =	ssyncadd.s32 $0xFFFFC000  }
0xc4: {  	[tilespmem:s19], [sflag:$0x3] =	stream.linear.gather [hbm4b:s26+s2], $0x100, $0x38;
	[tilespmem:$0x1BB00] =	vst v63  }
0xc5: {  	_ =	swait.ge [sflag:s16], $0x100  }
0xc6: {  	[sflag:s16] =	ssyncset.done $0x0  }
0xc7: {  	[sflag:s16] =	ssyncadd.s32 $0xFFFFFF00  }
0xc8: {  	[tilespmem:s20], [sflag:$0x2] =	stream.indirect.gather [hbm4b:s4+s17], $0x80, s19, s17, $0xb8;
	[tilespmem:$0x1BB00] =	vst v63  }
0xc9: {  	_ =	swait.ge [sflag:s21], $0x4000  }
0xca: {  	[sflag:s21] =	ssyncset.done $0x0  }
0xcb: {  	[sflag:s21] =	ssyncadd.s32 $0xFFFFC000  }
0xcc: {  	[spmem:s1] =	stream.indirect.scatter.add.f32 [tilespmem:s18], [sflag:$0x3], $0x80, s17, s17, $0xb8;
	[tilespmem:$0x1BB00] =	vst v63  }
0xcd: {  	_ =	swait.ge [sflag:s16], $0x4000  }
0xce: {  	[sflag:s16] =	ssyncset.done $0x0  }
0xcf: {  	s31 =	sadd.s32 $0xA00, s25;
	[sflag:s16] =	ssyncadd.s32 $0xFFFFC000  }
0xd0: {  	[tilespmem:s2], [sflag:$0x3] =	stream.linear.gather [hbm4b:s31+s2], $0x100, $0x38;
	[tilespmem:$0x1BB00] =	vst v63  }
0xd1: {  	_ =	swait.ge [sflag:s16], $0x100  }
0xd2: {  	[sflag:s16] =	ssyncset.done $0x0  }
0xd3: {  	[sflag:s16] =	ssyncadd.s32 $0xFFFFFF00  }
0xd4: {  	[tilespmem:s18], [sflag:$0x1] =	stream.indirect.gather [hbm4b:s4+s17], $0x80, s2, s17, $0xb8;
	[tilespmem:$0x1BB00] =	vst v63  }
0xd5: {  	_ =	swait.ge [sflag:s22], $0x4000  }
0xd6: {  	[sflag:s22] =	ssyncset.done $0x0  }
.Ltmp6:
0xd7: {  	[sflag:s22] =	ssyncadd.s32 $0xFFFFC000;
	(pc) =	sbr.rel .LBB2_8-.Ltmp6, $4  }
0xd8: {  	[spmem:s1] =	stream.indirect.scatter.add.f32 [tilespmem:s20], [sflag:$0x3], $0x80, s23, s17, $0xb8;
	[tilespmem:$0x1BB00] =	vst v63  }
0xd9: {  	_ =	swait.ge [sflag:s16], $0x4000  }
0xda: {  	[sflag:s16] =	ssyncset.done $0x0  }
0xdb: {  	s25 =	smov.u32 s4;
	[sflag:s16] =	ssyncadd.s32 $0xFFFFC000  }
.LBB2_9:
0xdc: {  	_ =	sfence.sel $0x180000  }
0xdd: {  	[bflag:$0x0] =	sbarrier.arrive $0xFFFF  }
0xde: {  	p0 =	sne.s32 s3, $0x0;
	_ =	strace $0x90000050  }
0xdf: {  	s0 =	sadd.s32 @!p0 $0x100000, s0;
	[bflag:$0x2] =	sbarrier.arrive $0xFFFF  }
0xe0: {  	[sflag:s0] =	ssyncadd.tile.s32 @!p0 $0x1;
	_ =	shalt  }
.Lfunc_end2:
_tile_overlayer_lowered:
.L_overlay_start_2:
0xe1: {  	(tag) =	ssettag $0x2  }
0xe2: {  	s0 =	rddreg [dreg:$0x0];
	s2 =	stileid.u32  }
0xe3: {  	s1 =	rddreg [dreg:$0x1];
	p0 =	sne.s32 s2, $0x0  }
0xe4: {  	s3 =	rddreg [dreg:$0x2];
	[bflag:$0x3] =	sbarrier.arrive $0xFFFF;
	s2 =	simm.s32 @!p0 $0x1C03  }
0xe5: {  	[timem:s3], [sflag:s2] =	dma.local @!p0 [hbm:s0], s1  }
0xe6: {  	s0 =	simm.s32 @!p0 $0x3  }
0xe7: {  	_ =	swait.ge @!p0 [sflag:s0], s1  }
0xe8: {  	s1 =	ssub.s32 @!p0 $0x0, s1;
	[sflag:s0] =	ssyncset.done @!p0 $0x0  }
0xe9: {  	[sflag:s0] =	ssyncadd.s32 @!p0 s1  }
0xea: {  	[bflag:$0x3] =	sbarrier.arrive $0xFFFF  }
0xeb: {  	_ =	shalt  }

</sc_bundles>
